<compile_context>
chip_gen: v7x
topology: tpu7x:2x2x1
jax: 0.10.2.dev20260603
libtpu: 0.0.44.dev20260713+nightly
codegen_flags: <defaults>
</compile_context>

<pallas_src>
import functools

import jax
import jax.numpy as jnp
from jax import lax
from jax.experimental import pallas as pl
from jax.experimental.pallas import tpu as pltpu
from jax.experimental.pallas import tpu_sc as plsc

B = 4096
L = 200
LP = 208
HALF = LP // 2
D = 64
C = 2
V = 1000000
NC = 2
NS = 16
NW = NC * NS
BPW = B // NW
LANES = 16
NBUF = 16
GB = 256
GP = -(-(-(-V // 128)) // GB) * GB


def _tc_project(tableT, w8):
    CB = GB * 128
    NBLK = GP * 128 // CB

    def body(tbl_ref, w_ref, out_ref):
        w2 = w_ref[pl.ds(0, 2), :].astype(jnp.bfloat16)
        blk = tbl_ref[...].astype(jnp.bfloat16)
        p = lax.dot_general(w2, blk, (((1,), (0,)), ((), ())),
                            preferred_element_type=jnp.float32)
        pb = lax.bitcast_convert_type(
            p.astype(jnp.bfloat16), jnp.uint16).astype(jnp.uint32)
        word = (pb[0:1, :] << 16) | pb[1:2, :]
        out_ref[0, :, :] = lax.bitcast_convert_type(word, jnp.float32)

    return pl.pallas_call(
        body,
        grid=(NBLK,),
        in_specs=[
            pl.BlockSpec((D, CB), lambda i: (0, i)),
            pl.BlockSpec((8, D), lambda i: (0, 0)),
        ],
        out_specs=pl.BlockSpec((1, 1, CB), lambda i: (i, 0, 0)),
        out_shape=jax.ShapeDtypeStruct((NBLK, 1, CB), jnp.float32),
    )(tableT, w8)


def _sc_logits(ids_p, p1d, b8):
    mesh = plsc.VectorSubcoreMesh(
        core_axis_name="c", subcore_axis_name="s",
        num_cores=NC, num_subcores=NS)

    @functools.partial(
        pl.kernel,
        out_type=jax.ShapeDtypeStruct((B, LANES), jnp.float32),
        mesh=mesh,
        scratch_types=(
            [pltpu.VMEM((BPW * LP,), jnp.int32)]
            + [pltpu.VMEM((LP,), jnp.float32)] * NBUF
            + [pltpu.VMEM((BPW, LANES), jnp.float32)]
            + [pltpu.VMEM((LANES,), jnp.float32)]
            + [pltpu.SemaphoreType.DMA] * NBUF
        ),
        compiler_params=pltpu.CompilerParams(
            use_tc_tiling_on_sc=False, needs_layout_passes=False),
    )
    def k(ids_hbm, p_hbm, b_hbm, out_hbm, ids_v, *rest):
        bufs = rest[:NBUF]
        sums_v = rest[NBUF]
        b_v = rest[NBUF + 1]
        sems = rest[NBUF + 2:]
        wid = lax.axis_index("s") * NC + lax.axis_index("c")
        base = wid * BPW
        pltpu.sync_copy(b_hbm, b_v)
        pltpu.sync_copy(ids_hbm.at[pl.ds(base * LP, BPW * LP)], ids_v)

        def copies(r, sbuf, sem):
            return (
                pltpu.make_async_copy(
                    p_hbm.at[ids_v.at[pl.ds(r * LP, HALF)]],
                    sbuf.at[pl.ds(0, HALF)], sem),
                pltpu.make_async_copy(
                    p_hbm.at[ids_v.at[pl.ds(r * LP + HALF, HALF)]],
                    sbuf.at[pl.ds(HALF, HALF)], sem),
            )

        def issue(r, j):
            c0, c1 = copies(r, bufs[j], sems[j])
            c0.start()
            c1.start()

        def wait(r, j):
            c0, c1 = copies(r, bufs[j], sems[j])
            c0.wait()
            c1.wait()

        tailmask = lax.iota(jnp.int32, LANES) < (L % LANES)
        lane0 = lax.iota(jnp.int32, LANES) == 0

        def accum(r, sbuf):
            z = jnp.zeros((LANES,), jnp.float32)

            def unpacked(t):
                words = sbuf[pl.ds(LANES * t, LANES)]
                pairs = plsc.bitcast(words, jnp.bfloat16)
                return plsc.unpack(pairs, format=plsc.PackFormat.INTERLEAVED)

            def nonpad(t):
                return (ids_v[pl.ds(r * LP + LANES * t, LANES)] != 0).astype(
                    jnp.float32)

            def body(t, a):
                a1, a0, ac = a
                lo, hi = unpacked(t)
                return (a1 + lo, a0 + hi, ac + nonpad(t))

            acc1, acc0, cntv = lax.fori_loop(
                0, L // LANES, body, (z, z, z), unroll=4)
            lo, hi = unpacked(L // LANES)
            acc1 = acc1 + jnp.where(tailmask, lo, 0.0)
            acc0 = acc0 + jnp.where(tailmask, hi, 0.0)
            cntv = cntv + jnp.where(tailmask, nonpad(L // LANES), 0.0)
            s0v = jnp.full((LANES,), jnp.sum(acc0))
            s1v = jnp.full((LANES,), jnp.sum(acc1))
            cnv = jnp.full((LANES,), jnp.sum(cntv))
            res = jnp.where(lane0, s0v, s1v) / (cnv + 1e-8) + b_v[...]
            sums_v[r, pl.ds(0, LANES)] = res

        for j in range(NBUF - 1):
            issue(j, j)

        def step(i, carry):
            rr = i * NBUF
            for j in range(NBUF):
                r = rr + j
                jn = (j + NBUF - 1) % NBUF

                @pl.when(r + NBUF - 1 < BPW)
                def _():
                    issue(r + NBUF - 1, jn)

                wait(r, j)
                accum(r, bufs[j])
            return carry

        lax.fori_loop(0, BPW // NBUF, step, 0)
        pltpu.sync_copy(sums_v, out_hbm.at[pl.ds(base, BPW), :])

    return k(ids_p, p1d, b8)


def kernel(input_ids, table, W, b):
    ids = input_ids.astype(jnp.int32)
    npad = LP - L
    pad_ids = (jnp.arange(B * npad, dtype=jnp.int32).reshape(B, npad)
               * 997) % (table.shape[0] - 1) + 1
    ids_p = jnp.concatenate([ids, pad_ids], axis=1).reshape(B * LP)

    w8 = jnp.pad(W.astype(jnp.float32), ((0, 8 - C), (0, 0)))
    p2 = _tc_project(table.astype(jnp.float32).T, w8)
    p1d = p2.reshape(GP * 128)

    b16 = jnp.where(jnp.arange(LANES) == 0, b[0], b[1]).astype(jnp.float32)
    return _sc_logits(ids_p, p1d, b16)[:, :C]

# --- scband reference (transcript-rebuilt; emitter-appended) ---
"""Pipeline reference for scband-embedding-classifier-5420248727900 (READ-ONLY COPY).

The authoritative reference and input builder live on the scoring server;
editing this copy changes nothing except your own understanding.
"""

import jax, jax.numpy as jnp
import numpy as np
import math

VOCAB = 1000000
EMBED_DIM = 64
NUM_CLASSES = 2
BATCH = 4096
SEQ_LEN = 200


def setup_inputs(seed: int = 0) -> dict:
    key = jax.random.key(seed)
    k1, k2, k3 = jax.random.split(key, 3)
    input_ids = jax.random.randint(k1, (BATCH, SEQ_LEN), 0, VOCAB, dtype=jnp.int64 if jax.config.jax_enable_x64 else jnp.int32)
    # Embedding table (padding_idx=0 row zeroed, matching nn.Embedding(padding_idx=0))
    table = jax.random.normal(k2, (VOCAB, EMBED_DIM), dtype=jnp.float32)
    table = table.at[0].set(0.0)
    # Linear classifier params (torch nn.Linear init scale)
    bound = 1.0 / math.sqrt(EMBED_DIM)
    W = jax.random.uniform(k3, (NUM_CLASSES, EMBED_DIM), dtype=jnp.float32, minval=-bound, maxval=bound)
    b = jnp.zeros((NUM_CLASSES,), dtype=jnp.float32)
    return {"input_ids": input_ids, "table": table, "W": W, "b": b}


def reference(input_ids, table, W, b):
    # embeds = self.embeddings(input_ids)
    embeds = jnp.take(table, input_ids, axis=0)  # [B, L, D]
    # mask = (input_ids != 0).float().unsqueeze(-1)
    mask = (input_ids != 0).astype(jnp.float32)[..., None]  # [B, L, 1]
    masked_embeds = embeds * mask
    # seq_lens = mask.sum(dim=1)
    seq_lens = mask.sum(axis=1)  # [B, 1]
    sentence_embed = masked_embeds.sum(axis=1) / (seq_lens + 1e-08)  # [B, D]
    # logits = self.classifier(sentence_embed)
    logits = sentence_embed @ W.T + b  # [B, C]
    return logits

if __name__ == "__main__":
    import jax
    _d = setup_inputs()
    print(jax.jit(kernel)(*tuple(_d.values())))

</pallas_src>

<mosaic_0001>
#map = affine_map<(d0, d1) -> (0)>
#map1 = affine_map<(d0, d1) -> (0, 0)>
module attributes {stable_mosaic.version = 14 : i64} {
  func.func @k(%arg0: i32, %arg1: i32, %arg2: memref<851968xi32, #tpu.memory_space<hbm>>, %arg3: memref<1015808xf32, #tpu.memory_space<hbm>>, %arg4: memref<16xf32, #tpu.memory_space<hbm>>, %arg5: memref<4096x16xf32, #tpu.memory_space<hbm>>, %arg6: memref<26624xi32, #tpu.memory_space<vmem>>, %arg7: memref<208xf32, #tpu.memory_space<vmem>>, %arg8: memref<208xf32, #tpu.memory_space<vmem>>, %arg9: memref<208xf32, #tpu.memory_space<vmem>>, %arg10: memref<208xf32, #tpu.memory_space<vmem>>, %arg11: memref<208xf32, #tpu.memory_space<vmem>>, %arg12: memref<208xf32, #tpu.memory_space<vmem>>, %arg13: memref<208xf32, #tpu.memory_space<vmem>>, %arg14: memref<208xf32, #tpu.memory_space<vmem>>, %arg15: memref<208xf32, #tpu.memory_space<vmem>>, %arg16: memref<208xf32, #tpu.memory_space<vmem>>, %arg17: memref<208xf32, #tpu.memory_space<vmem>>, %arg18: memref<208xf32, #tpu.memory_space<vmem>>, %arg19: memref<208xf32, #tpu.memory_space<vmem>>, %arg20: memref<208xf32, #tpu.memory_space<vmem>>, %arg21: memref<208xf32, #tpu.memory_space<vmem>>, %arg22: memref<208xf32, #tpu.memory_space<vmem>>, %arg23: memref<128x16xf32, #tpu.memory_space<vmem>>, %arg24: memref<16xf32, #tpu.memory_space<vmem>>, %arg25: memref<!tpu.dma_semaphore, #tpu.memory_space<semaphore_mem>>, %arg26: memref<!tpu.dma_semaphore, #tpu.memory_space<semaphore_mem>>, %arg27: memref<!tpu.dma_semaphore, #tpu.memory_space<semaphore_mem>>, %arg28: memref<!tpu.dma_semaphore, #tpu.memory_space<semaphore_mem>>, %arg29: memref<!tpu.dma_semaphore, #tpu.memory_space<semaphore_mem>>, %arg30: memref<!tpu.dma_semaphore, #tpu.memory_space<semaphore_mem>>, %arg31: memref<!tpu.dma_semaphore, #tpu.memory_space<semaphore_mem>>, %arg32: memref<!tpu.dma_semaphore, #tpu.memory_space<semaphore_mem>>, %arg33: memref<!tpu.dma_semaphore, #tpu.memory_space<semaphore_mem>>, %arg34: memref<!tpu.dma_semaphore, #tpu.memory_space<semaphore_mem>>, %arg35: memref<!tpu.dma_semaphore, #tpu.memory_space<semaphore_mem>>, %arg36: memref<!tpu.dma_semaphore, #tpu.memory_space<semaphore_mem>>, %arg37: memref<!tpu.dma_semaphore, #tpu.memory_space<semaphore_mem>>, %arg38: memref<!tpu.dma_semaphore, #tpu.memory_space<semaphore_mem>>, %arg39: memref<!tpu.dma_semaphore, #tpu.memory_space<semaphore_mem>>, %arg40: memref<!tpu.dma_semaphore, #tpu.memory_space<semaphore_mem>>) attributes {dimension_semantics = [#tpu.dimension_semantics<core_parallel>, #tpu.dimension_semantics<subcore_parallel>], iteration_bounds = array<i64: 2, 16>, scalar_prefetch = 0 : i64, scratch_operands = 35 : i64, tpu.core_type = #tpu.core_type<sc_vector_subcore>, window_params = [{transform_indices = #map}, {transform_indices = #map}, {transform_indices = #map}, {transform_indices = #map1}]} {
    %mul3A = arith.constant 2 : i32
    %mul3A_0 = arith.muli %arg1, %mul3A : i32
    %add3A = arith.addi %mul3A_0, %arg0 : i32
    %mul3A_1 = arith.constant 128 : i32
    %mul3A_2 = arith.muli %add3A, %mul3A_1 : i32
    "tpu.region"() ({
      %run_scoped3A = tpu.sem_alloc : memref<!tpu.dma_semaphore, #tpu.memory_space<semaphore_mem>>
      tpu.enqueue_dma source(%arg4 : memref<16xf32, #tpu.memory_space<hbm>>) target(%arg24 : memref<16xf32, #tpu.memory_space<vmem>>) target_semaphore(%run_scoped3A : memref<!tpu.dma_semaphore, #tpu.memory_space<semaphore_mem>>)
      tpu.wait_dma2 semaphore(%run_scoped3A : memref<!tpu.dma_semaphore, #tpu.memory_space<semaphore_mem>>) src(%arg4 : memref<16xf32, #tpu.memory_space<hbm>>) dst(%arg24 : memref<16xf32, #tpu.memory_space<vmem>>)
      tpu.yield
    }) : () -> ()
    %mul3A_3 = arith.constant 208 : i32
    %mul3A_4 = arith.muli %mul3A_2, %mul3A_3 : i32
    "tpu.region"() ({
      %run_scoped3A = tpu.sem_alloc : memref<!tpu.dma_semaphore, #tpu.memory_space<semaphore_mem>>
      %dma_start3A_194 = tpu.memref_slice %arg2[%mul3A_4] : memref<851968xi32, #tpu.memory_space<hbm>> -> memref<26624xi32, #tpu.memory_space<hbm>>
      %dma_start3A_195 = tpu.memref_slice %arg2[%mul3A_4] : memref<851968xi32, #tpu.memory_space<hbm>> -> memref<26624xi32, #tpu.memory_space<hbm>>
      tpu.enqueue_dma source(%dma_start3A_195 : memref<26624xi32, #tpu.memory_space<hbm>>) target(%arg6 : memref<26624xi32, #tpu.memory_space<vmem>>) target_semaphore(%run_scoped3A : memref<!tpu.dma_semaphore, #tpu.memory_space<semaphore_mem>>)
      %dma_wait3A = tpu.memref_slice %arg2[%mul3A_4] : memref<851968xi32, #tpu.memory_space<hbm>> -> memref<26624xi32, #tpu.memory_space<hbm>>
      %dma_wait3A_196 = tpu.memref_slice %arg2[%mul3A_4] : memref<851968xi32, #tpu.memory_space<hbm>> -> memref<26624xi32, #tpu.memory_space<hbm>>
      tpu.wait_dma2 semaphore(%run_scoped3A : memref<!tpu.dma_semaphore, #tpu.memory_space<semaphore_mem>>) src(%dma_wait3A_196 : memref<26624xi32, #tpu.memory_space<hbm>>) dst(%arg6 : memref<26624xi32, #tpu.memory_space<vmem>>)
      tpu.yield
    }) : () -> ()
    %iota3A = tpu.iota {dimensions = array<i32: 0>} : vector<16xi32>
    %lt3A = arith.constant 8 : i32
    %lt3A_5 = vector.broadcast %lt3A : i32 to vector<16xi32>
    %lt3A_6 = arith.cmpi slt, %iota3A, %lt3A_5 : vector<16xi32>
    %iota3A_7 = tpu.iota {dimensions = array<i32: 0>} : vector<16xi32>
    %eq3A = arith.constant 0 : i32
    %eq3A_8 = vector.broadcast %eq3A : i32 to vector<16xi32>
    %eq3A_9 = arith.cmpi eq, %iota3A_7, %eq3A_8 : vector<16xi32>
    %dma_start3A = arith.constant 0 : i32
    %dma_start3A_10 = tpu.memref_slice %arg7[%dma_start3A] : memref<208xf32, #tpu.memory_space<vmem>> -> memref<104xf32, #tpu.memory_space<vmem>>
    %dma_start3A_11 = arith.constant 0 : i32
    %dma_start3A_12 = tpu.memref_slice %arg6[%dma_start3A_11] : memref<26624xi32, #tpu.memory_space<vmem>> -> memref<104xi32, #tpu.memory_space<vmem>>
    %dma_start3A_13 = arith.constant 0 : i32
    %dma_start3A_14 = tpu.memref_slice %arg3[%dma_start3A_13] : memref<1015808xf32, #tpu.memory_space<hbm>> -> memref<1015808xf32, #tpu.memory_space<hbm>>
    tpu.enqueue_indirect_dma source(%dma_start3A_14 : memref<1015808xf32, #tpu.memory_space<hbm>>) target(%dma_start3A_10 : memref<104xf32, #tpu.memory_space<vmem>>) offsets(%dma_start3A_12 : memref<104xi32, #tpu.memory_space<vmem>>) semaphore(%arg25 : memref<!tpu.dma_semaphore, #tpu.memory_space<semaphore_mem>>)
    %dma_start3A_15 = arith.constant 104 : i32
    %dma_start3A_16 = tpu.memref_slice %arg7[%dma_start3A_15] : memref<208xf32, #tpu.memory_space<vmem>> -> memref<104xf32, #tpu.memory_space<vmem>>
    %dma_start3A_17 = arith.constant 104 : i32
    %dma_start3A_18 = tpu.memref_slice %arg6[%dma_start3A_17] : memref<26624xi32, #tpu.memory_space<vmem>> -> memref<104xi32, #tpu.memory_space<vmem>>
    %dma_start3A_19 = arith.constant 0 : i32
    %dma_start3A_20 = tpu.memref_slice %arg3[%dma_start3A_19] : memref<1015808xf32, #tpu.memory_space<hbm>> -> memref<1015808xf32, #tpu.memory_space<hbm>>
    tpu.enqueue_indirect_dma source(%dma_start3A_20 : memref<1015808xf32, #tpu.memory_space<hbm>>) target(%dma_start3A_16 : memref<104xf32, #tpu.memory_space<vmem>>) offsets(%dma_start3A_18 : memref<104xi32, #tpu.memory_space<vmem>>) semaphore(%arg25 : memref<!tpu.dma_semaphore, #tpu.memory_space<semaphore_mem>>)
    %dma_start3A_21 = arith.constant 0 : i32
    %dma_start3A_22 = tpu.memref_slice %arg8[%dma_start3A_21] : memref<208xf32, #tpu.memory_space<vmem>> -> memref<104xf32, #tpu.memory_space<vmem>>
    %dma_start3A_23 = arith.constant 208 : i32
    %dma_start3A_24 = tpu.memref_slice %arg6[%dma_start3A_23] : memref<26624xi32, #tpu.memory_space<vmem>> -> memref<104xi32, #tpu.memory_space<vmem>>
    %dma_start3A_25 = arith.constant 0 : i32
    %dma_start3A_26 = tpu.memref_slice %arg3[%dma_start3A_25] : memref<1015808xf32, #tpu.memory_space<hbm>> -> memref<1015808xf32, #tpu.memory_space<hbm>>
    tpu.enqueue_indirect_dma source(%dma_start3A_26 : memref<1015808xf32, #tpu.memory_space<hbm>>) target(%dma_start3A_22 : memref<104xf32, #tpu.memory_space<vmem>>) offsets(%dma_start3A_24 : memref<104xi32, #tpu.memory_space<vmem>>) semaphore(%arg26 : memref<!tpu.dma_semaphore, #tpu.memory_space<semaphore_mem>>)
    %dma_start3A_27 = arith.constant 104 : i32
    %dma_start3A_28 = tpu.memref_slice %arg8[%dma_start3A_27] : memref<208xf32, #tpu.memory_space<vmem>> -> memref<104xf32, #tpu.memory_space<vmem>>
    %dma_start3A_29 = arith.constant 312 : i32
    %dma_start3A_30 = tpu.memref_slice %arg6[%dma_start3A_29] : memref<26624xi32, #tpu.memory_space<vmem>> -> memref<104xi32, #tpu.memory_space<vmem>>
    %dma_start3A_31 = arith.constant 0 : i32
    %dma_start3A_32 = tpu.memref_slice %arg3[%dma_start3A_31] : memref<1015808xf32, #tpu.memory_space<hbm>> -> memref<1015808xf32, #tpu.memory_space<hbm>>
    tpu.enqueue_indirect_dma source(%dma_start3A_32 : memref<1015808xf32, #tpu.memory_space<hbm>>) target(%dma_start3A_28 : memref<104xf32, #tpu.memory_space<vmem>>) offsets(%dma_start3A_30 : memref<104xi32, #tpu.memory_space<vmem>>) semaphore(%arg26 : memref<!tpu.dma_semaphore, #tpu.memory_space<semaphore_mem>>)
    %dma_start3A_33 = arith.constant 0 : i32
    %dma_start3A_34 = tpu.memref_slice %arg9[%dma_start3A_33] : memref<208xf32, #tpu.memory_space<vmem>> -> memref<104xf32, #tpu.memory_space<vmem>>
    %dma_start3A_35 = arith.constant 416 : i32
    %dma_start3A_36 = tpu.memref_slice %arg6[%dma_start3A_35] : memref<26624xi32, #tpu.memory_space<vmem>> -> memref<104xi32, #tpu.memory_space<vmem>>
    %dma_start3A_37 = arith.constant 0 : i32
    %dma_start3A_38 = tpu.memref_slice %arg3[%dma_start3A_37] : memref<1015808xf32, #tpu.memory_space<hbm>> -> memref<1015808xf32, #tpu.memory_space<hbm>>
    tpu.enqueue_indirect_dma source(%dma_start3A_38 : memref<1015808xf32, #tpu.memory_space<hbm>>) target(%dma_start3A_34 : memref<104xf32, #tpu.memory_space<vmem>>) offsets(%dma_start3A_36 : memref<104xi32, #tpu.memory_space<vmem>>) semaphore(%arg27 : memref<!tpu.dma_semaphore, #tpu.memory_space<semaphore_mem>>)
    %dma_start3A_39 = arith.constant 104 : i32
    %dma_start3A_40 = tpu.memref_slice %arg9[%dma_start3A_39] : memref<208xf32, #tpu.memory_space<vmem>> -> memref<104xf32, #tpu.memory_space<vmem>>
    %dma_start3A_41 = arith.constant 520 : i32
    %dma_start3A_42 = tpu.memref_slice %arg6[%dma_start3A_41] : memref<26624xi32, #tpu.memory_space<vmem>> -> memref<104xi32, #tpu.memory_space<vmem>>
    %dma_start3A_43 = arith.constant 0 : i32
    %dma_start3A_44 = tpu.memref_slice %arg3[%dma_start3A_43] : memref<1015808xf32, #tpu.memory_space<hbm>> -> memref<1015808xf32, #tpu.memory_space<hbm>>
    tpu.enqueue_indirect_dma source(%dma_start3A_44 : memref<1015808xf32, #tpu.memory_space<hbm>>) target(%dma_start3A_40 : memref<104xf32, #tpu.memory_space<vmem>>) offsets(%dma_start3A_42 : memref<104xi32, #tpu.memory_space<vmem>>) semaphore(%arg27 : memref<!tpu.dma_semaphore, #tpu.memory_space<semaphore_mem>>)
    %dma_start3A_45 = arith.constant 0 : i32
    %dma_start3A_46 = tpu.memref_slice %arg10[%dma_start3A_45] : memref<208xf32, #tpu.memory_space<vmem>> -> memref<104xf32, #tpu.memory_space<vmem>>
    %dma_start3A_47 = arith.constant 624 : i32
    %dma_start3A_48 = tpu.memref_slice %arg6[%dma_start3A_47] : memref<26624xi32, #tpu.memory_space<vmem>> -> memref<104xi32, #tpu.memory_space<vmem>>
    %dma_start3A_49 = arith.constant 0 : i32
    %dma_start3A_50 = tpu.memref_slice %arg3[%dma_start3A_49] : memref<1015808xf32, #tpu.memory_space<hbm>> -> memref<1015808xf32, #tpu.memory_space<hbm>>
    tpu.enqueue_indirect_dma source(%dma_start3A_50 : memref<1015808xf32, #tpu.memory_space<hbm>>) target(%dma_start3A_46 : memref<104xf32, #tpu.memory_space<vmem>>) offsets(%dma_start3A_48 : memref<104xi32, #tpu.memory_space<vmem>>) semaphore(%arg28 : memref<!tpu.dma_semaphore, #tpu.memory_space<semaphore_mem>>)
    %dma_start3A_51 = arith.constant 104 : i32
    %dma_start3A_52 = tpu.memref_slice %arg10[%dma_start3A_51] : memref<208xf32, #tpu.memory_space<vmem>> -> memref<104xf32, #tpu.memory_space<vmem>>
    %dma_start3A_53 = arith.constant 728 : i32
    %dma_start3A_54 = tpu.memref_slice %arg6[%dma_start3A_53] : memref<26624xi32, #tpu.memory_space<vmem>> -> memref<104xi32, #tpu.memory_space<vmem>>
    %dma_start3A_55 = arith.constant 0 : i32
    %dma_start3A_56 = tpu.memref_slice %arg3[%dma_start3A_55] : memref<1015808xf32, #tpu.memory_space<hbm>> -> memref<1015808xf32, #tpu.memory_space<hbm>>
    tpu.enqueue_indirect_dma source(%dma_start3A_56 : memref<1015808xf32, #tpu.memory_space<hbm>>) target(%dma_start3A_52 : memref<104xf32, #tpu.memory_space<vmem>>) offsets(%dma_start3A_54 : memref<104xi32, #tpu.memory_space<vmem>>) semaphore(%arg28 : memref<!tpu.dma_semaphore, #tpu.memory_space<semaphore_mem>>)
    %dma_start3A_57 = arith.constant 0 : i32
    %dma_start3A_58 = tpu.memref_slice %arg11[%dma_start3A_57] : memref<208xf32, #tpu.memory_space<vmem>> -> memref<104xf32, #tpu.memory_space<vmem>>
    %dma_start3A_59 = arith.constant 832 : i32
    %dma_start3A_60 = tpu.memref_slice %arg6[%dma_start3A_59] : memref<26624xi32, #tpu.memory_space<vmem>> -> memref<104xi32, #tpu.memory_space<vmem>>
    %dma_start3A_61 = arith.constant 0 : i32
    %dma_start3A_62 = tpu.memref_slice %arg3[%dma_start3A_61] : memref<1015808xf32, #tpu.memory_space<hbm>> -> memref<1015808xf32, #tpu.memory_space<hbm>>
    tpu.enqueue_indirect_dma source(%dma_start3A_62 : memref<1015808xf32, #tpu.memory_space<hbm>>) target(%dma_start3A_58 : memref<104xf32, #tpu.memory_space<vmem>>) offsets(%dma_start3A_60 : memref<104xi32, #tpu.memory_space<vmem>>) semaphore(%arg29 : memref<!tpu.dma_semaphore, #tpu.memory_space<semaphore_mem>>)
    %dma_start3A_63 = arith.constant 104 : i32
    %dma_start3A_64 = tpu.memref_slice %arg11[%dma_start3A_63] : memref<208xf32, #tpu.memory_space<vmem>> -> memref<104xf32, #tpu.memory_space<vmem>>
    %dma_start3A_65 = arith.constant 936 : i32
    %dma_start3A_66 = tpu.memref_slice %arg6[%dma_start3A_65] : memref<26624xi32, #tpu.memory_space<vmem>> -> memref<104xi32, #tpu.memory_space<vmem>>
    %dma_start3A_67 = arith.constant 0 : i32
    %dma_start3A_68 = tpu.memref_slice %arg3[%dma_start3A_67] : memref<1015808xf32, #tpu.memory_space<hbm>> -> memref<1015808xf32, #tpu.memory_space<hbm>>
    tpu.enqueue_indirect_dma source(%dma_start3A_68 : memref<1015808xf32, #tpu.memory_space<hbm>>) target(%dma_start3A_64 : memref<104xf32, #tpu.memory_space<vmem>>) offsets(%dma_start3A_66 : memref<104xi32, #tpu.memory_space<vmem>>) semaphore(%arg29 : memref<!tpu.dma_semaphore, #tpu.memory_space<semaphore_mem>>)
    %dma_start3A_69 = arith.constant 0 : i32
    %dma_start3A_70 = tpu.memref_slice %arg12[%dma_start3A_69] : memref<208xf32, #tpu.memory_space<vmem>> -> memref<104xf32, #tpu.memory_space<vmem>>
    %dma_start3A_71 = arith.constant 1040 : i32
    %dma_start3A_72 = tpu.memref_slice %arg6[%dma_start3A_71] : memref<26624xi32, #tpu.memory_space<vmem>> -> memref<104xi32, #tpu.memory_space<vmem>>
    %dma_start3A_73 = arith.constant 0 : i32
    %dma_start3A_74 = tpu.memref_slice %arg3[%dma_start3A_73] : memref<1015808xf32, #tpu.memory_space<hbm>> -> memref<1015808xf32, #tpu.memory_space<hbm>>
    tpu.enqueue_indirect_dma source(%dma_start3A_74 : memref<1015808xf32, #tpu.memory_space<hbm>>) target(%dma_start3A_70 : memref<104xf32, #tpu.memory_space<vmem>>) offsets(%dma_start3A_72 : memref<104xi32, #tpu.memory_space<vmem>>) semaphore(%arg30 : memref<!tpu.dma_semaphore, #tpu.memory_space<semaphore_mem>>)
    %dma_start3A_75 = arith.constant 104 : i32
    %dma_start3A_76 = tpu.memref_slice %arg12[%dma_start3A_75] : memref<208xf32, #tpu.memory_space<vmem>> -> memref<104xf32, #tpu.memory_space<vmem>>
    %dma_start3A_77 = arith.constant 1144 : i32
    %dma_start3A_78 = tpu.memref_slice %arg6[%dma_start3A_77] : memref<26624xi32, #tpu.memory_space<vmem>> -> memref<104xi32, #tpu.memory_space<vmem>>
    %dma_start3A_79 = arith.constant 0 : i32
    %dma_start3A_80 = tpu.memref_slice %arg3[%dma_start3A_79] : memref<1015808xf32, #tpu.memory_space<hbm>> -> memref<1015808xf32, #tpu.memory_space<hbm>>
    tpu.enqueue_indirect_dma source(%dma_start3A_80 : memref<1015808xf32, #tpu.memory_space<hbm>>) target(%dma_start3A_76 : memref<104xf32, #tpu.memory_space<vmem>>) offsets(%dma_start3A_78 : memref<104xi32, #tpu.memory_space<vmem>>) semaphore(%arg30 : memref<!tpu.dma_semaphore, #tpu.memory_space<semaphore_mem>>)
    %dma_start3A_81 = arith.constant 0 : i32
    %dma_start3A_82 = tpu.memref_slice %arg13[%dma_start3A_81] : memref<208xf32, #tpu.memory_space<vmem>> -> memref<104xf32, #tpu.memory_space<vmem>>
    %dma_start3A_83 = arith.constant 1248 : i32
    %dma_start3A_84 = tpu.memref_slice %arg6[%dma_start3A_83] : memref<26624xi32, #tpu.memory_space<vmem>> -> memref<104xi32, #tpu.memory_space<vmem>>
    %dma_start3A_85 = arith.constant 0 : i32
    %dma_start3A_86 = tpu.memref_slice %arg3[%dma_start3A_85] : memref<1015808xf32, #tpu.memory_space<hbm>> -> memref<1015808xf32, #tpu.memory_space<hbm>>
    tpu.enqueue_indirect_dma source(%dma_start3A_86 : memref<1015808xf32, #tpu.memory_space<hbm>>) target(%dma_start3A_82 : memref<104xf32, #tpu.memory_space<vmem>>) offsets(%dma_start3A_84 : memref<104xi32, #tpu.memory_space<vmem>>) semaphore(%arg31 : memref<!tpu.dma_semaphore, #tpu.memory_space<semaphore_mem>>)
    %dma_start3A_87 = arith.constant 104 : i32
    %dma_start3A_88 = tpu.memref_slice %arg13[%dma_start3A_87] : memref<208xf32, #tpu.memory_space<vmem>> -> memref<104xf32, #tpu.memory_space<vmem>>
    %dma_start3A_89 = arith.constant 1352 : i32
    %dma_start3A_90 = tpu.memref_slice %arg6[%dma_start3A_89] : memref<26624xi32, #tpu.memory_space<vmem>> -> memref<104xi32, #tpu.memory_space<vmem>>
    %dma_start3A_91 = arith.constant 0 : i32
    %dma_start3A_92 = tpu.memref_slice %arg3[%dma_start3A_91] : memref<1015808xf32, #tpu.memory_space<hbm>> -> memref<1015808xf32, #tpu.memory_space<hbm>>
    tpu.enqueue_indirect_dma source(%dma_start3A_92 : memref<1015808xf32, #tpu.memory_space<hbm>>) target(%dma_start3A_88 : memref<104xf32, #tpu.memory_space<vmem>>) offsets(%dma_start3A_90 : memref<104xi32, #tpu.memory_space<vmem>>) semaphore(%arg31 : memref<!tpu.dma_semaphore, #tpu.memory_space<semaphore_mem>>)
    %dma_start3A_93 = arith.constant 0 : i32
    %dma_start3A_94 = tpu.memref_slice %arg14[%dma_start3A_93] : memref<208xf32, #tpu.memory_space<vmem>> -> memref<104xf32, #tpu.memory_space<vmem>>
    %dma_start3A_95 = arith.constant 1456 : i32
    %dma_start3A_96 = tpu.memref_slice %arg6[%dma_start3A_95] : memref<26624xi32, #tpu.memory_space<vmem>> -> memref<104xi32, #tpu.memory_space<vmem>>
    %dma_start3A_97 = arith.constant 0 : i32
    %dma_start3A_98 = tpu.memref_slice %arg3[%dma_start3A_97] : memref<1015808xf32, #tpu.memory_space<hbm>> -> memref<1015808xf32, #tpu.memory_space<hbm>>
    tpu.enqueue_indirect_dma source(%dma_start3A_98 : memref<1015808xf32, #tpu.memory_space<hbm>>) target(%dma_start3A_94 : memref<104xf32, #tpu.memory_space<vmem>>) offsets(%dma_start3A_96 : memref<104xi32, #tpu.memory_space<vmem>>) semaphore(%arg32 : memref<!tpu.dma_semaphore, #tpu.memory_space<semaphore_mem>>)
    %dma_start3A_99 = arith.constant 104 : i32
    %dma_start3A_100 = tpu.memref_slice %arg14[%dma_start3A_99] : memref<208xf32, #tpu.memory_space<vmem>> -> memref<104xf32, #tpu.memory_space<vmem>>
    %dma_start3A_101 = arith.constant 1560 : i32
    %dma_start3A_102 = tpu.memref_slice %arg6[%dma_start3A_101] : memref<26624xi32, #tpu.memory_space<vmem>> -> memref<104xi32, #tpu.memory_space<vmem>>
    %dma_start3A_103 = arith.constant 0 : i32
    %dma_start3A_104 = tpu.memref_slice %arg3[%dma_start3A_103] : memref<1015808xf32, #tpu.memory_space<hbm>> -> memref<1015808xf32, #tpu.memory_space<hbm>>
    tpu.enqueue_indirect_dma source(%dma_start3A_104 : memref<1015808xf32, #tpu.memory_space<hbm>>) target(%dma_start3A_100 : memref<104xf32, #tpu.memory_space<vmem>>) offsets(%dma_start3A_102 : memref<104xi32, #tpu.memory_space<vmem>>) semaphore(%arg32 : memref<!tpu.dma_semaphore, #tpu.memory_space<semaphore_mem>>)
    %dma_start3A_105 = arith.constant 0 : i32
    %dma_start3A_106 = tpu.memref_slice %arg15[%dma_start3A_105] : memref<208xf32, #tpu.memory_space<vmem>> -> memref<104xf32, #tpu.memory_space<vmem>>
    %dma_start3A_107 = arith.constant 1664 : i32
    %dma_start3A_108 = tpu.memref_slice %arg6[%dma_start3A_107] : memref<26624xi32, #tpu.memory_space<vmem>> -> memref<104xi32, #tpu.memory_space<vmem>>
    %dma_start3A_109 = arith.constant 0 : i32
    %dma_start3A_110 = tpu.memref_slice %arg3[%dma_start3A_109] : memref<1015808xf32, #tpu.memory_space<hbm>> -> memref<1015808xf32, #tpu.memory_space<hbm>>
    tpu.enqueue_indirect_dma source(%dma_start3A_110 : memref<1015808xf32, #tpu.memory_space<hbm>>) target(%dma_start3A_106 : memref<104xf32, #tpu.memory_space<vmem>>) offsets(%dma_start3A_108 : memref<104xi32, #tpu.memory_space<vmem>>) semaphore(%arg33 : memref<!tpu.dma_semaphore, #tpu.memory_space<semaphore_mem>>)
    %dma_start3A_111 = arith.constant 104 : i32
    %dma_start3A_112 = tpu.memref_slice %arg15[%dma_start3A_111] : memref<208xf32, #tpu.memory_space<vmem>> -> memref<104xf32, #tpu.memory_space<vmem>>
    %dma_start3A_113 = arith.constant 1768 : i32
    %dma_start3A_114 = tpu.memref_slice %arg6[%dma_start3A_113] : memref<26624xi32, #tpu.memory_space<vmem>> -> memref<104xi32, #tpu.memory_space<vmem>>
    %dma_start3A_115 = arith.constant 0 : i32
    %dma_start3A_116 = tpu.memref_slice %arg3[%dma_start3A_115] : memref<1015808xf32, #tpu.memory_space<hbm>> -> memref<1015808xf32, #tpu.memory_space<hbm>>
    tpu.enqueue_indirect_dma source(%dma_start3A_116 : memref<1015808xf32, #tpu.memory_space<hbm>>) target(%dma_start3A_112 : memref<104xf32, #tpu.memory_space<vmem>>) offsets(%dma_start3A_114 : memref<104xi32, #tpu.memory_space<vmem>>) semaphore(%arg33 : memref<!tpu.dma_semaphore, #tpu.memory_space<semaphore_mem>>)
    %dma_start3A_117 = arith.constant 0 : i32
    %dma_start3A_118 = tpu.memref_slice %arg16[%dma_start3A_117] : memref<208xf32, #tpu.memory_space<vmem>> -> memref<104xf32, #tpu.memory_space<vmem>>
    %dma_start3A_119 = arith.constant 1872 : i32
    %dma_start3A_120 = tpu.memref_slice %arg6[%dma_start3A_119] : memref<26624xi32, #tpu.memory_space<vmem>> -> memref<104xi32, #tpu.memory_space<vmem>>
    %dma_start3A_121 = arith.constant 0 : i32
    %dma_start3A_122 = tpu.memref_slice %arg3[%dma_start3A_121] : memref<1015808xf32, #tpu.memory_space<hbm>> -> memref<1015808xf32, #tpu.memory_space<hbm>>
    tpu.enqueue_indirect_dma source(%dma_start3A_122 : memref<1015808xf32, #tpu.memory_space<hbm>>) target(%dma_start3A_118 : memref<104xf32, #tpu.memory_space<vmem>>) offsets(%dma_start3A_120 : memref<104xi32, #tpu.memory_space<vmem>>) semaphore(%arg34 : memref<!tpu.dma_semaphore, #tpu.memory_space<semaphore_mem>>)
    %dma_start3A_123 = arith.constant 104 : i32
    %dma_start3A_124 = tpu.memref_slice %arg16[%dma_start3A_123] : memref<208xf32, #tpu.memory_space<vmem>> -> memref<104xf32, #tpu.memory_space<vmem>>
    %dma_start3A_125 = arith.constant 1976 : i32
    %dma_start3A_126 = tpu.memref_slice %arg6[%dma_start3A_125] : memref<26624xi32, #tpu.memory_space<vmem>> -> memref<104xi32, #tpu.memory_space<vmem>>
    %dma_start3A_127 = arith.constant 0 : i32
    %dma_start3A_128 = tpu.memref_slice %arg3[%dma_start3A_127] : memref<1015808xf32, #tpu.memory_space<hbm>> -> memref<1015808xf32, #tpu.memory_space<hbm>>
    tpu.enqueue_indirect_dma source(%dma_start3A_128 : memref<1015808xf32, #tpu.memory_space<hbm>>) target(%dma_start3A_124 : memref<104xf32, #tpu.memory_space<vmem>>) offsets(%dma_start3A_126 : memref<104xi32, #tpu.memory_space<vmem>>) semaphore(%arg34 : memref<!tpu.dma_semaphore, #tpu.memory_space<semaphore_mem>>)
    %dma_start3A_129 = arith.constant 0 : i32
    %dma_start3A_130 = tpu.memref_slice %arg17[%dma_start3A_129] : memref<208xf32, #tpu.memory_space<vmem>> -> memref<104xf32, #tpu.memory_space<vmem>>
    %dma_start3A_131 = arith.constant 2080 : i32
    %dma_start3A_132 = tpu.memref_slice %arg6[%dma_start3A_131] : memref<26624xi32, #tpu.memory_space<vmem>> -> memref<104xi32, #tpu.memory_space<vmem>>
    %dma_start3A_133 = arith.constant 0 : i32
    %dma_start3A_134 = tpu.memref_slice %arg3[%dma_start3A_133] : memref<1015808xf32, #tpu.memory_space<hbm>> -> memref<1015808xf32, #tpu.memory_space<hbm>>
    tpu.enqueue_indirect_dma source(%dma_start3A_134 : memref<1015808xf32, #tpu.memory_space<hbm>>) target(%dma_start3A_130 : memref<104xf32, #tpu.memory_space<vmem>>) offsets(%dma_start3A_132 : memref<104xi32, #tpu.memory_space<vmem>>) semaphore(%arg35 : memref<!tpu.dma_semaphore, #tpu.memory_space<semaphore_mem>>)
    %dma_start3A_135 = arith.constant 104 : i32
    %dma_start3A_136 = tpu.memref_slice %arg17[%dma_start3A_135] : memref<208xf32, #tpu.memory_space<vmem>> -> memref<104xf32, #tpu.memory_space<vmem>>
    %dma_start3A_137 = arith.constant 2184 : i32
    %dma_start3A_138 = tpu.memref_slice %arg6[%dma_start3A_137] : memref<26624xi32, #tpu.memory_space<vmem>> -> memref<104xi32, #tpu.memory_space<vmem>>
    %dma_start3A_139 = arith.constant 0 : i32
    %dma_start3A_140 = tpu.memref_slice %arg3[%dma_start3A_139] : memref<1015808xf32, #tpu.memory_space<hbm>> -> memref<1015808xf32, #tpu.memory_space<hbm>>
    tpu.enqueue_indirect_dma source(%dma_start3A_140 : memref<1015808xf32, #tpu.memory_space<hbm>>) target(%dma_start3A_136 : memref<104xf32, #tpu.memory_space<vmem>>) offsets(%dma_start3A_138 : memref<104xi32, #tpu.memory_space<vmem>>) semaphore(%arg35 : memref<!tpu.dma_semaphore, #tpu.memory_space<semaphore_mem>>)
    %dma_start3A_141 = arith.constant 0 : i32
    %dma_start3A_142 = tpu.memref_slice %arg18[%dma_start3A_141] : memref<208xf32, #tpu.memory_space<vmem>> -> memref<104xf32, #tpu.memory_space<vmem>>
    %dma_start3A_143 = arith.constant 2288 : i32
    %dma_start3A_144 = tpu.memref_slice %arg6[%dma_start3A_143] : memref<26624xi32, #tpu.memory_space<vmem>> -> memref<104xi32, #tpu.memory_space<vmem>>
    %dma_start3A_145 = arith.constant 0 : i32
    %dma_start3A_146 = tpu.memref_slice %arg3[%dma_start3A_145] : memref<1015808xf32, #tpu.memory_space<hbm>> -> memref<1015808xf32, #tpu.memory_space<hbm>>
    tpu.enqueue_indirect_dma source(%dma_start3A_146 : memref<1015808xf32, #tpu.memory_space<hbm>>) target(%dma_start3A_142 : memref<104xf32, #tpu.memory_space<vmem>>) offsets(%dma_start3A_144 : memref<104xi32, #tpu.memory_space<vmem>>) semaphore(%arg36 : memref<!tpu.dma_semaphore, #tpu.memory_space<semaphore_mem>>)
    %dma_start3A_147 = arith.constant 104 : i32
    %dma_start3A_148 = tpu.memref_slice %arg18[%dma_start3A_147] : memref<208xf32, #tpu.memory_space<vmem>> -> memref<104xf32, #tpu.memory_space<vmem>>
    %dma_start3A_149 = arith.constant 2392 : i32
    %dma_start3A_150 = tpu.memref_slice %arg6[%dma_start3A_149] : memref<26624xi32, #tpu.memory_space<vmem>> -> memref<104xi32, #tpu.memory_space<vmem>>
    %dma_start3A_151 = arith.constant 0 : i32
    %dma_start3A_152 = tpu.memref_slice %arg3[%dma_start3A_151] : memref<1015808xf32, #tpu.memory_space<hbm>> -> memref<1015808xf32, #tpu.memory_space<hbm>>
    tpu.enqueue_indirect_dma source(%dma_start3A_152 : memref<1015808xf32, #tpu.memory_space<hbm>>) target(%dma_start3A_148 : memref<104xf32, #tpu.memory_space<vmem>>) offsets(%dma_start3A_150 : memref<104xi32, #tpu.memory_space<vmem>>) semaphore(%arg36 : memref<!tpu.dma_semaphore, #tpu.memory_space<semaphore_mem>>)
    %dma_start3A_153 = arith.constant 0 : i32
    %dma_start3A_154 = tpu.memref_slice %arg19[%dma_start3A_153] : memref<208xf32, #tpu.memory_space<vmem>> -> memref<104xf32, #tpu.memory_space<vmem>>
    %dma_start3A_155 = arith.constant 2496 : i32
    %dma_start3A_156 = tpu.memref_slice %arg6[%dma_start3A_155] : memref<26624xi32, #tpu.memory_space<vmem>> -> memref<104xi32, #tpu.memory_space<vmem>>
    %dma_start3A_157 = arith.constant 0 : i32
    %dma_start3A_158 = tpu.memref_slice %arg3[%dma_start3A_157] : memref<1015808xf32, #tpu.memory_space<hbm>> -> memref<1015808xf32, #tpu.memory_space<hbm>>
    tpu.enqueue_indirect_dma source(%dma_start3A_158 : memref<1015808xf32, #tpu.memory_space<hbm>>) target(%dma_start3A_154 : memref<104xf32, #tpu.memory_space<vmem>>) offsets(%dma_start3A_156 : memref<104xi32, #tpu.memory_space<vmem>>) semaphore(%arg37 : memref<!tpu.dma_semaphore, #tpu.memory_space<semaphore_mem>>)
    %dma_start3A_159 = arith.constant 104 : i32
    %dma_start3A_160 = tpu.memref_slice %arg19[%dma_start3A_159] : memref<208xf32, #tpu.memory_space<vmem>> -> memref<104xf32, #tpu.memory_space<vmem>>
    %dma_start3A_161 = arith.constant 2600 : i32
    %dma_start3A_162 = tpu.memref_slice %arg6[%dma_start3A_161] : memref<26624xi32, #tpu.memory_space<vmem>> -> memref<104xi32, #tpu.memory_space<vmem>>
    %dma_start3A_163 = arith.constant 0 : i32
    %dma_start3A_164 = tpu.memref_slice %arg3[%dma_start3A_163] : memref<1015808xf32, #tpu.memory_space<hbm>> -> memref<1015808xf32, #tpu.memory_space<hbm>>
    tpu.enqueue_indirect_dma source(%dma_start3A_164 : memref<1015808xf32, #tpu.memory_space<hbm>>) target(%dma_start3A_160 : memref<104xf32, #tpu.memory_space<vmem>>) offsets(%dma_start3A_162 : memref<104xi32, #tpu.memory_space<vmem>>) semaphore(%arg37 : memref<!tpu.dma_semaphore, #tpu.memory_space<semaphore_mem>>)
    %dma_start3A_165 = arith.constant 0 : i32
    %dma_start3A_166 = tpu.memref_slice %arg20[%dma_start3A_165] : memref<208xf32, #tpu.memory_space<vmem>> -> memref<104xf32, #tpu.memory_space<vmem>>
    %dma_start3A_167 = arith.constant 2704 : i32
    %dma_start3A_168 = tpu.memref_slice %arg6[%dma_start3A_167] : memref<26624xi32, #tpu.memory_space<vmem>> -> memref<104xi32, #tpu.memory_space<vmem>>
    %dma_start3A_169 = arith.constant 0 : i32
    %dma_start3A_170 = tpu.memref_slice %arg3[%dma_start3A_169] : memref<1015808xf32, #tpu.memory_space<hbm>> -> memref<1015808xf32, #tpu.memory_space<hbm>>
    tpu.enqueue_indirect_dma source(%dma_start3A_170 : memref<1015808xf32, #tpu.memory_space<hbm>>) target(%dma_start3A_166 : memref<104xf32, #tpu.memory_space<vmem>>) offsets(%dma_start3A_168 : memref<104xi32, #tpu.memory_space<vmem>>) semaphore(%arg38 : memref<!tpu.dma_semaphore, #tpu.memory_space<semaphore_mem>>)
    %dma_start3A_171 = arith.constant 104 : i32
    %dma_start3A_172 = tpu.memref_slice %arg20[%dma_start3A_171] : memref<208xf32, #tpu.memory_space<vmem>> -> memref<104xf32, #tpu.memory_space<vmem>>
    %dma_start3A_173 = arith.constant 2808 : i32
    %dma_start3A_174 = tpu.memref_slice %arg6[%dma_start3A_173] : memref<26624xi32, #tpu.memory_space<vmem>> -> memref<104xi32, #tpu.memory_space<vmem>>
    %dma_start3A_175 = arith.constant 0 : i32
    %dma_start3A_176 = tpu.memref_slice %arg3[%dma_start3A_175] : memref<1015808xf32, #tpu.memory_space<hbm>> -> memref<1015808xf32, #tpu.memory_space<hbm>>
    tpu.enqueue_indirect_dma source(%dma_start3A_176 : memref<1015808xf32, #tpu.memory_space<hbm>>) target(%dma_start3A_172 : memref<104xf32, #tpu.memory_space<vmem>>) offsets(%dma_start3A_174 : memref<104xi32, #tpu.memory_space<vmem>>) semaphore(%arg38 : memref<!tpu.dma_semaphore, #tpu.memory_space<semaphore_mem>>)
    %dma_start3A_177 = arith.constant 0 : i32
    %dma_start3A_178 = tpu.memref_slice %arg21[%dma_start3A_177] : memref<208xf32, #tpu.memory_space<vmem>> -> memref<104xf32, #tpu.memory_space<vmem>>
    %dma_start3A_179 = arith.constant 2912 : i32
    %dma_start3A_180 = tpu.memref_slice %arg6[%dma_start3A_179] : memref<26624xi32, #tpu.memory_space<vmem>> -> memref<104xi32, #tpu.memory_space<vmem>>
    %dma_start3A_181 = arith.constant 0 : i32
    %dma_start3A_182 = tpu.memref_slice %arg3[%dma_start3A_181] : memref<1015808xf32, #tpu.memory_space<hbm>> -> memref<1015808xf32, #tpu.memory_space<hbm>>
    tpu.enqueue_indirect_dma source(%dma_start3A_182 : memref<1015808xf32, #tpu.memory_space<hbm>>) target(%dma_start3A_178 : memref<104xf32, #tpu.memory_space<vmem>>) offsets(%dma_start3A_180 : memref<104xi32, #tpu.memory_space<vmem>>) semaphore(%arg39 : memref<!tpu.dma_semaphore, #tpu.memory_space<semaphore_mem>>)
    %dma_start3A_183 = arith.constant 104 : i32
    %dma_start3A_184 = tpu.memref_slice %arg21[%dma_start3A_183] : memref<208xf32, #tpu.memory_space<vmem>> -> memref<104xf32, #tpu.memory_space<vmem>>
    %dma_start3A_185 = arith.constant 3016 : i32
    %dma_start3A_186 = tpu.memref_slice %arg6[%dma_start3A_185] : memref<26624xi32, #tpu.memory_space<vmem>> -> memref<104xi32, #tpu.memory_space<vmem>>
    %dma_start3A_187 = arith.constant 0 : i32
    %dma_start3A_188 = tpu.memref_slice %arg3[%dma_start3A_187] : memref<1015808xf32, #tpu.memory_space<hbm>> -> memref<1015808xf32, #tpu.memory_space<hbm>>
    tpu.enqueue_indirect_dma source(%dma_start3A_188 : memref<1015808xf32, #tpu.memory_space<hbm>>) target(%dma_start3A_184 : memref<104xf32, #tpu.memory_space<vmem>>) offsets(%dma_start3A_186 : memref<104xi32, #tpu.memory_space<vmem>>) semaphore(%arg39 : memref<!tpu.dma_semaphore, #tpu.memory_space<semaphore_mem>>)
    %scan3A = arith.constant 0 : i32
    %scan3A_189 = arith.constant 0 : i32
    %scan3A_190 = arith.constant 8 : i32
    %scan3A_191 = arith.addi %scan3A_189, %scan3A_190 : i32
    %scan3A_192 = arith.constant 1 : i32
    scf.for %scan3A_194 = %scan3A_189 to %scan3A_191 step %scan3A_192  : i32 {
      %mul3A_195 = arith.constant 16 : i32
      %mul3A_196 = arith.muli %scan3A_194, %mul3A_195 : i32
      %add3A_197 = arith.constant 0 : i32
      %add3A_198 = arith.addi %mul3A_196, %add3A_197 : i32
      %add3A_199 = arith.constant 16 : i32
      %add3A_200 = arith.addi %add3A_198, %add3A_199 : i32
      %sub3A = arith.constant 1 : i32
      %sub3A_201 = arith.subi %add3A_200, %sub3A : i32
      %lt3A_202 = arith.constant 128 : i32
      %lt3A_203 = arith.cmpi slt, %sub3A_201, %lt3A_202 : i32
      %convert_element_type3A = arith.extui %lt3A_203 : i1 to i32
      %cond3A = arith.constant 0 : i32
      %cond3A_204 = arith.cmpi ne, %convert_element_type3A, %cond3A : i32
      scf.if %cond3A_204 {
        %add3A_1607 = arith.constant 16 : i32
        %add3A_1608 = arith.addi %add3A_198, %add3A_1607 : i32
        %sub3A_1609 = arith.constant 1 : i32
        %sub3A_1610 = arith.subi %add3A_1608, %sub3A_1609 : i32
        %mul3A_1611 = arith.constant 208 : i32
        %mul3A_1612 = arith.muli %sub3A_1610, %mul3A_1611 : i32
        %mul3A_1613 = arith.constant 208 : i32
        %mul3A_1614 = arith.muli %sub3A_1610, %mul3A_1613 : i32
        %add3A_1615 = arith.constant 104 : i32
        %add3A_1616 = arith.addi %mul3A_1614, %add3A_1615 : i32
        %dma_start3A_1617 = arith.constant 0 : i32
        %dma_start3A_1618 = tpu.memref_slice %arg22[%dma_start3A_1617] : memref<208xf32, #tpu.memory_space<vmem>> -> memref<104xf32, #tpu.memory_space<vmem>>
        %dma_start3A_1619 = tpu.memref_slice %arg6[%mul3A_1612] : memref<26624xi32, #tpu.memory_space<vmem>> -> memref<104xi32, #tpu.memory_space<vmem>>
        %dma_start3A_1620 = arith.constant 0 : i32
        %dma_start3A_1621 = tpu.memref_slice %arg3[%dma_start3A_1620] : memref<1015808xf32, #tpu.memory_space<hbm>> -> memref<1015808xf32, #tpu.memory_space<hbm>>
        tpu.enqueue_indirect_dma source(%dma_start3A_1621 : memref<1015808xf32, #tpu.memory_space<hbm>>) target(%dma_start3A_1618 : memref<104xf32, #tpu.memory_space<vmem>>) offsets(%dma_start3A_1619 : memref<104xi32, #tpu.memory_space<vmem>>) semaphore(%arg40 : memref<!tpu.dma_semaphore, #tpu.memory_space<semaphore_mem>>)
        %dma_start3A_1622 = arith.constant 104 : i32
        %dma_start3A_1623 = tpu.memref_slice %arg22[%dma_start3A_1622] : memref<208xf32, #tpu.memory_space<vmem>> -> memref<104xf32, #tpu.memory_space<vmem>>
        %dma_start3A_1624 = tpu.memref_slice %arg6[%add3A_1616] : memref<26624xi32, #tpu.memory_space<vmem>> -> memref<104xi32, #tpu.memory_space<vmem>>
        %dma_start3A_1625 = arith.constant 0 : i32
        %dma_start3A_1626 = tpu.memref_slice %arg3[%dma_start3A_1625] : memref<1015808xf32, #tpu.memory_space<hbm>> -> memref<1015808xf32, #tpu.memory_space<hbm>>
        tpu.enqueue_indirect_dma source(%dma_start3A_1626 : memref<1015808xf32, #tpu.memory_space<hbm>>) target(%dma_start3A_1623 : memref<104xf32, #tpu.memory_space<vmem>>) offsets(%dma_start3A_1624 : memref<104xi32, #tpu.memory_space<vmem>>) semaphore(%arg40 : memref<!tpu.dma_semaphore, #tpu.memory_space<semaphore_mem>>)
      } else {
      }
      %mul3A_205 = arith.constant 208 : i32
      %mul3A_206 = arith.muli %add3A_198, %mul3A_205 : i32
      %mul3A_207 = arith.constant 208 : i32
      %mul3A_208 = arith.muli %add3A_198, %mul3A_207 : i32
      %add3A_209 = arith.constant 104 : i32
      %add3A_210 = arith.addi %mul3A_208, %add3A_209 : i32
      %dma_wait3A = arith.constant 0 : i32
      %dma_wait3A_211 = tpu.memref_slice %arg7[%dma_wait3A] : memref<208xf32, #tpu.memory_space<vmem>> -> memref<104xf32, #tpu.memory_space<vmem>>
      %dma_wait3A_212 = tpu.memref_slice %arg6[%mul3A_206] : memref<26624xi32, #tpu.memory_space<vmem>> -> memref<104xi32, #tpu.memory_space<vmem>>
      %dma_wait3A_213 = arith.constant 0 : i32
      %dma_wait3A_214 = tpu.memref_slice %arg3[%dma_wait3A_213] : memref<1015808xf32, #tpu.memory_space<hbm>> -> memref<1015808xf32, #tpu.memory_space<hbm>>
      tpu.wait_indirect_dma semaphore(%arg25 : memref<!tpu.dma_semaphore, #tpu.memory_space<semaphore_mem>>) src(%dma_wait3A_214 : memref<1015808xf32, #tpu.memory_space<hbm>>) dst(%dma_wait3A_211 : memref<104xf32, #tpu.memory_space<vmem>>)
      %dma_wait3A_215 = arith.constant 104 : i32
      %dma_wait3A_216 = tpu.memref_slice %arg7[%dma_wait3A_215] : memref<208xf32, #tpu.memory_space<vmem>> -> memref<104xf32, #tpu.memory_space<vmem>>
      %dma_wait3A_217 = tpu.memref_slice %arg6[%add3A_210] : memref<26624xi32, #tpu.memory_space<vmem>> -> memref<104xi32, #tpu.memory_space<vmem>>
      %dma_wait3A_218 = arith.constant 0 : i32
      %dma_wait3A_219 = tpu.memref_slice %arg3[%dma_wait3A_218] : memref<1015808xf32, #tpu.memory_space<hbm>> -> memref<1015808xf32, #tpu.memory_space<hbm>>
      tpu.wait_indirect_dma semaphore(%arg25 : memref<!tpu.dma_semaphore, #tpu.memory_space<semaphore_mem>>) src(%dma_wait3A_219 : memref<1015808xf32, #tpu.memory_space<hbm>>) dst(%dma_wait3A_216 : memref<104xf32, #tpu.memory_space<vmem>>)
      %broadcast_in_dim3A = arith.constant 0.000000e+00 : f32
      %broadcast_in_dim3A_220 = vector.broadcast %broadcast_in_dim3A : f32 to vector<16xf32>
      %scan3A_221 = arith.constant 0 : i32
      %scan3A_222 = arith.constant 12 : i32
      %scan3A_223 = arith.addi %scan3A_221, %scan3A_222 : i32
      %scan3A_224 = arith.constant 4 : i32
      %scan3A_225:3 = scf.for %scan3A_1607 = %scan3A_221 to %scan3A_223 step %scan3A_224 iter_args(%scan3A_1608 = %broadcast_in_dim3A_220, %scan3A_1609 = %broadcast_in_dim3A_220, %scan3A_1610 = %broadcast_in_dim3A_220) -> (vector<16xf32>, vector<16xf32>, vector<16xf32>)  : i32 {
        %mul3A_1611 = arith.constant 16 : i32
        %mul3A_1612 = arith.muli %mul3A_1611, %scan3A_1607 : i32
        %get3A_1613 = arith.index_cast %mul3A_1612 : i32 to index
        %get3A_1614 = tpu.vector_load %arg7[%get3A_1613] {strides = array<i32>} : memref<208xf32, #tpu.memory_space<vmem>>, vector<16xf32>,
        %bitcast3A_1615 = vector.bitcast %get3A_1614 : vector<16xf32> to vector<32xbf16>
        %unpack3A_1616 = tpu.unpack_subelements %bitcast3A_1615, 0 {pack_format = #tpu.pack_format<interleaved>} : vector<32xbf16> -> vector<16xf32>
        %unpack3A_1617 = tpu.unpack_subelements %bitcast3A_1615, 1 {pack_format = #tpu.pack_format<interleaved>} : vector<32xbf16> -> vector<16xf32>
        %add3A_1618 = arith.addf %scan3A_1608, %unpack3A_1616 : vector<16xf32>
        %add3A_1619 = arith.addf %scan3A_1609, %unpack3A_1617 : vector<16xf32>
        %mul3A_1620 = arith.constant 208 : i32
        %mul3A_1621 = arith.muli %add3A_198, %mul3A_1620 : i32
        %mul3A_1622 = arith.constant 16 : i32
        %mul3A_1623 = arith.muli %mul3A_1622, %scan3A_1607 : i32
        %add3A_1624 = arith.addi %mul3A_1621, %mul3A_1623 : i32
        %get3A_1625 = arith.index_cast %add3A_1624 : i32 to index
        %get3A_1626 = tpu.vector_load %arg6[%get3A_1625] {strides = array<i32>} : memref<26624xi32, #tpu.memory_space<vmem>>, vector<16xi32>,
        %ne3A_1627 = arith.constant 0 : i32
        %ne3A_1628 = vector.broadcast %ne3A_1627 : i32 to vector<16xi32>
        %ne3A_1629 = arith.cmpi ne, %get3A_1626, %ne3A_1628 : vector<16xi32>
        %convert_element_type3A_1630 = arith.extui %ne3A_1629 : vector<16xi1> to vector<16xi32>
        %convert_element_type3A_1631 = arith.sitofp %convert_element_type3A_1630 : vector<16xi32> to vector<16xf32>
        %add3A_1632 = arith.addf %scan3A_1610, %convert_element_type3A_1631 : vector<16xf32>
        %scan3A_1633 = arith.constant 1 : i32
        %scan3A_1634 = arith.addi %scan3A_1607, %scan3A_1633 : i32
        %mul3A_1635 = arith.constant 16 : i32
        %mul3A_1636 = arith.muli %mul3A_1635, %scan3A_1634 : i32
        %get3A_1637 = arith.index_cast %mul3A_1636 : i32 to index
        %get3A_1638 = tpu.vector_load %arg7[%get3A_1637] {strides = array<i32>} : memref<208xf32, #tpu.memory_space<vmem>>, vector<16xf32>,
        %bitcast3A_1639 = vector.bitcast %get3A_1638 : vector<16xf32> to vector<32xbf16>
        %unpack3A_1640 = tpu.unpack_subelements %bitcast3A_1639, 0 {pack_format = #tpu.pack_format<interleaved>} : vector<32xbf16> -> vector<16xf32>
        %unpack3A_1641 = tpu.unpack_subelements %bitcast3A_1639, 1 {pack_format = #tpu.pack_format<interleaved>} : vector<32xbf16> -> vector<16xf32>
        %add3A_1642 = arith.addf %add3A_1618, %unpack3A_1640 : vector<16xf32>
        %add3A_1643 = arith.addf %add3A_1619, %unpack3A_1641 : vector<16xf32>
        %mul3A_1644 = arith.constant 208 : i32
        %mul3A_1645 = arith.muli %add3A_198, %mul3A_1644 : i32
        %mul3A_1646 = arith.constant 16 : i32
        %mul3A_1647 = arith.muli %mul3A_1646, %scan3A_1634 : i32
        %add3A_1648 = arith.addi %mul3A_1645, %mul3A_1647 : i32
        %get3A_1649 = arith.index_cast %add3A_1648 : i32 to index
        %get3A_1650 = tpu.vector_load %arg6[%get3A_1649] {strides = array<i32>} : memref<26624xi32, #tpu.memory_space<vmem>>, vector<16xi32>,
        %ne3A_1651 = arith.constant 0 : i32
        %ne3A_1652 = vector.broadcast %ne3A_1651 : i32 to vector<16xi32>
        %ne3A_1653 = arith.cmpi ne, %get3A_1650, %ne3A_1652 : vector<16xi32>
        %convert_element_type3A_1654 = arith.extui %ne3A_1653 : vector<16xi1> to vector<16xi32>
        %convert_element_type3A_1655 = arith.sitofp %convert_element_type3A_1654 : vector<16xi32> to vector<16xf32>
        %add3A_1656 = arith.addf %add3A_1632, %convert_element_type3A_1655 : vector<16xf32>
        %scan3A_1657 = arith.constant 2 : i32
        %scan3A_1658 = arith.addi %scan3A_1607, %scan3A_1657 : i32
        %mul3A_1659 = arith.constant 16 : i32
        %mul3A_1660 = arith.muli %mul3A_1659, %scan3A_1658 : i32
        %get3A_1661 = arith.index_cast %mul3A_1660 : i32 to index
        %get3A_1662 = tpu.vector_load %arg7[%get3A_1661] {strides = array<i32>} : memref<208xf32, #tpu.memory_space<vmem>>, vector<16xf32>,
        %bitcast3A_1663 = vector.bitcast %get3A_1662 : vector<16xf32> to vector<32xbf16>
        %unpack3A_1664 = tpu.unpack_subelements %bitcast3A_1663, 0 {pack_format = #tpu.pack_format<interleaved>} : vector<32xbf16> -> vector<16xf32>
        %unpack3A_1665 = tpu.unpack_subelements %bitcast3A_1663, 1 {pack_format = #tpu.pack_format<interleaved>} : vector<32xbf16> -> vector<16xf32>
        %add3A_1666 = arith.addf %add3A_1642, %unpack3A_1664 : vector<16xf32>
        %add3A_1667 = arith.addf %add3A_1643, %unpack3A_1665 : vector<16xf32>
        %mul3A_1668 = arith.constant 208 : i32
        %mul3A_1669 = arith.muli %add3A_198, %mul3A_1668 : i32
        %mul3A_1670 = arith.constant 16 : i32
        %mul3A_1671 = arith.muli %mul3A_1670, %scan3A_1658 : i32
        %add3A_1672 = arith.addi %mul3A_1669, %mul3A_1671 : i32
        %get3A_1673 = arith.index_cast %add3A_1672 : i32 to index
        %get3A_1674 = tpu.vector_load %arg6[%get3A_1673] {strides = array<i32>} : memref<26624xi32, #tpu.memory_space<vmem>>, vector<16xi32>,
        %ne3A_1675 = arith.constant 0 : i32
        %ne3A_1676 = vector.broadcast %ne3A_1675 : i32 to vector<16xi32>
        %ne3A_1677 = arith.cmpi ne, %get3A_1674, %ne3A_1676 : vector<16xi32>
        %convert_element_type3A_1678 = arith.extui %ne3A_1677 : vector<16xi1> to vector<16xi32>
        %convert_element_type3A_1679 = arith.sitofp %convert_element_type3A_1678 : vector<16xi32> to vector<16xf32>
        %add3A_1680 = arith.addf %add3A_1656, %convert_element_type3A_1679 : vector<16xf32>
        %scan3A_1681 = arith.constant 3 : i32
        %scan3A_1682 = arith.addi %scan3A_1607, %scan3A_1681 : i32
        %mul3A_1683 = arith.constant 16 : i32
        %mul3A_1684 = arith.muli %mul3A_1683, %scan3A_1682 : i32
        %get3A_1685 = arith.index_cast %mul3A_1684 : i32 to index
        %get3A_1686 = tpu.vector_load %arg7[%get3A_1685] {strides = array<i32>} : memref<208xf32, #tpu.memory_space<vmem>>, vector<16xf32>,
        %bitcast3A_1687 = vector.bitcast %get3A_1686 : vector<16xf32> to vector<32xbf16>
        %unpack3A_1688 = tpu.unpack_subelements %bitcast3A_1687, 0 {pack_format = #tpu.pack_format<interleaved>} : vector<32xbf16> -> vector<16xf32>
        %unpack3A_1689 = tpu.unpack_subelements %bitcast3A_1687, 1 {pack_format = #tpu.pack_format<interleaved>} : vector<32xbf16> -> vector<16xf32>
        %add3A_1690 = arith.addf %add3A_1666, %unpack3A_1688 : vector<16xf32>
        %add3A_1691 = arith.addf %add3A_1667, %unpack3A_1689 : vector<16xf32>
        %mul3A_1692 = arith.constant 208 : i32
        %mul3A_1693 = arith.muli %add3A_198, %mul3A_1692 : i32
        %mul3A_1694 = arith.constant 16 : i32
        %mul3A_1695 = arith.muli %mul3A_1694, %scan3A_1682 : i32
        %add3A_1696 = arith.addi %mul3A_1693, %mul3A_1695 : i32
        %get3A_1697 = arith.index_cast %add3A_1696 : i32 to index
        %get3A_1698 = tpu.vector_load %arg6[%get3A_1697] {strides = array<i32>} : memref<26624xi32, #tpu.memory_space<vmem>>, vector<16xi32>,
        %ne3A_1699 = arith.constant 0 : i32
        %ne3A_1700 = vector.broadcast %ne3A_1699 : i32 to vector<16xi32>
        %ne3A_1701 = arith.cmpi ne, %get3A_1698, %ne3A_1700 : vector<16xi32>
        %convert_element_type3A_1702 = arith.extui %ne3A_1701 : vector<16xi1> to vector<16xi32>
        %convert_element_type3A_1703 = arith.sitofp %convert_element_type3A_1702 : vector<16xi32> to vector<16xf32>
        %add3A_1704 = arith.addf %add3A_1680, %convert_element_type3A_1703 : vector<16xf32>
        scf.yield %add3A_1690, %add3A_1691, %add3A_1704 : vector<16xf32>, vector<16xf32>, vector<16xf32>
      }
      %scan3A_226 = arith.constant 12 : i32
      %get3A = arith.constant 192 : index
      %get3A_227 = tpu.vector_load %arg7[%get3A] {strides = array<i32>} : memref<208xf32, #tpu.memory_space<vmem>>, vector<16xf32>,
      %bitcast3A = vector.bitcast %get3A_227 : vector<16xf32> to vector<32xbf16>
      %unpack3A = tpu.unpack_subelements %bitcast3A, 0 {pack_format = #tpu.pack_format<interleaved>} : vector<32xbf16> -> vector<16xf32>
      %unpack3A_228 = tpu.unpack_subelements %bitcast3A, 1 {pack_format = #tpu.pack_format<interleaved>} : vector<32xbf16> -> vector<16xf32>
      %jit3A = arith.constant 0.000000e+00 : f32
      %broadcast_in_dim3A_229 = vector.broadcast %jit3A : f32 to vector<16xf32>
      %select_n3A = arith.select %lt3A_6, %unpack3A, %broadcast_in_dim3A_229 : vector<16xi1>, vector<16xf32>
      %add3A_230 = arith.addf %scan3A_225#0, %select_n3A : vector<16xf32>
      %jit3A_231 = arith.constant 0.000000e+00 : f32
      %broadcast_in_dim3A_232 = vector.broadcast %jit3A_231 : f32 to vector<16xf32>
      %select_n3A_233 = arith.select %lt3A_6, %unpack3A_228, %broadcast_in_dim3A_232 : vector<16xi1>, vector<16xf32>
      %add3A_234 = arith.addf %scan3A_225#1, %select_n3A_233 : vector<16xf32>
      %mul3A_235 = arith.constant 208 : i32
      %mul3A_236 = arith.muli %add3A_198, %mul3A_235 : i32
      %add3A_237 = arith.constant 192 : i32
      %add3A_238 = arith.addi %mul3A_236, %add3A_237 : i32
      %get3A_239 = arith.index_cast %add3A_238 : i32 to index
      %get3A_240 = tpu.vector_load %arg6[%get3A_239] {strides = array<i32>} : memref<26624xi32, #tpu.memory_space<vmem>>, vector<16xi32>,
      %ne3A = arith.constant 0 : i32
      %ne3A_241 = vector.broadcast %ne3A : i32 to vector<16xi32>
      %ne3A_242 = arith.cmpi ne, %get3A_240, %ne3A_241 : vector<16xi32>
      %convert_element_type3A_243 = arith.extui %ne3A_242 : vector<16xi1> to vector<16xi32>
      %convert_element_type3A_244 = arith.sitofp %convert_element_type3A_243 : vector<16xi32> to vector<16xf32>
      %jit3A_245 = arith.constant 0.000000e+00 : f32
      %broadcast_in_dim3A_246 = vector.broadcast %jit3A_245 : f32 to vector<16xf32>
      %select_n3A_247 = arith.select %lt3A_6, %convert_element_type3A_244, %broadcast_in_dim3A_246 : vector<16xi1>, vector<16xf32>
      %add3A_248 = arith.addf %scan3A_225#2, %select_n3A_247 : vector<16xf32>
      %reduce_sum3A = arith.constant true
      %reduce_sum3A_249 = vector.broadcast %reduce_sum3A : i1 to vector<16xi1>
      %reduce_sum3A_250 = tpu.scan <sum>, %add3A_234 masked %reduce_sum3A_249 : vector<16xf32>, vector<16xi1> -> vector<16xf32>
      %reduce_sum3A_251 = vector.extract %reduce_sum3A_250[15] : f32 from vector<16xf32>
      %broadcast_in_dim3A_252 = vector.broadcast %reduce_sum3A_251 : f32 to vector<16xf32>
      %reduce_sum3A_253 = arith.constant true
      %reduce_sum3A_254 = vector.broadcast %reduce_sum3A_253 : i1 to vector<16xi1>
      %reduce_sum3A_255 = tpu.scan <sum>, %add3A_230 masked %reduce_sum3A_254 : vector<16xf32>, vector<16xi1> -> vector<16xf32>
      %reduce_sum3A_256 = vector.extract %reduce_sum3A_255[15] : f32 from vector<16xf32>
      %broadcast_in_dim3A_257 = vector.broadcast %reduce_sum3A_256 : f32 to vector<16xf32>
      %reduce_sum3A_258 = arith.constant true
      %reduce_sum3A_259 = vector.broadcast %reduce_sum3A_258 : i1 to vector<16xi1>
      %reduce_sum3A_260 = tpu.scan <sum>, %add3A_248 masked %reduce_sum3A_259 : vector<16xf32>, vector<16xi1> -> vector<16xf32>
      %reduce_sum3A_261 = vector.extract %reduce_sum3A_260[15] : f32 from vector<16xf32>
      %broadcast_in_dim3A_262 = vector.broadcast %reduce_sum3A_261 : f32 to vector<16xf32>
      %select_n3A_263 = arith.select %eq3A_9, %broadcast_in_dim3A_252, %broadcast_in_dim3A_257 : vector<16xi1>, vector<16xf32>
      %add3A_264 = arith.constant 9.99999993E-9 : f32
      %add3A_265 = vector.broadcast %add3A_264 : f32 to vector<16xf32>
      %add3A_266 = arith.addf %broadcast_in_dim3A_262, %add3A_265 : vector<16xf32>
      %div3A = arith.divf %select_n3A_263, %add3A_266 : vector<16xf32>
      %get3A_267 = arith.constant 0 : index
      %get3A_268 = tpu.vector_load %arg24[%get3A_267] {strides = array<i32>} : memref<16xf32, #tpu.memory_space<vmem>>, vector<16xf32>,
      %add3A_269 = arith.addf %div3A, %get3A_268 : vector<16xf32>
      %swap3A = arith.index_cast %add3A_198 : i32 to index
      %swap3A_270 = arith.constant 0 : index
      %swap3A_271 = tpu.vector_load %arg23[%swap3A, %swap3A_270] {strides = array<i32>} : memref<128x16xf32, #tpu.memory_space<vmem>>, vector<16xf32>,
      tpu.vector_store %arg23[%swap3A, %swap3A_270], %add3A_269 {strides = array<i32>} : memref<128x16xf32, #tpu.memory_space<vmem>>, vector<16xf32>,
      %add3A_272 = arith.constant 1 : i32
      %add3A_273 = arith.addi %mul3A_196, %add3A_272 : i32
      %add3A_274 = arith.constant 16 : i32
      %add3A_275 = arith.addi %add3A_273, %add3A_274 : i32
      %sub3A_276 = arith.constant 1 : i32
      %sub3A_277 = arith.subi %add3A_275, %sub3A_276 : i32
      %lt3A_278 = arith.constant 128 : i32
      %lt3A_279 = arith.cmpi slt, %sub3A_277, %lt3A_278 : i32
      %convert_element_type3A_280 = arith.extui %lt3A_279 : i1 to i32
      %cond3A_281 = arith.constant 0 : i32
      %cond3A_282 = arith.cmpi ne, %convert_element_type3A_280, %cond3A_281 : i32
      scf.if %cond3A_282 {
        %add3A_1607 = arith.constant 16 : i32
        %add3A_1608 = arith.addi %add3A_273, %add3A_1607 : i32
        %sub3A_1609 = arith.constant 1 : i32
        %sub3A_1610 = arith.subi %add3A_1608, %sub3A_1609 : i32
        %mul3A_1611 = arith.constant 208 : i32
        %mul3A_1612 = arith.muli %sub3A_1610, %mul3A_1611 : i32
        %mul3A_1613 = arith.constant 208 : i32
        %mul3A_1614 = arith.muli %sub3A_1610, %mul3A_1613 : i32
        %add3A_1615 = arith.constant 104 : i32
        %add3A_1616 = arith.addi %mul3A_1614, %add3A_1615 : i32
        %dma_start3A_1617 = arith.constant 0 : i32
        %dma_start3A_1618 = tpu.memref_slice %arg7[%dma_start3A_1617] : memref<208xf32, #tpu.memory_space<vmem>> -> memref<104xf32, #tpu.memory_space<vmem>>
        %dma_start3A_1619 = tpu.memref_slice %arg6[%mul3A_1612] : memref<26624xi32, #tpu.memory_space<vmem>> -> memref<104xi32, #tpu.memory_space<vmem>>
        %dma_start3A_1620 = arith.constant 0 : i32
        %dma_start3A_1621 = tpu.memref_slice %arg3[%dma_start3A_1620] : memref<1015808xf32, #tpu.memory_space<hbm>> -> memref<1015808xf32, #tpu.memory_space<hbm>>
        tpu.enqueue_indirect_dma source(%dma_start3A_1621 : memref<1015808xf32, #tpu.memory_space<hbm>>) target(%dma_start3A_1618 : memref<104xf32, #tpu.memory_space<vmem>>) offsets(%dma_start3A_1619 : memref<104xi32, #tpu.memory_space<vmem>>) semaphore(%arg25 : memref<!tpu.dma_semaphore, #tpu.memory_space<semaphore_mem>>)
        %dma_start3A_1622 = arith.constant 104 : i32
        %dma_start3A_1623 = tpu.memref_slice %arg7[%dma_start3A_1622] : memref<208xf32, #tpu.memory_space<vmem>> -> memref<104xf32, #tpu.memory_space<vmem>>
        %dma_start3A_1624 = tpu.memref_slice %arg6[%add3A_1616] : memref<26624xi32, #tpu.memory_space<vmem>> -> memref<104xi32, #tpu.memory_space<vmem>>
        %dma_start3A_1625 = arith.constant 0 : i32
        %dma_start3A_1626 = tpu.memref_slice %arg3[%dma_start3A_1625] : memref<1015808xf32, #tpu.memory_space<hbm>> -> memref<1015808xf32, #tpu.memory_space<hbm>>
        tpu.enqueue_indirect_dma source(%dma_start3A_1626 : memref<1015808xf32, #tpu.memory_space<hbm>>) target(%dma_start3A_1623 : memref<104xf32, #tpu.memory_space<vmem>>) offsets(%dma_start3A_1624 : memref<104xi32, #tpu.memory_space<vmem>>) semaphore(%arg25 : memref<!tpu.dma_semaphore, #tpu.memory_space<semaphore_mem>>)
      } else {
      }
      %mul3A_283 = arith.constant 208 : i32
      %mul3A_284 = arith.muli %add3A_273, %mul3A_283 : i32
      %mul3A_285 = arith.constant 208 : i32
      %mul3A_286 = arith.muli %add3A_273, %mul3A_285 : i32
      %add3A_287 = arith.constant 104 : i32
      %add3A_288 = arith.addi %mul3A_286, %add3A_287 : i32
      %dma_wait3A_289 = arith.constant 0 : i32
      %dma_wait3A_290 = tpu.memref_slice %arg8[%dma_wait3A_289] : memref<208xf32, #tpu.memory_space<vmem>> -> memref<104xf32, #tpu.memory_space<vmem>>
      %dma_wait3A_291 = tpu.memref_slice %arg6[%mul3A_284] : memref<26624xi32, #tpu.memory_space<vmem>> -> memref<104xi32, #tpu.memory_space<vmem>>
      %dma_wait3A_292 = arith.constant 0 : i32
      %dma_wait3A_293 = tpu.memref_slice %arg3[%dma_wait3A_292] : memref<1015808xf32, #tpu.memory_space<hbm>> -> memref<1015808xf32, #tpu.memory_space<hbm>>
      tpu.wait_indirect_dma semaphore(%arg26 : memref<!tpu.dma_semaphore, #tpu.memory_space<semaphore_mem>>) src(%dma_wait3A_293 : memref<1015808xf32, #tpu.memory_space<hbm>>) dst(%dma_wait3A_290 : memref<104xf32, #tpu.memory_space<vmem>>)
      %dma_wait3A_294 = arith.constant 104 : i32
      %dma_wait3A_295 = tpu.memref_slice %arg8[%dma_wait3A_294] : memref<208xf32, #tpu.memory_space<vmem>> -> memref<104xf32, #tpu.memory_space<vmem>>
      %dma_wait3A_296 = tpu.memref_slice %arg6[%add3A_288] : memref<26624xi32, #tpu.memory_space<vmem>> -> memref<104xi32, #tpu.memory_space<vmem>>
      %dma_wait3A_297 = arith.constant 0 : i32
      %dma_wait3A_298 = tpu.memref_slice %arg3[%dma_wait3A_297] : memref<1015808xf32, #tpu.memory_space<hbm>> -> memref<1015808xf32, #tpu.memory_space<hbm>>
      tpu.wait_indirect_dma semaphore(%arg26 : memref<!tpu.dma_semaphore, #tpu.memory_space<semaphore_mem>>) src(%dma_wait3A_298 : memref<1015808xf32, #tpu.memory_space<hbm>>) dst(%dma_wait3A_295 : memref<104xf32, #tpu.memory_space<vmem>>)
      %broadcast_in_dim3A_299 = arith.constant 0.000000e+00 : f32
      %broadcast_in_dim3A_300 = vector.broadcast %broadcast_in_dim3A_299 : f32 to vector<16xf32>
      %scan3A_301 = arith.constant 0 : i32
      %scan3A_302 = arith.constant 12 : i32
      %scan3A_303 = arith.addi %scan3A_301, %scan3A_302 : i32
      %scan3A_304 = arith.constant 4 : i32
      %scan3A_305:3 = scf.for %scan3A_1607 = %scan3A_301 to %scan3A_303 step %scan3A_304 iter_args(%scan3A_1608 = %broadcast_in_dim3A_300, %scan3A_1609 = %broadcast_in_dim3A_300, %scan3A_1610 = %broadcast_in_dim3A_300) -> (vector<16xf32>, vector<16xf32>, vector<16xf32>)  : i32 {
        %mul3A_1611 = arith.constant 16 : i32
        %mul3A_1612 = arith.muli %mul3A_1611, %scan3A_1607 : i32
        %get3A_1613 = arith.index_cast %mul3A_1612 : i32 to index
        %get3A_1614 = tpu.vector_load %arg8[%get3A_1613] {strides = array<i32>} : memref<208xf32, #tpu.memory_space<vmem>>, vector<16xf32>,
        %bitcast3A_1615 = vector.bitcast %get3A_1614 : vector<16xf32> to vector<32xbf16>
        %unpack3A_1616 = tpu.unpack_subelements %bitcast3A_1615, 0 {pack_format = #tpu.pack_format<interleaved>} : vector<32xbf16> -> vector<16xf32>
        %unpack3A_1617 = tpu.unpack_subelements %bitcast3A_1615, 1 {pack_format = #tpu.pack_format<interleaved>} : vector<32xbf16> -> vector<16xf32>
        %add3A_1618 = arith.addf %scan3A_1608, %unpack3A_1616 : vector<16xf32>
        %add3A_1619 = arith.addf %scan3A_1609, %unpack3A_1617 : vector<16xf32>
        %mul3A_1620 = arith.constant 208 : i32
        %mul3A_1621 = arith.muli %add3A_273, %mul3A_1620 : i32
        %mul3A_1622 = arith.constant 16 : i32
        %mul3A_1623 = arith.muli %mul3A_1622, %scan3A_1607 : i32
        %add3A_1624 = arith.addi %mul3A_1621, %mul3A_1623 : i32
        %get3A_1625 = arith.index_cast %add3A_1624 : i32 to index
        %get3A_1626 = tpu.vector_load %arg6[%get3A_1625] {strides = array<i32>} : memref<26624xi32, #tpu.memory_space<vmem>>, vector<16xi32>,
        %ne3A_1627 = arith.constant 0 : i32
        %ne3A_1628 = vector.broadcast %ne3A_1627 : i32 to vector<16xi32>
        %ne3A_1629 = arith.cmpi ne, %get3A_1626, %ne3A_1628 : vector<16xi32>
        %convert_element_type3A_1630 = arith.extui %ne3A_1629 : vector<16xi1> to vector<16xi32>
        %convert_element_type3A_1631 = arith.sitofp %convert_element_type3A_1630 : vector<16xi32> to vector<16xf32>
        %add3A_1632 = arith.addf %scan3A_1610, %convert_element_type3A_1631 : vector<16xf32>
        %scan3A_1633 = arith.constant 1 : i32
        %scan3A_1634 = arith.addi %scan3A_1607, %scan3A_1633 : i32
        %mul3A_1635 = arith.constant 16 : i32
        %mul3A_1636 = arith.muli %mul3A_1635, %scan3A_1634 : i32
        %get3A_1637 = arith.index_cast %mul3A_1636 : i32 to index
        %get3A_1638 = tpu.vector_load %arg8[%get3A_1637] {strides = array<i32>} : memref<208xf32, #tpu.memory_space<vmem>>, vector<16xf32>,
        %bitcast3A_1639 = vector.bitcast %get3A_1638 : vector<16xf32> to vector<32xbf16>
        %unpack3A_1640 = tpu.unpack_subelements %bitcast3A_1639, 0 {pack_format = #tpu.pack_format<interleaved>} : vector<32xbf16> -> vector<16xf32>
        %unpack3A_1641 = tpu.unpack_subelements %bitcast3A_1639, 1 {pack_format = #tpu.pack_format<interleaved>} : vector<32xbf16> -> vector<16xf32>
        %add3A_1642 = arith.addf %add3A_1618, %unpack3A_1640 : vector<16xf32>
        %add3A_1643 = arith.addf %add3A_1619, %unpack3A_1641 : vector<16xf32>
        %mul3A_1644 = arith.constant 208 : i32
        %mul3A_1645 = arith.muli %add3A_273, %mul3A_1644 : i32
        %mul3A_1646 = arith.constant 16 : i32
        %mul3A_1647 = arith.muli %mul3A_1646, %scan3A_1634 : i32
        %add3A_1648 = arith.addi %mul3A_1645, %mul3A_1647 : i32
        %get3A_1649 = arith.index_cast %add3A_1648 : i32 to index
        %get3A_1650 = tpu.vector_load %arg6[%get3A_1649] {strides = array<i32>} : memref<26624xi32, #tpu.memory_space<vmem>>, vector<16xi32>,
        %ne3A_1651 = arith.constant 0 : i32
        %ne3A_1652 = vector.broadcast %ne3A_1651 : i32 to vector<16xi32>
        %ne3A_1653 = arith.cmpi ne, %get3A_1650, %ne3A_1652 : vector<16xi32>
        %convert_element_type3A_1654 = arith.extui %ne3A_1653 : vector<16xi1> to vector<16xi32>
        %convert_element_type3A_1655 = arith.sitofp %convert_element_type3A_1654 : vector<16xi32> to vector<16xf32>
        %add3A_1656 = arith.addf %add3A_1632, %convert_element_type3A_1655 : vector<16xf32>
        %scan3A_1657 = arith.constant 2 : i32
        %scan3A_1658 = arith.addi %scan3A_1607, %scan3A_1657 : i32
        %mul3A_1659 = arith.constant 16 : i32
        %mul3A_1660 = arith.muli %mul3A_1659, %scan3A_1658 : i32
        %get3A_1661 = arith.index_cast %mul3A_1660 : i32 to index
        %get3A_1662 = tpu.vector_load %arg8[%get3A_1661] {strides = array<i32>} : memref<208xf32, #tpu.memory_space<vmem>>, vector<16xf32>,
        %bitcast3A_1663 = vector.bitcast %get3A_1662 : vector<16xf32> to vector<32xbf16>
        %unpack3A_1664 = tpu.unpack_subelements %bitcast3A_1663, 0 {pack_format = #tpu.pack_format<interleaved>} : vector<32xbf16> -> vector<16xf32>
        %unpack3A_1665 = tpu.unpack_subelements %bitcast3A_1663, 1 {pack_format = #tpu.pack_format<interleaved>} : vector<32xbf16> -> vector<16xf32>
        %add3A_1666 = arith.addf %add3A_1642, %unpack3A_1664 : vector<16xf32>
        %add3A_1667 = arith.addf %add3A_1643, %unpack3A_1665 : vector<16xf32>
        %mul3A_1668 = arith.constant 208 : i32
        %mul3A_1669 = arith.muli %add3A_273, %mul3A_1668 : i32
        %mul3A_1670 = arith.constant 16 : i32
        %mul3A_1671 = arith.muli %mul3A_1670, %scan3A_1658 : i32
        %add3A_1672 = arith.addi %mul3A_1669, %mul3A_1671 : i32
        %get3A_1673 = arith.index_cast %add3A_1672 : i32 to index
        %get3A_1674 = tpu.vector_load %arg6[%get3A_1673] {strides = array<i32>} : memref<26624xi32, #tpu.memory_space<vmem>>, vector<16xi32>,
        %ne3A_1675 = arith.constant 0 : i32
        %ne3A_1676 = vector.broadcast %ne3A_1675 : i32 to vector<16xi32>
        %ne3A_1677 = arith.cmpi ne, %get3A_1674, %ne3A_1676 : vector<16xi32>
        %convert_element_type3A_1678 = arith.extui %ne3A_1677 : vector<16xi1> to vector<16xi32>
        %convert_element_type3A_1679 = arith.sitofp %convert_element_type3A_1678 : vector<16xi32> to vector<16xf32>
        %add3A_1680 = arith.addf %add3A_1656, %convert_element_type3A_1679 : vector<16xf32>
        %scan3A_1681 = arith.constant 3 : i32
        %scan3A_1682 = arith.addi %scan3A_1607, %scan3A_1681 : i32
        %mul3A_1683 = arith.constant 16 : i32
        %mul3A_1684 = arith.muli %mul3A_1683, %scan3A_1682 : i32
        %get3A_1685 = arith.index_cast %mul3A_1684 : i32 to index
        %get3A_1686 = tpu.vector_load %arg8[%get3A_1685] {strides = array<i32>} : memref<208xf32, #tpu.memory_space<vmem>>, vector<16xf32>,
        %bitcast3A_1687 = vector.bitcast %get3A_1686 : vector<16xf32> to vector<32xbf16>
        %unpack3A_1688 = tpu.unpack_subelements %bitcast3A_1687, 0 {pack_format = #tpu.pack_format<interleaved>} : vector<32xbf16> -> vector<16xf32>
        %unpack3A_1689 = tpu.unpack_subelements %bitcast3A_1687, 1 {pack_format = #tpu.pack_format<interleaved>} : vector<32xbf16> -> vector<16xf32>
        %add3A_1690 = arith.addf %add3A_1666, %unpack3A_1688 : vector<16xf32>
        %add3A_1691 = arith.addf %add3A_1667, %unpack3A_1689 : vector<16xf32>
        %mul3A_1692 = arith.constant 208 : i32
        %mul3A_1693 = arith.muli %add3A_273, %mul3A_1692 : i32
        %mul3A_1694 = arith.constant 16 : i32
        %mul3A_1695 = arith.muli %mul3A_1694, %scan3A_1682 : i32
        %add3A_1696 = arith.addi %mul3A_1693, %mul3A_1695 : i32
        %get3A_1697 = arith.index_cast %add3A_1696 : i32 to index
        %get3A_1698 = tpu.vector_load %arg6[%get3A_1697] {strides = array<i32>} : memref<26624xi32, #tpu.memory_space<vmem>>, vector<16xi32>,
        %ne3A_1699 = arith.constant 0 : i32
        %ne3A_1700 = vector.broadcast %ne3A_1699 : i32 to vector<16xi32>
        %ne3A_1701 = arith.cmpi ne, %get3A_1698, %ne3A_1700 : vector<16xi32>
        %convert_element_type3A_1702 = arith.extui %ne3A_1701 : vector<16xi1> to vector<16xi32>
        %convert_element_type3A_1703 = arith.sitofp %convert_element_type3A_1702 : vector<16xi32> to vector<16xf32>
        %add3A_1704 = arith.addf %add3A_1680, %convert_element_type3A_1703 : vector<16xf32>
        scf.yield %add3A_1690, %add3A_1691, %add3A_1704 : vector<16xf32>, vector<16xf32>, vector<16xf32>
      }
      %scan3A_306 = arith.constant 12 : i32
      %get3A_307 = arith.constant 192 : index
      %get3A_308 = tpu.vector_load %arg8[%get3A_307] {strides = array<i32>} : memref<208xf32, #tpu.memory_space<vmem>>, vector<16xf32>,
      %bitcast3A_309 = vector.bitcast %get3A_308 : vector<16xf32> to vector<32xbf16>
      %unpack3A_310 = tpu.unpack_subelements %bitcast3A_309, 0 {pack_format = #tpu.pack_format<interleaved>} : vector<32xbf16> -> vector<16xf32>
      %unpack3A_311 = tpu.unpack_subelements %bitcast3A_309, 1 {pack_format = #tpu.pack_format<interleaved>} : vector<32xbf16> -> vector<16xf32>
      %jit3A_312 = arith.constant 0.000000e+00 : f32
      %broadcast_in_dim3A_313 = vector.broadcast %jit3A_312 : f32 to vector<16xf32>
      %select_n3A_314 = arith.select %lt3A_6, %unpack3A_310, %broadcast_in_dim3A_313 : vector<16xi1>, vector<16xf32>
      %add3A_315 = arith.addf %scan3A_305#0, %select_n3A_314 : vector<16xf32>
      %jit3A_316 = arith.constant 0.000000e+00 : f32
      %broadcast_in_dim3A_317 = vector.broadcast %jit3A_316 : f32 to vector<16xf32>
      %select_n3A_318 = arith.select %lt3A_6, %unpack3A_311, %broadcast_in_dim3A_317 : vector<16xi1>, vector<16xf32>
      %add3A_319 = arith.addf %scan3A_305#1, %select_n3A_318 : vector<16xf32>
      %mul3A_320 = arith.constant 208 : i32
      %mul3A_321 = arith.muli %add3A_273, %mul3A_320 : i32
      %add3A_322 = arith.constant 192 : i32
      %add3A_323 = arith.addi %mul3A_321, %add3A_322 : i32
      %get3A_324 = arith.index_cast %add3A_323 : i32 to index
      %get3A_325 = tpu.vector_load %arg6[%get3A_324] {strides = array<i32>} : memref<26624xi32, #tpu.memory_space<vmem>>, vector<16xi32>,
      %ne3A_326 = arith.constant 0 : i32
      %ne3A_327 = vector.broadcast %ne3A_326 : i32 to vector<16xi32>
      %ne3A_328 = arith.cmpi ne, %get3A_325, %ne3A_327 : vector<16xi32>
      %convert_element_type3A_329 = arith.extui %ne3A_328 : vector<16xi1> to vector<16xi32>
      %convert_element_type3A_330 = arith.sitofp %convert_element_type3A_329 : vector<16xi32> to vector<16xf32>
      %jit3A_331 = arith.constant 0.000000e+00 : f32
      %broadcast_in_dim3A_332 = vector.broadcast %jit3A_331 : f32 to vector<16xf32>
      %select_n3A_333 = arith.select %lt3A_6, %convert_element_type3A_330, %broadcast_in_dim3A_332 : vector<16xi1>, vector<16xf32>
      %add3A_334 = arith.addf %scan3A_305#2, %select_n3A_333 : vector<16xf32>
      %reduce_sum3A_335 = arith.constant true
      %reduce_sum3A_336 = vector.broadcast %reduce_sum3A_335 : i1 to vector<16xi1>
      %reduce_sum3A_337 = tpu.scan <sum>, %add3A_319 masked %reduce_sum3A_336 : vector<16xf32>, vector<16xi1> -> vector<16xf32>
      %reduce_sum3A_338 = vector.extract %reduce_sum3A_337[15] : f32 from vector<16xf32>
      %broadcast_in_dim3A_339 = vector.broadcast %reduce_sum3A_338 : f32 to vector<16xf32>
      %reduce_sum3A_340 = arith.constant true
      %reduce_sum3A_341 = vector.broadcast %reduce_sum3A_340 : i1 to vector<16xi1>
      %reduce_sum3A_342 = tpu.scan <sum>, %add3A_315 masked %reduce_sum3A_341 : vector<16xf32>, vector<16xi1> -> vector<16xf32>
      %reduce_sum3A_343 = vector.extract %reduce_sum3A_342[15] : f32 from vector<16xf32>
      %broadcast_in_dim3A_344 = vector.broadcast %reduce_sum3A_343 : f32 to vector<16xf32>
      %reduce_sum3A_345 = arith.constant true
      %reduce_sum3A_346 = vector.broadcast %reduce_sum3A_345 : i1 to vector<16xi1>
      %reduce_sum3A_347 = tpu.scan <sum>, %add3A_334 masked %reduce_sum3A_346 : vector<16xf32>, vector<16xi1> -> vector<16xf32>
      %reduce_sum3A_348 = vector.extract %reduce_sum3A_347[15] : f32 from vector<16xf32>
      %broadcast_in_dim3A_349 = vector.broadcast %reduce_sum3A_348 : f32 to vector<16xf32>
      %select_n3A_350 = arith.select %eq3A_9, %broadcast_in_dim3A_339, %broadcast_in_dim3A_344 : vector<16xi1>, vector<16xf32>
      %add3A_351 = arith.constant 9.99999993E-9 : f32
      %add3A_352 = vector.broadcast %add3A_351 : f32 to vector<16xf32>
      %add3A_353 = arith.addf %broadcast_in_dim3A_349, %add3A_352 : vector<16xf32>
      %div3A_354 = arith.divf %select_n3A_350, %add3A_353 : vector<16xf32>
      %get3A_355 = arith.constant 0 : index
      %get3A_356 = tpu.vector_load %arg24[%get3A_355] {strides = array<i32>} : memref<16xf32, #tpu.memory_space<vmem>>, vector<16xf32>,
      %add3A_357 = arith.addf %div3A_354, %get3A_356 : vector<16xf32>
      %swap3A_358 = arith.index_cast %add3A_273 : i32 to index
      %swap3A_359 = arith.constant 0 : index
      %swap3A_360 = tpu.vector_load %arg23[%swap3A_358, %swap3A_359] {strides = array<i32>} : memref<128x16xf32, #tpu.memory_space<vmem>>, vector<16xf32>,
      tpu.vector_store %arg23[%swap3A_358, %swap3A_359], %add3A_357 {strides = array<i32>} : memref<128x16xf32, #tpu.memory_space<vmem>>, vector<16xf32>,
      %add3A_361 = arith.constant 2 : i32
      %add3A_362 = arith.addi %mul3A_196, %add3A_361 : i32
      %add3A_363 = arith.constant 16 : i32
      %add3A_364 = arith.addi %add3A_362, %add3A_363 : i32
      %sub3A_365 = arith.constant 1 : i32
      %sub3A_366 = arith.subi %add3A_364, %sub3A_365 : i32
      %lt3A_367 = arith.constant 128 : i32
      %lt3A_368 = arith.cmpi slt, %sub3A_366, %lt3A_367 : i32
      %convert_element_type3A_369 = arith.extui %lt3A_368 : i1 to i32
      %cond3A_370 = arith.constant 0 : i32
      %cond3A_371 = arith.cmpi ne, %convert_element_type3A_369, %cond3A_370 : i32
      scf.if %cond3A_371 {
        %add3A_1607 = arith.constant 16 : i32
        %add3A_1608 = arith.addi %add3A_362, %add3A_1607 : i32
        %sub3A_1609 = arith.constant 1 : i32
        %sub3A_1610 = arith.subi %add3A_1608, %sub3A_1609 : i32
        %mul3A_1611 = arith.constant 208 : i32
        %mul3A_1612 = arith.muli %sub3A_1610, %mul3A_1611 : i32
        %mul3A_1613 = arith.constant 208 : i32
        %mul3A_1614 = arith.muli %sub3A_1610, %mul3A_1613 : i32
        %add3A_1615 = arith.constant 104 : i32
        %add3A_1616 = arith.addi %mul3A_1614, %add3A_1615 : i32
        %dma_start3A_1617 = arith.constant 0 : i32
        %dma_start3A_1618 = tpu.memref_slice %arg8[%dma_start3A_1617] : memref<208xf32, #tpu.memory_space<vmem>> -> memref<104xf32, #tpu.memory_space<vmem>>
        %dma_start3A_1619 = tpu.memref_slice %arg6[%mul3A_1612] : memref<26624xi32, #tpu.memory_space<vmem>> -> memref<104xi32, #tpu.memory_space<vmem>>
        %dma_start3A_1620 = arith.constant 0 : i32
        %dma_start3A_1621 = tpu.memref_slice %arg3[%dma_start3A_1620] : memref<1015808xf32, #tpu.memory_space<hbm>> -> memref<1015808xf32, #tpu.memory_space<hbm>>
        tpu.enqueue_indirect_dma source(%dma_start3A_1621 : memref<1015808xf32, #tpu.memory_space<hbm>>) target(%dma_start3A_1618 : memref<104xf32, #tpu.memory_space<vmem>>) offsets(%dma_start3A_1619 : memref<104xi32, #tpu.memory_space<vmem>>) semaphore(%arg26 : memref<!tpu.dma_semaphore, #tpu.memory_space<semaphore_mem>>)
        %dma_start3A_1622 = arith.constant 104 : i32
        %dma_start3A_1623 = tpu.memref_slice %arg8[%dma_start3A_1622] : memref<208xf32, #tpu.memory_space<vmem>> -> memref<104xf32, #tpu.memory_space<vmem>>
        %dma_start3A_1624 = tpu.memref_slice %arg6[%add3A_1616] : memref<26624xi32, #tpu.memory_space<vmem>> -> memref<104xi32, #tpu.memory_space<vmem>>
        %dma_start3A_1625 = arith.constant 0 : i32
        %dma_start3A_1626 = tpu.memref_slice %arg3[%dma_start3A_1625] : memref<1015808xf32, #tpu.memory_space<hbm>> -> memref<1015808xf32, #tpu.memory_space<hbm>>
        tpu.enqueue_indirect_dma source(%dma_start3A_1626 : memref<1015808xf32, #tpu.memory_space<hbm>>) target(%dma_start3A_1623 : memref<104xf32, #tpu.memory_space<vmem>>) offsets(%dma_start3A_1624 : memref<104xi32, #tpu.memory_space<vmem>>) semaphore(%arg26 : memref<!tpu.dma_semaphore, #tpu.memory_space<semaphore_mem>>)
      } else {
      }
      %mul3A_372 = arith.constant 208 : i32
      %mul3A_373 = arith.muli %add3A_362, %mul3A_372 : i32
      %mul3A_374 = arith.constant 208 : i32
      %mul3A_375 = arith.muli %add3A_362, %mul3A_374 : i32
      %add3A_376 = arith.constant 104 : i32
      %add3A_377 = arith.addi %mul3A_375, %add3A_376 : i32
      %dma_wait3A_378 = arith.constant 0 : i32
      %dma_wait3A_379 = tpu.memref_slice %arg9[%dma_wait3A_378] : memref<208xf32, #tpu.memory_space<vmem>> -> memref<104xf32, #tpu.memory_space<vmem>>
      %dma_wait3A_380 = tpu.memref_slice %arg6[%mul3A_373] : memref<26624xi32, #tpu.memory_space<vmem>> -> memref<104xi32, #tpu.memory_space<vmem>>
      %dma_wait3A_381 = arith.constant 0 : i32
      %dma_wait3A_382 = tpu.memref_slice %arg3[%dma_wait3A_381] : memref<1015808xf32, #tpu.memory_space<hbm>> -> memref<1015808xf32, #tpu.memory_space<hbm>>
      tpu.wait_indirect_dma semaphore(%arg27 : memref<!tpu.dma_semaphore, #tpu.memory_space<semaphore_mem>>) src(%dma_wait3A_382 : memref<1015808xf32, #tpu.memory_space<hbm>>) dst(%dma_wait3A_379 : memref<104xf32, #tpu.memory_space<vmem>>)
      %dma_wait3A_383 = arith.constant 104 : i32
      %dma_wait3A_384 = tpu.memref_slice %arg9[%dma_wait3A_383] : memref<208xf32, #tpu.memory_space<vmem>> -> memref<104xf32, #tpu.memory_space<vmem>>
      %dma_wait3A_385 = tpu.memref_slice %arg6[%add3A_377] : memref<26624xi32, #tpu.memory_space<vmem>> -> memref<104xi32, #tpu.memory_space<vmem>>
      %dma_wait3A_386 = arith.constant 0 : i32
      %dma_wait3A_387 = tpu.memref_slice %arg3[%dma_wait3A_386] : memref<1015808xf32, #tpu.memory_space<hbm>> -> memref<1015808xf32, #tpu.memory_space<hbm>>
      tpu.wait_indirect_dma semaphore(%arg27 : memref<!tpu.dma_semaphore, #tpu.memory_space<semaphore_mem>>) src(%dma_wait3A_387 : memref<1015808xf32, #tpu.memory_space<hbm>>) dst(%dma_wait3A_384 : memref<104xf32, #tpu.memory_space<vmem>>)
      %broadcast_in_dim3A_388 = arith.constant 0.000000e+00 : f32
      %broadcast_in_dim3A_389 = vector.broadcast %broadcast_in_dim3A_388 : f32 to vector<16xf32>
      %scan3A_390 = arith.constant 0 : i32
      %scan3A_391 = arith.constant 12 : i32
      %scan3A_392 = arith.addi %scan3A_390, %scan3A_391 : i32
      %scan3A_393 = arith.constant 4 : i32
      %scan3A_394:3 = scf.for %scan3A_1607 = %scan3A_390 to %scan3A_392 step %scan3A_393 iter_args(%scan3A_1608 = %broadcast_in_dim3A_389, %scan3A_1609 = %broadcast_in_dim3A_389, %scan3A_1610 = %broadcast_in_dim3A_389) -> (vector<16xf32>, vector<16xf32>, vector<16xf32>)  : i32 {
        %mul3A_1611 = arith.constant 16 : i32
        %mul3A_1612 = arith.muli %mul3A_1611, %scan3A_1607 : i32
        %get3A_1613 = arith.index_cast %mul3A_1612 : i32 to index
        %get3A_1614 = tpu.vector_load %arg9[%get3A_1613] {strides = array<i32>} : memref<208xf32, #tpu.memory_space<vmem>>, vector<16xf32>,
        %bitcast3A_1615 = vector.bitcast %get3A_1614 : vector<16xf32> to vector<32xbf16>
        %unpack3A_1616 = tpu.unpack_subelements %bitcast3A_1615, 0 {pack_format = #tpu.pack_format<interleaved>} : vector<32xbf16> -> vector<16xf32>
        %unpack3A_1617 = tpu.unpack_subelements %bitcast3A_1615, 1 {pack_format = #tpu.pack_format<interleaved>} : vector<32xbf16> -> vector<16xf32>
        %add3A_1618 = arith.addf %scan3A_1608, %unpack3A_1616 : vector<16xf32>
        %add3A_1619 = arith.addf %scan3A_1609, %unpack3A_1617 : vector<16xf32>
        %mul3A_1620 = arith.constant 208 : i32
        %mul3A_1621 = arith.muli %add3A_362, %mul3A_1620 : i32
        %mul3A_1622 = arith.constant 16 : i32
        %mul3A_1623 = arith.muli %mul3A_1622, %scan3A_1607 : i32
        %add3A_1624 = arith.addi %mul3A_1621, %mul3A_1623 : i32
        %get3A_1625 = arith.index_cast %add3A_1624 : i32 to index
        %get3A_1626 = tpu.vector_load %arg6[%get3A_1625] {strides = array<i32>} : memref<26624xi32, #tpu.memory_space<vmem>>, vector<16xi32>,
        %ne3A_1627 = arith.constant 0 : i32
        %ne3A_1628 = vector.broadcast %ne3A_1627 : i32 to vector<16xi32>
        %ne3A_1629 = arith.cmpi ne, %get3A_1626, %ne3A_1628 : vector<16xi32>
        %convert_element_type3A_1630 = arith.extui %ne3A_1629 : vector<16xi1> to vector<16xi32>
        %convert_element_type3A_1631 = arith.sitofp %convert_element_type3A_1630 : vector<16xi32> to vector<16xf32>
        %add3A_1632 = arith.addf %scan3A_1610, %convert_element_type3A_1631 : vector<16xf32>
        %scan3A_1633 = arith.constant 1 : i32
        %scan3A_1634 = arith.addi %scan3A_1607, %scan3A_1633 : i32
        %mul3A_1635 = arith.constant 16 : i32
        %mul3A_1636 = arith.muli %mul3A_1635, %scan3A_1634 : i32
        %get3A_1637 = arith.index_cast %mul3A_1636 : i32 to index
        %get3A_1638 = tpu.vector_load %arg9[%get3A_1637] {strides = array<i32>} : memref<208xf32, #tpu.memory_space<vmem>>, vector<16xf32>,
        %bitcast3A_1639 = vector.bitcast %get3A_1638 : vector<16xf32> to vector<32xbf16>
        %unpack3A_1640 = tpu.unpack_subelements %bitcast3A_1639, 0 {pack_format = #tpu.pack_format<interleaved>} : vector<32xbf16> -> vector<16xf32>
        %unpack3A_1641 = tpu.unpack_subelements %bitcast3A_1639, 1 {pack_format = #tpu.pack_format<interleaved>} : vector<32xbf16> -> vector<16xf32>
        %add3A_1642 = arith.addf %add3A_1618, %unpack3A_1640 : vector<16xf32>
        %add3A_1643 = arith.addf %add3A_1619, %unpack3A_1641 : vector<16xf32>
        %mul3A_1644 = arith.constant 208 : i32
        %mul3A_1645 = arith.muli %add3A_362, %mul3A_1644 : i32
        %mul3A_1646 = arith.constant 16 : i32
        %mul3A_1647 = arith.muli %mul3A_1646, %scan3A_1634 : i32
        %add3A_1648 = arith.addi %mul3A_1645, %mul3A_1647 : i32
        %get3A_1649 = arith.index_cast %add3A_1648 : i32 to index
        %get3A_1650 = tpu.vector_load %arg6[%get3A_1649] {strides = array<i32>} : memref<26624xi32, #tpu.memory_space<vmem>>, vector<16xi32>,
        %ne3A_1651 = arith.constant 0 : i32
        %ne3A_1652 = vector.broadcast %ne3A_1651 : i32 to vector<16xi32>
        %ne3A_1653 = arith.cmpi ne, %get3A_1650, %ne3A_1652 : vector<16xi32>
        %convert_element_type3A_1654 = arith.extui %ne3A_1653 : vector<16xi1> to vector<16xi32>
        %convert_element_type3A_1655 = arith.sitofp %convert_element_type3A_1654 : vector<16xi32> to vector<16xf32>
        %add3A_1656 = arith.addf %add3A_1632, %convert_element_type3A_1655 : vector<16xf32>
        %scan3A_1657 = arith.constant 2 : i32
        %scan3A_1658 = arith.addi %scan3A_1607, %scan3A_1657 : i32
        %mul3A_1659 = arith.constant 16 : i32
        %mul3A_1660 = arith.muli %mul3A_1659, %scan3A_1658 : i32
        %get3A_1661 = arith.index_cast %mul3A_1660 : i32 to index
        %get3A_1662 = tpu.vector_load %arg9[%get3A_1661] {strides = array<i32>} : memref<208xf32, #tpu.memory_space<vmem>>, vector<16xf32>,
        %bitcast3A_1663 = vector.bitcast %get3A_1662 : vector<16xf32> to vector<32xbf16>
        %unpack3A_1664 = tpu.unpack_subelements %bitcast3A_1663, 0 {pack_format = #tpu.pack_format<interleaved>} : vector<32xbf16> -> vector<16xf32>
        %unpack3A_1665 = tpu.unpack_subelements %bitcast3A_1663, 1 {pack_format = #tpu.pack_format<interleaved>} : vector<32xbf16> -> vector<16xf32>
        %add3A_1666 = arith.addf %add3A_1642, %unpack3A_1664 : vector<16xf32>
        %add3A_1667 = arith.addf %add3A_1643, %unpack3A_1665 : vector<16xf32>
        %mul3A_1668 = arith.constant 208 : i32
        %mul3A_1669 = arith.muli %add3A_362, %mul3A_1668 : i32
        %mul3A_1670 = arith.constant 16 : i32
        %mul3A_1671 = arith.muli %mul3A_1670, %scan3A_1658 : i32
        %add3A_1672 = arith.addi %mul3A_1669, %mul3A_1671 : i32
        %get3A_1673 = arith.index_cast %add3A_1672 : i32 to index
        %get3A_1674 = tpu.vector_load %arg6[%get3A_1673] {strides = array<i32>} : memref<26624xi32, #tpu.memory_space<vmem>>, vector<16xi32>,
        %ne3A_1675 = arith.constant 0 : i32
        %ne3A_1676 = vector.broadcast %ne3A_1675 : i32 to vector<16xi32>
        %ne3A_1677 = arith.cmpi ne, %get3A_1674, %ne3A_1676 : vector<16xi32>
        %convert_element_type3A_1678 = arith.extui %ne3A_1677 : vector<16xi1> to vector<16xi32>
        %convert_element_type3A_1679 = arith.sitofp %convert_element_type3A_1678 : vector<16xi32> to vector<16xf32>
        %add3A_1680 = arith.addf %add3A_1656, %convert_element_type3A_1679 : vector<16xf32>
        %scan3A_1681 = arith.constant 3 : i32
        %scan3A_1682 = arith.addi %scan3A_1607, %scan3A_1681 : i32
        %mul3A_1683 = arith.constant 16 : i32
        %mul3A_1684 = arith.muli %mul3A_1683, %scan3A_1682 : i32
        %get3A_1685 = arith.index_cast %mul3A_1684 : i32 to index
        %get3A_1686 = tpu.vector_load %arg9[%get3A_1685] {strides = array<i32>} : memref<208xf32, #tpu.memory_space<vmem>>, vector<16xf32>,
        %bitcast3A_1687 = vector.bitcast %get3A_1686 : vector<16xf32> to vector<32xbf16>
        %unpack3A_1688 = tpu.unpack_subelements %bitcast3A_1687, 0 {pack_format = #tpu.pack_format<interleaved>} : vector<32xbf16> -> vector<16xf32>
        %unpack3A_1689 = tpu.unpack_subelements %bitcast3A_1687, 1 {pack_format = #tpu.pack_format<interleaved>} : vector<32xbf16> -> vector<16xf32>
        %add3A_1690 = arith.addf %add3A_1666, %unpack3A_1688 : vector<16xf32>
        %add3A_1691 = arith.addf %add3A_1667, %unpack3A_1689 : vector<16xf32>
        %mul3A_1692 = arith.constant 208 : i32
        %mul3A_1693 = arith.muli %add3A_362, %mul3A_1692 : i32
        %mul3A_1694 = arith.constant 16 : i32
        %mul3A_1695 = arith.muli %mul3A_1694, %scan3A_1682 : i32
        %add3A_1696 = arith.addi %mul3A_1693, %mul3A_1695 : i32
        %get3A_1697 = arith.index_cast %add3A_1696 : i32 to index
        %get3A_1698 = tpu.vector_load %arg6[%get3A_1697] {strides = array<i32>} : memref<26624xi32, #tpu.memory_space<vmem>>, vector<16xi32>,
        %ne3A_1699 = arith.constant 0 : i32
        %ne3A_1700 = vector.broadcast %ne3A_1699 : i32 to vector<16xi32>
        %ne3A_1701 = arith.cmpi ne, %get3A_1698, %ne3A_1700 : vector<16xi32>
        %convert_element_type3A_1702 = arith.extui %ne3A_1701 : vector<16xi1> to vector<16xi32>
        %convert_element_type3A_1703 = arith.sitofp %convert_element_type3A_1702 : vector<16xi32> to vector<16xf32>
        %add3A_1704 = arith.addf %add3A_1680, %convert_element_type3A_1703 : vector<16xf32>
        scf.yield %add3A_1690, %add3A_1691, %add3A_1704 : vector<16xf32>, vector<16xf32>, vector<16xf32>
      }
      %scan3A_395 = arith.constant 12 : i32
      %get3A_396 = arith.constant 192 : index
      %get3A_397 = tpu.vector_load %arg9[%get3A_396] {strides = array<i32>} : memref<208xf32, #tpu.memory_space<vmem>>, vector<16xf32>,
      %bitcast3A_398 = vector.bitcast %get3A_397 : vector<16xf32> to vector<32xbf16>
      %unpack3A_399 = tpu.unpack_subelements %bitcast3A_398, 0 {pack_format = #tpu.pack_format<interleaved>} : vector<32xbf16> -> vector<16xf32>
      %unpack3A_400 = tpu.unpack_subelements %bitcast3A_398, 1 {pack_format = #tpu.pack_format<interleaved>} : vector<32xbf16> -> vector<16xf32>
      %jit3A_401 = arith.constant 0.000000e+00 : f32
      %broadcast_in_dim3A_402 = vector.broadcast %jit3A_401 : f32 to vector<16xf32>
      %select_n3A_403 = arith.select %lt3A_6, %unpack3A_399, %broadcast_in_dim3A_402 : vector<16xi1>, vector<16xf32>
      %add3A_404 = arith.addf %scan3A_394#0, %select_n3A_403 : vector<16xf32>
      %jit3A_405 = arith.constant 0.000000e+00 : f32
      %broadcast_in_dim3A_406 = vector.broadcast %jit3A_405 : f32 to vector<16xf32>
      %select_n3A_407 = arith.select %lt3A_6, %unpack3A_400, %broadcast_in_dim3A_406 : vector<16xi1>, vector<16xf32>
      %add3A_408 = arith.addf %scan3A_394#1, %select_n3A_407 : vector<16xf32>
      %mul3A_409 = arith.constant 208 : i32
      %mul3A_410 = arith.muli %add3A_362, %mul3A_409 : i32
      %add3A_411 = arith.constant 192 : i32
      %add3A_412 = arith.addi %mul3A_410, %add3A_411 : i32
      %get3A_413 = arith.index_cast %add3A_412 : i32 to index
      %get3A_414 = tpu.vector_load %arg6[%get3A_413] {strides = array<i32>} : memref<26624xi32, #tpu.memory_space<vmem>>, vector<16xi32>,
      %ne3A_415 = arith.constant 0 : i32
      %ne3A_416 = vector.broadcast %ne3A_415 : i32 to vector<16xi32>
      %ne3A_417 = arith.cmpi ne, %get3A_414, %ne3A_416 : vector<16xi32>
      %convert_element_type3A_418 = arith.extui %ne3A_417 : vector<16xi1> to vector<16xi32>
      %convert_element_type3A_419 = arith.sitofp %convert_element_type3A_418 : vector<16xi32> to vector<16xf32>
      %jit3A_420 = arith.constant 0.000000e+00 : f32
      %broadcast_in_dim3A_421 = vector.broadcast %jit3A_420 : f32 to vector<16xf32>
      %select_n3A_422 = arith.select %lt3A_6, %convert_element_type3A_419, %broadcast_in_dim3A_421 : vector<16xi1>, vector<16xf32>
      %add3A_423 = arith.addf %scan3A_394#2, %select_n3A_422 : vector<16xf32>
      %reduce_sum3A_424 = arith.constant true
      %reduce_sum3A_425 = vector.broadcast %reduce_sum3A_424 : i1 to vector<16xi1>
      %reduce_sum3A_426 = tpu.scan <sum>, %add3A_408 masked %reduce_sum3A_425 : vector<16xf32>, vector<16xi1> -> vector<16xf32>
      %reduce_sum3A_427 = vector.extract %reduce_sum3A_426[15] : f32 from vector<16xf32>
      %broadcast_in_dim3A_428 = vector.broadcast %reduce_sum3A_427 : f32 to vector<16xf32>
      %reduce_sum3A_429 = arith.constant true
      %reduce_sum3A_430 = vector.broadcast %reduce_sum3A_429 : i1 to vector<16xi1>
      %reduce_sum3A_431 = tpu.scan <sum>, %add3A_404 masked %reduce_sum3A_430 : vector<16xf32>, vector<16xi1> -> vector<16xf32>
      %reduce_sum3A_432 = vector.extract %reduce_sum3A_431[15] : f32 from vector<16xf32>
      %broadcast_in_dim3A_433 = vector.broadcast %reduce_sum3A_432 : f32 to vector<16xf32>
      %reduce_sum3A_434 = arith.constant true
      %reduce_sum3A_435 = vector.broadcast %reduce_sum3A_434 : i1 to vector<16xi1>
      %reduce_sum3A_436 = tpu.scan <sum>, %add3A_423 masked %reduce_sum3A_435 : vector<16xf32>, vector<16xi1> -> vector<16xf32>
      %reduce_sum3A_437 = vector.extract %reduce_sum3A_436[15] : f32 from vector<16xf32>
      %broadcast_in_dim3A_438 = vector.broadcast %reduce_sum3A_437 : f32 to vector<16xf32>
      %select_n3A_439 = arith.select %eq3A_9, %broadcast_in_dim3A_428, %broadcast_in_dim3A_433 : vector<16xi1>, vector<16xf32>
      %add3A_440 = arith.constant 9.99999993E-9 : f32
      %add3A_441 = vector.broadcast %add3A_440 : f32 to vector<16xf32>
      %add3A_442 = arith.addf %broadcast_in_dim3A_438, %add3A_441 : vector<16xf32>
      %div3A_443 = arith.divf %select_n3A_439, %add3A_442 : vector<16xf32>
      %get3A_444 = arith.constant 0 : index
      %get3A_445 = tpu.vector_load %arg24[%get3A_444] {strides = array<i32>} : memref<16xf32, #tpu.memory_space<vmem>>, vector<16xf32>,
      %add3A_446 = arith.addf %div3A_443, %get3A_445 : vector<16xf32>
      %swap3A_447 = arith.index_cast %add3A_362 : i32 to index
      %swap3A_448 = arith.constant 0 : index
      %swap3A_449 = tpu.vector_load %arg23[%swap3A_447, %swap3A_448] {strides = array<i32>} : memref<128x16xf32, #tpu.memory_space<vmem>>, vector<16xf32>,
      tpu.vector_store %arg23[%swap3A_447, %swap3A_448], %add3A_446 {strides = array<i32>} : memref<128x16xf32, #tpu.memory_space<vmem>>, vector<16xf32>,
      %add3A_450 = arith.constant 3 : i32
      %add3A_451 = arith.addi %mul3A_196, %add3A_450 : i32
      %add3A_452 = arith.constant 16 : i32
      %add3A_453 = arith.addi %add3A_451, %add3A_452 : i32
      %sub3A_454 = arith.constant 1 : i32
      %sub3A_455 = arith.subi %add3A_453, %sub3A_454 : i32
      %lt3A_456 = arith.constant 128 : i32
      %lt3A_457 = arith.cmpi slt, %sub3A_455, %lt3A_456 : i32
      %convert_element_type3A_458 = arith.extui %lt3A_457 : i1 to i32
      %cond3A_459 = arith.constant 0 : i32
      %cond3A_460 = arith.cmpi ne, %convert_element_type3A_458, %cond3A_459 : i32
      scf.if %cond3A_460 {
        %add3A_1607 = arith.constant 16 : i32
        %add3A_1608 = arith.addi %add3A_451, %add3A_1607 : i32
        %sub3A_1609 = arith.constant 1 : i32
        %sub3A_1610 = arith.subi %add3A_1608, %sub3A_1609 : i32
        %mul3A_1611 = arith.constant 208 : i32
        %mul3A_1612 = arith.muli %sub3A_1610, %mul3A_1611 : i32
        %mul3A_1613 = arith.constant 208 : i32
        %mul3A_1614 = arith.muli %sub3A_1610, %mul3A_1613 : i32
        %add3A_1615 = arith.constant 104 : i32
        %add3A_1616 = arith.addi %mul3A_1614, %add3A_1615 : i32
        %dma_start3A_1617 = arith.constant 0 : i32
        %dma_start3A_1618 = tpu.memref_slice %arg9[%dma_start3A_1617] : memref<208xf32, #tpu.memory_space<vmem>> -> memref<104xf32, #tpu.memory_space<vmem>>
        %dma_start3A_1619 = tpu.memref_slice %arg6[%mul3A_1612] : memref<26624xi32, #tpu.memory_space<vmem>> -> memref<104xi32, #tpu.memory_space<vmem>>
        %dma_start3A_1620 = arith.constant 0 : i32
        %dma_start3A_1621 = tpu.memref_slice %arg3[%dma_start3A_1620] : memref<1015808xf32, #tpu.memory_space<hbm>> -> memref<1015808xf32, #tpu.memory_space<hbm>>
        tpu.enqueue_indirect_dma source(%dma_start3A_1621 : memref<1015808xf32, #tpu.memory_space<hbm>>) target(%dma_start3A_1618 : memref<104xf32, #tpu.memory_space<vmem>>) offsets(%dma_start3A_1619 : memref<104xi32, #tpu.memory_space<vmem>>) semaphore(%arg27 : memref<!tpu.dma_semaphore, #tpu.memory_space<semaphore_mem>>)
        %dma_start3A_1622 = arith.constant 104 : i32
        %dma_start3A_1623 = tpu.memref_slice %arg9[%dma_start3A_1622] : memref<208xf32, #tpu.memory_space<vmem>> -> memref<104xf32, #tpu.memory_space<vmem>>
        %dma_start3A_1624 = tpu.memref_slice %arg6[%add3A_1616] : memref<26624xi32, #tpu.memory_space<vmem>> -> memref<104xi32, #tpu.memory_space<vmem>>
        %dma_start3A_1625 = arith.constant 0 : i32
        %dma_start3A_1626 = tpu.memref_slice %arg3[%dma_start3A_1625] : memref<1015808xf32, #tpu.memory_space<hbm>> -> memref<1015808xf32, #tpu.memory_space<hbm>>
        tpu.enqueue_indirect_dma source(%dma_start3A_1626 : memref<1015808xf32, #tpu.memory_space<hbm>>) target(%dma_start3A_1623 : memref<104xf32, #tpu.memory_space<vmem>>) offsets(%dma_start3A_1624 : memref<104xi32, #tpu.memory_space<vmem>>) semaphore(%arg27 : memref<!tpu.dma_semaphore, #tpu.memory_space<semaphore_mem>>)
      } else {
      }
      %mul3A_461 = arith.constant 208 : i32
      %mul3A_462 = arith.muli %add3A_451, %mul3A_461 : i32
      %mul3A_463 = arith.constant 208 : i32
      %mul3A_464 = arith.muli %add3A_451, %mul3A_463 : i32
      %add3A_465 = arith.constant 104 : i32
      %add3A_466 = arith.addi %mul3A_464, %add3A_465 : i32
      %dma_wait3A_467 = arith.constant 0 : i32
      %dma_wait3A_468 = tpu.memref_slice %arg10[%dma_wait3A_467] : memref<208xf32, #tpu.memory_space<vmem>> -> memref<104xf32, #tpu.memory_space<vmem>>
      %dma_wait3A_469 = tpu.memref_slice %arg6[%mul3A_462] : memref<26624xi32, #tpu.memory_space<vmem>> -> memref<104xi32, #tpu.memory_space<vmem>>
      %dma_wait3A_470 = arith.constant 0 : i32
      %dma_wait3A_471 = tpu.memref_slice %arg3[%dma_wait3A_470] : memref<1015808xf32, #tpu.memory_space<hbm>> -> memref<1015808xf32, #tpu.memory_space<hbm>>
      tpu.wait_indirect_dma semaphore(%arg28 : memref<!tpu.dma_semaphore, #tpu.memory_space<semaphore_mem>>) src(%dma_wait3A_471 : memref<1015808xf32, #tpu.memory_space<hbm>>) dst(%dma_wait3A_468 : memref<104xf32, #tpu.memory_space<vmem>>)
      %dma_wait3A_472 = arith.constant 104 : i32
      %dma_wait3A_473 = tpu.memref_slice %arg10[%dma_wait3A_472] : memref<208xf32, #tpu.memory_space<vmem>> -> memref<104xf32, #tpu.memory_space<vmem>>
      %dma_wait3A_474 = tpu.memref_slice %arg6[%add3A_466] : memref<26624xi32, #tpu.memory_space<vmem>> -> memref<104xi32, #tpu.memory_space<vmem>>
      %dma_wait3A_475 = arith.constant 0 : i32
      %dma_wait3A_476 = tpu.memref_slice %arg3[%dma_wait3A_475] : memref<1015808xf32, #tpu.memory_space<hbm>> -> memref<1015808xf32, #tpu.memory_space<hbm>>
      tpu.wait_indirect_dma semaphore(%arg28 : memref<!tpu.dma_semaphore, #tpu.memory_space<semaphore_mem>>) src(%dma_wait3A_476 : memref<1015808xf32, #tpu.memory_space<hbm>>) dst(%dma_wait3A_473 : memref<104xf32, #tpu.memory_space<vmem>>)
      %broadcast_in_dim3A_477 = arith.constant 0.000000e+00 : f32
      %broadcast_in_dim3A_478 = vector.broadcast %broadcast_in_dim3A_477 : f32 to vector<16xf32>
      %scan3A_479 = arith.constant 0 : i32
      %scan3A_480 = arith.constant 12 : i32
      %scan3A_481 = arith.addi %scan3A_479, %scan3A_480 : i32
      %scan3A_482 = arith.constant 4 : i32
      %scan3A_483:3 = scf.for %scan3A_1607 = %scan3A_479 to %scan3A_481 step %scan3A_482 iter_args(%scan3A_1608 = %broadcast_in_dim3A_478, %scan3A_1609 = %broadcast_in_dim3A_478, %scan3A_1610 = %broadcast_in_dim3A_478) -> (vector<16xf32>, vector<16xf32>, vector<16xf32>)  : i32 {
        %mul3A_1611 = arith.constant 16 : i32
        %mul3A_1612 = arith.muli %mul3A_1611, %scan3A_1607 : i32
        %get3A_1613 = arith.index_cast %mul3A_1612 : i32 to index
        %get3A_1614 = tpu.vector_load %arg10[%get3A_1613] {strides = array<i32>} : memref<208xf32, #tpu.memory_space<vmem>>, vector<16xf32>,
        %bitcast3A_1615 = vector.bitcast %get3A_1614 : vector<16xf32> to vector<32xbf16>
        %unpack3A_1616 = tpu.unpack_subelements %bitcast3A_1615, 0 {pack_format = #tpu.pack_format<interleaved>} : vector<32xbf16> -> vector<16xf32>
        %unpack3A_1617 = tpu.unpack_subelements %bitcast3A_1615, 1 {pack_format = #tpu.pack_format<interleaved>} : vector<32xbf16> -> vector<16xf32>
        %add3A_1618 = arith.addf %scan3A_1608, %unpack3A_1616 : vector<16xf32>
        %add3A_1619 = arith.addf %scan3A_1609, %unpack3A_1617 : vector<16xf32>
        %mul3A_1620 = arith.constant 208 : i32
        %mul3A_1621 = arith.muli %add3A_451, %mul3A_1620 : i32
        %mul3A_1622 = arith.constant 16 : i32
        %mul3A_1623 = arith.muli %mul3A_1622, %scan3A_1607 : i32
        %add3A_1624 = arith.addi %mul3A_1621, %mul3A_1623 : i32
        %get3A_1625 = arith.index_cast %add3A_1624 : i32 to index
        %get3A_1626 = tpu.vector_load %arg6[%get3A_1625] {strides = array<i32>} : memref<26624xi32, #tpu.memory_space<vmem>>, vector<16xi32>,
        %ne3A_1627 = arith.constant 0 : i32
        %ne3A_1628 = vector.broadcast %ne3A_1627 : i32 to vector<16xi32>
        %ne3A_1629 = arith.cmpi ne, %get3A_1626, %ne3A_1628 : vector<16xi32>
        %convert_element_type3A_1630 = arith.extui %ne3A_1629 : vector<16xi1> to vector<16xi32>
        %convert_element_type3A_1631 = arith.sitofp %convert_element_type3A_1630 : vector<16xi32> to vector<16xf32>
        %add3A_1632 = arith.addf %scan3A_1610, %convert_element_type3A_1631 : vector<16xf32>
        %scan3A_1633 = arith.constant 1 : i32
        %scan3A_1634 = arith.addi %scan3A_1607, %scan3A_1633 : i32
        %mul3A_1635 = arith.constant 16 : i32
        %mul3A_1636 = arith.muli %mul3A_1635, %scan3A_1634 : i32
        %get3A_1637 = arith.index_cast %mul3A_1636 : i32 to index
        %get3A_1638 = tpu.vector_load %arg10[%get3A_1637] {strides = array<i32>} : memref<208xf32, #tpu.memory_space<vmem>>, vector<16xf32>,
        %bitcast3A_1639 = vector.bitcast %get3A_1638 : vector<16xf32> to vector<32xbf16>
        %unpack3A_1640 = tpu.unpack_subelements %bitcast3A_1639, 0 {pack_format = #tpu.pack_format<interleaved>} : vector<32xbf16> -> vector<16xf32>
        %unpack3A_1641 = tpu.unpack_subelements %bitcast3A_1639, 1 {pack_format = #tpu.pack_format<interleaved>} : vector<32xbf16> -> vector<16xf32>
        %add3A_1642 = arith.addf %add3A_1618, %unpack3A_1640 : vector<16xf32>
        %add3A_1643 = arith.addf %add3A_1619, %unpack3A_1641 : vector<16xf32>
        %mul3A_1644 = arith.constant 208 : i32
        %mul3A_1645 = arith.muli %add3A_451, %mul3A_1644 : i32
        %mul3A_1646 = arith.constant 16 : i32
        %mul3A_1647 = arith.muli %mul3A_1646, %scan3A_1634 : i32
        %add3A_1648 = arith.addi %mul3A_1645, %mul3A_1647 : i32
        %get3A_1649 = arith.index_cast %add3A_1648 : i32 to index
        %get3A_1650 = tpu.vector_load %arg6[%get3A_1649] {strides = array<i32>} : memref<26624xi32, #tpu.memory_space<vmem>>, vector<16xi32>,
        %ne3A_1651 = arith.constant 0 : i32
        %ne3A_1652 = vector.broadcast %ne3A_1651 : i32 to vector<16xi32>
        %ne3A_1653 = arith.cmpi ne, %get3A_1650, %ne3A_1652 : vector<16xi32>
        %convert_element_type3A_1654 = arith.extui %ne3A_1653 : vector<16xi1> to vector<16xi32>
        %convert_element_type3A_1655 = arith.sitofp %convert_element_type3A_1654 : vector<16xi32> to vector<16xf32>
        %add3A_1656 = arith.addf %add3A_1632, %convert_element_type3A_1655 : vector<16xf32>
        %scan3A_1657 = arith.constant 2 : i32
        %scan3A_1658 = arith.addi %scan3A_1607, %scan3A_1657 : i32
        %mul3A_1659 = arith.constant 16 : i32
        %mul3A_1660 = arith.muli %mul3A_1659, %scan3A_1658 : i32
        %get3A_1661 = arith.index_cast %mul3A_1660 : i32 to index
        %get3A_1662 = tpu.vector_load %arg10[%get3A_1661] {strides = array<i32>} : memref<208xf32, #tpu.memory_space<vmem>>, vector<16xf32>,
        %bitcast3A_1663 = vector.bitcast %get3A_1662 : vector<16xf32> to vector<32xbf16>
        %unpack3A_1664 = tpu.unpack_subelements %bitcast3A_1663, 0 {pack_format = #tpu.pack_format<interleaved>} : vector<32xbf16> -> vector<16xf32>
        %unpack3A_1665 = tpu.unpack_subelements %bitcast3A_1663, 1 {pack_format = #tpu.pack_format<interleaved>} : vector<32xbf16> -> vector<16xf32>
        %add3A_1666 = arith.addf %add3A_1642, %unpack3A_1664 : vector<16xf32>
        %add3A_1667 = arith.addf %add3A_1643, %unpack3A_1665 : vector<16xf32>
        %mul3A_1668 = arith.constant 208 : i32
        %mul3A_1669 = arith.muli %add3A_451, %mul3A_1668 : i32
        %mul3A_1670 = arith.constant 16 : i32
        %mul3A_1671 = arith.muli %mul3A_1670, %scan3A_1658 : i32
        %add3A_1672 = arith.addi %mul3A_1669, %mul3A_1671 : i32
        %get3A_1673 = arith.index_cast %add3A_1672 : i32 to index
        %get3A_1674 = tpu.vector_load %arg6[%get3A_1673] {strides = array<i32>} : memref<26624xi32, #tpu.memory_space<vmem>>, vector<16xi32>,
        %ne3A_1675 = arith.constant 0 : i32
        %ne3A_1676 = vector.broadcast %ne3A_1675 : i32 to vector<16xi32>
        %ne3A_1677 = arith.cmpi ne, %get3A_1674, %ne3A_1676 : vector<16xi32>
        %convert_element_type3A_1678 = arith.extui %ne3A_1677 : vector<16xi1> to vector<16xi32>
        %convert_element_type3A_1679 = arith.sitofp %convert_element_type3A_1678 : vector<16xi32> to vector<16xf32>
        %add3A_1680 = arith.addf %add3A_1656, %convert_element_type3A_1679 : vector<16xf32>
        %scan3A_1681 = arith.constant 3 : i32
        %scan3A_1682 = arith.addi %scan3A_1607, %scan3A_1681 : i32
        %mul3A_1683 = arith.constant 16 : i32
        %mul3A_1684 = arith.muli %mul3A_1683, %scan3A_1682 : i32
        %get3A_1685 = arith.index_cast %mul3A_1684 : i32 to index
        %get3A_1686 = tpu.vector_load %arg10[%get3A_1685] {strides = array<i32>} : memref<208xf32, #tpu.memory_space<vmem>>, vector<16xf32>,
        %bitcast3A_1687 = vector.bitcast %get3A_1686 : vector<16xf32> to vector<32xbf16>
        %unpack3A_1688 = tpu.unpack_subelements %bitcast3A_1687, 0 {pack_format = #tpu.pack_format<interleaved>} : vector<32xbf16> -> vector<16xf32>
        %unpack3A_1689 = tpu.unpack_subelements %bitcast3A_1687, 1 {pack_format = #tpu.pack_format<interleaved>} : vector<32xbf16> -> vector<16xf32>
        %add3A_1690 = arith.addf %add3A_1666, %unpack3A_1688 : vector<16xf32>
        %add3A_1691 = arith.addf %add3A_1667, %unpack3A_1689 : vector<16xf32>
        %mul3A_1692 = arith.constant 208 : i32
        %mul3A_1693 = arith.muli %add3A_451, %mul3A_1692 : i32
        %mul3A_1694 = arith.constant 16 : i32
        %mul3A_1695 = arith.muli %mul3A_1694, %scan3A_1682 : i32
        %add3A_1696 = arith.addi %mul3A_1693, %mul3A_1695 : i32
        %get3A_1697 = arith.index_cast %add3A_1696 : i32 to index
        %get3A_1698 = tpu.vector_load %arg6[%get3A_1697] {strides = array<i32>} : memref<26624xi32, #tpu.memory_space<vmem>>, vector<16xi32>,
        %ne3A_1699 = arith.constant 0 : i32
        %ne3A_1700 = vector.broadcast %ne3A_1699 : i32 to vector<16xi32>
        %ne3A_1701 = arith.cmpi ne, %get3A_1698, %ne3A_1700 : vector<16xi32>
        %convert_element_type3A_1702 = arith.extui %ne3A_1701 : vector<16xi1> to vector<16xi32>
        %convert_element_type3A_1703 = arith.sitofp %convert_element_type3A_1702 : vector<16xi32> to vector<16xf32>
        %add3A_1704 = arith.addf %add3A_1680, %convert_element_type3A_1703 : vector<16xf32>
        scf.yield %add3A_1690, %add3A_1691, %add3A_1704 : vector<16xf32>, vector<16xf32>, vector<16xf32>
      }
      %scan3A_484 = arith.constant 12 : i32
      %get3A_485 = arith.constant 192 : index
      %get3A_486 = tpu.vector_load %arg10[%get3A_485] {strides = array<i32>} : memref<208xf32, #tpu.memory_space<vmem>>, vector<16xf32>,
      %bitcast3A_487 = vector.bitcast %get3A_486 : vector<16xf32> to vector<32xbf16>
      %unpack3A_488 = tpu.unpack_subelements %bitcast3A_487, 0 {pack_format = #tpu.pack_format<interleaved>} : vector<32xbf16> -> vector<16xf32>
      %unpack3A_489 = tpu.unpack_subelements %bitcast3A_487, 1 {pack_format = #tpu.pack_format<interleaved>} : vector<32xbf16> -> vector<16xf32>
      %jit3A_490 = arith.constant 0.000000e+00 : f32
      %broadcast_in_dim3A_491 = vector.broadcast %jit3A_490 : f32 to vector<16xf32>
      %select_n3A_492 = arith.select %lt3A_6, %unpack3A_488, %broadcast_in_dim3A_491 : vector<16xi1>, vector<16xf32>
      %add3A_493 = arith.addf %scan3A_483#0, %select_n3A_492 : vector<16xf32>
      %jit3A_494 = arith.constant 0.000000e+00 : f32
      %broadcast_in_dim3A_495 = vector.broadcast %jit3A_494 : f32 to vector<16xf32>
      %select_n3A_496 = arith.select %lt3A_6, %unpack3A_489, %broadcast_in_dim3A_495 : vector<16xi1>, vector<16xf32>
      %add3A_497 = arith.addf %scan3A_483#1, %select_n3A_496 : vector<16xf32>
      %mul3A_498 = arith.constant 208 : i32
      %mul3A_499 = arith.muli %add3A_451, %mul3A_498 : i32
      %add3A_500 = arith.constant 192 : i32
      %add3A_501 = arith.addi %mul3A_499, %add3A_500 : i32
      %get3A_502 = arith.index_cast %add3A_501 : i32 to index
      %get3A_503 = tpu.vector_load %arg6[%get3A_502] {strides = array<i32>} : memref<26624xi32, #tpu.memory_space<vmem>>, vector<16xi32>,
      %ne3A_504 = arith.constant 0 : i32
      %ne3A_505 = vector.broadcast %ne3A_504 : i32 to vector<16xi32>
      %ne3A_506 = arith.cmpi ne, %get3A_503, %ne3A_505 : vector<16xi32>
      %convert_element_type3A_507 = arith.extui %ne3A_506 : vector<16xi1> to vector<16xi32>
      %convert_element_type3A_508 = arith.sitofp %convert_element_type3A_507 : vector<16xi32> to vector<16xf32>
      %jit3A_509 = arith.constant 0.000000e+00 : f32
      %broadcast_in_dim3A_510 = vector.broadcast %jit3A_509 : f32 to vector<16xf32>
      %select_n3A_511 = arith.select %lt3A_6, %convert_element_type3A_508, %broadcast_in_dim3A_510 : vector<16xi1>, vector<16xf32>
      %add3A_512 = arith.addf %scan3A_483#2, %select_n3A_511 : vector<16xf32>
      %reduce_sum3A_513 = arith.constant true
      %reduce_sum3A_514 = vector.broadcast %reduce_sum3A_513 : i1 to vector<16xi1>
      %reduce_sum3A_515 = tpu.scan <sum>, %add3A_497 masked %reduce_sum3A_514 : vector<16xf32>, vector<16xi1> -> vector<16xf32>
      %reduce_sum3A_516 = vector.extract %reduce_sum3A_515[15] : f32 from vector<16xf32>
      %broadcast_in_dim3A_517 = vector.broadcast %reduce_sum3A_516 : f32 to vector<16xf32>
      %reduce_sum3A_518 = arith.constant true
      %reduce_sum3A_519 = vector.broadcast %reduce_sum3A_518 : i1 to vector<16xi1>
      %reduce_sum3A_520 = tpu.scan <sum>, %add3A_493 masked %reduce_sum3A_519 : vector<16xf32>, vector<16xi1> -> vector<16xf32>
      %reduce_sum3A_521 = vector.extract %reduce_sum3A_520[15] : f32 from vector<16xf32>
      %broadcast_in_dim3A_522 = vector.broadcast %reduce_sum3A_521 : f32 to vector<16xf32>
      %reduce_sum3A_523 = arith.constant true
      %reduce_sum3A_524 = vector.broadcast %reduce_sum3A_523 : i1 to vector<16xi1>
      %reduce_sum3A_525 = tpu.scan <sum>, %add3A_512 masked %reduce_sum3A_524 : vector<16xf32>, vector<16xi1> -> vector<16xf32>
      %reduce_sum3A_526 = vector.extract %reduce_sum3A_525[15] : f32 from vector<16xf32>
      %broadcast_in_dim3A_527 = vector.broadcast %reduce_sum3A_526 : f32 to vector<16xf32>
      %select_n3A_528 = arith.select %eq3A_9, %broadcast_in_dim3A_517, %broadcast_in_dim3A_522 : vector<16xi1>, vector<16xf32>
      %add3A_529 = arith.constant 9.99999993E-9 : f32
      %add3A_530 = vector.broadcast %add3A_529 : f32 to vector<16xf32>
      %add3A_531 = arith.addf %broadcast_in_dim3A_527, %add3A_530 : vector<16xf32>
      %div3A_532 = arith.divf %select_n3A_528, %add3A_531 : vector<16xf32>
      %get3A_533 = arith.constant 0 : index
      %get3A_534 = tpu.vector_load %arg24[%get3A_533] {strides = array<i32>} : memref<16xf32, #tpu.memory_space<vmem>>, vector<16xf32>,
      %add3A_535 = arith.addf %div3A_532, %get3A_534 : vector<16xf32>
      %swap3A_536 = arith.index_cast %add3A_451 : i32 to index
      %swap3A_537 = arith.constant 0 : index
      %swap3A_538 = tpu.vector_load %arg23[%swap3A_536, %swap3A_537] {strides = array<i32>} : memref<128x16xf32, #tpu.memory_space<vmem>>, vector<16xf32>,
      tpu.vector_store %arg23[%swap3A_536, %swap3A_537], %add3A_535 {strides = array<i32>} : memref<128x16xf32, #tpu.memory_space<vmem>>, vector<16xf32>,
      %add3A_539 = arith.constant 4 : i32
      %add3A_540 = arith.addi %mul3A_196, %add3A_539 : i32
      %add3A_541 = arith.constant 16 : i32
      %add3A_542 = arith.addi %add3A_540, %add3A_541 : i32
      %sub3A_543 = arith.constant 1 : i32
      %sub3A_544 = arith.subi %add3A_542, %sub3A_543 : i32
      %lt3A_545 = arith.constant 128 : i32
      %lt3A_546 = arith.cmpi slt, %sub3A_544, %lt3A_545 : i32
      %convert_element_type3A_547 = arith.extui %lt3A_546 : i1 to i32
      %cond3A_548 = arith.constant 0 : i32
      %cond3A_549 = arith.cmpi ne, %convert_element_type3A_547, %cond3A_548 : i32
      scf.if %cond3A_549 {
        %add3A_1607 = arith.constant 16 : i32
        %add3A_1608 = arith.addi %add3A_540, %add3A_1607 : i32
        %sub3A_1609 = arith.constant 1 : i32
        %sub3A_1610 = arith.subi %add3A_1608, %sub3A_1609 : i32
        %mul3A_1611 = arith.constant 208 : i32
        %mul3A_1612 = arith.muli %sub3A_1610, %mul3A_1611 : i32
        %mul3A_1613 = arith.constant 208 : i32
        %mul3A_1614 = arith.muli %sub3A_1610, %mul3A_1613 : i32
        %add3A_1615 = arith.constant 104 : i32
        %add3A_1616 = arith.addi %mul3A_1614, %add3A_1615 : i32
        %dma_start3A_1617 = arith.constant 0 : i32
        %dma_start3A_1618 = tpu.memref_slice %arg10[%dma_start3A_1617] : memref<208xf32, #tpu.memory_space<vmem>> -> memref<104xf32, #tpu.memory_space<vmem>>
        %dma_start3A_1619 = tpu.memref_slice %arg6[%mul3A_1612] : memref<26624xi32, #tpu.memory_space<vmem>> -> memref<104xi32, #tpu.memory_space<vmem>>
        %dma_start3A_1620 = arith.constant 0 : i32
        %dma_start3A_1621 = tpu.memref_slice %arg3[%dma_start3A_1620] : memref<1015808xf32, #tpu.memory_space<hbm>> -> memref<1015808xf32, #tpu.memory_space<hbm>>
        tpu.enqueue_indirect_dma source(%dma_start3A_1621 : memref<1015808xf32, #tpu.memory_space<hbm>>) target(%dma_start3A_1618 : memref<104xf32, #tpu.memory_space<vmem>>) offsets(%dma_start3A_1619 : memref<104xi32, #tpu.memory_space<vmem>>) semaphore(%arg28 : memref<!tpu.dma_semaphore, #tpu.memory_space<semaphore_mem>>)
        %dma_start3A_1622 = arith.constant 104 : i32
        %dma_start3A_1623 = tpu.memref_slice %arg10[%dma_start3A_1622] : memref<208xf32, #tpu.memory_space<vmem>> -> memref<104xf32, #tpu.memory_space<vmem>>
        %dma_start3A_1624 = tpu.memref_slice %arg6[%add3A_1616] : memref<26624xi32, #tpu.memory_space<vmem>> -> memref<104xi32, #tpu.memory_space<vmem>>
        %dma_start3A_1625 = arith.constant 0 : i32
        %dma_start3A_1626 = tpu.memref_slice %arg3[%dma_start3A_1625] : memref<1015808xf32, #tpu.memory_space<hbm>> -> memref<1015808xf32, #tpu.memory_space<hbm>>
        tpu.enqueue_indirect_dma source(%dma_start3A_1626 : memref<1015808xf32, #tpu.memory_space<hbm>>) target(%dma_start3A_1623 : memref<104xf32, #tpu.memory_space<vmem>>) offsets(%dma_start3A_1624 : memref<104xi32, #tpu.memory_space<vmem>>) semaphore(%arg28 : memref<!tpu.dma_semaphore, #tpu.memory_space<semaphore_mem>>)
      } else {
      }
      %mul3A_550 = arith.constant 208 : i32
      %mul3A_551 = arith.muli %add3A_540, %mul3A_550 : i32
      %mul3A_552 = arith.constant 208 : i32
      %mul3A_553 = arith.muli %add3A_540, %mul3A_552 : i32
      %add3A_554 = arith.constant 104 : i32
      %add3A_555 = arith.addi %mul3A_553, %add3A_554 : i32
      %dma_wait3A_556 = arith.constant 0 : i32
      %dma_wait3A_557 = tpu.memref_slice %arg11[%dma_wait3A_556] : memref<208xf32, #tpu.memory_space<vmem>> -> memref<104xf32, #tpu.memory_space<vmem>>
      %dma_wait3A_558 = tpu.memref_slice %arg6[%mul3A_551] : memref<26624xi32, #tpu.memory_space<vmem>> -> memref<104xi32, #tpu.memory_space<vmem>>
      %dma_wait3A_559 = arith.constant 0 : i32
      %dma_wait3A_560 = tpu.memref_slice %arg3[%dma_wait3A_559] : memref<1015808xf32, #tpu.memory_space<hbm>> -> memref<1015808xf32, #tpu.memory_space<hbm>>
      tpu.wait_indirect_dma semaphore(%arg29 : memref<!tpu.dma_semaphore, #tpu.memory_space<semaphore_mem>>) src(%dma_wait3A_560 : memref<1015808xf32, #tpu.memory_space<hbm>>) dst(%dma_wait3A_557 : memref<104xf32, #tpu.memory_space<vmem>>)
      %dma_wait3A_561 = arith.constant 104 : i32
      %dma_wait3A_562 = tpu.memref_slice %arg11[%dma_wait3A_561] : memref<208xf32, #tpu.memory_space<vmem>> -> memref<104xf32, #tpu.memory_space<vmem>>
      %dma_wait3A_563 = tpu.memref_slice %arg6[%add3A_555] : memref<26624xi32, #tpu.memory_space<vmem>> -> memref<104xi32, #tpu.memory_space<vmem>>
      %dma_wait3A_564 = arith.constant 0 : i32
      %dma_wait3A_565 = tpu.memref_slice %arg3[%dma_wait3A_564] : memref<1015808xf32, #tpu.memory_space<hbm>> -> memref<1015808xf32, #tpu.memory_space<hbm>>
      tpu.wait_indirect_dma semaphore(%arg29 : memref<!tpu.dma_semaphore, #tpu.memory_space<semaphore_mem>>) src(%dma_wait3A_565 : memref<1015808xf32, #tpu.memory_space<hbm>>) dst(%dma_wait3A_562 : memref<104xf32, #tpu.memory_space<vmem>>)
      %broadcast_in_dim3A_566 = arith.constant 0.000000e+00 : f32
      %broadcast_in_dim3A_567 = vector.broadcast %broadcast_in_dim3A_566 : f32 to vector<16xf32>
      %scan3A_568 = arith.constant 0 : i32
      %scan3A_569 = arith.constant 12 : i32
      %scan3A_570 = arith.addi %scan3A_568, %scan3A_569 : i32
      %scan3A_571 = arith.constant 4 : i32
      %scan3A_572:3 = scf.for %scan3A_1607 = %scan3A_568 to %scan3A_570 step %scan3A_571 iter_args(%scan3A_1608 = %broadcast_in_dim3A_567, %scan3A_1609 = %broadcast_in_dim3A_567, %scan3A_1610 = %broadcast_in_dim3A_567) -> (vector<16xf32>, vector<16xf32>, vector<16xf32>)  : i32 {
        %mul3A_1611 = arith.constant 16 : i32
        %mul3A_1612 = arith.muli %mul3A_1611, %scan3A_1607 : i32
        %get3A_1613 = arith.index_cast %mul3A_1612 : i32 to index
        %get3A_1614 = tpu.vector_load %arg11[%get3A_1613] {strides = array<i32>} : memref<208xf32, #tpu.memory_space<vmem>>, vector<16xf32>,
        %bitcast3A_1615 = vector.bitcast %get3A_1614 : vector<16xf32> to vector<32xbf16>
        %unpack3A_1616 = tpu.unpack_subelements %bitcast3A_1615, 0 {pack_format = #tpu.pack_format<interleaved>} : vector<32xbf16> -> vector<16xf32>
        %unpack3A_1617 = tpu.unpack_subelements %bitcast3A_1615, 1 {pack_format = #tpu.pack_format<interleaved>} : vector<32xbf16> -> vector<16xf32>
        %add3A_1618 = arith.addf %scan3A_1608, %unpack3A_1616 : vector<16xf32>
        %add3A_1619 = arith.addf %scan3A_1609, %unpack3A_1617 : vector<16xf32>
        %mul3A_1620 = arith.constant 208 : i32
        %mul3A_1621 = arith.muli %add3A_540, %mul3A_1620 : i32
        %mul3A_1622 = arith.constant 16 : i32
        %mul3A_1623 = arith.muli %mul3A_1622, %scan3A_1607 : i32
        %add3A_1624 = arith.addi %mul3A_1621, %mul3A_1623 : i32
        %get3A_1625 = arith.index_cast %add3A_1624 : i32 to index
        %get3A_1626 = tpu.vector_load %arg6[%get3A_1625] {strides = array<i32>} : memref<26624xi32, #tpu.memory_space<vmem>>, vector<16xi32>,
        %ne3A_1627 = arith.constant 0 : i32
        %ne3A_1628 = vector.broadcast %ne3A_1627 : i32 to vector<16xi32>
        %ne3A_1629 = arith.cmpi ne, %get3A_1626, %ne3A_1628 : vector<16xi32>
        %convert_element_type3A_1630 = arith.extui %ne3A_1629 : vector<16xi1> to vector<16xi32>
        %convert_element_type3A_1631 = arith.sitofp %convert_element_type3A_1630 : vector<16xi32> to vector<16xf32>
        %add3A_1632 = arith.addf %scan3A_1610, %convert_element_type3A_1631 : vector<16xf32>
        %scan3A_1633 = arith.constant 1 : i32
        %scan3A_1634 = arith.addi %scan3A_1607, %scan3A_1633 : i32
        %mul3A_1635 = arith.constant 16 : i32
        %mul3A_1636 = arith.muli %mul3A_1635, %scan3A_1634 : i32
        %get3A_1637 = arith.index_cast %mul3A_1636 : i32 to index
        %get3A_1638 = tpu.vector_load %arg11[%get3A_1637] {strides = array<i32>} : memref<208xf32, #tpu.memory_space<vmem>>, vector<16xf32>,
        %bitcast3A_1639 = vector.bitcast %get3A_1638 : vector<16xf32> to vector<32xbf16>
        %unpack3A_1640 = tpu.unpack_subelements %bitcast3A_1639, 0 {pack_format = #tpu.pack_format<interleaved>} : vector<32xbf16> -> vector<16xf32>
        %unpack3A_1641 = tpu.unpack_subelements %bitcast3A_1639, 1 {pack_format = #tpu.pack_format<interleaved>} : vector<32xbf16> -> vector<16xf32>
        %add3A_1642 = arith.addf %add3A_1618, %unpack3A_1640 : vector<16xf32>
        %add3A_1643 = arith.addf %add3A_1619, %unpack3A_1641 : vector<16xf32>
        %mul3A_1644 = arith.constant 208 : i32
        %mul3A_1645 = arith.muli %add3A_540, %mul3A_1644 : i32
        %mul3A_1646 = arith.constant 16 : i32
        %mul3A_1647 = arith.muli %mul3A_1646, %scan3A_1634 : i32
        %add3A_1648 = arith.addi %mul3A_1645, %mul3A_1647 : i32
        %get3A_1649 = arith.index_cast %add3A_1648 : i32 to index
        %get3A_1650 = tpu.vector_load %arg6[%get3A_1649] {strides = array<i32>} : memref<26624xi32, #tpu.memory_space<vmem>>, vector<16xi32>,
        %ne3A_1651 = arith.constant 0 : i32
        %ne3A_1652 = vector.broadcast %ne3A_1651 : i32 to vector<16xi32>
        %ne3A_1653 = arith.cmpi ne, %get3A_1650, %ne3A_1652 : vector<16xi32>
        %convert_element_type3A_1654 = arith.extui %ne3A_1653 : vector<16xi1> to vector<16xi32>
        %convert_element_type3A_1655 = arith.sitofp %convert_element_type3A_1654 : vector<16xi32> to vector<16xf32>
        %add3A_1656 = arith.addf %add3A_1632, %convert_element_type3A_1655 : vector<16xf32>
        %scan3A_1657 = arith.constant 2 : i32
        %scan3A_1658 = arith.addi %scan3A_1607, %scan3A_1657 : i32
        %mul3A_1659 = arith.constant 16 : i32
        %mul3A_1660 = arith.muli %mul3A_1659, %scan3A_1658 : i32
        %get3A_1661 = arith.index_cast %mul3A_1660 : i32 to index
        %get3A_1662 = tpu.vector_load %arg11[%get3A_1661] {strides = array<i32>} : memref<208xf32, #tpu.memory_space<vmem>>, vector<16xf32>,
        %bitcast3A_1663 = vector.bitcast %get3A_1662 : vector<16xf32> to vector<32xbf16>
        %unpack3A_1664 = tpu.unpack_subelements %bitcast3A_1663, 0 {pack_format = #tpu.pack_format<interleaved>} : vector<32xbf16> -> vector<16xf32>
        %unpack3A_1665 = tpu.unpack_subelements %bitcast3A_1663, 1 {pack_format = #tpu.pack_format<interleaved>} : vector<32xbf16> -> vector<16xf32>
        %add3A_1666 = arith.addf %add3A_1642, %unpack3A_1664 : vector<16xf32>
        %add3A_1667 = arith.addf %add3A_1643, %unpack3A_1665 : vector<16xf32>
        %mul3A_1668 = arith.constant 208 : i32
        %mul3A_1669 = arith.muli %add3A_540, %mul3A_1668 : i32
        %mul3A_1670 = arith.constant 16 : i32
        %mul3A_1671 = arith.muli %mul3A_1670, %scan3A_1658 : i32
        %add3A_1672 = arith.addi %mul3A_1669, %mul3A_1671 : i32
        %get3A_1673 = arith.index_cast %add3A_1672 : i32 to index
        %get3A_1674 = tpu.vector_load %arg6[%get3A_1673] {strides = array<i32>} : memref<26624xi32, #tpu.memory_space<vmem>>, vector<16xi32>,
        %ne3A_1675 = arith.constant 0 : i32
        %ne3A_1676 = vector.broadcast %ne3A_1675 : i32 to vector<16xi32>
        %ne3A_1677 = arith.cmpi ne, %get3A_1674, %ne3A_1676 : vector<16xi32>
        %convert_element_type3A_1678 = arith.extui %ne3A_1677 : vector<16xi1> to vector<16xi32>
        %convert_element_type3A_1679 = arith.sitofp %convert_element_type3A_1678 : vector<16xi32> to vector<16xf32>
        %add3A_1680 = arith.addf %add3A_1656, %convert_element_type3A_1679 : vector<16xf32>
        %scan3A_1681 = arith.constant 3 : i32
        %scan3A_1682 = arith.addi %scan3A_1607, %scan3A_1681 : i32
        %mul3A_1683 = arith.constant 16 : i32
        %mul3A_1684 = arith.muli %mul3A_1683, %scan3A_1682 : i32
        %get3A_1685 = arith.index_cast %mul3A_1684 : i32 to index
        %get3A_1686 = tpu.vector_load %arg11[%get3A_1685] {strides = array<i32>} : memref<208xf32, #tpu.memory_space<vmem>>, vector<16xf32>,
        %bitcast3A_1687 = vector.bitcast %get3A_1686 : vector<16xf32> to vector<32xbf16>
        %unpack3A_1688 = tpu.unpack_subelements %bitcast3A_1687, 0 {pack_format = #tpu.pack_format<interleaved>} : vector<32xbf16> -> vector<16xf32>
        %unpack3A_1689 = tpu.unpack_subelements %bitcast3A_1687, 1 {pack_format = #tpu.pack_format<interleaved>} : vector<32xbf16> -> vector<16xf32>
        %add3A_1690 = arith.addf %add3A_1666, %unpack3A_1688 : vector<16xf32>
        %add3A_1691 = arith.addf %add3A_1667, %unpack3A_1689 : vector<16xf32>
        %mul3A_1692 = arith.constant 208 : i32
        %mul3A_1693 = arith.muli %add3A_540, %mul3A_1692 : i32
        %mul3A_1694 = arith.constant 16 : i32
        %mul3A_1695 = arith.muli %mul3A_1694, %scan3A_1682 : i32
        %add3A_1696 = arith.addi %mul3A_1693, %mul3A_1695 : i32
        %get3A_1697 = arith.index_cast %add3A_1696 : i32 to index
        %get3A_1698 = tpu.vector_load %arg6[%get3A_1697] {strides = array<i32>} : memref<26624xi32, #tpu.memory_space<vmem>>, vector<16xi32>,
        %ne3A_1699 = arith.constant 0 : i32
        %ne3A_1700 = vector.broadcast %ne3A_1699 : i32 to vector<16xi32>
        %ne3A_1701 = arith.cmpi ne, %get3A_1698, %ne3A_1700 : vector<16xi32>
        %convert_element_type3A_1702 = arith.extui %ne3A_1701 : vector<16xi1> to vector<16xi32>
        %convert_element_type3A_1703 = arith.sitofp %convert_element_type3A_1702 : vector<16xi32> to vector<16xf32>
        %add3A_1704 = arith.addf %add3A_1680, %convert_element_type3A_1703 : vector<16xf32>
        scf.yield %add3A_1690, %add3A_1691, %add3A_1704 : vector<16xf32>, vector<16xf32>, vector<16xf32>
      }
      %scan3A_573 = arith.constant 12 : i32
      %get3A_574 = arith.constant 192 : index
      %get3A_575 = tpu.vector_load %arg11[%get3A_574] {strides = array<i32>} : memref<208xf32, #tpu.memory_space<vmem>>, vector<16xf32>,
      %bitcast3A_576 = vector.bitcast %get3A_575 : vector<16xf32> to vector<32xbf16>
      %unpack3A_577 = tpu.unpack_subelements %bitcast3A_576, 0 {pack_format = #tpu.pack_format<interleaved>} : vector<32xbf16> -> vector<16xf32>
      %unpack3A_578 = tpu.unpack_subelements %bitcast3A_576, 1 {pack_format = #tpu.pack_format<interleaved>} : vector<32xbf16> -> vector<16xf32>
      %jit3A_579 = arith.constant 0.000000e+00 : f32
      %broadcast_in_dim3A_580 = vector.broadcast %jit3A_579 : f32 to vector<16xf32>
      %select_n3A_581 = arith.select %lt3A_6, %unpack3A_577, %broadcast_in_dim3A_580 : vector<16xi1>, vector<16xf32>
      %add3A_582 = arith.addf %scan3A_572#0, %select_n3A_581 : vector<16xf32>
      %jit3A_583 = arith.constant 0.000000e+00 : f32
      %broadcast_in_dim3A_584 = vector.broadcast %jit3A_583 : f32 to vector<16xf32>
      %select_n3A_585 = arith.select %lt3A_6, %unpack3A_578, %broadcast_in_dim3A_584 : vector<16xi1>, vector<16xf32>
      %add3A_586 = arith.addf %scan3A_572#1, %select_n3A_585 : vector<16xf32>
      %mul3A_587 = arith.constant 208 : i32
      %mul3A_588 = arith.muli %add3A_540, %mul3A_587 : i32
      %add3A_589 = arith.constant 192 : i32
      %add3A_590 = arith.addi %mul3A_588, %add3A_589 : i32
      %get3A_591 = arith.index_cast %add3A_590 : i32 to index
      %get3A_592 = tpu.vector_load %arg6[%get3A_591] {strides = array<i32>} : memref<26624xi32, #tpu.memory_space<vmem>>, vector<16xi32>,
      %ne3A_593 = arith.constant 0 : i32
      %ne3A_594 = vector.broadcast %ne3A_593 : i32 to vector<16xi32>
      %ne3A_595 = arith.cmpi ne, %get3A_592, %ne3A_594 : vector<16xi32>
      %convert_element_type3A_596 = arith.extui %ne3A_595 : vector<16xi1> to vector<16xi32>
      %convert_element_type3A_597 = arith.sitofp %convert_element_type3A_596 : vector<16xi32> to vector<16xf32>
      %jit3A_598 = arith.constant 0.000000e+00 : f32
      %broadcast_in_dim3A_599 = vector.broadcast %jit3A_598 : f32 to vector<16xf32>
      %select_n3A_600 = arith.select %lt3A_6, %convert_element_type3A_597, %broadcast_in_dim3A_599 : vector<16xi1>, vector<16xf32>
      %add3A_601 = arith.addf %scan3A_572#2, %select_n3A_600 : vector<16xf32>
      %reduce_sum3A_602 = arith.constant true
      %reduce_sum3A_603 = vector.broadcast %reduce_sum3A_602 : i1 to vector<16xi1>
      %reduce_sum3A_604 = tpu.scan <sum>, %add3A_586 masked %reduce_sum3A_603 : vector<16xf32>, vector<16xi1> -> vector<16xf32>
      %reduce_sum3A_605 = vector.extract %reduce_sum3A_604[15] : f32 from vector<16xf32>
      %broadcast_in_dim3A_606 = vector.broadcast %reduce_sum3A_605 : f32 to vector<16xf32>
      %reduce_sum3A_607 = arith.constant true
      %reduce_sum3A_608 = vector.broadcast %reduce_sum3A_607 : i1 to vector<16xi1>
      %reduce_sum3A_609 = tpu.scan <sum>, %add3A_582 masked %reduce_sum3A_608 : vector<16xf32>, vector<16xi1> -> vector<16xf32>
      %reduce_sum3A_610 = vector.extract %reduce_sum3A_609[15] : f32 from vector<16xf32>
      %broadcast_in_dim3A_611 = vector.broadcast %reduce_sum3A_610 : f32 to vector<16xf32>
      %reduce_sum3A_612 = arith.constant true
      %reduce_sum3A_613 = vector.broadcast %reduce_sum3A_612 : i1 to vector<16xi1>
      %reduce_sum3A_614 = tpu.scan <sum>, %add3A_601 masked %reduce_sum3A_613 : vector<16xf32>, vector<16xi1> -> vector<16xf32>
      %reduce_sum3A_615 = vector.extract %reduce_sum3A_614[15] : f32 from vector<16xf32>
      %broadcast_in_dim3A_616 = vector.broadcast %reduce_sum3A_615 : f32 to vector<16xf32>
      %select_n3A_617 = arith.select %eq3A_9, %broadcast_in_dim3A_606, %broadcast_in_dim3A_611 : vector<16xi1>, vector<16xf32>
      %add3A_618 = arith.constant 9.99999993E-9 : f32
      %add3A_619 = vector.broadcast %add3A_618 : f32 to vector<16xf32>
      %add3A_620 = arith.addf %broadcast_in_dim3A_616, %add3A_619 : vector<16xf32>
      %div3A_621 = arith.divf %select_n3A_617, %add3A_620 : vector<16xf32>
      %get3A_622 = arith.constant 0 : index
      %get3A_623 = tpu.vector_load %arg24[%get3A_622] {strides = array<i32>} : memref<16xf32, #tpu.memory_space<vmem>>, vector<16xf32>,
      %add3A_624 = arith.addf %div3A_621, %get3A_623 : vector<16xf32>
      %swap3A_625 = arith.index_cast %add3A_540 : i32 to index
      %swap3A_626 = arith.constant 0 : index
      %swap3A_627 = tpu.vector_load %arg23[%swap3A_625, %swap3A_626] {strides = array<i32>} : memref<128x16xf32, #tpu.memory_space<vmem>>, vector<16xf32>,
      tpu.vector_store %arg23[%swap3A_625, %swap3A_626], %add3A_624 {strides = array<i32>} : memref<128x16xf32, #tpu.memory_space<vmem>>, vector<16xf32>,
      %add3A_628 = arith.constant 5 : i32
      %add3A_629 = arith.addi %mul3A_196, %add3A_628 : i32
      %add3A_630 = arith.constant 16 : i32
      %add3A_631 = arith.addi %add3A_629, %add3A_630 : i32
      %sub3A_632 = arith.constant 1 : i32
      %sub3A_633 = arith.subi %add3A_631, %sub3A_632 : i32
      %lt3A_634 = arith.constant 128 : i32
      %lt3A_635 = arith.cmpi slt, %sub3A_633, %lt3A_634 : i32
      %convert_element_type3A_636 = arith.extui %lt3A_635 : i1 to i32
      %cond3A_637 = arith.constant 0 : i32
      %cond3A_638 = arith.cmpi ne, %convert_element_type3A_636, %cond3A_637 : i32
      scf.if %cond3A_638 {
        %add3A_1607 = arith.constant 16 : i32
        %add3A_1608 = arith.addi %add3A_629, %add3A_1607 : i32
        %sub3A_1609 = arith.constant 1 : i32
        %sub3A_1610 = arith.subi %add3A_1608, %sub3A_1609 : i32
        %mul3A_1611 = arith.constant 208 : i32
        %mul3A_1612 = arith.muli %sub3A_1610, %mul3A_1611 : i32
        %mul3A_1613 = arith.constant 208 : i32
        %mul3A_1614 = arith.muli %sub3A_1610, %mul3A_1613 : i32
        %add3A_1615 = arith.constant 104 : i32
        %add3A_1616 = arith.addi %mul3A_1614, %add3A_1615 : i32
        %dma_start3A_1617 = arith.constant 0 : i32
        %dma_start3A_1618 = tpu.memref_slice %arg11[%dma_start3A_1617] : memref<208xf32, #tpu.memory_space<vmem>> -> memref<104xf32, #tpu.memory_space<vmem>>
        %dma_start3A_1619 = tpu.memref_slice %arg6[%mul3A_1612] : memref<26624xi32, #tpu.memory_space<vmem>> -> memref<104xi32, #tpu.memory_space<vmem>>
        %dma_start3A_1620 = arith.constant 0 : i32
        %dma_start3A_1621 = tpu.memref_slice %arg3[%dma_start3A_1620] : memref<1015808xf32, #tpu.memory_space<hbm>> -> memref<1015808xf32, #tpu.memory_space<hbm>>
        tpu.enqueue_indirect_dma source(%dma_start3A_1621 : memref<1015808xf32, #tpu.memory_space<hbm>>) target(%dma_start3A_1618 : memref<104xf32, #tpu.memory_space<vmem>>) offsets(%dma_start3A_1619 : memref<104xi32, #tpu.memory_space<vmem>>) semaphore(%arg29 : memref<!tpu.dma_semaphore, #tpu.memory_space<semaphore_mem>>)
        %dma_start3A_1622 = arith.constant 104 : i32
        %dma_start3A_1623 = tpu.memref_slice %arg11[%dma_start3A_1622] : memref<208xf32, #tpu.memory_space<vmem>> -> memref<104xf32, #tpu.memory_space<vmem>>
        %dma_start3A_1624 = tpu.memref_slice %arg6[%add3A_1616] : memref<26624xi32, #tpu.memory_space<vmem>> -> memref<104xi32, #tpu.memory_space<vmem>>
        %dma_start3A_1625 = arith.constant 0 : i32
        %dma_start3A_1626 = tpu.memref_slice %arg3[%dma_start3A_1625] : memref<1015808xf32, #tpu.memory_space<hbm>> -> memref<1015808xf32, #tpu.memory_space<hbm>>
        tpu.enqueue_indirect_dma source(%dma_start3A_1626 : memref<1015808xf32, #tpu.memory_space<hbm>>) target(%dma_start3A_1623 : memref<104xf32, #tpu.memory_space<vmem>>) offsets(%dma_start3A_1624 : memref<104xi32, #tpu.memory_space<vmem>>) semaphore(%arg29 : memref<!tpu.dma_semaphore, #tpu.memory_space<semaphore_mem>>)
      } else {
      }
      %mul3A_639 = arith.constant 208 : i32
      %mul3A_640 = arith.muli %add3A_629, %mul3A_639 : i32
      %mul3A_641 = arith.constant 208 : i32
      %mul3A_642 = arith.muli %add3A_629, %mul3A_641 : i32
      %add3A_643 = arith.constant 104 : i32
      %add3A_644 = arith.addi %mul3A_642, %add3A_643 : i32
      %dma_wait3A_645 = arith.constant 0 : i32
      %dma_wait3A_646 = tpu.memref_slice %arg12[%dma_wait3A_645] : memref<208xf32, #tpu.memory_space<vmem>> -> memref<104xf32, #tpu.memory_space<vmem>>
      %dma_wait3A_647 = tpu.memref_slice %arg6[%mul3A_640] : memref<26624xi32, #tpu.memory_space<vmem>> -> memref<104xi32, #tpu.memory_space<vmem>>
      %dma_wait3A_648 = arith.constant 0 : i32
      %dma_wait3A_649 = tpu.memref_slice %arg3[%dma_wait3A_648] : memref<1015808xf32, #tpu.memory_space<hbm>> -> memref<1015808xf32, #tpu.memory_space<hbm>>
      tpu.wait_indirect_dma semaphore(%arg30 : memref<!tpu.dma_semaphore, #tpu.memory_space<semaphore_mem>>) src(%dma_wait3A_649 : memref<1015808xf32, #tpu.memory_space<hbm>>) dst(%dma_wait3A_646 : memref<104xf32, #tpu.memory_space<vmem>>)
      %dma_wait3A_650 = arith.constant 104 : i32
      %dma_wait3A_651 = tpu.memref_slice %arg12[%dma_wait3A_650] : memref<208xf32, #tpu.memory_space<vmem>> -> memref<104xf32, #tpu.memory_space<vmem>>
      %dma_wait3A_652 = tpu.memref_slice %arg6[%add3A_644] : memref<26624xi32, #tpu.memory_space<vmem>> -> memref<104xi32, #tpu.memory_space<vmem>>
      %dma_wait3A_653 = arith.constant 0 : i32
      %dma_wait3A_654 = tpu.memref_slice %arg3[%dma_wait3A_653] : memref<1015808xf32, #tpu.memory_space<hbm>> -> memref<1015808xf32, #tpu.memory_space<hbm>>
      tpu.wait_indirect_dma semaphore(%arg30 : memref<!tpu.dma_semaphore, #tpu.memory_space<semaphore_mem>>) src(%dma_wait3A_654 : memref<1015808xf32, #tpu.memory_space<hbm>>) dst(%dma_wait3A_651 : memref<104xf32, #tpu.memory_space<vmem>>)
      %broadcast_in_dim3A_655 = arith.constant 0.000000e+00 : f32
      %broadcast_in_dim3A_656 = vector.broadcast %broadcast_in_dim3A_655 : f32 to vector<16xf32>
      %scan3A_657 = arith.constant 0 : i32
      %scan3A_658 = arith.constant 12 : i32
      %scan3A_659 = arith.addi %scan3A_657, %scan3A_658 : i32
      %scan3A_660 = arith.constant 4 : i32
      %scan3A_661:3 = scf.for %scan3A_1607 = %scan3A_657 to %scan3A_659 step %scan3A_660 iter_args(%scan3A_1608 = %broadcast_in_dim3A_656, %scan3A_1609 = %broadcast_in_dim3A_656, %scan3A_1610 = %broadcast_in_dim3A_656) -> (vector<16xf32>, vector<16xf32>, vector<16xf32>)  : i32 {
        %mul3A_1611 = arith.constant 16 : i32
        %mul3A_1612 = arith.muli %mul3A_1611, %scan3A_1607 : i32
        %get3A_1613 = arith.index_cast %mul3A_1612 : i32 to index
        %get3A_1614 = tpu.vector_load %arg12[%get3A_1613] {strides = array<i32>} : memref<208xf32, #tpu.memory_space<vmem>>, vector<16xf32>,
        %bitcast3A_1615 = vector.bitcast %get3A_1614 : vector<16xf32> to vector<32xbf16>
        %unpack3A_1616 = tpu.unpack_subelements %bitcast3A_1615, 0 {pack_format = #tpu.pack_format<interleaved>} : vector<32xbf16> -> vector<16xf32>
        %unpack3A_1617 = tpu.unpack_subelements %bitcast3A_1615, 1 {pack_format = #tpu.pack_format<interleaved>} : vector<32xbf16> -> vector<16xf32>
        %add3A_1618 = arith.addf %scan3A_1608, %unpack3A_1616 : vector<16xf32>
        %add3A_1619 = arith.addf %scan3A_1609, %unpack3A_1617 : vector<16xf32>
        %mul3A_1620 = arith.constant 208 : i32
        %mul3A_1621 = arith.muli %add3A_629, %mul3A_1620 : i32
        %mul3A_1622 = arith.constant 16 : i32
        %mul3A_1623 = arith.muli %mul3A_1622, %scan3A_1607 : i32
        %add3A_1624 = arith.addi %mul3A_1621, %mul3A_1623 : i32
        %get3A_1625 = arith.index_cast %add3A_1624 : i32 to index
        %get3A_1626 = tpu.vector_load %arg6[%get3A_1625] {strides = array<i32>} : memref<26624xi32, #tpu.memory_space<vmem>>, vector<16xi32>,
        %ne3A_1627 = arith.constant 0 : i32
        %ne3A_1628 = vector.broadcast %ne3A_1627 : i32 to vector<16xi32>
        %ne3A_1629 = arith.cmpi ne, %get3A_1626, %ne3A_1628 : vector<16xi32>
        %convert_element_type3A_1630 = arith.extui %ne3A_1629 : vector<16xi1> to vector<16xi32>
        %convert_element_type3A_1631 = arith.sitofp %convert_element_type3A_1630 : vector<16xi32> to vector<16xf32>
        %add3A_1632 = arith.addf %scan3A_1610, %convert_element_type3A_1631 : vector<16xf32>
        %scan3A_1633 = arith.constant 1 : i32
        %scan3A_1634 = arith.addi %scan3A_1607, %scan3A_1633 : i32
        %mul3A_1635 = arith.constant 16 : i32
        %mul3A_1636 = arith.muli %mul3A_1635, %scan3A_1634 : i32
        %get3A_1637 = arith.index_cast %mul3A_1636 : i32 to index
        %get3A_1638 = tpu.vector_load %arg12[%get3A_1637] {strides = array<i32>} : memref<208xf32, #tpu.memory_space<vmem>>, vector<16xf32>,
        %bitcast3A_1639 = vector.bitcast %get3A_1638 : vector<16xf32> to vector<32xbf16>
        %unpack3A_1640 = tpu.unpack_subelements %bitcast3A_1639, 0 {pack_format = #tpu.pack_format<interleaved>} : vector<32xbf16> -> vector<16xf32>
        %unpack3A_1641 = tpu.unpack_subelements %bitcast3A_1639, 1 {pack_format = #tpu.pack_format<interleaved>} : vector<32xbf16> -> vector<16xf32>
        %add3A_1642 = arith.addf %add3A_1618, %unpack3A_1640 : vector<16xf32>
        %add3A_1643 = arith.addf %add3A_1619, %unpack3A_1641 : vector<16xf32>
        %mul3A_1644 = arith.constant 208 : i32
        %mul3A_1645 = arith.muli %add3A_629, %mul3A_1644 : i32
        %mul3A_1646 = arith.constant 16 : i32
        %mul3A_1647 = arith.muli %mul3A_1646, %scan3A_1634 : i32
        %add3A_1648 = arith.addi %mul3A_1645, %mul3A_1647 : i32
        %get3A_1649 = arith.index_cast %add3A_1648 : i32 to index
        %get3A_1650 = tpu.vector_load %arg6[%get3A_1649] {strides = array<i32>} : memref<26624xi32, #tpu.memory_space<vmem>>, vector<16xi32>,
        %ne3A_1651 = arith.constant 0 : i32
        %ne3A_1652 = vector.broadcast %ne3A_1651 : i32 to vector<16xi32>
        %ne3A_1653 = arith.cmpi ne, %get3A_1650, %ne3A_1652 : vector<16xi32>
        %convert_element_type3A_1654 = arith.extui %ne3A_1653 : vector<16xi1> to vector<16xi32>
        %convert_element_type3A_1655 = arith.sitofp %convert_element_type3A_1654 : vector<16xi32> to vector<16xf32>
        %add3A_1656 = arith.addf %add3A_1632, %convert_element_type3A_1655 : vector<16xf32>
        %scan3A_1657 = arith.constant 2 : i32
        %scan3A_1658 = arith.addi %scan3A_1607, %scan3A_1657 : i32
        %mul3A_1659 = arith.constant 16 : i32
        %mul3A_1660 = arith.muli %mul3A_1659, %scan3A_1658 : i32
        %get3A_1661 = arith.index_cast %mul3A_1660 : i32 to index
        %get3A_1662 = tpu.vector_load %arg12[%get3A_1661] {strides = array<i32>} : memref<208xf32, #tpu.memory_space<vmem>>, vector<16xf32>,
        %bitcast3A_1663 = vector.bitcast %get3A_1662 : vector<16xf32> to vector<32xbf16>
        %unpack3A_1664 = tpu.unpack_subelements %bitcast3A_1663, 0 {pack_format = #tpu.pack_format<interleaved>} : vector<32xbf16> -> vector<16xf32>
        %unpack3A_1665 = tpu.unpack_subelements %bitcast3A_1663, 1 {pack_format = #tpu.pack_format<interleaved>} : vector<32xbf16> -> vector<16xf32>
        %add3A_1666 = arith.addf %add3A_1642, %unpack3A_1664 : vector<16xf32>
        %add3A_1667 = arith.addf %add3A_1643, %unpack3A_1665 : vector<16xf32>
        %mul3A_1668 = arith.constant 208 : i32
        %mul3A_1669 = arith.muli %add3A_629, %mul3A_1668 : i32
        %mul3A_1670 = arith.constant 16 : i32
        %mul3A_1671 = arith.muli %mul3A_1670, %scan3A_1658 : i32
        %add3A_1672 = arith.addi %mul3A_1669, %mul3A_1671 : i32
        %get3A_1673 = arith.index_cast %add3A_1672 : i32 to index
        %get3A_1674 = tpu.vector_load %arg6[%get3A_1673] {strides = array<i32>} : memref<26624xi32, #tpu.memory_space<vmem>>, vector<16xi32>,
        %ne3A_1675 = arith.constant 0 : i32
        %ne3A_1676 = vector.broadcast %ne3A_1675 : i32 to vector<16xi32>
        %ne3A_1677 = arith.cmpi ne, %get3A_1674, %ne3A_1676 : vector<16xi32>
        %convert_element_type3A_1678 = arith.extui %ne3A_1677 : vector<16xi1> to vector<16xi32>
        %convert_element_type3A_1679 = arith.sitofp %convert_element_type3A_1678 : vector<16xi32> to vector<16xf32>
        %add3A_1680 = arith.addf %add3A_1656, %convert_element_type3A_1679 : vector<16xf32>
        %scan3A_1681 = arith.constant 3 : i32
        %scan3A_1682 = arith.addi %scan3A_1607, %scan3A_1681 : i32
        %mul3A_1683 = arith.constant 16 : i32
        %mul3A_1684 = arith.muli %mul3A_1683, %scan3A_1682 : i32
        %get3A_1685 = arith.index_cast %mul3A_1684 : i32 to index
        %get3A_1686 = tpu.vector_load %arg12[%get3A_1685] {strides = array<i32>} : memref<208xf32, #tpu.memory_space<vmem>>, vector<16xf32>,
        %bitcast3A_1687 = vector.bitcast %get3A_1686 : vector<16xf32> to vector<32xbf16>
        %unpack3A_1688 = tpu.unpack_subelements %bitcast3A_1687, 0 {pack_format = #tpu.pack_format<interleaved>} : vector<32xbf16> -> vector<16xf32>
        %unpack3A_1689 = tpu.unpack_subelements %bitcast3A_1687, 1 {pack_format = #tpu.pack_format<interleaved>} : vector<32xbf16> -> vector<16xf32>
        %add3A_1690 = arith.addf %add3A_1666, %unpack3A_1688 : vector<16xf32>
        %add3A_1691 = arith.addf %add3A_1667, %unpack3A_1689 : vector<16xf32>
        %mul3A_1692 = arith.constant 208 : i32
        %mul3A_1693 = arith.muli %add3A_629, %mul3A_1692 : i32
        %mul3A_1694 = arith.constant 16 : i32
        %mul3A_1695 = arith.muli %mul3A_1694, %scan3A_1682 : i32
        %add3A_1696 = arith.addi %mul3A_1693, %mul3A_1695 : i32
        %get3A_1697 = arith.index_cast %add3A_1696 : i32 to index
        %get3A_1698 = tpu.vector_load %arg6[%get3A_1697] {strides = array<i32>} : memref<26624xi32, #tpu.memory_space<vmem>>, vector<16xi32>,
        %ne3A_1699 = arith.constant 0 : i32
        %ne3A_1700 = vector.broadcast %ne3A_1699 : i32 to vector<16xi32>
        %ne3A_1701 = arith.cmpi ne, %get3A_1698, %ne3A_1700 : vector<16xi32>
        %convert_element_type3A_1702 = arith.extui %ne3A_1701 : vector<16xi1> to vector<16xi32>
        %convert_element_type3A_1703 = arith.sitofp %convert_element_type3A_1702 : vector<16xi32> to vector<16xf32>
        %add3A_1704 = arith.addf %add3A_1680, %convert_element_type3A_1703 : vector<16xf32>
        scf.yield %add3A_1690, %add3A_1691, %add3A_1704 : vector<16xf32>, vector<16xf32>, vector<16xf32>
      }
      %scan3A_662 = arith.constant 12 : i32
      %get3A_663 = arith.constant 192 : index
      %get3A_664 = tpu.vector_load %arg12[%get3A_663] {strides = array<i32>} : memref<208xf32, #tpu.memory_space<vmem>>, vector<16xf32>,
      %bitcast3A_665 = vector.bitcast %get3A_664 : vector<16xf32> to vector<32xbf16>
      %unpack3A_666 = tpu.unpack_subelements %bitcast3A_665, 0 {pack_format = #tpu.pack_format<interleaved>} : vector<32xbf16> -> vector<16xf32>
      %unpack3A_667 = tpu.unpack_subelements %bitcast3A_665, 1 {pack_format = #tpu.pack_format<interleaved>} : vector<32xbf16> -> vector<16xf32>
      %jit3A_668 = arith.constant 0.000000e+00 : f32
      %broadcast_in_dim3A_669 = vector.broadcast %jit3A_668 : f32 to vector<16xf32>
      %select_n3A_670 = arith.select %lt3A_6, %unpack3A_666, %broadcast_in_dim3A_669 : vector<16xi1>, vector<16xf32>
      %add3A_671 = arith.addf %scan3A_661#0, %select_n3A_670 : vector<16xf32>
      %jit3A_672 = arith.constant 0.000000e+00 : f32
      %broadcast_in_dim3A_673 = vector.broadcast %jit3A_672 : f32 to vector<16xf32>
      %select_n3A_674 = arith.select %lt3A_6, %unpack3A_667, %broadcast_in_dim3A_673 : vector<16xi1>, vector<16xf32>
      %add3A_675 = arith.addf %scan3A_661#1, %select_n3A_674 : vector<16xf32>
      %mul3A_676 = arith.constant 208 : i32
      %mul3A_677 = arith.muli %add3A_629, %mul3A_676 : i32
      %add3A_678 = arith.constant 192 : i32
      %add3A_679 = arith.addi %mul3A_677, %add3A_678 : i32
      %get3A_680 = arith.index_cast %add3A_679 : i32 to index
      %get3A_681 = tpu.vector_load %arg6[%get3A_680] {strides = array<i32>} : memref<26624xi32, #tpu.memory_space<vmem>>, vector<16xi32>,
      %ne3A_682 = arith.constant 0 : i32
      %ne3A_683 = vector.broadcast %ne3A_682 : i32 to vector<16xi32>
      %ne3A_684 = arith.cmpi ne, %get3A_681, %ne3A_683 : vector<16xi32>
      %convert_element_type3A_685 = arith.extui %ne3A_684 : vector<16xi1> to vector<16xi32>
      %convert_element_type3A_686 = arith.sitofp %convert_element_type3A_685 : vector<16xi32> to vector<16xf32>
      %jit3A_687 = arith.constant 0.000000e+00 : f32
      %broadcast_in_dim3A_688 = vector.broadcast %jit3A_687 : f32 to vector<16xf32>
      %select_n3A_689 = arith.select %lt3A_6, %convert_element_type3A_686, %broadcast_in_dim3A_688 : vector<16xi1>, vector<16xf32>
      %add3A_690 = arith.addf %scan3A_661#2, %select_n3A_689 : vector<16xf32>
      %reduce_sum3A_691 = arith.constant true
      %reduce_sum3A_692 = vector.broadcast %reduce_sum3A_691 : i1 to vector<16xi1>
      %reduce_sum3A_693 = tpu.scan <sum>, %add3A_675 masked %reduce_sum3A_692 : vector<16xf32>, vector<16xi1> -> vector<16xf32>
      %reduce_sum3A_694 = vector.extract %reduce_sum3A_693[15] : f32 from vector<16xf32>
      %broadcast_in_dim3A_695 = vector.broadcast %reduce_sum3A_694 : f32 to vector<16xf32>
      %reduce_sum3A_696 = arith.constant true
      %reduce_sum3A_697 = vector.broadcast %reduce_sum3A_696 : i1 to vector<16xi1>
      %reduce_sum3A_698 = tpu.scan <sum>, %add3A_671 masked %reduce_sum3A_697 : vector<16xf32>, vector<16xi1> -> vector<16xf32>
      %reduce_sum3A_699 = vector.extract %reduce_sum3A_698[15] : f32 from vector<16xf32>
      %broadcast_in_dim3A_700 = vector.broadcast %reduce_sum3A_699 : f32 to vector<16xf32>
      %reduce_sum3A_701 = arith.constant true
      %reduce_sum3A_702 = vector.broadcast %reduce_sum3A_701 : i1 to vector<16xi1>
      %reduce_sum3A_703 = tpu.scan <sum>, %add3A_690 masked %reduce_sum3A_702 : vector<16xf32>, vector<16xi1> -> vector<16xf32>
      %reduce_sum3A_704 = vector.extract %reduce_sum3A_703[15] : f32 from vector<16xf32>
      %broadcast_in_dim3A_705 = vector.broadcast %reduce_sum3A_704 : f32 to vector<16xf32>
      %select_n3A_706 = arith.select %eq3A_9, %broadcast_in_dim3A_695, %broadcast_in_dim3A_700 : vector<16xi1>, vector<16xf32>
      %add3A_707 = arith.constant 9.99999993E-9 : f32
      %add3A_708 = vector.broadcast %add3A_707 : f32 to vector<16xf32>
      %add3A_709 = arith.addf %broadcast_in_dim3A_705, %add3A_708 : vector<16xf32>
      %div3A_710 = arith.divf %select_n3A_706, %add3A_709 : vector<16xf32>
      %get3A_711 = arith.constant 0 : index
      %get3A_712 = tpu.vector_load %arg24[%get3A_711] {strides = array<i32>} : memref<16xf32, #tpu.memory_space<vmem>>, vector<16xf32>,
      %add3A_713 = arith.addf %div3A_710, %get3A_712 : vector<16xf32>
      %swap3A_714 = arith.index_cast %add3A_629 : i32 to index
      %swap3A_715 = arith.constant 0 : index
      %swap3A_716 = tpu.vector_load %arg23[%swap3A_714, %swap3A_715] {strides = array<i32>} : memref<128x16xf32, #tpu.memory_space<vmem>>, vector<16xf32>,
      tpu.vector_store %arg23[%swap3A_714, %swap3A_715], %add3A_713 {strides = array<i32>} : memref<128x16xf32, #tpu.memory_space<vmem>>, vector<16xf32>,
      %add3A_717 = arith.constant 6 : i32
      %add3A_718 = arith.addi %mul3A_196, %add3A_717 : i32
      %add3A_719 = arith.constant 16 : i32
      %add3A_720 = arith.addi %add3A_718, %add3A_719 : i32
      %sub3A_721 = arith.constant 1 : i32
      %sub3A_722 = arith.subi %add3A_720, %sub3A_721 : i32
      %lt3A_723 = arith.constant 128 : i32
      %lt3A_724 = arith.cmpi slt, %sub3A_722, %lt3A_723 : i32
      %convert_element_type3A_725 = arith.extui %lt3A_724 : i1 to i32
      %cond3A_726 = arith.constant 0 : i32
      %cond3A_727 = arith.cmpi ne, %convert_element_type3A_725, %cond3A_726 : i32
      scf.if %cond3A_727 {
        %add3A_1607 = arith.constant 16 : i32
        %add3A_1608 = arith.addi %add3A_718, %add3A_1607 : i32
        %sub3A_1609 = arith.constant 1 : i32
        %sub3A_1610 = arith.subi %add3A_1608, %sub3A_1609 : i32
        %mul3A_1611 = arith.constant 208 : i32
        %mul3A_1612 = arith.muli %sub3A_1610, %mul3A_1611 : i32
        %mul3A_1613 = arith.constant 208 : i32
        %mul3A_1614 = arith.muli %sub3A_1610, %mul3A_1613 : i32
        %add3A_1615 = arith.constant 104 : i32
        %add3A_1616 = arith.addi %mul3A_1614, %add3A_1615 : i32
        %dma_start3A_1617 = arith.constant 0 : i32
        %dma_start3A_1618 = tpu.memref_slice %arg12[%dma_start3A_1617] : memref<208xf32, #tpu.memory_space<vmem>> -> memref<104xf32, #tpu.memory_space<vmem>>
        %dma_start3A_1619 = tpu.memref_slice %arg6[%mul3A_1612] : memref<26624xi32, #tpu.memory_space<vmem>> -> memref<104xi32, #tpu.memory_space<vmem>>
        %dma_start3A_1620 = arith.constant 0 : i32
        %dma_start3A_1621 = tpu.memref_slice %arg3[%dma_start3A_1620] : memref<1015808xf32, #tpu.memory_space<hbm>> -> memref<1015808xf32, #tpu.memory_space<hbm>>
        tpu.enqueue_indirect_dma source(%dma_start3A_1621 : memref<1015808xf32, #tpu.memory_space<hbm>>) target(%dma_start3A_1618 : memref<104xf32, #tpu.memory_space<vmem>>) offsets(%dma_start3A_1619 : memref<104xi32, #tpu.memory_space<vmem>>) semaphore(%arg30 : memref<!tpu.dma_semaphore, #tpu.memory_space<semaphore_mem>>)
        %dma_start3A_1622 = arith.constant 104 : i32
        %dma_start3A_1623 = tpu.memref_slice %arg12[%dma_start3A_1622] : memref<208xf32, #tpu.memory_space<vmem>> -> memref<104xf32, #tpu.memory_space<vmem>>
        %dma_start3A_1624 = tpu.memref_slice %arg6[%add3A_1616] : memref<26624xi32, #tpu.memory_space<vmem>> -> memref<104xi32, #tpu.memory_space<vmem>>
        %dma_start3A_1625 = arith.constant 0 : i32
        %dma_start3A_1626 = tpu.memref_slice %arg3[%dma_start3A_1625] : memref<1015808xf32, #tpu.memory_space<hbm>> -> memref<1015808xf32, #tpu.memory_space<hbm>>
        tpu.enqueue_indirect_dma source(%dma_start3A_1626 : memref<1015808xf32, #tpu.memory_space<hbm>>) target(%dma_start3A_1623 : memref<104xf32, #tpu.memory_space<vmem>>) offsets(%dma_start3A_1624 : memref<104xi32, #tpu.memory_space<vmem>>) semaphore(%arg30 : memref<!tpu.dma_semaphore, #tpu.memory_space<semaphore_mem>>)
      } else {
      }
      %mul3A_728 = arith.constant 208 : i32
      %mul3A_729 = arith.muli %add3A_718, %mul3A_728 : i32
      %mul3A_730 = arith.constant 208 : i32
      %mul3A_731 = arith.muli %add3A_718, %mul3A_730 : i32
      %add3A_732 = arith.constant 104 : i32
      %add3A_733 = arith.addi %mul3A_731, %add3A_732 : i32
      %dma_wait3A_734 = arith.constant 0 : i32
      %dma_wait3A_735 = tpu.memref_slice %arg13[%dma_wait3A_734] : memref<208xf32, #tpu.memory_space<vmem>> -> memref<104xf32, #tpu.memory_space<vmem>>
      %dma_wait3A_736 = tpu.memref_slice %arg6[%mul3A_729] : memref<26624xi32, #tpu.memory_space<vmem>> -> memref<104xi32, #tpu.memory_space<vmem>>
      %dma_wait3A_737 = arith.constant 0 : i32
      %dma_wait3A_738 = tpu.memref_slice %arg3[%dma_wait3A_737] : memref<1015808xf32, #tpu.memory_space<hbm>> -> memref<1015808xf32, #tpu.memory_space<hbm>>
      tpu.wait_indirect_dma semaphore(%arg31 : memref<!tpu.dma_semaphore, #tpu.memory_space<semaphore_mem>>) src(%dma_wait3A_738 : memref<1015808xf32, #tpu.memory_space<hbm>>) dst(%dma_wait3A_735 : memref<104xf32, #tpu.memory_space<vmem>>)
      %dma_wait3A_739 = arith.constant 104 : i32
      %dma_wait3A_740 = tpu.memref_slice %arg13[%dma_wait3A_739] : memref<208xf32, #tpu.memory_space<vmem>> -> memref<104xf32, #tpu.memory_space<vmem>>
      %dma_wait3A_741 = tpu.memref_slice %arg6[%add3A_733] : memref<26624xi32, #tpu.memory_space<vmem>> -> memref<104xi32, #tpu.memory_space<vmem>>
      %dma_wait3A_742 = arith.constant 0 : i32
      %dma_wait3A_743 = tpu.memref_slice %arg3[%dma_wait3A_742] : memref<1015808xf32, #tpu.memory_space<hbm>> -> memref<1015808xf32, #tpu.memory_space<hbm>>
      tpu.wait_indirect_dma semaphore(%arg31 : memref<!tpu.dma_semaphore, #tpu.memory_space<semaphore_mem>>) src(%dma_wait3A_743 : memref<1015808xf32, #tpu.memory_space<hbm>>) dst(%dma_wait3A_740 : memref<104xf32, #tpu.memory_space<vmem>>)
      %broadcast_in_dim3A_744 = arith.constant 0.000000e+00 : f32
      %broadcast_in_dim3A_745 = vector.broadcast %broadcast_in_dim3A_744 : f32 to vector<16xf32>
      %scan3A_746 = arith.constant 0 : i32
      %scan3A_747 = arith.constant 12 : i32
      %scan3A_748 = arith.addi %scan3A_746, %scan3A_747 : i32
      %scan3A_749 = arith.constant 4 : i32
      %scan3A_750:3 = scf.for %scan3A_1607 = %scan3A_746 to %scan3A_748 step %scan3A_749 iter_args(%scan3A_1608 = %broadcast_in_dim3A_745, %scan3A_1609 = %broadcast_in_dim3A_745, %scan3A_1610 = %broadcast_in_dim3A_745) -> (vector<16xf32>, vector<16xf32>, vector<16xf32>)  : i32 {
        %mul3A_1611 = arith.constant 16 : i32
        %mul3A_1612 = arith.muli %mul3A_1611, %scan3A_1607 : i32
        %get3A_1613 = arith.index_cast %mul3A_1612 : i32 to index
        %get3A_1614 = tpu.vector_load %arg13[%get3A_1613] {strides = array<i32>} : memref<208xf32, #tpu.memory_space<vmem>>, vector<16xf32>,
        %bitcast3A_1615 = vector.bitcast %get3A_1614 : vector<16xf32> to vector<32xbf16>
        %unpack3A_1616 = tpu.unpack_subelements %bitcast3A_1615, 0 {pack_format = #tpu.pack_format<interleaved>} : vector<32xbf16> -> vector<16xf32>
        %unpack3A_1617 = tpu.unpack_subelements %bitcast3A_1615, 1 {pack_format = #tpu.pack_format<interleaved>} : vector<32xbf16> -> vector<16xf32>
        %add3A_1618 = arith.addf %scan3A_1608, %unpack3A_1616 : vector<16xf32>
        %add3A_1619 = arith.addf %scan3A_1609, %unpack3A_1617 : vector<16xf32>
        %mul3A_1620 = arith.constant 208 : i32
        %mul3A_1621 = arith.muli %add3A_718, %mul3A_1620 : i32
        %mul3A_1622 = arith.constant 16 : i32
        %mul3A_1623 = arith.muli %mul3A_1622, %scan3A_1607 : i32
        %add3A_1624 = arith.addi %mul3A_1621, %mul3A_1623 : i32
        %get3A_1625 = arith.index_cast %add3A_1624 : i32 to index
        %get3A_1626 = tpu.vector_load %arg6[%get3A_1625] {strides = array<i32>} : memref<26624xi32, #tpu.memory_space<vmem>>, vector<16xi32>,
        %ne3A_1627 = arith.constant 0 : i32
        %ne3A_1628 = vector.broadcast %ne3A_1627 : i32 to vector<16xi32>
        %ne3A_1629 = arith.cmpi ne, %get3A_1626, %ne3A_1628 : vector<16xi32>
        %convert_element_type3A_1630 = arith.extui %ne3A_1629 : vector<16xi1> to vector<16xi32>
        %convert_element_type3A_1631 = arith.sitofp %convert_element_type3A_1630 : vector<16xi32> to vector<16xf32>
        %add3A_1632 = arith.addf %scan3A_1610, %convert_element_type3A_1631 : vector<16xf32>
        %scan3A_1633 = arith.constant 1 : i32
        %scan3A_1634 = arith.addi %scan3A_1607, %scan3A_1633 : i32
        %mul3A_1635 = arith.constant 16 : i32
        %mul3A_1636 = arith.muli %mul3A_1635, %scan3A_1634 : i32
        %get3A_1637 = arith.index_cast %mul3A_1636 : i32 to index
        %get3A_1638 = tpu.vector_load %arg13[%get3A_1637] {strides = array<i32>} : memref<208xf32, #tpu.memory_space<vmem>>, vector<16xf32>,
        %bitcast3A_1639 = vector.bitcast %get3A_1638 : vector<16xf32> to vector<32xbf16>
        %unpack3A_1640 = tpu.unpack_subelements %bitcast3A_1639, 0 {pack_format = #tpu.pack_format<interleaved>} : vector<32xbf16> -> vector<16xf32>
        %unpack3A_1641 = tpu.unpack_subelements %bitcast3A_1639, 1 {pack_format = #tpu.pack_format<interleaved>} : vector<32xbf16> -> vector<16xf32>
        %add3A_1642 = arith.addf %add3A_1618, %unpack3A_1640 : vector<16xf32>
        %add3A_1643 = arith.addf %add3A_1619, %unpack3A_1641 : vector<16xf32>
        %mul3A_1644 = arith.constant 208 : i32
        %mul3A_1645 = arith.muli %add3A_718, %mul3A_1644 : i32
        %mul3A_1646 = arith.constant 16 : i32
        %mul3A_1647 = arith.muli %mul3A_1646, %scan3A_1634 : i32
        %add3A_1648 = arith.addi %mul3A_1645, %mul3A_1647 : i32
        %get3A_1649 = arith.index_cast %add3A_1648 : i32 to index
        %get3A_1650 = tpu.vector_load %arg6[%get3A_1649] {strides = array<i32>} : memref<26624xi32, #tpu.memory_space<vmem>>, vector<16xi32>,
        %ne3A_1651 = arith.constant 0 : i32
        %ne3A_1652 = vector.broadcast %ne3A_1651 : i32 to vector<16xi32>
        %ne3A_1653 = arith.cmpi ne, %get3A_1650, %ne3A_1652 : vector<16xi32>
        %convert_element_type3A_1654 = arith.extui %ne3A_1653 : vector<16xi1> to vector<16xi32>
        %convert_element_type3A_1655 = arith.sitofp %convert_element_type3A_1654 : vector<16xi32> to vector<16xf32>
        %add3A_1656 = arith.addf %add3A_1632, %convert_element_type3A_1655 : vector<16xf32>
        %scan3A_1657 = arith.constant 2 : i32
        %scan3A_1658 = arith.addi %scan3A_1607, %scan3A_1657 : i32
        %mul3A_1659 = arith.constant 16 : i32
        %mul3A_1660 = arith.muli %mul3A_1659, %scan3A_1658 : i32
        %get3A_1661 = arith.index_cast %mul3A_1660 : i32 to index
        %get3A_1662 = tpu.vector_load %arg13[%get3A_1661] {strides = array<i32>} : memref<208xf32, #tpu.memory_space<vmem>>, vector<16xf32>,
        %bitcast3A_1663 = vector.bitcast %get3A_1662 : vector<16xf32> to vector<32xbf16>
        %unpack3A_1664 = tpu.unpack_subelements %bitcast3A_1663, 0 {pack_format = #tpu.pack_format<interleaved>} : vector<32xbf16> -> vector<16xf32>
        %unpack3A_1665 = tpu.unpack_subelements %bitcast3A_1663, 1 {pack_format = #tpu.pack_format<interleaved>} : vector<32xbf16> -> vector<16xf32>
        %add3A_1666 = arith.addf %add3A_1642, %unpack3A_1664 : vector<16xf32>
        %add3A_1667 = arith.addf %add3A_1643, %unpack3A_1665 : vector<16xf32>
        %mul3A_1668 = arith.constant 208 : i32
        %mul3A_1669 = arith.muli %add3A_718, %mul3A_1668 : i32
        %mul3A_1670 = arith.constant 16 : i32
        %mul3A_1671 = arith.muli %mul3A_1670, %scan3A_1658 : i32
        %add3A_1672 = arith.addi %mul3A_1669, %mul3A_1671 : i32
        %get3A_1673 = arith.index_cast %add3A_1672 : i32 to index
        %get3A_1674 = tpu.vector_load %arg6[%get3A_1673] {strides = array<i32>} : memref<26624xi32, #tpu.memory_space<vmem>>, vector<16xi32>,
        %ne3A_1675 = arith.constant 0 : i32
        %ne3A_1676 = vector.broadcast %ne3A_1675 : i32 to vector<16xi32>
        %ne3A_1677 = arith.cmpi ne, %get3A_1674, %ne3A_1676 : vector<16xi32>
        %convert_element_type3A_1678 = arith.extui %ne3A_1677 : vector<16xi1> to vector<16xi32>
        %convert_element_type3A_1679 = arith.sitofp %convert_element_type3A_1678 : vector<16xi32> to vector<16xf32>
        %add3A_1680 = arith.addf %add3A_1656, %convert_element_type3A_1679 : vector<16xf32>
        %scan3A_1681 = arith.constant 3 : i32
        %scan3A_1682 = arith.addi %scan3A_1607, %scan3A_1681 : i32
        %mul3A_1683 = arith.constant 16 : i32
        %mul3A_1684 = arith.muli %mul3A_1683, %scan3A_1682 : i32
        %get3A_1685 = arith.index_cast %mul3A_1684 : i32 to index
        %get3A_1686 = tpu.vector_load %arg13[%get3A_1685] {strides = array<i32>} : memref<208xf32, #tpu.memory_space<vmem>>, vector<16xf32>,
        %bitcast3A_1687 = vector.bitcast %get3A_1686 : vector<16xf32> to vector<32xbf16>
        %unpack3A_1688 = tpu.unpack_subelements %bitcast3A_1687, 0 {pack_format = #tpu.pack_format<interleaved>} : vector<32xbf16> -> vector<16xf32>
        %unpack3A_1689 = tpu.unpack_subelements %bitcast3A_1687, 1 {pack_format = #tpu.pack_format<interleaved>} : vector<32xbf16> -> vector<16xf32>
        %add3A_1690 = arith.addf %add3A_1666, %unpack3A_1688 : vector<16xf32>
        %add3A_1691 = arith.addf %add3A_1667, %unpack3A_1689 : vector<16xf32>
        %mul3A_1692 = arith.constant 208 : i32
        %mul3A_1693 = arith.muli %add3A_718, %mul3A_1692 : i32
        %mul3A_1694 = arith.constant 16 : i32
        %mul3A_1695 = arith.muli %mul3A_1694, %scan3A_1682 : i32
        %add3A_1696 = arith.addi %mul3A_1693, %mul3A_1695 : i32
        %get3A_1697 = arith.index_cast %add3A_1696 : i32 to index
        %get3A_1698 = tpu.vector_load %arg6[%get3A_1697] {strides = array<i32>} : memref<26624xi32, #tpu.memory_space<vmem>>, vector<16xi32>,
        %ne3A_1699 = arith.constant 0 : i32
        %ne3A_1700 = vector.broadcast %ne3A_1699 : i32 to vector<16xi32>
        %ne3A_1701 = arith.cmpi ne, %get3A_1698, %ne3A_1700 : vector<16xi32>
        %convert_element_type3A_1702 = arith.extui %ne3A_1701 : vector<16xi1> to vector<16xi32>
        %convert_element_type3A_1703 = arith.sitofp %convert_element_type3A_1702 : vector<16xi32> to vector<16xf32>
        %add3A_1704 = arith.addf %add3A_1680, %convert_element_type3A_1703 : vector<16xf32>
        scf.yield %add3A_1690, %add3A_1691, %add3A_1704 : vector<16xf32>, vector<16xf32>, vector<16xf32>
      }
      %scan3A_751 = arith.constant 12 : i32
      %get3A_752 = arith.constant 192 : index
      %get3A_753 = tpu.vector_load %arg13[%get3A_752] {strides = array<i32>} : memref<208xf32, #tpu.memory_space<vmem>>, vector<16xf32>,
      %bitcast3A_754 = vector.bitcast %get3A_753 : vector<16xf32> to vector<32xbf16>
      %unpack3A_755 = tpu.unpack_subelements %bitcast3A_754, 0 {pack_format = #tpu.pack_format<interleaved>} : vector<32xbf16> -> vector<16xf32>
      %unpack3A_756 = tpu.unpack_subelements %bitcast3A_754, 1 {pack_format = #tpu.pack_format<interleaved>} : vector<32xbf16> -> vector<16xf32>
      %jit3A_757 = arith.constant 0.000000e+00 : f32
      %broadcast_in_dim3A_758 = vector.broadcast %jit3A_757 : f32 to vector<16xf32>
      %select_n3A_759 = arith.select %lt3A_6, %unpack3A_755, %broadcast_in_dim3A_758 : vector<16xi1>, vector<16xf32>
      %add3A_760 = arith.addf %scan3A_750#0, %select_n3A_759 : vector<16xf32>
      %jit3A_761 = arith.constant 0.000000e+00 : f32
      %broadcast_in_dim3A_762 = vector.broadcast %jit3A_761 : f32 to vector<16xf32>
      %select_n3A_763 = arith.select %lt3A_6, %unpack3A_756, %broadcast_in_dim3A_762 : vector<16xi1>, vector<16xf32>
      %add3A_764 = arith.addf %scan3A_750#1, %select_n3A_763 : vector<16xf32>
      %mul3A_765 = arith.constant 208 : i32
      %mul3A_766 = arith.muli %add3A_718, %mul3A_765 : i32
      %add3A_767 = arith.constant 192 : i32
      %add3A_768 = arith.addi %mul3A_766, %add3A_767 : i32
      %get3A_769 = arith.index_cast %add3A_768 : i32 to index
      %get3A_770 = tpu.vector_load %arg6[%get3A_769] {strides = array<i32>} : memref<26624xi32, #tpu.memory_space<vmem>>, vector<16xi32>,
      %ne3A_771 = arith.constant 0 : i32
      %ne3A_772 = vector.broadcast %ne3A_771 : i32 to vector<16xi32>
      %ne3A_773 = arith.cmpi ne, %get3A_770, %ne3A_772 : vector<16xi32>
      %convert_element_type3A_774 = arith.extui %ne3A_773 : vector<16xi1> to vector<16xi32>
      %convert_element_type3A_775 = arith.sitofp %convert_element_type3A_774 : vector<16xi32> to vector<16xf32>
      %jit3A_776 = arith.constant 0.000000e+00 : f32
      %broadcast_in_dim3A_777 = vector.broadcast %jit3A_776 : f32 to vector<16xf32>
      %select_n3A_778 = arith.select %lt3A_6, %convert_element_type3A_775, %broadcast_in_dim3A_777 : vector<16xi1>, vector<16xf32>
      %add3A_779 = arith.addf %scan3A_750#2, %select_n3A_778 : vector<16xf32>
      %reduce_sum3A_780 = arith.constant true
      %reduce_sum3A_781 = vector.broadcast %reduce_sum3A_780 : i1 to vector<16xi1>
      %reduce_sum3A_782 = tpu.scan <sum>, %add3A_764 masked %reduce_sum3A_781 : vector<16xf32>, vector<16xi1> -> vector<16xf32>
      %reduce_sum3A_783 = vector.extract %reduce_sum3A_782[15] : f32 from vector<16xf32>
      %broadcast_in_dim3A_784 = vector.broadcast %reduce_sum3A_783 : f32 to vector<16xf32>
      %reduce_sum3A_785 = arith.constant true
      %reduce_sum3A_786 = vector.broadcast %reduce_sum3A_785 : i1 to vector<16xi1>
      %reduce_sum3A_787 = tpu.scan <sum>, %add3A_760 masked %reduce_sum3A_786 : vector<16xf32>, vector<16xi1> -> vector<16xf32>
      %reduce_sum3A_788 = vector.extract %reduce_sum3A_787[15] : f32 from vector<16xf32>
      %broadcast_in_dim3A_789 = vector.broadcast %reduce_sum3A_788 : f32 to vector<16xf32>
      %reduce_sum3A_790 = arith.constant true
      %reduce_sum3A_791 = vector.broadcast %reduce_sum3A_790 : i1 to vector<16xi1>
      %reduce_sum3A_792 = tpu.scan <sum>, %add3A_779 masked %reduce_sum3A_791 : vector<16xf32>, vector<16xi1> -> vector<16xf32>
      %reduce_sum3A_793 = vector.extract %reduce_sum3A_792[15] : f32 from vector<16xf32>
      %broadcast_in_dim3A_794 = vector.broadcast %reduce_sum3A_793 : f32 to vector<16xf32>
      %select_n3A_795 = arith.select %eq3A_9, %broadcast_in_dim3A_784, %broadcast_in_dim3A_789 : vector<16xi1>, vector<16xf32>
      %add3A_796 = arith.constant 9.99999993E-9 : f32
      %add3A_797 = vector.broadcast %add3A_796 : f32 to vector<16xf32>
      %add3A_798 = arith.addf %broadcast_in_dim3A_794, %add3A_797 : vector<16xf32>
      %div3A_799 = arith.divf %select_n3A_795, %add3A_798 : vector<16xf32>
      %get3A_800 = arith.constant 0 : index
      %get3A_801 = tpu.vector_load %arg24[%get3A_800] {strides = array<i32>} : memref<16xf32, #tpu.memory_space<vmem>>, vector<16xf32>,
      %add3A_802 = arith.addf %div3A_799, %get3A_801 : vector<16xf32>
      %swap3A_803 = arith.index_cast %add3A_718 : i32 to index
      %swap3A_804 = arith.constant 0 : index
      %swap3A_805 = tpu.vector_load %arg23[%swap3A_803, %swap3A_804] {strides = array<i32>} : memref<128x16xf32, #tpu.memory_space<vmem>>, vector<16xf32>,
      tpu.vector_store %arg23[%swap3A_803, %swap3A_804], %add3A_802 {strides = array<i32>} : memref<128x16xf32, #tpu.memory_space<vmem>>, vector<16xf32>,
      %add3A_806 = arith.constant 7 : i32
      %add3A_807 = arith.addi %mul3A_196, %add3A_806 : i32
      %add3A_808 = arith.constant 16 : i32
      %add3A_809 = arith.addi %add3A_807, %add3A_808 : i32
      %sub3A_810 = arith.constant 1 : i32
      %sub3A_811 = arith.subi %add3A_809, %sub3A_810 : i32
      %lt3A_812 = arith.constant 128 : i32
      %lt3A_813 = arith.cmpi slt, %sub3A_811, %lt3A_812 : i32
      %convert_element_type3A_814 = arith.extui %lt3A_813 : i1 to i32
      %cond3A_815 = arith.constant 0 : i32
      %cond3A_816 = arith.cmpi ne, %convert_element_type3A_814, %cond3A_815 : i32
      scf.if %cond3A_816 {
        %add3A_1607 = arith.constant 16 : i32
        %add3A_1608 = arith.addi %add3A_807, %add3A_1607 : i32
        %sub3A_1609 = arith.constant 1 : i32
        %sub3A_1610 = arith.subi %add3A_1608, %sub3A_1609 : i32
        %mul3A_1611 = arith.constant 208 : i32
        %mul3A_1612 = arith.muli %sub3A_1610, %mul3A_1611 : i32
        %mul3A_1613 = arith.constant 208 : i32
        %mul3A_1614 = arith.muli %sub3A_1610, %mul3A_1613 : i32
        %add3A_1615 = arith.constant 104 : i32
        %add3A_1616 = arith.addi %mul3A_1614, %add3A_1615 : i32
        %dma_start3A_1617 = arith.constant 0 : i32
        %dma_start3A_1618 = tpu.memref_slice %arg13[%dma_start3A_1617] : memref<208xf32, #tpu.memory_space<vmem>> -> memref<104xf32, #tpu.memory_space<vmem>>
        %dma_start3A_1619 = tpu.memref_slice %arg6[%mul3A_1612] : memref<26624xi32, #tpu.memory_space<vmem>> -> memref<104xi32, #tpu.memory_space<vmem>>
        %dma_start3A_1620 = arith.constant 0 : i32
        %dma_start3A_1621 = tpu.memref_slice %arg3[%dma_start3A_1620] : memref<1015808xf32, #tpu.memory_space<hbm>> -> memref<1015808xf32, #tpu.memory_space<hbm>>
        tpu.enqueue_indirect_dma source(%dma_start3A_1621 : memref<1015808xf32, #tpu.memory_space<hbm>>) target(%dma_start3A_1618 : memref<104xf32, #tpu.memory_space<vmem>>) offsets(%dma_start3A_1619 : memref<104xi32, #tpu.memory_space<vmem>>) semaphore(%arg31 : memref<!tpu.dma_semaphore, #tpu.memory_space<semaphore_mem>>)
        %dma_start3A_1622 = arith.constant 104 : i32
        %dma_start3A_1623 = tpu.memref_slice %arg13[%dma_start3A_1622] : memref<208xf32, #tpu.memory_space<vmem>> -> memref<104xf32, #tpu.memory_space<vmem>>
        %dma_start3A_1624 = tpu.memref_slice %arg6[%add3A_1616] : memref<26624xi32, #tpu.memory_space<vmem>> -> memref<104xi32, #tpu.memory_space<vmem>>
        %dma_start3A_1625 = arith.constant 0 : i32
        %dma_start3A_1626 = tpu.memref_slice %arg3[%dma_start3A_1625] : memref<1015808xf32, #tpu.memory_space<hbm>> -> memref<1015808xf32, #tpu.memory_space<hbm>>
        tpu.enqueue_indirect_dma source(%dma_start3A_1626 : memref<1015808xf32, #tpu.memory_space<hbm>>) target(%dma_start3A_1623 : memref<104xf32, #tpu.memory_space<vmem>>) offsets(%dma_start3A_1624 : memref<104xi32, #tpu.memory_space<vmem>>) semaphore(%arg31 : memref<!tpu.dma_semaphore, #tpu.memory_space<semaphore_mem>>)
      } else {
      }
      %mul3A_817 = arith.constant 208 : i32
      %mul3A_818 = arith.muli %add3A_807, %mul3A_817 : i32
      %mul3A_819 = arith.constant 208 : i32
      %mul3A_820 = arith.muli %add3A_807, %mul3A_819 : i32
      %add3A_821 = arith.constant 104 : i32
      %add3A_822 = arith.addi %mul3A_820, %add3A_821 : i32
      %dma_wait3A_823 = arith.constant 0 : i32
      %dma_wait3A_824 = tpu.memref_slice %arg14[%dma_wait3A_823] : memref<208xf32, #tpu.memory_space<vmem>> -> memref<104xf32, #tpu.memory_space<vmem>>
      %dma_wait3A_825 = tpu.memref_slice %arg6[%mul3A_818] : memref<26624xi32, #tpu.memory_space<vmem>> -> memref<104xi32, #tpu.memory_space<vmem>>
      %dma_wait3A_826 = arith.constant 0 : i32
      %dma_wait3A_827 = tpu.memref_slice %arg3[%dma_wait3A_826] : memref<1015808xf32, #tpu.memory_space<hbm>> -> memref<1015808xf32, #tpu.memory_space<hbm>>
      tpu.wait_indirect_dma semaphore(%arg32 : memref<!tpu.dma_semaphore, #tpu.memory_space<semaphore_mem>>) src(%dma_wait3A_827 : memref<1015808xf32, #tpu.memory_space<hbm>>) dst(%dma_wait3A_824 : memref<104xf32, #tpu.memory_space<vmem>>)
      %dma_wait3A_828 = arith.constant 104 : i32
      %dma_wait3A_829 = tpu.memref_slice %arg14[%dma_wait3A_828] : memref<208xf32, #tpu.memory_space<vmem>> -> memref<104xf32, #tpu.memory_space<vmem>>
      %dma_wait3A_830 = tpu.memref_slice %arg6[%add3A_822] : memref<26624xi32, #tpu.memory_space<vmem>> -> memref<104xi32, #tpu.memory_space<vmem>>
      %dma_wait3A_831 = arith.constant 0 : i32
      %dma_wait3A_832 = tpu.memref_slice %arg3[%dma_wait3A_831] : memref<1015808xf32, #tpu.memory_space<hbm>> -> memref<1015808xf32, #tpu.memory_space<hbm>>
      tpu.wait_indirect_dma semaphore(%arg32 : memref<!tpu.dma_semaphore, #tpu.memory_space<semaphore_mem>>) src(%dma_wait3A_832 : memref<1015808xf32, #tpu.memory_space<hbm>>) dst(%dma_wait3A_829 : memref<104xf32, #tpu.memory_space<vmem>>)
      %broadcast_in_dim3A_833 = arith.constant 0.000000e+00 : f32
      %broadcast_in_dim3A_834 = vector.broadcast %broadcast_in_dim3A_833 : f32 to vector<16xf32>
      %scan3A_835 = arith.constant 0 : i32
      %scan3A_836 = arith.constant 12 : i32
      %scan3A_837 = arith.addi %scan3A_835, %scan3A_836 : i32
      %scan3A_838 = arith.constant 4 : i32
      %scan3A_839:3 = scf.for %scan3A_1607 = %scan3A_835 to %scan3A_837 step %scan3A_838 iter_args(%scan3A_1608 = %broadcast_in_dim3A_834, %scan3A_1609 = %broadcast_in_dim3A_834, %scan3A_1610 = %broadcast_in_dim3A_834) -> (vector<16xf32>, vector<16xf32>, vector<16xf32>)  : i32 {
        %mul3A_1611 = arith.constant 16 : i32
        %mul3A_1612 = arith.muli %mul3A_1611, %scan3A_1607 : i32
        %get3A_1613 = arith.index_cast %mul3A_1612 : i32 to index
        %get3A_1614 = tpu.vector_load %arg14[%get3A_1613] {strides = array<i32>} : memref<208xf32, #tpu.memory_space<vmem>>, vector<16xf32>,
        %bitcast3A_1615 = vector.bitcast %get3A_1614 : vector<16xf32> to vector<32xbf16>
        %unpack3A_1616 = tpu.unpack_subelements %bitcast3A_1615, 0 {pack_format = #tpu.pack_format<interleaved>} : vector<32xbf16> -> vector<16xf32>
        %unpack3A_1617 = tpu.unpack_subelements %bitcast3A_1615, 1 {pack_format = #tpu.pack_format<interleaved>} : vector<32xbf16> -> vector<16xf32>
        %add3A_1618 = arith.addf %scan3A_1608, %unpack3A_1616 : vector<16xf32>
        %add3A_1619 = arith.addf %scan3A_1609, %unpack3A_1617 : vector<16xf32>
        %mul3A_1620 = arith.constant 208 : i32
        %mul3A_1621 = arith.muli %add3A_807, %mul3A_1620 : i32
        %mul3A_1622 = arith.constant 16 : i32
        %mul3A_1623 = arith.muli %mul3A_1622, %scan3A_1607 : i32
        %add3A_1624 = arith.addi %mul3A_1621, %mul3A_1623 : i32
        %get3A_1625 = arith.index_cast %add3A_1624 : i32 to index
        %get3A_1626 = tpu.vector_load %arg6[%get3A_1625] {strides = array<i32>} : memref<26624xi32, #tpu.memory_space<vmem>>, vector<16xi32>,
        %ne3A_1627 = arith.constant 0 : i32
        %ne3A_1628 = vector.broadcast %ne3A_1627 : i32 to vector<16xi32>
        %ne3A_1629 = arith.cmpi ne, %get3A_1626, %ne3A_1628 : vector<16xi32>
        %convert_element_type3A_1630 = arith.extui %ne3A_1629 : vector<16xi1> to vector<16xi32>
        %convert_element_type3A_1631 = arith.sitofp %convert_element_type3A_1630 : vector<16xi32> to vector<16xf32>
        %add3A_1632 = arith.addf %scan3A_1610, %convert_element_type3A_1631 : vector<16xf32>
        %scan3A_1633 = arith.constant 1 : i32
        %scan3A_1634 = arith.addi %scan3A_1607, %scan3A_1633 : i32
        %mul3A_1635 = arith.constant 16 : i32
        %mul3A_1636 = arith.muli %mul3A_1635, %scan3A_1634 : i32
        %get3A_1637 = arith.index_cast %mul3A_1636 : i32 to index
        %get3A_1638 = tpu.vector_load %arg14[%get3A_1637] {strides = array<i32>} : memref<208xf32, #tpu.memory_space<vmem>>, vector<16xf32>,
        %bitcast3A_1639 = vector.bitcast %get3A_1638 : vector<16xf32> to vector<32xbf16>
        %unpack3A_1640 = tpu.unpack_subelements %bitcast3A_1639, 0 {pack_format = #tpu.pack_format<interleaved>} : vector<32xbf16> -> vector<16xf32>
        %unpack3A_1641 = tpu.unpack_subelements %bitcast3A_1639, 1 {pack_format = #tpu.pack_format<interleaved>} : vector<32xbf16> -> vector<16xf32>
        %add3A_1642 = arith.addf %add3A_1618, %unpack3A_1640 : vector<16xf32>
        %add3A_1643 = arith.addf %add3A_1619, %unpack3A_1641 : vector<16xf32>
        %mul3A_1644 = arith.constant 208 : i32
        %mul3A_1645 = arith.muli %add3A_807, %mul3A_1644 : i32
        %mul3A_1646 = arith.constant 16 : i32
        %mul3A_1647 = arith.muli %mul3A_1646, %scan3A_1634 : i32
        %add3A_1648 = arith.addi %mul3A_1645, %mul3A_1647 : i32
        %get3A_1649 = arith.index_cast %add3A_1648 : i32 to index
        %get3A_1650 = tpu.vector_load %arg6[%get3A_1649] {strides = array<i32>} : memref<26624xi32, #tpu.memory_space<vmem>>, vector<16xi32>,
        %ne3A_1651 = arith.constant 0 : i32
        %ne3A_1652 = vector.broadcast %ne3A_1651 : i32 to vector<16xi32>
        %ne3A_1653 = arith.cmpi ne, %get3A_1650, %ne3A_1652 : vector<16xi32>
        %convert_element_type3A_1654 = arith.extui %ne3A_1653 : vector<16xi1> to vector<16xi32>
        %convert_element_type3A_1655 = arith.sitofp %convert_element_type3A_1654 : vector<16xi32> to vector<16xf32>
        %add3A_1656 = arith.addf %add3A_1632, %convert_element_type3A_1655 : vector<16xf32>
        %scan3A_1657 = arith.constant 2 : i32
        %scan3A_1658 = arith.addi %scan3A_1607, %scan3A_1657 : i32
        %mul3A_1659 = arith.constant 16 : i32
        %mul3A_1660 = arith.muli %mul3A_1659, %scan3A_1658 : i32
        %get3A_1661 = arith.index_cast %mul3A_1660 : i32 to index
        %get3A_1662 = tpu.vector_load %arg14[%get3A_1661] {strides = array<i32>} : memref<208xf32, #tpu.memory_space<vmem>>, vector<16xf32>,
        %bitcast3A_1663 = vector.bitcast %get3A_1662 : vector<16xf32> to vector<32xbf16>
        %unpack3A_1664 = tpu.unpack_subelements %bitcast3A_1663, 0 {pack_format = #tpu.pack_format<interleaved>} : vector<32xbf16> -> vector<16xf32>
        %unpack3A_1665 = tpu.unpack_subelements %bitcast3A_1663, 1 {pack_format = #tpu.pack_format<interleaved>} : vector<32xbf16> -> vector<16xf32>
        %add3A_1666 = arith.addf %add3A_1642, %unpack3A_1664 : vector<16xf32>
        %add3A_1667 = arith.addf %add3A_1643, %unpack3A_1665 : vector<16xf32>
        %mul3A_1668 = arith.constant 208 : i32
        %mul3A_1669 = arith.muli %add3A_807, %mul3A_1668 : i32
        %mul3A_1670 = arith.constant 16 : i32
        %mul3A_1671 = arith.muli %mul3A_1670, %scan3A_1658 : i32
        %add3A_1672 = arith.addi %mul3A_1669, %mul3A_1671 : i32
        %get3A_1673 = arith.index_cast %add3A_1672 : i32 to index
        %get3A_1674 = tpu.vector_load %arg6[%get3A_1673] {strides = array<i32>} : memref<26624xi32, #tpu.memory_space<vmem>>, vector<16xi32>,
        %ne3A_1675 = arith.constant 0 : i32
        %ne3A_1676 = vector.broadcast %ne3A_1675 : i32 to vector<16xi32>
        %ne3A_1677 = arith.cmpi ne, %get3A_1674, %ne3A_1676 : vector<16xi32>
        %convert_element_type3A_1678 = arith.extui %ne3A_1677 : vector<16xi1> to vector<16xi32>
        %convert_element_type3A_1679 = arith.sitofp %convert_element_type3A_1678 : vector<16xi32> to vector<16xf32>
        %add3A_1680 = arith.addf %add3A_1656, %convert_element_type3A_1679 : vector<16xf32>
        %scan3A_1681 = arith.constant 3 : i32
        %scan3A_1682 = arith.addi %scan3A_1607, %scan3A_1681 : i32
        %mul3A_1683 = arith.constant 16 : i32
        %mul3A_1684 = arith.muli %mul3A_1683, %scan3A_1682 : i32
        %get3A_1685 = arith.index_cast %mul3A_1684 : i32 to index
        %get3A_1686 = tpu.vector_load %arg14[%get3A_1685] {strides = array<i32>} : memref<208xf32, #tpu.memory_space<vmem>>, vector<16xf32>,
        %bitcast3A_1687 = vector.bitcast %get3A_1686 : vector<16xf32> to vector<32xbf16>
        %unpack3A_1688 = tpu.unpack_subelements %bitcast3A_1687, 0 {pack_format = #tpu.pack_format<interleaved>} : vector<32xbf16> -> vector<16xf32>
        %unpack3A_1689 = tpu.unpack_subelements %bitcast3A_1687, 1 {pack_format = #tpu.pack_format<interleaved>} : vector<32xbf16> -> vector<16xf32>
        %add3A_1690 = arith.addf %add3A_1666, %unpack3A_1688 : vector<16xf32>
        %add3A_1691 = arith.addf %add3A_1667, %unpack3A_1689 : vector<16xf32>
        %mul3A_1692 = arith.constant 208 : i32
        %mul3A_1693 = arith.muli %add3A_807, %mul3A_1692 : i32
        %mul3A_1694 = arith.constant 16 : i32
        %mul3A_1695 = arith.muli %mul3A_1694, %scan3A_1682 : i32
        %add3A_1696 = arith.addi %mul3A_1693, %mul3A_1695 : i32
        %get3A_1697 = arith.index_cast %add3A_1696 : i32 to index
        %get3A_1698 = tpu.vector_load %arg6[%get3A_1697] {strides = array<i32>} : memref<26624xi32, #tpu.memory_space<vmem>>, vector<16xi32>,
        %ne3A_1699 = arith.constant 0 : i32
        %ne3A_1700 = vector.broadcast %ne3A_1699 : i32 to vector<16xi32>
        %ne3A_1701 = arith.cmpi ne, %get3A_1698, %ne3A_1700 : vector<16xi32>
        %convert_element_type3A_1702 = arith.extui %ne3A_1701 : vector<16xi1> to vector<16xi32>
        %convert_element_type3A_1703 = arith.sitofp %convert_element_type3A_1702 : vector<16xi32> to vector<16xf32>
        %add3A_1704 = arith.addf %add3A_1680, %convert_element_type3A_1703 : vector<16xf32>
        scf.yield %add3A_1690, %add3A_1691, %add3A_1704 : vector<16xf32>, vector<16xf32>, vector<16xf32>
      }
      %scan3A_840 = arith.constant 12 : i32
      %get3A_841 = arith.constant 192 : index
      %get3A_842 = tpu.vector_load %arg14[%get3A_841] {strides = array<i32>} : memref<208xf32, #tpu.memory_space<vmem>>, vector<16xf32>,
      %bitcast3A_843 = vector.bitcast %get3A_842 : vector<16xf32> to vector<32xbf16>
      %unpack3A_844 = tpu.unpack_subelements %bitcast3A_843, 0 {pack_format = #tpu.pack_format<interleaved>} : vector<32xbf16> -> vector<16xf32>
      %unpack3A_845 = tpu.unpack_subelements %bitcast3A_843, 1 {pack_format = #tpu.pack_format<interleaved>} : vector<32xbf16> -> vector<16xf32>
      %jit3A_846 = arith.constant 0.000000e+00 : f32
      %broadcast_in_dim3A_847 = vector.broadcast %jit3A_846 : f32 to vector<16xf32>
      %select_n3A_848 = arith.select %lt3A_6, %unpack3A_844, %broadcast_in_dim3A_847 : vector<16xi1>, vector<16xf32>
      %add3A_849 = arith.addf %scan3A_839#0, %select_n3A_848 : vector<16xf32>
      %jit3A_850 = arith.constant 0.000000e+00 : f32
      %broadcast_in_dim3A_851 = vector.broadcast %jit3A_850 : f32 to vector<16xf32>
      %select_n3A_852 = arith.select %lt3A_6, %unpack3A_845, %broadcast_in_dim3A_851 : vector<16xi1>, vector<16xf32>
      %add3A_853 = arith.addf %scan3A_839#1, %select_n3A_852 : vector<16xf32>
      %mul3A_854 = arith.constant 208 : i32
      %mul3A_855 = arith.muli %add3A_807, %mul3A_854 : i32
      %add3A_856 = arith.constant 192 : i32
      %add3A_857 = arith.addi %mul3A_855, %add3A_856 : i32
      %get3A_858 = arith.index_cast %add3A_857 : i32 to index
      %get3A_859 = tpu.vector_load %arg6[%get3A_858] {strides = array<i32>} : memref<26624xi32, #tpu.memory_space<vmem>>, vector<16xi32>,
      %ne3A_860 = arith.constant 0 : i32
      %ne3A_861 = vector.broadcast %ne3A_860 : i32 to vector<16xi32>
      %ne3A_862 = arith.cmpi ne, %get3A_859, %ne3A_861 : vector<16xi32>
      %convert_element_type3A_863 = arith.extui %ne3A_862 : vector<16xi1> to vector<16xi32>
      %convert_element_type3A_864 = arith.sitofp %convert_element_type3A_863 : vector<16xi32> to vector<16xf32>
      %jit3A_865 = arith.constant 0.000000e+00 : f32
      %broadcast_in_dim3A_866 = vector.broadcast %jit3A_865 : f32 to vector<16xf32>
      %select_n3A_867 = arith.select %lt3A_6, %convert_element_type3A_864, %broadcast_in_dim3A_866 : vector<16xi1>, vector<16xf32>
      %add3A_868 = arith.addf %scan3A_839#2, %select_n3A_867 : vector<16xf32>
      %reduce_sum3A_869 = arith.constant true
      %reduce_sum3A_870 = vector.broadcast %reduce_sum3A_869 : i1 to vector<16xi1>
      %reduce_sum3A_871 = tpu.scan <sum>, %add3A_853 masked %reduce_sum3A_870 : vector<16xf32>, vector<16xi1> -> vector<16xf32>
      %reduce_sum3A_872 = vector.extract %reduce_sum3A_871[15] : f32 from vector<16xf32>
      %broadcast_in_dim3A_873 = vector.broadcast %reduce_sum3A_872 : f32 to vector<16xf32>
      %reduce_sum3A_874 = arith.constant true
      %reduce_sum3A_875 = vector.broadcast %reduce_sum3A_874 : i1 to vector<16xi1>
      %reduce_sum3A_876 = tpu.scan <sum>, %add3A_849 masked %reduce_sum3A_875 : vector<16xf32>, vector<16xi1> -> vector<16xf32>
      %reduce_sum3A_877 = vector.extract %reduce_sum3A_876[15] : f32 from vector<16xf32>
      %broadcast_in_dim3A_878 = vector.broadcast %reduce_sum3A_877 : f32 to vector<16xf32>
      %reduce_sum3A_879 = arith.constant true
      %reduce_sum3A_880 = vector.broadcast %reduce_sum3A_879 : i1 to vector<16xi1>
      %reduce_sum3A_881 = tpu.scan <sum>, %add3A_868 masked %reduce_sum3A_880 : vector<16xf32>, vector<16xi1> -> vector<16xf32>
      %reduce_sum3A_882 = vector.extract %reduce_sum3A_881[15] : f32 from vector<16xf32>
      %broadcast_in_dim3A_883 = vector.broadcast %reduce_sum3A_882 : f32 to vector<16xf32>
      %select_n3A_884 = arith.select %eq3A_9, %broadcast_in_dim3A_873, %broadcast_in_dim3A_878 : vector<16xi1>, vector<16xf32>
      %add3A_885 = arith.constant 9.99999993E-9 : f32
      %add3A_886 = vector.broadcast %add3A_885 : f32 to vector<16xf32>
      %add3A_887 = arith.addf %broadcast_in_dim3A_883, %add3A_886 : vector<16xf32>
      %div3A_888 = arith.divf %select_n3A_884, %add3A_887 : vector<16xf32>
      %get3A_889 = arith.constant 0 : index
      %get3A_890 = tpu.vector_load %arg24[%get3A_889] {strides = array<i32>} : memref<16xf32, #tpu.memory_space<vmem>>, vector<16xf32>,
      %add3A_891 = arith.addf %div3A_888, %get3A_890 : vector<16xf32>
      %swap3A_892 = arith.index_cast %add3A_807 : i32 to index
      %swap3A_893 = arith.constant 0 : index
      %swap3A_894 = tpu.vector_load %arg23[%swap3A_892, %swap3A_893] {strides = array<i32>} : memref<128x16xf32, #tpu.memory_space<vmem>>, vector<16xf32>,
      tpu.vector_store %arg23[%swap3A_892, %swap3A_893], %add3A_891 {strides = array<i32>} : memref<128x16xf32, #tpu.memory_space<vmem>>, vector<16xf32>,
      %add3A_895 = arith.constant 8 : i32
      %add3A_896 = arith.addi %mul3A_196, %add3A_895 : i32
      %add3A_897 = arith.constant 16 : i32
      %add3A_898 = arith.addi %add3A_896, %add3A_897 : i32
      %sub3A_899 = arith.constant 1 : i32
      %sub3A_900 = arith.subi %add3A_898, %sub3A_899 : i32
      %lt3A_901 = arith.constant 128 : i32
      %lt3A_902 = arith.cmpi slt, %sub3A_900, %lt3A_901 : i32
      %convert_element_type3A_903 = arith.extui %lt3A_902 : i1 to i32
      %cond3A_904 = arith.constant 0 : i32
      %cond3A_905 = arith.cmpi ne, %convert_element_type3A_903, %cond3A_904 : i32
      scf.if %cond3A_905 {
        %add3A_1607 = arith.constant 16 : i32
        %add3A_1608 = arith.addi %add3A_896, %add3A_1607 : i32
        %sub3A_1609 = arith.constant 1 : i32
        %sub3A_1610 = arith.subi %add3A_1608, %sub3A_1609 : i32
        %mul3A_1611 = arith.constant 208 : i32
        %mul3A_1612 = arith.muli %sub3A_1610, %mul3A_1611 : i32
        %mul3A_1613 = arith.constant 208 : i32
        %mul3A_1614 = arith.muli %sub3A_1610, %mul3A_1613 : i32
        %add3A_1615 = arith.constant 104 : i32
        %add3A_1616 = arith.addi %mul3A_1614, %add3A_1615 : i32
        %dma_start3A_1617 = arith.constant 0 : i32
        %dma_start3A_1618 = tpu.memref_slice %arg14[%dma_start3A_1617] : memref<208xf32, #tpu.memory_space<vmem>> -> memref<104xf32, #tpu.memory_space<vmem>>
        %dma_start3A_1619 = tpu.memref_slice %arg6[%mul3A_1612] : memref<26624xi32, #tpu.memory_space<vmem>> -> memref<104xi32, #tpu.memory_space<vmem>>
        %dma_start3A_1620 = arith.constant 0 : i32
        %dma_start3A_1621 = tpu.memref_slice %arg3[%dma_start3A_1620] : memref<1015808xf32, #tpu.memory_space<hbm>> -> memref<1015808xf32, #tpu.memory_space<hbm>>
        tpu.enqueue_indirect_dma source(%dma_start3A_1621 : memref<1015808xf32, #tpu.memory_space<hbm>>) target(%dma_start3A_1618 : memref<104xf32, #tpu.memory_space<vmem>>) offsets(%dma_start3A_1619 : memref<104xi32, #tpu.memory_space<vmem>>) semaphore(%arg32 : memref<!tpu.dma_semaphore, #tpu.memory_space<semaphore_mem>>)
        %dma_start3A_1622 = arith.constant 104 : i32
        %dma_start3A_1623 = tpu.memref_slice %arg14[%dma_start3A_1622] : memref<208xf32, #tpu.memory_space<vmem>> -> memref<104xf32, #tpu.memory_space<vmem>>
        %dma_start3A_1624 = tpu.memref_slice %arg6[%add3A_1616] : memref<26624xi32, #tpu.memory_space<vmem>> -> memref<104xi32, #tpu.memory_space<vmem>>
        %dma_start3A_1625 = arith.constant 0 : i32
        %dma_start3A_1626 = tpu.memref_slice %arg3[%dma_start3A_1625] : memref<1015808xf32, #tpu.memory_space<hbm>> -> memref<1015808xf32, #tpu.memory_space<hbm>>
        tpu.enqueue_indirect_dma source(%dma_start3A_1626 : memref<1015808xf32, #tpu.memory_space<hbm>>) target(%dma_start3A_1623 : memref<104xf32, #tpu.memory_space<vmem>>) offsets(%dma_start3A_1624 : memref<104xi32, #tpu.memory_space<vmem>>) semaphore(%arg32 : memref<!tpu.dma_semaphore, #tpu.memory_space<semaphore_mem>>)
      } else {
      }
      %mul3A_906 = arith.constant 208 : i32
      %mul3A_907 = arith.muli %add3A_896, %mul3A_906 : i32
      %mul3A_908 = arith.constant 208 : i32
      %mul3A_909 = arith.muli %add3A_896, %mul3A_908 : i32
      %add3A_910 = arith.constant 104 : i32
      %add3A_911 = arith.addi %mul3A_909, %add3A_910 : i32
      %dma_wait3A_912 = arith.constant 0 : i32
      %dma_wait3A_913 = tpu.memref_slice %arg15[%dma_wait3A_912] : memref<208xf32, #tpu.memory_space<vmem>> -> memref<104xf32, #tpu.memory_space<vmem>>
      %dma_wait3A_914 = tpu.memref_slice %arg6[%mul3A_907] : memref<26624xi32, #tpu.memory_space<vmem>> -> memref<104xi32, #tpu.memory_space<vmem>>
      %dma_wait3A_915 = arith.constant 0 : i32
      %dma_wait3A_916 = tpu.memref_slice %arg3[%dma_wait3A_915] : memref<1015808xf32, #tpu.memory_space<hbm>> -> memref<1015808xf32, #tpu.memory_space<hbm>>
      tpu.wait_indirect_dma semaphore(%arg33 : memref<!tpu.dma_semaphore, #tpu.memory_space<semaphore_mem>>) src(%dma_wait3A_916 : memref<1015808xf32, #tpu.memory_space<hbm>>) dst(%dma_wait3A_913 : memref<104xf32, #tpu.memory_space<vmem>>)
      %dma_wait3A_917 = arith.constant 104 : i32
      %dma_wait3A_918 = tpu.memref_slice %arg15[%dma_wait3A_917] : memref<208xf32, #tpu.memory_space<vmem>> -> memref<104xf32, #tpu.memory_space<vmem>>
      %dma_wait3A_919 = tpu.memref_slice %arg6[%add3A_911] : memref<26624xi32, #tpu.memory_space<vmem>> -> memref<104xi32, #tpu.memory_space<vmem>>
      %dma_wait3A_920 = arith.constant 0 : i32
      %dma_wait3A_921 = tpu.memref_slice %arg3[%dma_wait3A_920] : memref<1015808xf32, #tpu.memory_space<hbm>> -> memref<1015808xf32, #tpu.memory_space<hbm>>
      tpu.wait_indirect_dma semaphore(%arg33 : memref<!tpu.dma_semaphore, #tpu.memory_space<semaphore_mem>>) src(%dma_wait3A_921 : memref<1015808xf32, #tpu.memory_space<hbm>>) dst(%dma_wait3A_918 : memref<104xf32, #tpu.memory_space<vmem>>)
      %broadcast_in_dim3A_922 = arith.constant 0.000000e+00 : f32
      %broadcast_in_dim3A_923 = vector.broadcast %broadcast_in_dim3A_922 : f32 to vector<16xf32>
      %scan3A_924 = arith.constant 0 : i32
      %scan3A_925 = arith.constant 12 : i32
      %scan3A_926 = arith.addi %scan3A_924, %scan3A_925 : i32
      %scan3A_927 = arith.constant 4 : i32
      %scan3A_928:3 = scf.for %scan3A_1607 = %scan3A_924 to %scan3A_926 step %scan3A_927 iter_args(%scan3A_1608 = %broadcast_in_dim3A_923, %scan3A_1609 = %broadcast_in_dim3A_923, %scan3A_1610 = %broadcast_in_dim3A_923) -> (vector<16xf32>, vector<16xf32>, vector<16xf32>)  : i32 {
        %mul3A_1611 = arith.constant 16 : i32
        %mul3A_1612 = arith.muli %mul3A_1611, %scan3A_1607 : i32
        %get3A_1613 = arith.index_cast %mul3A_1612 : i32 to index
        %get3A_1614 = tpu.vector_load %arg15[%get3A_1613] {strides = array<i32>} : memref<208xf32, #tpu.memory_space<vmem>>, vector<16xf32>,
        %bitcast3A_1615 = vector.bitcast %get3A_1614 : vector<16xf32> to vector<32xbf16>
        %unpack3A_1616 = tpu.unpack_subelements %bitcast3A_1615, 0 {pack_format = #tpu.pack_format<interleaved>} : vector<32xbf16> -> vector<16xf32>
        %unpack3A_1617 = tpu.unpack_subelements %bitcast3A_1615, 1 {pack_format = #tpu.pack_format<interleaved>} : vector<32xbf16> -> vector<16xf32>
        %add3A_1618 = arith.addf %scan3A_1608, %unpack3A_1616 : vector<16xf32>
        %add3A_1619 = arith.addf %scan3A_1609, %unpack3A_1617 : vector<16xf32>
        %mul3A_1620 = arith.constant 208 : i32
        %mul3A_1621 = arith.muli %add3A_896, %mul3A_1620 : i32
        %mul3A_1622 = arith.constant 16 : i32
        %mul3A_1623 = arith.muli %mul3A_1622, %scan3A_1607 : i32
        %add3A_1624 = arith.addi %mul3A_1621, %mul3A_1623 : i32
        %get3A_1625 = arith.index_cast %add3A_1624 : i32 to index
        %get3A_1626 = tpu.vector_load %arg6[%get3A_1625] {strides = array<i32>} : memref<26624xi32, #tpu.memory_space<vmem>>, vector<16xi32>,
        %ne3A_1627 = arith.constant 0 : i32
        %ne3A_1628 = vector.broadcast %ne3A_1627 : i32 to vector<16xi32>
        %ne3A_1629 = arith.cmpi ne, %get3A_1626, %ne3A_1628 : vector<16xi32>
        %convert_element_type3A_1630 = arith.extui %ne3A_1629 : vector<16xi1> to vector<16xi32>
        %convert_element_type3A_1631 = arith.sitofp %convert_element_type3A_1630 : vector<16xi32> to vector<16xf32>
        %add3A_1632 = arith.addf %scan3A_1610, %convert_element_type3A_1631 : vector<16xf32>
        %scan3A_1633 = arith.constant 1 : i32
        %scan3A_1634 = arith.addi %scan3A_1607, %scan3A_1633 : i32
        %mul3A_1635 = arith.constant 16 : i32
        %mul3A_1636 = arith.muli %mul3A_1635, %scan3A_1634 : i32
        %get3A_1637 = arith.index_cast %mul3A_1636 : i32 to index
        %get3A_1638 = tpu.vector_load %arg15[%get3A_1637] {strides = array<i32>} : memref<208xf32, #tpu.memory_space<vmem>>, vector<16xf32>,
        %bitcast3A_1639 = vector.bitcast %get3A_1638 : vector<16xf32> to vector<32xbf16>
        %unpack3A_1640 = tpu.unpack_subelements %bitcast3A_1639, 0 {pack_format = #tpu.pack_format<interleaved>} : vector<32xbf16> -> vector<16xf32>
        %unpack3A_1641 = tpu.unpack_subelements %bitcast3A_1639, 1 {pack_format = #tpu.pack_format<interleaved>} : vector<32xbf16> -> vector<16xf32>
        %add3A_1642 = arith.addf %add3A_1618, %unpack3A_1640 : vector<16xf32>
        %add3A_1643 = arith.addf %add3A_1619, %unpack3A_1641 : vector<16xf32>
        %mul3A_1644 = arith.constant 208 : i32
        %mul3A_1645 = arith.muli %add3A_896, %mul3A_1644 : i32
        %mul3A_1646 = arith.constant 16 : i32
        %mul3A_1647 = arith.muli %mul3A_1646, %scan3A_1634 : i32
        %add3A_1648 = arith.addi %mul3A_1645, %mul3A_1647 : i32
        %get3A_1649 = arith.index_cast %add3A_1648 : i32 to index
        %get3A_1650 = tpu.vector_load %arg6[%get3A_1649] {strides = array<i32>} : memref<26624xi32, #tpu.memory_space<vmem>>, vector<16xi32>,
        %ne3A_1651 = arith.constant 0 : i32
        %ne3A_1652 = vector.broadcast %ne3A_1651 : i32 to vector<16xi32>
        %ne3A_1653 = arith.cmpi ne, %get3A_1650, %ne3A_1652 : vector<16xi32>
        %convert_element_type3A_1654 = arith.extui %ne3A_1653 : vector<16xi1> to vector<16xi32>
        %convert_element_type3A_1655 = arith.sitofp %convert_element_type3A_1654 : vector<16xi32> to vector<16xf32>
        %add3A_1656 = arith.addf %add3A_1632, %convert_element_type3A_1655 : vector<16xf32>
        %scan3A_1657 = arith.constant 2 : i32
        %scan3A_1658 = arith.addi %scan3A_1607, %scan3A_1657 : i32
        %mul3A_1659 = arith.constant 16 : i32
        %mul3A_1660 = arith.muli %mul3A_1659, %scan3A_1658 : i32
        %get3A_1661 = arith.index_cast %mul3A_1660 : i32 to index
        %get3A_1662 = tpu.vector_load %arg15[%get3A_1661] {strides = array<i32>} : memref<208xf32, #tpu.memory_space<vmem>>, vector<16xf32>,
        %bitcast3A_1663 = vector.bitcast %get3A_1662 : vector<16xf32> to vector<32xbf16>
        %unpack3A_1664 = tpu.unpack_subelements %bitcast3A_1663, 0 {pack_format = #tpu.pack_format<interleaved>} : vector<32xbf16> -> vector<16xf32>
        %unpack3A_1665 = tpu.unpack_subelements %bitcast3A_1663, 1 {pack_format = #tpu.pack_format<interleaved>} : vector<32xbf16> -> vector<16xf32>
        %add3A_1666 = arith.addf %add3A_1642, %unpack3A_1664 : vector<16xf32>
        %add3A_1667 = arith.addf %add3A_1643, %unpack3A_1665 : vector<16xf32>
        %mul3A_1668 = arith.constant 208 : i32
        %mul3A_1669 = arith.muli %add3A_896, %mul3A_1668 : i32
        %mul3A_1670 = arith.constant 16 : i32
        %mul3A_1671 = arith.muli %mul3A_1670, %scan3A_1658 : i32
        %add3A_1672 = arith.addi %mul3A_1669, %mul3A_1671 : i32
        %get3A_1673 = arith.index_cast %add3A_1672 : i32 to index
        %get3A_1674 = tpu.vector_load %arg6[%get3A_1673] {strides = array<i32>} : memref<26624xi32, #tpu.memory_space<vmem>>, vector<16xi32>,
        %ne3A_1675 = arith.constant 0 : i32
        %ne3A_1676 = vector.broadcast %ne3A_1675 : i32 to vector<16xi32>
        %ne3A_1677 = arith.cmpi ne, %get3A_1674, %ne3A_1676 : vector<16xi32>
        %convert_element_type3A_1678 = arith.extui %ne3A_1677 : vector<16xi1> to vector<16xi32>
        %convert_element_type3A_1679 = arith.sitofp %convert_element_type3A_1678 : vector<16xi32> to vector<16xf32>
        %add3A_1680 = arith.addf %add3A_1656, %convert_element_type3A_1679 : vector<16xf32>
        %scan3A_1681 = arith.constant 3 : i32
        %scan3A_1682 = arith.addi %scan3A_1607, %scan3A_1681 : i32
        %mul3A_1683 = arith.constant 16 : i32
        %mul3A_1684 = arith.muli %mul3A_1683, %scan3A_1682 : i32
        %get3A_1685 = arith.index_cast %mul3A_1684 : i32 to index
        %get3A_1686 = tpu.vector_load %arg15[%get3A_1685] {strides = array<i32>} : memref<208xf32, #tpu.memory_space<vmem>>, vector<16xf32>,
        %bitcast3A_1687 = vector.bitcast %get3A_1686 : vector<16xf32> to vector<32xbf16>
        %unpack3A_1688 = tpu.unpack_subelements %bitcast3A_1687, 0 {pack_format = #tpu.pack_format<interleaved>} : vector<32xbf16> -> vector<16xf32>
        %unpack3A_1689 = tpu.unpack_subelements %bitcast3A_1687, 1 {pack_format = #tpu.pack_format<interleaved>} : vector<32xbf16> -> vector<16xf32>
        %add3A_1690 = arith.addf %add3A_1666, %unpack3A_1688 : vector<16xf32>
        %add3A_1691 = arith.addf %add3A_1667, %unpack3A_1689 : vector<16xf32>
        %mul3A_1692 = arith.constant 208 : i32
        %mul3A_1693 = arith.muli %add3A_896, %mul3A_1692 : i32
        %mul3A_1694 = arith.constant 16 : i32
        %mul3A_1695 = arith.muli %mul3A_1694, %scan3A_1682 : i32
        %add3A_1696 = arith.addi %mul3A_1693, %mul3A_1695 : i32
        %get3A_1697 = arith.index_cast %add3A_1696 : i32 to index
        %get3A_1698 = tpu.vector_load %arg6[%get3A_1697] {strides = array<i32>} : memref<26624xi32, #tpu.memory_space<vmem>>, vector<16xi32>,
        %ne3A_1699 = arith.constant 0 : i32
        %ne3A_1700 = vector.broadcast %ne3A_1699 : i32 to vector<16xi32>
        %ne3A_1701 = arith.cmpi ne, %get3A_1698, %ne3A_1700 : vector<16xi32>
        %convert_element_type3A_1702 = arith.extui %ne3A_1701 : vector<16xi1> to vector<16xi32>
        %convert_element_type3A_1703 = arith.sitofp %convert_element_type3A_1702 : vector<16xi32> to vector<16xf32>
        %add3A_1704 = arith.addf %add3A_1680, %convert_element_type3A_1703 : vector<16xf32>
        scf.yield %add3A_1690, %add3A_1691, %add3A_1704 : vector<16xf32>, vector<16xf32>, vector<16xf32>
      }
      %scan3A_929 = arith.constant 12 : i32
      %get3A_930 = arith.constant 192 : index
      %get3A_931 = tpu.vector_load %arg15[%get3A_930] {strides = array<i32>} : memref<208xf32, #tpu.memory_space<vmem>>, vector<16xf32>,
      %bitcast3A_932 = vector.bitcast %get3A_931 : vector<16xf32> to vector<32xbf16>
      %unpack3A_933 = tpu.unpack_subelements %bitcast3A_932, 0 {pack_format = #tpu.pack_format<interleaved>} : vector<32xbf16> -> vector<16xf32>
      %unpack3A_934 = tpu.unpack_subelements %bitcast3A_932, 1 {pack_format = #tpu.pack_format<interleaved>} : vector<32xbf16> -> vector<16xf32>
      %jit3A_935 = arith.constant 0.000000e+00 : f32
      %broadcast_in_dim3A_936 = vector.broadcast %jit3A_935 : f32 to vector<16xf32>
      %select_n3A_937 = arith.select %lt3A_6, %unpack3A_933, %broadcast_in_dim3A_936 : vector<16xi1>, vector<16xf32>
      %add3A_938 = arith.addf %scan3A_928#0, %select_n3A_937 : vector<16xf32>
      %jit3A_939 = arith.constant 0.000000e+00 : f32
      %broadcast_in_dim3A_940 = vector.broadcast %jit3A_939 : f32 to vector<16xf32>
      %select_n3A_941 = arith.select %lt3A_6, %unpack3A_934, %broadcast_in_dim3A_940 : vector<16xi1>, vector<16xf32>
      %add3A_942 = arith.addf %scan3A_928#1, %select_n3A_941 : vector<16xf32>
      %mul3A_943 = arith.constant 208 : i32
      %mul3A_944 = arith.muli %add3A_896, %mul3A_943 : i32
      %add3A_945 = arith.constant 192 : i32
      %add3A_946 = arith.addi %mul3A_944, %add3A_945 : i32
      %get3A_947 = arith.index_cast %add3A_946 : i32 to index
      %get3A_948 = tpu.vector_load %arg6[%get3A_947] {strides = array<i32>} : memref<26624xi32, #tpu.memory_space<vmem>>, vector<16xi32>,
      %ne3A_949 = arith.constant 0 : i32
      %ne3A_950 = vector.broadcast %ne3A_949 : i32 to vector<16xi32>
      %ne3A_951 = arith.cmpi ne, %get3A_948, %ne3A_950 : vector<16xi32>
      %convert_element_type3A_952 = arith.extui %ne3A_951 : vector<16xi1> to vector<16xi32>
      %convert_element_type3A_953 = arith.sitofp %convert_element_type3A_952 : vector<16xi32> to vector<16xf32>
      %jit3A_954 = arith.constant 0.000000e+00 : f32
      %broadcast_in_dim3A_955 = vector.broadcast %jit3A_954 : f32 to vector<16xf32>
      %select_n3A_956 = arith.select %lt3A_6, %convert_element_type3A_953, %broadcast_in_dim3A_955 : vector<16xi1>, vector<16xf32>
      %add3A_957 = arith.addf %scan3A_928#2, %select_n3A_956 : vector<16xf32>
      %reduce_sum3A_958 = arith.constant true
      %reduce_sum3A_959 = vector.broadcast %reduce_sum3A_958 : i1 to vector<16xi1>
      %reduce_sum3A_960 = tpu.scan <sum>, %add3A_942 masked %reduce_sum3A_959 : vector<16xf32>, vector<16xi1> -> vector<16xf32>
      %reduce_sum3A_961 = vector.extract %reduce_sum3A_960[15] : f32 from vector<16xf32>
      %broadcast_in_dim3A_962 = vector.broadcast %reduce_sum3A_961 : f32 to vector<16xf32>
      %reduce_sum3A_963 = arith.constant true
      %reduce_sum3A_964 = vector.broadcast %reduce_sum3A_963 : i1 to vector<16xi1>
      %reduce_sum3A_965 = tpu.scan <sum>, %add3A_938 masked %reduce_sum3A_964 : vector<16xf32>, vector<16xi1> -> vector<16xf32>
      %reduce_sum3A_966 = vector.extract %reduce_sum3A_965[15] : f32 from vector<16xf32>
      %broadcast_in_dim3A_967 = vector.broadcast %reduce_sum3A_966 : f32 to vector<16xf32>
      %reduce_sum3A_968 = arith.constant true
      %reduce_sum3A_969 = vector.broadcast %reduce_sum3A_968 : i1 to vector<16xi1>
      %reduce_sum3A_970 = tpu.scan <sum>, %add3A_957 masked %reduce_sum3A_969 : vector<16xf32>, vector<16xi1> -> vector<16xf32>
      %reduce_sum3A_971 = vector.extract %reduce_sum3A_970[15] : f32 from vector<16xf32>
      %broadcast_in_dim3A_972 = vector.broadcast %reduce_sum3A_971 : f32 to vector<16xf32>
      %select_n3A_973 = arith.select %eq3A_9, %broadcast_in_dim3A_962, %broadcast_in_dim3A_967 : vector<16xi1>, vector<16xf32>
      %add3A_974 = arith.constant 9.99999993E-9 : f32
      %add3A_975 = vector.broadcast %add3A_974 : f32 to vector<16xf32>
      %add3A_976 = arith.addf %broadcast_in_dim3A_972, %add3A_975 : vector<16xf32>
      %div3A_977 = arith.divf %select_n3A_973, %add3A_976 : vector<16xf32>
      %get3A_978 = arith.constant 0 : index
      %get3A_979 = tpu.vector_load %arg24[%get3A_978] {strides = array<i32>} : memref<16xf32, #tpu.memory_space<vmem>>, vector<16xf32>,
      %add3A_980 = arith.addf %div3A_977, %get3A_979 : vector<16xf32>
      %swap3A_981 = arith.index_cast %add3A_896 : i32 to index
      %swap3A_982 = arith.constant 0 : index
      %swap3A_983 = tpu.vector_load %arg23[%swap3A_981, %swap3A_982] {strides = array<i32>} : memref<128x16xf32, #tpu.memory_space<vmem>>, vector<16xf32>,
      tpu.vector_store %arg23[%swap3A_981, %swap3A_982], %add3A_980 {strides = array<i32>} : memref<128x16xf32, #tpu.memory_space<vmem>>, vector<16xf32>,
      %add3A_984 = arith.constant 9 : i32
      %add3A_985 = arith.addi %mul3A_196, %add3A_984 : i32
      %add3A_986 = arith.constant 16 : i32
      %add3A_987 = arith.addi %add3A_985, %add3A_986 : i32
      %sub3A_988 = arith.constant 1 : i32
      %sub3A_989 = arith.subi %add3A_987, %sub3A_988 : i32
      %lt3A_990 = arith.constant 128 : i32
      %lt3A_991 = arith.cmpi slt, %sub3A_989, %lt3A_990 : i32
      %convert_element_type3A_992 = arith.extui %lt3A_991 : i1 to i32
      %cond3A_993 = arith.constant 0 : i32
      %cond3A_994 = arith.cmpi ne, %convert_element_type3A_992, %cond3A_993 : i32
      scf.if %cond3A_994 {
        %add3A_1607 = arith.constant 16 : i32
        %add3A_1608 = arith.addi %add3A_985, %add3A_1607 : i32
        %sub3A_1609 = arith.constant 1 : i32
        %sub3A_1610 = arith.subi %add3A_1608, %sub3A_1609 : i32
        %mul3A_1611 = arith.constant 208 : i32
        %mul3A_1612 = arith.muli %sub3A_1610, %mul3A_1611 : i32
        %mul3A_1613 = arith.constant 208 : i32
        %mul3A_1614 = arith.muli %sub3A_1610, %mul3A_1613 : i32
        %add3A_1615 = arith.constant 104 : i32
        %add3A_1616 = arith.addi %mul3A_1614, %add3A_1615 : i32
        %dma_start3A_1617 = arith.constant 0 : i32
        %dma_start3A_1618 = tpu.memref_slice %arg15[%dma_start3A_1617] : memref<208xf32, #tpu.memory_space<vmem>> -> memref<104xf32, #tpu.memory_space<vmem>>
        %dma_start3A_1619 = tpu.memref_slice %arg6[%mul3A_1612] : memref<26624xi32, #tpu.memory_space<vmem>> -> memref<104xi32, #tpu.memory_space<vmem>>
        %dma_start3A_1620 = arith.constant 0 : i32
        %dma_start3A_1621 = tpu.memref_slice %arg3[%dma_start3A_1620] : memref<1015808xf32, #tpu.memory_space<hbm>> -> memref<1015808xf32, #tpu.memory_space<hbm>>
        tpu.enqueue_indirect_dma source(%dma_start3A_1621 : memref<1015808xf32, #tpu.memory_space<hbm>>) target(%dma_start3A_1618 : memref<104xf32, #tpu.memory_space<vmem>>) offsets(%dma_start3A_1619 : memref<104xi32, #tpu.memory_space<vmem>>) semaphore(%arg33 : memref<!tpu.dma_semaphore, #tpu.memory_space<semaphore_mem>>)
        %dma_start3A_1622 = arith.constant 104 : i32
        %dma_start3A_1623 = tpu.memref_slice %arg15[%dma_start3A_1622] : memref<208xf32, #tpu.memory_space<vmem>> -> memref<104xf32, #tpu.memory_space<vmem>>
        %dma_start3A_1624 = tpu.memref_slice %arg6[%add3A_1616] : memref<26624xi32, #tpu.memory_space<vmem>> -> memref<104xi32, #tpu.memory_space<vmem>>
        %dma_start3A_1625 = arith.constant 0 : i32
        %dma_start3A_1626 = tpu.memref_slice %arg3[%dma_start3A_1625] : memref<1015808xf32, #tpu.memory_space<hbm>> -> memref<1015808xf32, #tpu.memory_space<hbm>>
        tpu.enqueue_indirect_dma source(%dma_start3A_1626 : memref<1015808xf32, #tpu.memory_space<hbm>>) target(%dma_start3A_1623 : memref<104xf32, #tpu.memory_space<vmem>>) offsets(%dma_start3A_1624 : memref<104xi32, #tpu.memory_space<vmem>>) semaphore(%arg33 : memref<!tpu.dma_semaphore, #tpu.memory_space<semaphore_mem>>)
      } else {
      }
      %mul3A_995 = arith.constant 208 : i32
      %mul3A_996 = arith.muli %add3A_985, %mul3A_995 : i32
      %mul3A_997 = arith.constant 208 : i32
      %mul3A_998 = arith.muli %add3A_985, %mul3A_997 : i32
      %add3A_999 = arith.constant 104 : i32
      %add3A_1000 = arith.addi %mul3A_998, %add3A_999 : i32
      %dma_wait3A_1001 = arith.constant 0 : i32
      %dma_wait3A_1002 = tpu.memref_slice %arg16[%dma_wait3A_1001] : memref<208xf32, #tpu.memory_space<vmem>> -> memref<104xf32, #tpu.memory_space<vmem>>
      %dma_wait3A_1003 = tpu.memref_slice %arg6[%mul3A_996] : memref<26624xi32, #tpu.memory_space<vmem>> -> memref<104xi32, #tpu.memory_space<vmem>>
      %dma_wait3A_1004 = arith.constant 0 : i32
      %dma_wait3A_1005 = tpu.memref_slice %arg3[%dma_wait3A_1004] : memref<1015808xf32, #tpu.memory_space<hbm>> -> memref<1015808xf32, #tpu.memory_space<hbm>>
      tpu.wait_indirect_dma semaphore(%arg34 : memref<!tpu.dma_semaphore, #tpu.memory_space<semaphore_mem>>) src(%dma_wait3A_1005 : memref<1015808xf32, #tpu.memory_space<hbm>>) dst(%dma_wait3A_1002 : memref<104xf32, #tpu.memory_space<vmem>>)
      %dma_wait3A_1006 = arith.constant 104 : i32
      %dma_wait3A_1007 = tpu.memref_slice %arg16[%dma_wait3A_1006] : memref<208xf32, #tpu.memory_space<vmem>> -> memref<104xf32, #tpu.memory_space<vmem>>
      %dma_wait3A_1008 = tpu.memref_slice %arg6[%add3A_1000] : memref<26624xi32, #tpu.memory_space<vmem>> -> memref<104xi32, #tpu.memory_space<vmem>>
      %dma_wait3A_1009 = arith.constant 0 : i32
      %dma_wait3A_1010 = tpu.memref_slice %arg3[%dma_wait3A_1009] : memref<1015808xf32, #tpu.memory_space<hbm>> -> memref<1015808xf32, #tpu.memory_space<hbm>>
      tpu.wait_indirect_dma semaphore(%arg34 : memref<!tpu.dma_semaphore, #tpu.memory_space<semaphore_mem>>) src(%dma_wait3A_1010 : memref<1015808xf32, #tpu.memory_space<hbm>>) dst(%dma_wait3A_1007 : memref<104xf32, #tpu.memory_space<vmem>>)
      %broadcast_in_dim3A_1011 = arith.constant 0.000000e+00 : f32
      %broadcast_in_dim3A_1012 = vector.broadcast %broadcast_in_dim3A_1011 : f32 to vector<16xf32>
      %scan3A_1013 = arith.constant 0 : i32
      %scan3A_1014 = arith.constant 12 : i32
      %scan3A_1015 = arith.addi %scan3A_1013, %scan3A_1014 : i32
      %scan3A_1016 = arith.constant 4 : i32
      %scan3A_1017:3 = scf.for %scan3A_1607 = %scan3A_1013 to %scan3A_1015 step %scan3A_1016 iter_args(%scan3A_1608 = %broadcast_in_dim3A_1012, %scan3A_1609 = %broadcast_in_dim3A_1012, %scan3A_1610 = %broadcast_in_dim3A_1012) -> (vector<16xf32>, vector<16xf32>, vector<16xf32>)  : i32 {
        %mul3A_1611 = arith.constant 16 : i32
        %mul3A_1612 = arith.muli %mul3A_1611, %scan3A_1607 : i32
        %get3A_1613 = arith.index_cast %mul3A_1612 : i32 to index
        %get3A_1614 = tpu.vector_load %arg16[%get3A_1613] {strides = array<i32>} : memref<208xf32, #tpu.memory_space<vmem>>, vector<16xf32>,
        %bitcast3A_1615 = vector.bitcast %get3A_1614 : vector<16xf32> to vector<32xbf16>
        %unpack3A_1616 = tpu.unpack_subelements %bitcast3A_1615, 0 {pack_format = #tpu.pack_format<interleaved>} : vector<32xbf16> -> vector<16xf32>
        %unpack3A_1617 = tpu.unpack_subelements %bitcast3A_1615, 1 {pack_format = #tpu.pack_format<interleaved>} : vector<32xbf16> -> vector<16xf32>
        %add3A_1618 = arith.addf %scan3A_1608, %unpack3A_1616 : vector<16xf32>
        %add3A_1619 = arith.addf %scan3A_1609, %unpack3A_1617 : vector<16xf32>
        %mul3A_1620 = arith.constant 208 : i32
        %mul3A_1621 = arith.muli %add3A_985, %mul3A_1620 : i32
        %mul3A_1622 = arith.constant 16 : i32
        %mul3A_1623 = arith.muli %mul3A_1622, %scan3A_1607 : i32
        %add3A_1624 = arith.addi %mul3A_1621, %mul3A_1623 : i32
        %get3A_1625 = arith.index_cast %add3A_1624 : i32 to index
        %get3A_1626 = tpu.vector_load %arg6[%get3A_1625] {strides = array<i32>} : memref<26624xi32, #tpu.memory_space<vmem>>, vector<16xi32>,
        %ne3A_1627 = arith.constant 0 : i32
        %ne3A_1628 = vector.broadcast %ne3A_1627 : i32 to vector<16xi32>
        %ne3A_1629 = arith.cmpi ne, %get3A_1626, %ne3A_1628 : vector<16xi32>
        %convert_element_type3A_1630 = arith.extui %ne3A_1629 : vector<16xi1> to vector<16xi32>
        %convert_element_type3A_1631 = arith.sitofp %convert_element_type3A_1630 : vector<16xi32> to vector<16xf32>
        %add3A_1632 = arith.addf %scan3A_1610, %convert_element_type3A_1631 : vector<16xf32>
        %scan3A_1633 = arith.constant 1 : i32
        %scan3A_1634 = arith.addi %scan3A_1607, %scan3A_1633 : i32
        %mul3A_1635 = arith.constant 16 : i32
        %mul3A_1636 = arith.muli %mul3A_1635, %scan3A_1634 : i32
        %get3A_1637 = arith.index_cast %mul3A_1636 : i32 to index
        %get3A_1638 = tpu.vector_load %arg16[%get3A_1637] {strides = array<i32>} : memref<208xf32, #tpu.memory_space<vmem>>, vector<16xf32>,
        %bitcast3A_1639 = vector.bitcast %get3A_1638 : vector<16xf32> to vector<32xbf16>
        %unpack3A_1640 = tpu.unpack_subelements %bitcast3A_1639, 0 {pack_format = #tpu.pack_format<interleaved>} : vector<32xbf16> -> vector<16xf32>
        %unpack3A_1641 = tpu.unpack_subelements %bitcast3A_1639, 1 {pack_format = #tpu.pack_format<interleaved>} : vector<32xbf16> -> vector<16xf32>
        %add3A_1642 = arith.addf %add3A_1618, %unpack3A_1640 : vector<16xf32>
        %add3A_1643 = arith.addf %add3A_1619, %unpack3A_1641 : vector<16xf32>
        %mul3A_1644 = arith.constant 208 : i32
        %mul3A_1645 = arith.muli %add3A_985, %mul3A_1644 : i32
        %mul3A_1646 = arith.constant 16 : i32
        %mul3A_1647 = arith.muli %mul3A_1646, %scan3A_1634 : i32
        %add3A_1648 = arith.addi %mul3A_1645, %mul3A_1647 : i32
        %get3A_1649 = arith.index_cast %add3A_1648 : i32 to index
        %get3A_1650 = tpu.vector_load %arg6[%get3A_1649] {strides = array<i32>} : memref<26624xi32, #tpu.memory_space<vmem>>, vector<16xi32>,
        %ne3A_1651 = arith.constant 0 : i32
        %ne3A_1652 = vector.broadcast %ne3A_1651 : i32 to vector<16xi32>
        %ne3A_1653 = arith.cmpi ne, %get3A_1650, %ne3A_1652 : vector<16xi32>
        %convert_element_type3A_1654 = arith.extui %ne3A_1653 : vector<16xi1> to vector<16xi32>
        %convert_element_type3A_1655 = arith.sitofp %convert_element_type3A_1654 : vector<16xi32> to vector<16xf32>
        %add3A_1656 = arith.addf %add3A_1632, %convert_element_type3A_1655 : vector<16xf32>
        %scan3A_1657 = arith.constant 2 : i32
        %scan3A_1658 = arith.addi %scan3A_1607, %scan3A_1657 : i32
        %mul3A_1659 = arith.constant 16 : i32
        %mul3A_1660 = arith.muli %mul3A_1659, %scan3A_1658 : i32
        %get3A_1661 = arith.index_cast %mul3A_1660 : i32 to index
        %get3A_1662 = tpu.vector_load %arg16[%get3A_1661] {strides = array<i32>} : memref<208xf32, #tpu.memory_space<vmem>>, vector<16xf32>,
        %bitcast3A_1663 = vector.bitcast %get3A_1662 : vector<16xf32> to vector<32xbf16>
        %unpack3A_1664 = tpu.unpack_subelements %bitcast3A_1663, 0 {pack_format = #tpu.pack_format<interleaved>} : vector<32xbf16> -> vector<16xf32>
        %unpack3A_1665 = tpu.unpack_subelements %bitcast3A_1663, 1 {pack_format = #tpu.pack_format<interleaved>} : vector<32xbf16> -> vector<16xf32>
        %add3A_1666 = arith.addf %add3A_1642, %unpack3A_1664 : vector<16xf32>
        %add3A_1667 = arith.addf %add3A_1643, %unpack3A_1665 : vector<16xf32>
        %mul3A_1668 = arith.constant 208 : i32
        %mul3A_1669 = arith.muli %add3A_985, %mul3A_1668 : i32
        %mul3A_1670 = arith.constant 16 : i32
        %mul3A_1671 = arith.muli %mul3A_1670, %scan3A_1658 : i32
        %add3A_1672 = arith.addi %mul3A_1669, %mul3A_1671 : i32
        %get3A_1673 = arith.index_cast %add3A_1672 : i32 to index
        %get3A_1674 = tpu.vector_load %arg6[%get3A_1673] {strides = array<i32>} : memref<26624xi32, #tpu.memory_space<vmem>>, vector<16xi32>,
        %ne3A_1675 = arith.constant 0 : i32
        %ne3A_1676 = vector.broadcast %ne3A_1675 : i32 to vector<16xi32>
        %ne3A_1677 = arith.cmpi ne, %get3A_1674, %ne3A_1676 : vector<16xi32>
        %convert_element_type3A_1678 = arith.extui %ne3A_1677 : vector<16xi1> to vector<16xi32>
        %convert_element_type3A_1679 = arith.sitofp %convert_element_type3A_1678 : vector<16xi32> to vector<16xf32>
        %add3A_1680 = arith.addf %add3A_1656, %convert_element_type3A_1679 : vector<16xf32>
        %scan3A_1681 = arith.constant 3 : i32
        %scan3A_1682 = arith.addi %scan3A_1607, %scan3A_1681 : i32
        %mul3A_1683 = arith.constant 16 : i32
        %mul3A_1684 = arith.muli %mul3A_1683, %scan3A_1682 : i32
        %get3A_1685 = arith.index_cast %mul3A_1684 : i32 to index
        %get3A_1686 = tpu.vector_load %arg16[%get3A_1685] {strides = array<i32>} : memref<208xf32, #tpu.memory_space<vmem>>, vector<16xf32>,
        %bitcast3A_1687 = vector.bitcast %get3A_1686 : vector<16xf32> to vector<32xbf16>
        %unpack3A_1688 = tpu.unpack_subelements %bitcast3A_1687, 0 {pack_format = #tpu.pack_format<interleaved>} : vector<32xbf16> -> vector<16xf32>
        %unpack3A_1689 = tpu.unpack_subelements %bitcast3A_1687, 1 {pack_format = #tpu.pack_format<interleaved>} : vector<32xbf16> -> vector<16xf32>
        %add3A_1690 = arith.addf %add3A_1666, %unpack3A_1688 : vector<16xf32>
        %add3A_1691 = arith.addf %add3A_1667, %unpack3A_1689 : vector<16xf32>
        %mul3A_1692 = arith.constant 208 : i32
        %mul3A_1693 = arith.muli %add3A_985, %mul3A_1692 : i32
        %mul3A_1694 = arith.constant 16 : i32
        %mul3A_1695 = arith.muli %mul3A_1694, %scan3A_1682 : i32
        %add3A_1696 = arith.addi %mul3A_1693, %mul3A_1695 : i32
        %get3A_1697 = arith.index_cast %add3A_1696 : i32 to index
        %get3A_1698 = tpu.vector_load %arg6[%get3A_1697] {strides = array<i32>} : memref<26624xi32, #tpu.memory_space<vmem>>, vector<16xi32>,
        %ne3A_1699 = arith.constant 0 : i32
        %ne3A_1700 = vector.broadcast %ne3A_1699 : i32 to vector<16xi32>
        %ne3A_1701 = arith.cmpi ne, %get3A_1698, %ne3A_1700 : vector<16xi32>
        %convert_element_type3A_1702 = arith.extui %ne3A_1701 : vector<16xi1> to vector<16xi32>
        %convert_element_type3A_1703 = arith.sitofp %convert_element_type3A_1702 : vector<16xi32> to vector<16xf32>
        %add3A_1704 = arith.addf %add3A_1680, %convert_element_type3A_1703 : vector<16xf32>
        scf.yield %add3A_1690, %add3A_1691, %add3A_1704 : vector<16xf32>, vector<16xf32>, vector<16xf32>
      }
      %scan3A_1018 = arith.constant 12 : i32
      %get3A_1019 = arith.constant 192 : index
      %get3A_1020 = tpu.vector_load %arg16[%get3A_1019] {strides = array<i32>} : memref<208xf32, #tpu.memory_space<vmem>>, vector<16xf32>,
      %bitcast3A_1021 = vector.bitcast %get3A_1020 : vector<16xf32> to vector<32xbf16>
      %unpack3A_1022 = tpu.unpack_subelements %bitcast3A_1021, 0 {pack_format = #tpu.pack_format<interleaved>} : vector<32xbf16> -> vector<16xf32>
      %unpack3A_1023 = tpu.unpack_subelements %bitcast3A_1021, 1 {pack_format = #tpu.pack_format<interleaved>} : vector<32xbf16> -> vector<16xf32>
      %jit3A_1024 = arith.constant 0.000000e+00 : f32
      %broadcast_in_dim3A_1025 = vector.broadcast %jit3A_1024 : f32 to vector<16xf32>
      %select_n3A_1026 = arith.select %lt3A_6, %unpack3A_1022, %broadcast_in_dim3A_1025 : vector<16xi1>, vector<16xf32>
      %add3A_1027 = arith.addf %scan3A_1017#0, %select_n3A_1026 : vector<16xf32>
      %jit3A_1028 = arith.constant 0.000000e+00 : f32
      %broadcast_in_dim3A_1029 = vector.broadcast %jit3A_1028 : f32 to vector<16xf32>
      %select_n3A_1030 = arith.select %lt3A_6, %unpack3A_1023, %broadcast_in_dim3A_1029 : vector<16xi1>, vector<16xf32>
      %add3A_1031 = arith.addf %scan3A_1017#1, %select_n3A_1030 : vector<16xf32>
      %mul3A_1032 = arith.constant 208 : i32
      %mul3A_1033 = arith.muli %add3A_985, %mul3A_1032 : i32
      %add3A_1034 = arith.constant 192 : i32
      %add3A_1035 = arith.addi %mul3A_1033, %add3A_1034 : i32
      %get3A_1036 = arith.index_cast %add3A_1035 : i32 to index
      %get3A_1037 = tpu.vector_load %arg6[%get3A_1036] {strides = array<i32>} : memref<26624xi32, #tpu.memory_space<vmem>>, vector<16xi32>,
      %ne3A_1038 = arith.constant 0 : i32
      %ne3A_1039 = vector.broadcast %ne3A_1038 : i32 to vector<16xi32>
      %ne3A_1040 = arith.cmpi ne, %get3A_1037, %ne3A_1039 : vector<16xi32>
      %convert_element_type3A_1041 = arith.extui %ne3A_1040 : vector<16xi1> to vector<16xi32>
      %convert_element_type3A_1042 = arith.sitofp %convert_element_type3A_1041 : vector<16xi32> to vector<16xf32>
      %jit3A_1043 = arith.constant 0.000000e+00 : f32
      %broadcast_in_dim3A_1044 = vector.broadcast %jit3A_1043 : f32 to vector<16xf32>
      %select_n3A_1045 = arith.select %lt3A_6, %convert_element_type3A_1042, %broadcast_in_dim3A_1044 : vector<16xi1>, vector<16xf32>
      %add3A_1046 = arith.addf %scan3A_1017#2, %select_n3A_1045 : vector<16xf32>
      %reduce_sum3A_1047 = arith.constant true
      %reduce_sum3A_1048 = vector.broadcast %reduce_sum3A_1047 : i1 to vector<16xi1>
      %reduce_sum3A_1049 = tpu.scan <sum>, %add3A_1031 masked %reduce_sum3A_1048 : vector<16xf32>, vector<16xi1> -> vector<16xf32>
      %reduce_sum3A_1050 = vector.extract %reduce_sum3A_1049[15] : f32 from vector<16xf32>
      %broadcast_in_dim3A_1051 = vector.broadcast %reduce_sum3A_1050 : f32 to vector<16xf32>
      %reduce_sum3A_1052 = arith.constant true
      %reduce_sum3A_1053 = vector.broadcast %reduce_sum3A_1052 : i1 to vector<16xi1>
      %reduce_sum3A_1054 = tpu.scan <sum>, %add3A_1027 masked %reduce_sum3A_1053 : vector<16xf32>, vector<16xi1> -> vector<16xf32>
      %reduce_sum3A_1055 = vector.extract %reduce_sum3A_1054[15] : f32 from vector<16xf32>
      %broadcast_in_dim3A_1056 = vector.broadcast %reduce_sum3A_1055 : f32 to vector<16xf32>
      %reduce_sum3A_1057 = arith.constant true
      %reduce_sum3A_1058 = vector.broadcast %reduce_sum3A_1057 : i1 to vector<16xi1>
      %reduce_sum3A_1059 = tpu.scan <sum>, %add3A_1046 masked %reduce_sum3A_1058 : vector<16xf32>, vector<16xi1> -> vector<16xf32>
      %reduce_sum3A_1060 = vector.extract %reduce_sum3A_1059[15] : f32 from vector<16xf32>
      %broadcast_in_dim3A_1061 = vector.broadcast %reduce_sum3A_1060 : f32 to vector<16xf32>
      %select_n3A_1062 = arith.select %eq3A_9, %broadcast_in_dim3A_1051, %broadcast_in_dim3A_1056 : vector<16xi1>, vector<16xf32>
      %add3A_1063 = arith.constant 9.99999993E-9 : f32
      %add3A_1064 = vector.broadcast %add3A_1063 : f32 to vector<16xf32>
      %add3A_1065 = arith.addf %broadcast_in_dim3A_1061, %add3A_1064 : vector<16xf32>
      %div3A_1066 = arith.divf %select_n3A_1062, %add3A_1065 : vector<16xf32>
      %get3A_1067 = arith.constant 0 : index
      %get3A_1068 = tpu.vector_load %arg24[%get3A_1067] {strides = array<i32>} : memref<16xf32, #tpu.memory_space<vmem>>, vector<16xf32>,
      %add3A_1069 = arith.addf %div3A_1066, %get3A_1068 : vector<16xf32>
      %swap3A_1070 = arith.index_cast %add3A_985 : i32 to index
      %swap3A_1071 = arith.constant 0 : index
      %swap3A_1072 = tpu.vector_load %arg23[%swap3A_1070, %swap3A_1071] {strides = array<i32>} : memref<128x16xf32, #tpu.memory_space<vmem>>, vector<16xf32>,
      tpu.vector_store %arg23[%swap3A_1070, %swap3A_1071], %add3A_1069 {strides = array<i32>} : memref<128x16xf32, #tpu.memory_space<vmem>>, vector<16xf32>,
      %add3A_1073 = arith.constant 10 : i32
      %add3A_1074 = arith.addi %mul3A_196, %add3A_1073 : i32
      %add3A_1075 = arith.constant 16 : i32
      %add3A_1076 = arith.addi %add3A_1074, %add3A_1075 : i32
      %sub3A_1077 = arith.constant 1 : i32
      %sub3A_1078 = arith.subi %add3A_1076, %sub3A_1077 : i32
      %lt3A_1079 = arith.constant 128 : i32
      %lt3A_1080 = arith.cmpi slt, %sub3A_1078, %lt3A_1079 : i32
      %convert_element_type3A_1081 = arith.extui %lt3A_1080 : i1 to i32
      %cond3A_1082 = arith.constant 0 : i32
      %cond3A_1083 = arith.cmpi ne, %convert_element_type3A_1081, %cond3A_1082 : i32
      scf.if %cond3A_1083 {
        %add3A_1607 = arith.constant 16 : i32
        %add3A_1608 = arith.addi %add3A_1074, %add3A_1607 : i32
        %sub3A_1609 = arith.constant 1 : i32
        %sub3A_1610 = arith.subi %add3A_1608, %sub3A_1609 : i32
        %mul3A_1611 = arith.constant 208 : i32
        %mul3A_1612 = arith.muli %sub3A_1610, %mul3A_1611 : i32
        %mul3A_1613 = arith.constant 208 : i32
        %mul3A_1614 = arith.muli %sub3A_1610, %mul3A_1613 : i32
        %add3A_1615 = arith.constant 104 : i32
        %add3A_1616 = arith.addi %mul3A_1614, %add3A_1615 : i32
        %dma_start3A_1617 = arith.constant 0 : i32
        %dma_start3A_1618 = tpu.memref_slice %arg16[%dma_start3A_1617] : memref<208xf32, #tpu.memory_space<vmem>> -> memref<104xf32, #tpu.memory_space<vmem>>
        %dma_start3A_1619 = tpu.memref_slice %arg6[%mul3A_1612] : memref<26624xi32, #tpu.memory_space<vmem>> -> memref<104xi32, #tpu.memory_space<vmem>>
        %dma_start3A_1620 = arith.constant 0 : i32
        %dma_start3A_1621 = tpu.memref_slice %arg3[%dma_start3A_1620] : memref<1015808xf32, #tpu.memory_space<hbm>> -> memref<1015808xf32, #tpu.memory_space<hbm>>
        tpu.enqueue_indirect_dma source(%dma_start3A_1621 : memref<1015808xf32, #tpu.memory_space<hbm>>) target(%dma_start3A_1618 : memref<104xf32, #tpu.memory_space<vmem>>) offsets(%dma_start3A_1619 : memref<104xi32, #tpu.memory_space<vmem>>) semaphore(%arg34 : memref<!tpu.dma_semaphore, #tpu.memory_space<semaphore_mem>>)
        %dma_start3A_1622 = arith.constant 104 : i32
        %dma_start3A_1623 = tpu.memref_slice %arg16[%dma_start3A_1622] : memref<208xf32, #tpu.memory_space<vmem>> -> memref<104xf32, #tpu.memory_space<vmem>>
        %dma_start3A_1624 = tpu.memref_slice %arg6[%add3A_1616] : memref<26624xi32, #tpu.memory_space<vmem>> -> memref<104xi32, #tpu.memory_space<vmem>>
        %dma_start3A_1625 = arith.constant 0 : i32
        %dma_start3A_1626 = tpu.memref_slice %arg3[%dma_start3A_1625] : memref<1015808xf32, #tpu.memory_space<hbm>> -> memref<1015808xf32, #tpu.memory_space<hbm>>
        tpu.enqueue_indirect_dma source(%dma_start3A_1626 : memref<1015808xf32, #tpu.memory_space<hbm>>) target(%dma_start3A_1623 : memref<104xf32, #tpu.memory_space<vmem>>) offsets(%dma_start3A_1624 : memref<104xi32, #tpu.memory_space<vmem>>) semaphore(%arg34 : memref<!tpu.dma_semaphore, #tpu.memory_space<semaphore_mem>>)
      } else {
      }
      %mul3A_1084 = arith.constant 208 : i32
      %mul3A_1085 = arith.muli %add3A_1074, %mul3A_1084 : i32
      %mul3A_1086 = arith.constant 208 : i32
      %mul3A_1087 = arith.muli %add3A_1074, %mul3A_1086 : i32
      %add3A_1088 = arith.constant 104 : i32
      %add3A_1089 = arith.addi %mul3A_1087, %add3A_1088 : i32
      %dma_wait3A_1090 = arith.constant 0 : i32
      %dma_wait3A_1091 = tpu.memref_slice %arg17[%dma_wait3A_1090] : memref<208xf32, #tpu.memory_space<vmem>> -> memref<104xf32, #tpu.memory_space<vmem>>
      %dma_wait3A_1092 = tpu.memref_slice %arg6[%mul3A_1085] : memref<26624xi32, #tpu.memory_space<vmem>> -> memref<104xi32, #tpu.memory_space<vmem>>
      %dma_wait3A_1093 = arith.constant 0 : i32
      %dma_wait3A_1094 = tpu.memref_slice %arg3[%dma_wait3A_1093] : memref<1015808xf32, #tpu.memory_space<hbm>> -> memref<1015808xf32, #tpu.memory_space<hbm>>
      tpu.wait_indirect_dma semaphore(%arg35 : memref<!tpu.dma_semaphore, #tpu.memory_space<semaphore_mem>>) src(%dma_wait3A_1094 : memref<1015808xf32, #tpu.memory_space<hbm>>) dst(%dma_wait3A_1091 : memref<104xf32, #tpu.memory_space<vmem>>)
      %dma_wait3A_1095 = arith.constant 104 : i32
      %dma_wait3A_1096 = tpu.memref_slice %arg17[%dma_wait3A_1095] : memref<208xf32, #tpu.memory_space<vmem>> -> memref<104xf32, #tpu.memory_space<vmem>>
      %dma_wait3A_1097 = tpu.memref_slice %arg6[%add3A_1089] : memref<26624xi32, #tpu.memory_space<vmem>> -> memref<104xi32, #tpu.memory_space<vmem>>
      %dma_wait3A_1098 = arith.constant 0 : i32
      %dma_wait3A_1099 = tpu.memref_slice %arg3[%dma_wait3A_1098] : memref<1015808xf32, #tpu.memory_space<hbm>> -> memref<1015808xf32, #tpu.memory_space<hbm>>
      tpu.wait_indirect_dma semaphore(%arg35 : memref<!tpu.dma_semaphore, #tpu.memory_space<semaphore_mem>>) src(%dma_wait3A_1099 : memref<1015808xf32, #tpu.memory_space<hbm>>) dst(%dma_wait3A_1096 : memref<104xf32, #tpu.memory_space<vmem>>)
      %broadcast_in_dim3A_1100 = arith.constant 0.000000e+00 : f32
      %broadcast_in_dim3A_1101 = vector.broadcast %broadcast_in_dim3A_1100 : f32 to vector<16xf32>
      %scan3A_1102 = arith.constant 0 : i32
      %scan3A_1103 = arith.constant 12 : i32
      %scan3A_1104 = arith.addi %scan3A_1102, %scan3A_1103 : i32
      %scan3A_1105 = arith.constant 4 : i32
      %scan3A_1106:3 = scf.for %scan3A_1607 = %scan3A_1102 to %scan3A_1104 step %scan3A_1105 iter_args(%scan3A_1608 = %broadcast_in_dim3A_1101, %scan3A_1609 = %broadcast_in_dim3A_1101, %scan3A_1610 = %broadcast_in_dim3A_1101) -> (vector<16xf32>, vector<16xf32>, vector<16xf32>)  : i32 {
        %mul3A_1611 = arith.constant 16 : i32
        %mul3A_1612 = arith.muli %mul3A_1611, %scan3A_1607 : i32
        %get3A_1613 = arith.index_cast %mul3A_1612 : i32 to index
        %get3A_1614 = tpu.vector_load %arg17[%get3A_1613] {strides = array<i32>} : memref<208xf32, #tpu.memory_space<vmem>>, vector<16xf32>,
        %bitcast3A_1615 = vector.bitcast %get3A_1614 : vector<16xf32> to vector<32xbf16>
        %unpack3A_1616 = tpu.unpack_subelements %bitcast3A_1615, 0 {pack_format = #tpu.pack_format<interleaved>} : vector<32xbf16> -> vector<16xf32>
        %unpack3A_1617 = tpu.unpack_subelements %bitcast3A_1615, 1 {pack_format = #tpu.pack_format<interleaved>} : vector<32xbf16> -> vector<16xf32>
        %add3A_1618 = arith.addf %scan3A_1608, %unpack3A_1616 : vector<16xf32>
        %add3A_1619 = arith.addf %scan3A_1609, %unpack3A_1617 : vector<16xf32>
        %mul3A_1620 = arith.constant 208 : i32
        %mul3A_1621 = arith.muli %add3A_1074, %mul3A_1620 : i32
        %mul3A_1622 = arith.constant 16 : i32
        %mul3A_1623 = arith.muli %mul3A_1622, %scan3A_1607 : i32
        %add3A_1624 = arith.addi %mul3A_1621, %mul3A_1623 : i32
        %get3A_1625 = arith.index_cast %add3A_1624 : i32 to index
        %get3A_1626 = tpu.vector_load %arg6[%get3A_1625] {strides = array<i32>} : memref<26624xi32, #tpu.memory_space<vmem>>, vector<16xi32>,
        %ne3A_1627 = arith.constant 0 : i32
        %ne3A_1628 = vector.broadcast %ne3A_1627 : i32 to vector<16xi32>
        %ne3A_1629 = arith.cmpi ne, %get3A_1626, %ne3A_1628 : vector<16xi32>
        %convert_element_type3A_1630 = arith.extui %ne3A_1629 : vector<16xi1> to vector<16xi32>
        %convert_element_type3A_1631 = arith.sitofp %convert_element_type3A_1630 : vector<16xi32> to vector<16xf32>
        %add3A_1632 = arith.addf %scan3A_1610, %convert_element_type3A_1631 : vector<16xf32>
        %scan3A_1633 = arith.constant 1 : i32
        %scan3A_1634 = arith.addi %scan3A_1607, %scan3A_1633 : i32
        %mul3A_1635 = arith.constant 16 : i32
        %mul3A_1636 = arith.muli %mul3A_1635, %scan3A_1634 : i32
        %get3A_1637 = arith.index_cast %mul3A_1636 : i32 to index
        %get3A_1638 = tpu.vector_load %arg17[%get3A_1637] {strides = array<i32>} : memref<208xf32, #tpu.memory_space<vmem>>, vector<16xf32>,
        %bitcast3A_1639 = vector.bitcast %get3A_1638 : vector<16xf32> to vector<32xbf16>
        %unpack3A_1640 = tpu.unpack_subelements %bitcast3A_1639, 0 {pack_format = #tpu.pack_format<interleaved>} : vector<32xbf16> -> vector<16xf32>
        %unpack3A_1641 = tpu.unpack_subelements %bitcast3A_1639, 1 {pack_format = #tpu.pack_format<interleaved>} : vector<32xbf16> -> vector<16xf32>
        %add3A_1642 = arith.addf %add3A_1618, %unpack3A_1640 : vector<16xf32>
        %add3A_1643 = arith.addf %add3A_1619, %unpack3A_1641 : vector<16xf32>
        %mul3A_1644 = arith.constant 208 : i32
        %mul3A_1645 = arith.muli %add3A_1074, %mul3A_1644 : i32
        %mul3A_1646 = arith.constant 16 : i32
        %mul3A_1647 = arith.muli %mul3A_1646, %scan3A_1634 : i32
        %add3A_1648 = arith.addi %mul3A_1645, %mul3A_1647 : i32
        %get3A_1649 = arith.index_cast %add3A_1648 : i32 to index
        %get3A_1650 = tpu.vector_load %arg6[%get3A_1649] {strides = array<i32>} : memref<26624xi32, #tpu.memory_space<vmem>>, vector<16xi32>,
        %ne3A_1651 = arith.constant 0 : i32
        %ne3A_1652 = vector.broadcast %ne3A_1651 : i32 to vector<16xi32>
        %ne3A_1653 = arith.cmpi ne, %get3A_1650, %ne3A_1652 : vector<16xi32>
        %convert_element_type3A_1654 = arith.extui %ne3A_1653 : vector<16xi1> to vector<16xi32>
        %convert_element_type3A_1655 = arith.sitofp %convert_element_type3A_1654 : vector<16xi32> to vector<16xf32>
        %add3A_1656 = arith.addf %add3A_1632, %convert_element_type3A_1655 : vector<16xf32>
        %scan3A_1657 = arith.constant 2 : i32
        %scan3A_1658 = arith.addi %scan3A_1607, %scan3A_1657 : i32
        %mul3A_1659 = arith.constant 16 : i32
        %mul3A_1660 = arith.muli %mul3A_1659, %scan3A_1658 : i32
        %get3A_1661 = arith.index_cast %mul3A_1660 : i32 to index
        %get3A_1662 = tpu.vector_load %arg17[%get3A_1661] {strides = array<i32>} : memref<208xf32, #tpu.memory_space<vmem>>, vector<16xf32>,
        %bitcast3A_1663 = vector.bitcast %get3A_1662 : vector<16xf32> to vector<32xbf16>
        %unpack3A_1664 = tpu.unpack_subelements %bitcast3A_1663, 0 {pack_format = #tpu.pack_format<interleaved>} : vector<32xbf16> -> vector<16xf32>
        %unpack3A_1665 = tpu.unpack_subelements %bitcast3A_1663, 1 {pack_format = #tpu.pack_format<interleaved>} : vector<32xbf16> -> vector<16xf32>
        %add3A_1666 = arith.addf %add3A_1642, %unpack3A_1664 : vector<16xf32>
        %add3A_1667 = arith.addf %add3A_1643, %unpack3A_1665 : vector<16xf32>
        %mul3A_1668 = arith.constant 208 : i32
        %mul3A_1669 = arith.muli %add3A_1074, %mul3A_1668 : i32
        %mul3A_1670 = arith.constant 16 : i32
        %mul3A_1671 = arith.muli %mul3A_1670, %scan3A_1658 : i32
        %add3A_1672 = arith.addi %mul3A_1669, %mul3A_1671 : i32
        %get3A_1673 = arith.index_cast %add3A_1672 : i32 to index
        %get3A_1674 = tpu.vector_load %arg6[%get3A_1673] {strides = array<i32>} : memref<26624xi32, #tpu.memory_space<vmem>>, vector<16xi32>,
        %ne3A_1675 = arith.constant 0 : i32
        %ne3A_1676 = vector.broadcast %ne3A_1675 : i32 to vector<16xi32>
        %ne3A_1677 = arith.cmpi ne, %get3A_1674, %ne3A_1676 : vector<16xi32>
        %convert_element_type3A_1678 = arith.extui %ne3A_1677 : vector<16xi1> to vector<16xi32>
        %convert_element_type3A_1679 = arith.sitofp %convert_element_type3A_1678 : vector<16xi32> to vector<16xf32>
        %add3A_1680 = arith.addf %add3A_1656, %convert_element_type3A_1679 : vector<16xf32>
        %scan3A_1681 = arith.constant 3 : i32
        %scan3A_1682 = arith.addi %scan3A_1607, %scan3A_1681 : i32
        %mul3A_1683 = arith.constant 16 : i32
        %mul3A_1684 = arith.muli %mul3A_1683, %scan3A_1682 : i32
        %get3A_1685 = arith.index_cast %mul3A_1684 : i32 to index
        %get3A_1686 = tpu.vector_load %arg17[%get3A_1685] {strides = array<i32>} : memref<208xf32, #tpu.memory_space<vmem>>, vector<16xf32>,
        %bitcast3A_1687 = vector.bitcast %get3A_1686 : vector<16xf32> to vector<32xbf16>
        %unpack3A_1688 = tpu.unpack_subelements %bitcast3A_1687, 0 {pack_format = #tpu.pack_format<interleaved>} : vector<32xbf16> -> vector<16xf32>
        %unpack3A_1689 = tpu.unpack_subelements %bitcast3A_1687, 1 {pack_format = #tpu.pack_format<interleaved>} : vector<32xbf16> -> vector<16xf32>
        %add3A_1690 = arith.addf %add3A_1666, %unpack3A_1688 : vector<16xf32>
        %add3A_1691 = arith.addf %add3A_1667, %unpack3A_1689 : vector<16xf32>
        %mul3A_1692 = arith.constant 208 : i32
        %mul3A_1693 = arith.muli %add3A_1074, %mul3A_1692 : i32
        %mul3A_1694 = arith.constant 16 : i32
        %mul3A_1695 = arith.muli %mul3A_1694, %scan3A_1682 : i32
        %add3A_1696 = arith.addi %mul3A_1693, %mul3A_1695 : i32
        %get3A_1697 = arith.index_cast %add3A_1696 : i32 to index
        %get3A_1698 = tpu.vector_load %arg6[%get3A_1697] {strides = array<i32>} : memref<26624xi32, #tpu.memory_space<vmem>>, vector<16xi32>,
        %ne3A_1699 = arith.constant 0 : i32
        %ne3A_1700 = vector.broadcast %ne3A_1699 : i32 to vector<16xi32>
        %ne3A_1701 = arith.cmpi ne, %get3A_1698, %ne3A_1700 : vector<16xi32>
        %convert_element_type3A_1702 = arith.extui %ne3A_1701 : vector<16xi1> to vector<16xi32>
        %convert_element_type3A_1703 = arith.sitofp %convert_element_type3A_1702 : vector<16xi32> to vector<16xf32>
        %add3A_1704 = arith.addf %add3A_1680, %convert_element_type3A_1703 : vector<16xf32>
        scf.yield %add3A_1690, %add3A_1691, %add3A_1704 : vector<16xf32>, vector<16xf32>, vector<16xf32>
      }
      %scan3A_1107 = arith.constant 12 : i32
      %get3A_1108 = arith.constant 192 : index
      %get3A_1109 = tpu.vector_load %arg17[%get3A_1108] {strides = array<i32>} : memref<208xf32, #tpu.memory_space<vmem>>, vector<16xf32>,
      %bitcast3A_1110 = vector.bitcast %get3A_1109 : vector<16xf32> to vector<32xbf16>
      %unpack3A_1111 = tpu.unpack_subelements %bitcast3A_1110, 0 {pack_format = #tpu.pack_format<interleaved>} : vector<32xbf16> -> vector<16xf32>
      %unpack3A_1112 = tpu.unpack_subelements %bitcast3A_1110, 1 {pack_format = #tpu.pack_format<interleaved>} : vector<32xbf16> -> vector<16xf32>
      %jit3A_1113 = arith.constant 0.000000e+00 : f32
      %broadcast_in_dim3A_1114 = vector.broadcast %jit3A_1113 : f32 to vector<16xf32>
      %select_n3A_1115 = arith.select %lt3A_6, %unpack3A_1111, %broadcast_in_dim3A_1114 : vector<16xi1>, vector<16xf32>
      %add3A_1116 = arith.addf %scan3A_1106#0, %select_n3A_1115 : vector<16xf32>
      %jit3A_1117 = arith.constant 0.000000e+00 : f32
      %broadcast_in_dim3A_1118 = vector.broadcast %jit3A_1117 : f32 to vector<16xf32>
      %select_n3A_1119 = arith.select %lt3A_6, %unpack3A_1112, %broadcast_in_dim3A_1118 : vector<16xi1>, vector<16xf32>
      %add3A_1120 = arith.addf %scan3A_1106#1, %select_n3A_1119 : vector<16xf32>
      %mul3A_1121 = arith.constant 208 : i32
      %mul3A_1122 = arith.muli %add3A_1074, %mul3A_1121 : i32
      %add3A_1123 = arith.constant 192 : i32
      %add3A_1124 = arith.addi %mul3A_1122, %add3A_1123 : i32
      %get3A_1125 = arith.index_cast %add3A_1124 : i32 to index
      %get3A_1126 = tpu.vector_load %arg6[%get3A_1125] {strides = array<i32>} : memref<26624xi32, #tpu.memory_space<vmem>>, vector<16xi32>,
      %ne3A_1127 = arith.constant 0 : i32
      %ne3A_1128 = vector.broadcast %ne3A_1127 : i32 to vector<16xi32>
      %ne3A_1129 = arith.cmpi ne, %get3A_1126, %ne3A_1128 : vector<16xi32>
      %convert_element_type3A_1130 = arith.extui %ne3A_1129 : vector<16xi1> to vector<16xi32>
      %convert_element_type3A_1131 = arith.sitofp %convert_element_type3A_1130 : vector<16xi32> to vector<16xf32>
      %jit3A_1132 = arith.constant 0.000000e+00 : f32
      %broadcast_in_dim3A_1133 = vector.broadcast %jit3A_1132 : f32 to vector<16xf32>
      %select_n3A_1134 = arith.select %lt3A_6, %convert_element_type3A_1131, %broadcast_in_dim3A_1133 : vector<16xi1>, vector<16xf32>
      %add3A_1135 = arith.addf %scan3A_1106#2, %select_n3A_1134 : vector<16xf32>
      %reduce_sum3A_1136 = arith.constant true
      %reduce_sum3A_1137 = vector.broadcast %reduce_sum3A_1136 : i1 to vector<16xi1>
      %reduce_sum3A_1138 = tpu.scan <sum>, %add3A_1120 masked %reduce_sum3A_1137 : vector<16xf32>, vector<16xi1> -> vector<16xf32>
      %reduce_sum3A_1139 = vector.extract %reduce_sum3A_1138[15] : f32 from vector<16xf32>
      %broadcast_in_dim3A_1140 = vector.broadcast %reduce_sum3A_1139 : f32 to vector<16xf32>
      %reduce_sum3A_1141 = arith.constant true
      %reduce_sum3A_1142 = vector.broadcast %reduce_sum3A_1141 : i1 to vector<16xi1>
      %reduce_sum3A_1143 = tpu.scan <sum>, %add3A_1116 masked %reduce_sum3A_1142 : vector<16xf32>, vector<16xi1> -> vector<16xf32>
      %reduce_sum3A_1144 = vector.extract %reduce_sum3A_1143[15] : f32 from vector<16xf32>
      %broadcast_in_dim3A_1145 = vector.broadcast %reduce_sum3A_1144 : f32 to vector<16xf32>
      %reduce_sum3A_1146 = arith.constant true
      %reduce_sum3A_1147 = vector.broadcast %reduce_sum3A_1146 : i1 to vector<16xi1>
      %reduce_sum3A_1148 = tpu.scan <sum>, %add3A_1135 masked %reduce_sum3A_1147 : vector<16xf32>, vector<16xi1> -> vector<16xf32>
      %reduce_sum3A_1149 = vector.extract %reduce_sum3A_1148[15] : f32 from vector<16xf32>
      %broadcast_in_dim3A_1150 = vector.broadcast %reduce_sum3A_1149 : f32 to vector<16xf32>
      %select_n3A_1151 = arith.select %eq3A_9, %broadcast_in_dim3A_1140, %broadcast_in_dim3A_1145 : vector<16xi1>, vector<16xf32>
      %add3A_1152 = arith.constant 9.99999993E-9 : f32
      %add3A_1153 = vector.broadcast %add3A_1152 : f32 to vector<16xf32>
      %add3A_1154 = arith.addf %broadcast_in_dim3A_1150, %add3A_1153 : vector<16xf32>
      %div3A_1155 = arith.divf %select_n3A_1151, %add3A_1154 : vector<16xf32>
      %get3A_1156 = arith.constant 0 : index
      %get3A_1157 = tpu.vector_load %arg24[%get3A_1156] {strides = array<i32>} : memref<16xf32, #tpu.memory_space<vmem>>, vector<16xf32>,
      %add3A_1158 = arith.addf %div3A_1155, %get3A_1157 : vector<16xf32>
      %swap3A_1159 = arith.index_cast %add3A_1074 : i32 to index
      %swap3A_1160 = arith.constant 0 : index
      %swap3A_1161 = tpu.vector_load %arg23[%swap3A_1159, %swap3A_1160] {strides = array<i32>} : memref<128x16xf32, #tpu.memory_space<vmem>>, vector<16xf32>,
      tpu.vector_store %arg23[%swap3A_1159, %swap3A_1160], %add3A_1158 {strides = array<i32>} : memref<128x16xf32, #tpu.memory_space<vmem>>, vector<16xf32>,
      %add3A_1162 = arith.constant 11 : i32
      %add3A_1163 = arith.addi %mul3A_196, %add3A_1162 : i32
      %add3A_1164 = arith.constant 16 : i32
      %add3A_1165 = arith.addi %add3A_1163, %add3A_1164 : i32
      %sub3A_1166 = arith.constant 1 : i32
      %sub3A_1167 = arith.subi %add3A_1165, %sub3A_1166 : i32
      %lt3A_1168 = arith.constant 128 : i32
      %lt3A_1169 = arith.cmpi slt, %sub3A_1167, %lt3A_1168 : i32
      %convert_element_type3A_1170 = arith.extui %lt3A_1169 : i1 to i32
      %cond3A_1171 = arith.constant 0 : i32
      %cond3A_1172 = arith.cmpi ne, %convert_element_type3A_1170, %cond3A_1171 : i32
      scf.if %cond3A_1172 {
        %add3A_1607 = arith.constant 16 : i32
        %add3A_1608 = arith.addi %add3A_1163, %add3A_1607 : i32
        %sub3A_1609 = arith.constant 1 : i32
        %sub3A_1610 = arith.subi %add3A_1608, %sub3A_1609 : i32
        %mul3A_1611 = arith.constant 208 : i32
        %mul3A_1612 = arith.muli %sub3A_1610, %mul3A_1611 : i32
        %mul3A_1613 = arith.constant 208 : i32
        %mul3A_1614 = arith.muli %sub3A_1610, %mul3A_1613 : i32
        %add3A_1615 = arith.constant 104 : i32
        %add3A_1616 = arith.addi %mul3A_1614, %add3A_1615 : i32
        %dma_start3A_1617 = arith.constant 0 : i32
        %dma_start3A_1618 = tpu.memref_slice %arg17[%dma_start3A_1617] : memref<208xf32, #tpu.memory_space<vmem>> -> memref<104xf32, #tpu.memory_space<vmem>>
        %dma_start3A_1619 = tpu.memref_slice %arg6[%mul3A_1612] : memref<26624xi32, #tpu.memory_space<vmem>> -> memref<104xi32, #tpu.memory_space<vmem>>
        %dma_start3A_1620 = arith.constant 0 : i32
        %dma_start3A_1621 = tpu.memref_slice %arg3[%dma_start3A_1620] : memref<1015808xf32, #tpu.memory_space<hbm>> -> memref<1015808xf32, #tpu.memory_space<hbm>>
        tpu.enqueue_indirect_dma source(%dma_start3A_1621 : memref<1015808xf32, #tpu.memory_space<hbm>>) target(%dma_start3A_1618 : memref<104xf32, #tpu.memory_space<vmem>>) offsets(%dma_start3A_1619 : memref<104xi32, #tpu.memory_space<vmem>>) semaphore(%arg35 : memref<!tpu.dma_semaphore, #tpu.memory_space<semaphore_mem>>)
        %dma_start3A_1622 = arith.constant 104 : i32
        %dma_start3A_1623 = tpu.memref_slice %arg17[%dma_start3A_1622] : memref<208xf32, #tpu.memory_space<vmem>> -> memref<104xf32, #tpu.memory_space<vmem>>
        %dma_start3A_1624 = tpu.memref_slice %arg6[%add3A_1616] : memref<26624xi32, #tpu.memory_space<vmem>> -> memref<104xi32, #tpu.memory_space<vmem>>
        %dma_start3A_1625 = arith.constant 0 : i32
        %dma_start3A_1626 = tpu.memref_slice %arg3[%dma_start3A_1625] : memref<1015808xf32, #tpu.memory_space<hbm>> -> memref<1015808xf32, #tpu.memory_space<hbm>>
        tpu.enqueue_indirect_dma source(%dma_start3A_1626 : memref<1015808xf32, #tpu.memory_space<hbm>>) target(%dma_start3A_1623 : memref<104xf32, #tpu.memory_space<vmem>>) offsets(%dma_start3A_1624 : memref<104xi32, #tpu.memory_space<vmem>>) semaphore(%arg35 : memref<!tpu.dma_semaphore, #tpu.memory_space<semaphore_mem>>)
      } else {
      }
      %mul3A_1173 = arith.constant 208 : i32
      %mul3A_1174 = arith.muli %add3A_1163, %mul3A_1173 : i32
      %mul3A_1175 = arith.constant 208 : i32
      %mul3A_1176 = arith.muli %add3A_1163, %mul3A_1175 : i32
      %add3A_1177 = arith.constant 104 : i32
      %add3A_1178 = arith.addi %mul3A_1176, %add3A_1177 : i32
      %dma_wait3A_1179 = arith.constant 0 : i32
      %dma_wait3A_1180 = tpu.memref_slice %arg18[%dma_wait3A_1179] : memref<208xf32, #tpu.memory_space<vmem>> -> memref<104xf32, #tpu.memory_space<vmem>>
      %dma_wait3A_1181 = tpu.memref_slice %arg6[%mul3A_1174] : memref<26624xi32, #tpu.memory_space<vmem>> -> memref<104xi32, #tpu.memory_space<vmem>>
      %dma_wait3A_1182 = arith.constant 0 : i32
      %dma_wait3A_1183 = tpu.memref_slice %arg3[%dma_wait3A_1182] : memref<1015808xf32, #tpu.memory_space<hbm>> -> memref<1015808xf32, #tpu.memory_space<hbm>>
      tpu.wait_indirect_dma semaphore(%arg36 : memref<!tpu.dma_semaphore, #tpu.memory_space<semaphore_mem>>) src(%dma_wait3A_1183 : memref<1015808xf32, #tpu.memory_space<hbm>>) dst(%dma_wait3A_1180 : memref<104xf32, #tpu.memory_space<vmem>>)
      %dma_wait3A_1184 = arith.constant 104 : i32
      %dma_wait3A_1185 = tpu.memref_slice %arg18[%dma_wait3A_1184] : memref<208xf32, #tpu.memory_space<vmem>> -> memref<104xf32, #tpu.memory_space<vmem>>
      %dma_wait3A_1186 = tpu.memref_slice %arg6[%add3A_1178] : memref<26624xi32, #tpu.memory_space<vmem>> -> memref<104xi32, #tpu.memory_space<vmem>>
      %dma_wait3A_1187 = arith.constant 0 : i32
      %dma_wait3A_1188 = tpu.memref_slice %arg3[%dma_wait3A_1187] : memref<1015808xf32, #tpu.memory_space<hbm>> -> memref<1015808xf32, #tpu.memory_space<hbm>>
      tpu.wait_indirect_dma semaphore(%arg36 : memref<!tpu.dma_semaphore, #tpu.memory_space<semaphore_mem>>) src(%dma_wait3A_1188 : memref<1015808xf32, #tpu.memory_space<hbm>>) dst(%dma_wait3A_1185 : memref<104xf32, #tpu.memory_space<vmem>>)
      %broadcast_in_dim3A_1189 = arith.constant 0.000000e+00 : f32
      %broadcast_in_dim3A_1190 = vector.broadcast %broadcast_in_dim3A_1189 : f32 to vector<16xf32>
      %scan3A_1191 = arith.constant 0 : i32
      %scan3A_1192 = arith.constant 12 : i32
      %scan3A_1193 = arith.addi %scan3A_1191, %scan3A_1192 : i32
      %scan3A_1194 = arith.constant 4 : i32
      %scan3A_1195:3 = scf.for %scan3A_1607 = %scan3A_1191 to %scan3A_1193 step %scan3A_1194 iter_args(%scan3A_1608 = %broadcast_in_dim3A_1190, %scan3A_1609 = %broadcast_in_dim3A_1190, %scan3A_1610 = %broadcast_in_dim3A_1190) -> (vector<16xf32>, vector<16xf32>, vector<16xf32>)  : i32 {
        %mul3A_1611 = arith.constant 16 : i32
        %mul3A_1612 = arith.muli %mul3A_1611, %scan3A_1607 : i32
        %get3A_1613 = arith.index_cast %mul3A_1612 : i32 to index
        %get3A_1614 = tpu.vector_load %arg18[%get3A_1613] {strides = array<i32>} : memref<208xf32, #tpu.memory_space<vmem>>, vector<16xf32>,
        %bitcast3A_1615 = vector.bitcast %get3A_1614 : vector<16xf32> to vector<32xbf16>
        %unpack3A_1616 = tpu.unpack_subelements %bitcast3A_1615, 0 {pack_format = #tpu.pack_format<interleaved>} : vector<32xbf16> -> vector<16xf32>
        %unpack3A_1617 = tpu.unpack_subelements %bitcast3A_1615, 1 {pack_format = #tpu.pack_format<interleaved>} : vector<32xbf16> -> vector<16xf32>
        %add3A_1618 = arith.addf %scan3A_1608, %unpack3A_1616 : vector<16xf32>
        %add3A_1619 = arith.addf %scan3A_1609, %unpack3A_1617 : vector<16xf32>
        %mul3A_1620 = arith.constant 208 : i32
        %mul3A_1621 = arith.muli %add3A_1163, %mul3A_1620 : i32
        %mul3A_1622 = arith.constant 16 : i32
        %mul3A_1623 = arith.muli %mul3A_1622, %scan3A_1607 : i32
        %add3A_1624 = arith.addi %mul3A_1621, %mul3A_1623 : i32
        %get3A_1625 = arith.index_cast %add3A_1624 : i32 to index
        %get3A_1626 = tpu.vector_load %arg6[%get3A_1625] {strides = array<i32>} : memref<26624xi32, #tpu.memory_space<vmem>>, vector<16xi32>,
        %ne3A_1627 = arith.constant 0 : i32
        %ne3A_1628 = vector.broadcast %ne3A_1627 : i32 to vector<16xi32>
        %ne3A_1629 = arith.cmpi ne, %get3A_1626, %ne3A_1628 : vector<16xi32>
        %convert_element_type3A_1630 = arith.extui %ne3A_1629 : vector<16xi1> to vector<16xi32>
        %convert_element_type3A_1631 = arith.sitofp %convert_element_type3A_1630 : vector<16xi32> to vector<16xf32>
        %add3A_1632 = arith.addf %scan3A_1610, %convert_element_type3A_1631 : vector<16xf32>
        %scan3A_1633 = arith.constant 1 : i32
        %scan3A_1634 = arith.addi %scan3A_1607, %scan3A_1633 : i32
        %mul3A_1635 = arith.constant 16 : i32
        %mul3A_1636 = arith.muli %mul3A_1635, %scan3A_1634 : i32
        %get3A_1637 = arith.index_cast %mul3A_1636 : i32 to index
        %get3A_1638 = tpu.vector_load %arg18[%get3A_1637] {strides = array<i32>} : memref<208xf32, #tpu.memory_space<vmem>>, vector<16xf32>,
        %bitcast3A_1639 = vector.bitcast %get3A_1638 : vector<16xf32> to vector<32xbf16>
        %unpack3A_1640 = tpu.unpack_subelements %bitcast3A_1639, 0 {pack_format = #tpu.pack_format<interleaved>} : vector<32xbf16> -> vector<16xf32>
        %unpack3A_1641 = tpu.unpack_subelements %bitcast3A_1639, 1 {pack_format = #tpu.pack_format<interleaved>} : vector<32xbf16> -> vector<16xf32>
        %add3A_1642 = arith.addf %add3A_1618, %unpack3A_1640 : vector<16xf32>
        %add3A_1643 = arith.addf %add3A_1619, %unpack3A_1641 : vector<16xf32>
        %mul3A_1644 = arith.constant 208 : i32
        %mul3A_1645 = arith.muli %add3A_1163, %mul3A_1644 : i32
        %mul3A_1646 = arith.constant 16 : i32
        %mul3A_1647 = arith.muli %mul3A_1646, %scan3A_1634 : i32
        %add3A_1648 = arith.addi %mul3A_1645, %mul3A_1647 : i32
        %get3A_1649 = arith.index_cast %add3A_1648 : i32 to index
        %get3A_1650 = tpu.vector_load %arg6[%get3A_1649] {strides = array<i32>} : memref<26624xi32, #tpu.memory_space<vmem>>, vector<16xi32>,
        %ne3A_1651 = arith.constant 0 : i32
        %ne3A_1652 = vector.broadcast %ne3A_1651 : i32 to vector<16xi32>
        %ne3A_1653 = arith.cmpi ne, %get3A_1650, %ne3A_1652 : vector<16xi32>
        %convert_element_type3A_1654 = arith.extui %ne3A_1653 : vector<16xi1> to vector<16xi32>
        %convert_element_type3A_1655 = arith.sitofp %convert_element_type3A_1654 : vector<16xi32> to vector<16xf32>
        %add3A_1656 = arith.addf %add3A_1632, %convert_element_type3A_1655 : vector<16xf32>
        %scan3A_1657 = arith.constant 2 : i32
        %scan3A_1658 = arith.addi %scan3A_1607, %scan3A_1657 : i32
        %mul3A_1659 = arith.constant 16 : i32
        %mul3A_1660 = arith.muli %mul3A_1659, %scan3A_1658 : i32
        %get3A_1661 = arith.index_cast %mul3A_1660 : i32 to index
        %get3A_1662 = tpu.vector_load %arg18[%get3A_1661] {strides = array<i32>} : memref<208xf32, #tpu.memory_space<vmem>>, vector<16xf32>,
        %bitcast3A_1663 = vector.bitcast %get3A_1662 : vector<16xf32> to vector<32xbf16>
        %unpack3A_1664 = tpu.unpack_subelements %bitcast3A_1663, 0 {pack_format = #tpu.pack_format<interleaved>} : vector<32xbf16> -> vector<16xf32>
        %unpack3A_1665 = tpu.unpack_subelements %bitcast3A_1663, 1 {pack_format = #tpu.pack_format<interleaved>} : vector<32xbf16> -> vector<16xf32>
        %add3A_1666 = arith.addf %add3A_1642, %unpack3A_1664 : vector<16xf32>
        %add3A_1667 = arith.addf %add3A_1643, %unpack3A_1665 : vector<16xf32>
        %mul3A_1668 = arith.constant 208 : i32
        %mul3A_1669 = arith.muli %add3A_1163, %mul3A_1668 : i32
        %mul3A_1670 = arith.constant 16 : i32
        %mul3A_1671 = arith.muli %mul3A_1670, %scan3A_1658 : i32
        %add3A_1672 = arith.addi %mul3A_1669, %mul3A_1671 : i32
        %get3A_1673 = arith.index_cast %add3A_1672 : i32 to index
        %get3A_1674 = tpu.vector_load %arg6[%get3A_1673] {strides = array<i32>} : memref<26624xi32, #tpu.memory_space<vmem>>, vector<16xi32>,
        %ne3A_1675 = arith.constant 0 : i32
        %ne3A_1676 = vector.broadcast %ne3A_1675 : i32 to vector<16xi32>
        %ne3A_1677 = arith.cmpi ne, %get3A_1674, %ne3A_1676 : vector<16xi32>
        %convert_element_type3A_1678 = arith.extui %ne3A_1677 : vector<16xi1> to vector<16xi32>
        %convert_element_type3A_1679 = arith.sitofp %convert_element_type3A_1678 : vector<16xi32> to vector<16xf32>
        %add3A_1680 = arith.addf %add3A_1656, %convert_element_type3A_1679 : vector<16xf32>
        %scan3A_1681 = arith.constant 3 : i32
        %scan3A_1682 = arith.addi %scan3A_1607, %scan3A_1681 : i32
        %mul3A_1683 = arith.constant 16 : i32
        %mul3A_1684 = arith.muli %mul3A_1683, %scan3A_1682 : i32
        %get3A_1685 = arith.index_cast %mul3A_1684 : i32 to index
        %get3A_1686 = tpu.vector_load %arg18[%get3A_1685] {strides = array<i32>} : memref<208xf32, #tpu.memory_space<vmem>>, vector<16xf32>,
        %bitcast3A_1687 = vector.bitcast %get3A_1686 : vector<16xf32> to vector<32xbf16>
        %unpack3A_1688 = tpu.unpack_subelements %bitcast3A_1687, 0 {pack_format = #tpu.pack_format<interleaved>} : vector<32xbf16> -> vector<16xf32>
        %unpack3A_1689 = tpu.unpack_subelements %bitcast3A_1687, 1 {pack_format = #tpu.pack_format<interleaved>} : vector<32xbf16> -> vector<16xf32>
        %add3A_1690 = arith.addf %add3A_1666, %unpack3A_1688 : vector<16xf32>
        %add3A_1691 = arith.addf %add3A_1667, %unpack3A_1689 : vector<16xf32>
        %mul3A_1692 = arith.constant 208 : i32
        %mul3A_1693 = arith.muli %add3A_1163, %mul3A_1692 : i32
        %mul3A_1694 = arith.constant 16 : i32
        %mul3A_1695 = arith.muli %mul3A_1694, %scan3A_1682 : i32
        %add3A_1696 = arith.addi %mul3A_1693, %mul3A_1695 : i32
        %get3A_1697 = arith.index_cast %add3A_1696 : i32 to index
        %get3A_1698 = tpu.vector_load %arg6[%get3A_1697] {strides = array<i32>} : memref<26624xi32, #tpu.memory_space<vmem>>, vector<16xi32>,
        %ne3A_1699 = arith.constant 0 : i32
        %ne3A_1700 = vector.broadcast %ne3A_1699 : i32 to vector<16xi32>
        %ne3A_1701 = arith.cmpi ne, %get3A_1698, %ne3A_1700 : vector<16xi32>
        %convert_element_type3A_1702 = arith.extui %ne3A_1701 : vector<16xi1> to vector<16xi32>
        %convert_element_type3A_1703 = arith.sitofp %convert_element_type3A_1702 : vector<16xi32> to vector<16xf32>
        %add3A_1704 = arith.addf %add3A_1680, %convert_element_type3A_1703 : vector<16xf32>
        scf.yield %add3A_1690, %add3A_1691, %add3A_1704 : vector<16xf32>, vector<16xf32>, vector<16xf32>
      }
      %scan3A_1196 = arith.constant 12 : i32
      %get3A_1197 = arith.constant 192 : index
      %get3A_1198 = tpu.vector_load %arg18[%get3A_1197] {strides = array<i32>} : memref<208xf32, #tpu.memory_space<vmem>>, vector<16xf32>,
      %bitcast3A_1199 = vector.bitcast %get3A_1198 : vector<16xf32> to vector<32xbf16>
      %unpack3A_1200 = tpu.unpack_subelements %bitcast3A_1199, 0 {pack_format = #tpu.pack_format<interleaved>} : vector<32xbf16> -> vector<16xf32>
      %unpack3A_1201 = tpu.unpack_subelements %bitcast3A_1199, 1 {pack_format = #tpu.pack_format<interleaved>} : vector<32xbf16> -> vector<16xf32>
      %jit3A_1202 = arith.constant 0.000000e+00 : f32
      %broadcast_in_dim3A_1203 = vector.broadcast %jit3A_1202 : f32 to vector<16xf32>
      %select_n3A_1204 = arith.select %lt3A_6, %unpack3A_1200, %broadcast_in_dim3A_1203 : vector<16xi1>, vector<16xf32>
      %add3A_1205 = arith.addf %scan3A_1195#0, %select_n3A_1204 : vector<16xf32>
      %jit3A_1206 = arith.constant 0.000000e+00 : f32
      %broadcast_in_dim3A_1207 = vector.broadcast %jit3A_1206 : f32 to vector<16xf32>
      %select_n3A_1208 = arith.select %lt3A_6, %unpack3A_1201, %broadcast_in_dim3A_1207 : vector<16xi1>, vector<16xf32>
      %add3A_1209 = arith.addf %scan3A_1195#1, %select_n3A_1208 : vector<16xf32>
      %mul3A_1210 = arith.constant 208 : i32
      %mul3A_1211 = arith.muli %add3A_1163, %mul3A_1210 : i32
      %add3A_1212 = arith.constant 192 : i32
      %add3A_1213 = arith.addi %mul3A_1211, %add3A_1212 : i32
      %get3A_1214 = arith.index_cast %add3A_1213 : i32 to index
      %get3A_1215 = tpu.vector_load %arg6[%get3A_1214] {strides = array<i32>} : memref<26624xi32, #tpu.memory_space<vmem>>, vector<16xi32>,
      %ne3A_1216 = arith.constant 0 : i32
      %ne3A_1217 = vector.broadcast %ne3A_1216 : i32 to vector<16xi32>
      %ne3A_1218 = arith.cmpi ne, %get3A_1215, %ne3A_1217 : vector<16xi32>
      %convert_element_type3A_1219 = arith.extui %ne3A_1218 : vector<16xi1> to vector<16xi32>
      %convert_element_type3A_1220 = arith.sitofp %convert_element_type3A_1219 : vector<16xi32> to vector<16xf32>
      %jit3A_1221 = arith.constant 0.000000e+00 : f32
      %broadcast_in_dim3A_1222 = vector.broadcast %jit3A_1221 : f32 to vector<16xf32>
      %select_n3A_1223 = arith.select %lt3A_6, %convert_element_type3A_1220, %broadcast_in_dim3A_1222 : vector<16xi1>, vector<16xf32>
      %add3A_1224 = arith.addf %scan3A_1195#2, %select_n3A_1223 : vector<16xf32>
      %reduce_sum3A_1225 = arith.constant true
      %reduce_sum3A_1226 = vector.broadcast %reduce_sum3A_1225 : i1 to vector<16xi1>
      %reduce_sum3A_1227 = tpu.scan <sum>, %add3A_1209 masked %reduce_sum3A_1226 : vector<16xf32>, vector<16xi1> -> vector<16xf32>
      %reduce_sum3A_1228 = vector.extract %reduce_sum3A_1227[15] : f32 from vector<16xf32>
      %broadcast_in_dim3A_1229 = vector.broadcast %reduce_sum3A_1228 : f32 to vector<16xf32>
      %reduce_sum3A_1230 = arith.constant true
      %reduce_sum3A_1231 = vector.broadcast %reduce_sum3A_1230 : i1 to vector<16xi1>
      %reduce_sum3A_1232 = tpu.scan <sum>, %add3A_1205 masked %reduce_sum3A_1231 : vector<16xf32>, vector<16xi1> -> vector<16xf32>
      %reduce_sum3A_1233 = vector.extract %reduce_sum3A_1232[15] : f32 from vector<16xf32>
      %broadcast_in_dim3A_1234 = vector.broadcast %reduce_sum3A_1233 : f32 to vector<16xf32>
      %reduce_sum3A_1235 = arith.constant true
      %reduce_sum3A_1236 = vector.broadcast %reduce_sum3A_1235 : i1 to vector<16xi1>
      %reduce_sum3A_1237 = tpu.scan <sum>, %add3A_1224 masked %reduce_sum3A_1236 : vector<16xf32>, vector<16xi1> -> vector<16xf32>
      %reduce_sum3A_1238 = vector.extract %reduce_sum3A_1237[15] : f32 from vector<16xf32>
      %broadcast_in_dim3A_1239 = vector.broadcast %reduce_sum3A_1238 : f32 to vector<16xf32>
      %select_n3A_1240 = arith.select %eq3A_9, %broadcast_in_dim3A_1229, %broadcast_in_dim3A_1234 : vector<16xi1>, vector<16xf32>
      %add3A_1241 = arith.constant 9.99999993E-9 : f32
      %add3A_1242 = vector.broadcast %add3A_1241 : f32 to vector<16xf32>
      %add3A_1243 = arith.addf %broadcast_in_dim3A_1239, %add3A_1242 : vector<16xf32>
      %div3A_1244 = arith.divf %select_n3A_1240, %add3A_1243 : vector<16xf32>
      %get3A_1245 = arith.constant 0 : index
      %get3A_1246 = tpu.vector_load %arg24[%get3A_1245] {strides = array<i32>} : memref<16xf32, #tpu.memory_space<vmem>>, vector<16xf32>,
      %add3A_1247 = arith.addf %div3A_1244, %get3A_1246 : vector<16xf32>
      %swap3A_1248 = arith.index_cast %add3A_1163 : i32 to index
      %swap3A_1249 = arith.constant 0 : index
      %swap3A_1250 = tpu.vector_load %arg23[%swap3A_1248, %swap3A_1249] {strides = array<i32>} : memref<128x16xf32, #tpu.memory_space<vmem>>, vector<16xf32>,
      tpu.vector_store %arg23[%swap3A_1248, %swap3A_1249], %add3A_1247 {strides = array<i32>} : memref<128x16xf32, #tpu.memory_space<vmem>>, vector<16xf32>,
      %add3A_1251 = arith.constant 12 : i32
      %add3A_1252 = arith.addi %mul3A_196, %add3A_1251 : i32
      %add3A_1253 = arith.constant 16 : i32
      %add3A_1254 = arith.addi %add3A_1252, %add3A_1253 : i32
      %sub3A_1255 = arith.constant 1 : i32
      %sub3A_1256 = arith.subi %add3A_1254, %sub3A_1255 : i32
      %lt3A_1257 = arith.constant 128 : i32
      %lt3A_1258 = arith.cmpi slt, %sub3A_1256, %lt3A_1257 : i32
      %convert_element_type3A_1259 = arith.extui %lt3A_1258 : i1 to i32
      %cond3A_1260 = arith.constant 0 : i32
      %cond3A_1261 = arith.cmpi ne, %convert_element_type3A_1259, %cond3A_1260 : i32
      scf.if %cond3A_1261 {
        %add3A_1607 = arith.constant 16 : i32
        %add3A_1608 = arith.addi %add3A_1252, %add3A_1607 : i32
        %sub3A_1609 = arith.constant 1 : i32
        %sub3A_1610 = arith.subi %add3A_1608, %sub3A_1609 : i32
        %mul3A_1611 = arith.constant 208 : i32
        %mul3A_1612 = arith.muli %sub3A_1610, %mul3A_1611 : i32
        %mul3A_1613 = arith.constant 208 : i32
        %mul3A_1614 = arith.muli %sub3A_1610, %mul3A_1613 : i32
        %add3A_1615 = arith.constant 104 : i32
        %add3A_1616 = arith.addi %mul3A_1614, %add3A_1615 : i32
        %dma_start3A_1617 = arith.constant 0 : i32
        %dma_start3A_1618 = tpu.memref_slice %arg18[%dma_start3A_1617] : memref<208xf32, #tpu.memory_space<vmem>> -> memref<104xf32, #tpu.memory_space<vmem>>
        %dma_start3A_1619 = tpu.memref_slice %arg6[%mul3A_1612] : memref<26624xi32, #tpu.memory_space<vmem>> -> memref<104xi32, #tpu.memory_space<vmem>>
        %dma_start3A_1620 = arith.constant 0 : i32
        %dma_start3A_1621 = tpu.memref_slice %arg3[%dma_start3A_1620] : memref<1015808xf32, #tpu.memory_space<hbm>> -> memref<1015808xf32, #tpu.memory_space<hbm>>
        tpu.enqueue_indirect_dma source(%dma_start3A_1621 : memref<1015808xf32, #tpu.memory_space<hbm>>) target(%dma_start3A_1618 : memref<104xf32, #tpu.memory_space<vmem>>) offsets(%dma_start3A_1619 : memref<104xi32, #tpu.memory_space<vmem>>) semaphore(%arg36 : memref<!tpu.dma_semaphore, #tpu.memory_space<semaphore_mem>>)
        %dma_start3A_1622 = arith.constant 104 : i32
        %dma_start3A_1623 = tpu.memref_slice %arg18[%dma_start3A_1622] : memref<208xf32, #tpu.memory_space<vmem>> -> memref<104xf32, #tpu.memory_space<vmem>>
        %dma_start3A_1624 = tpu.memref_slice %arg6[%add3A_1616] : memref<26624xi32, #tpu.memory_space<vmem>> -> memref<104xi32, #tpu.memory_space<vmem>>
        %dma_start3A_1625 = arith.constant 0 : i32
        %dma_start3A_1626 = tpu.memref_slice %arg3[%dma_start3A_1625] : memref<1015808xf32, #tpu.memory_space<hbm>> -> memref<1015808xf32, #tpu.memory_space<hbm>>
        tpu.enqueue_indirect_dma source(%dma_start3A_1626 : memref<1015808xf32, #tpu.memory_space<hbm>>) target(%dma_start3A_1623 : memref<104xf32, #tpu.memory_space<vmem>>) offsets(%dma_start3A_1624 : memref<104xi32, #tpu.memory_space<vmem>>) semaphore(%arg36 : memref<!tpu.dma_semaphore, #tpu.memory_space<semaphore_mem>>)
      } else {
      }
      %mul3A_1262 = arith.constant 208 : i32
      %mul3A_1263 = arith.muli %add3A_1252, %mul3A_1262 : i32
      %mul3A_1264 = arith.constant 208 : i32
      %mul3A_1265 = arith.muli %add3A_1252, %mul3A_1264 : i32
      %add3A_1266 = arith.constant 104 : i32
      %add3A_1267 = arith.addi %mul3A_1265, %add3A_1266 : i32
      %dma_wait3A_1268 = arith.constant 0 : i32
      %dma_wait3A_1269 = tpu.memref_slice %arg19[%dma_wait3A_1268] : memref<208xf32, #tpu.memory_space<vmem>> -> memref<104xf32, #tpu.memory_space<vmem>>
      %dma_wait3A_1270 = tpu.memref_slice %arg6[%mul3A_1263] : memref<26624xi32, #tpu.memory_space<vmem>> -> memref<104xi32, #tpu.memory_space<vmem>>
      %dma_wait3A_1271 = arith.constant 0 : i32
      %dma_wait3A_1272 = tpu.memref_slice %arg3[%dma_wait3A_1271] : memref<1015808xf32, #tpu.memory_space<hbm>> -> memref<1015808xf32, #tpu.memory_space<hbm>>
      tpu.wait_indirect_dma semaphore(%arg37 : memref<!tpu.dma_semaphore, #tpu.memory_space<semaphore_mem>>) src(%dma_wait3A_1272 : memref<1015808xf32, #tpu.memory_space<hbm>>) dst(%dma_wait3A_1269 : memref<104xf32, #tpu.memory_space<vmem>>)
      %dma_wait3A_1273 = arith.constant 104 : i32
      %dma_wait3A_1274 = tpu.memref_slice %arg19[%dma_wait3A_1273] : memref<208xf32, #tpu.memory_space<vmem>> -> memref<104xf32, #tpu.memory_space<vmem>>
      %dma_wait3A_1275 = tpu.memref_slice %arg6[%add3A_1267] : memref<26624xi32, #tpu.memory_space<vmem>> -> memref<104xi32, #tpu.memory_space<vmem>>
      %dma_wait3A_1276 = arith.constant 0 : i32
      %dma_wait3A_1277 = tpu.memref_slice %arg3[%dma_wait3A_1276] : memref<1015808xf32, #tpu.memory_space<hbm>> -> memref<1015808xf32, #tpu.memory_space<hbm>>
      tpu.wait_indirect_dma semaphore(%arg37 : memref<!tpu.dma_semaphore, #tpu.memory_space<semaphore_mem>>) src(%dma_wait3A_1277 : memref<1015808xf32, #tpu.memory_space<hbm>>) dst(%dma_wait3A_1274 : memref<104xf32, #tpu.memory_space<vmem>>)
      %broadcast_in_dim3A_1278 = arith.constant 0.000000e+00 : f32
      %broadcast_in_dim3A_1279 = vector.broadcast %broadcast_in_dim3A_1278 : f32 to vector<16xf32>
      %scan3A_1280 = arith.constant 0 : i32
      %scan3A_1281 = arith.constant 12 : i32
      %scan3A_1282 = arith.addi %scan3A_1280, %scan3A_1281 : i32
      %scan3A_1283 = arith.constant 4 : i32
      %scan3A_1284:3 = scf.for %scan3A_1607 = %scan3A_1280 to %scan3A_1282 step %scan3A_1283 iter_args(%scan3A_1608 = %broadcast_in_dim3A_1279, %scan3A_1609 = %broadcast_in_dim3A_1279, %scan3A_1610 = %broadcast_in_dim3A_1279) -> (vector<16xf32>, vector<16xf32>, vector<16xf32>)  : i32 {
        %mul3A_1611 = arith.constant 16 : i32
        %mul3A_1612 = arith.muli %mul3A_1611, %scan3A_1607 : i32
        %get3A_1613 = arith.index_cast %mul3A_1612 : i32 to index
        %get3A_1614 = tpu.vector_load %arg19[%get3A_1613] {strides = array<i32>} : memref<208xf32, #tpu.memory_space<vmem>>, vector<16xf32>,
        %bitcast3A_1615 = vector.bitcast %get3A_1614 : vector<16xf32> to vector<32xbf16>
        %unpack3A_1616 = tpu.unpack_subelements %bitcast3A_1615, 0 {pack_format = #tpu.pack_format<interleaved>} : vector<32xbf16> -> vector<16xf32>
        %unpack3A_1617 = tpu.unpack_subelements %bitcast3A_1615, 1 {pack_format = #tpu.pack_format<interleaved>} : vector<32xbf16> -> vector<16xf32>
        %add3A_1618 = arith.addf %scan3A_1608, %unpack3A_1616 : vector<16xf32>
        %add3A_1619 = arith.addf %scan3A_1609, %unpack3A_1617 : vector<16xf32>
        %mul3A_1620 = arith.constant 208 : i32
        %mul3A_1621 = arith.muli %add3A_1252, %mul3A_1620 : i32
        %mul3A_1622 = arith.constant 16 : i32
        %mul3A_1623 = arith.muli %mul3A_1622, %scan3A_1607 : i32
        %add3A_1624 = arith.addi %mul3A_1621, %mul3A_1623 : i32
        %get3A_1625 = arith.index_cast %add3A_1624 : i32 to index
        %get3A_1626 = tpu.vector_load %arg6[%get3A_1625] {strides = array<i32>} : memref<26624xi32, #tpu.memory_space<vmem>>, vector<16xi32>,
        %ne3A_1627 = arith.constant 0 : i32
        %ne3A_1628 = vector.broadcast %ne3A_1627 : i32 to vector<16xi32>
        %ne3A_1629 = arith.cmpi ne, %get3A_1626, %ne3A_1628 : vector<16xi32>
        %convert_element_type3A_1630 = arith.extui %ne3A_1629 : vector<16xi1> to vector<16xi32>
        %convert_element_type3A_1631 = arith.sitofp %convert_element_type3A_1630 : vector<16xi32> to vector<16xf32>
        %add3A_1632 = arith.addf %scan3A_1610, %convert_element_type3A_1631 : vector<16xf32>
        %scan3A_1633 = arith.constant 1 : i32
        %scan3A_1634 = arith.addi %scan3A_1607, %scan3A_1633 : i32
        %mul3A_1635 = arith.constant 16 : i32
        %mul3A_1636 = arith.muli %mul3A_1635, %scan3A_1634 : i32
        %get3A_1637 = arith.index_cast %mul3A_1636 : i32 to index
        %get3A_1638 = tpu.vector_load %arg19[%get3A_1637] {strides = array<i32>} : memref<208xf32, #tpu.memory_space<vmem>>, vector<16xf32>,
        %bitcast3A_1639 = vector.bitcast %get3A_1638 : vector<16xf32> to vector<32xbf16>
        %unpack3A_1640 = tpu.unpack_subelements %bitcast3A_1639, 0 {pack_format = #tpu.pack_format<interleaved>} : vector<32xbf16> -> vector<16xf32>
        %unpack3A_1641 = tpu.unpack_subelements %bitcast3A_1639, 1 {pack_format = #tpu.pack_format<interleaved>} : vector<32xbf16> -> vector<16xf32>
        %add3A_1642 = arith.addf %add3A_1618, %unpack3A_1640 : vector<16xf32>
        %add3A_1643 = arith.addf %add3A_1619, %unpack3A_1641 : vector<16xf32>
        %mul3A_1644 = arith.constant 208 : i32
        %mul3A_1645 = arith.muli %add3A_1252, %mul3A_1644 : i32
        %mul3A_1646 = arith.constant 16 : i32
        %mul3A_1647 = arith.muli %mul3A_1646, %scan3A_1634 : i32
        %add3A_1648 = arith.addi %mul3A_1645, %mul3A_1647 : i32
        %get3A_1649 = arith.index_cast %add3A_1648 : i32 to index
        %get3A_1650 = tpu.vector_load %arg6[%get3A_1649] {strides = array<i32>} : memref<26624xi32, #tpu.memory_space<vmem>>, vector<16xi32>,
        %ne3A_1651 = arith.constant 0 : i32
        %ne3A_1652 = vector.broadcast %ne3A_1651 : i32 to vector<16xi32>
        %ne3A_1653 = arith.cmpi ne, %get3A_1650, %ne3A_1652 : vector<16xi32>
        %convert_element_type3A_1654 = arith.extui %ne3A_1653 : vector<16xi1> to vector<16xi32>
        %convert_element_type3A_1655 = arith.sitofp %convert_element_type3A_1654 : vector<16xi32> to vector<16xf32>
        %add3A_1656 = arith.addf %add3A_1632, %convert_element_type3A_1655 : vector<16xf32>
        %scan3A_1657 = arith.constant 2 : i32
        %scan3A_1658 = arith.addi %scan3A_1607, %scan3A_1657 : i32
        %mul3A_1659 = arith.constant 16 : i32
        %mul3A_1660 = arith.muli %mul3A_1659, %scan3A_1658 : i32
        %get3A_1661 = arith.index_cast %mul3A_1660 : i32 to index
        %get3A_1662 = tpu.vector_load %arg19[%get3A_1661] {strides = array<i32>} : memref<208xf32, #tpu.memory_space<vmem>>, vector<16xf32>,
        %bitcast3A_1663 = vector.bitcast %get3A_1662 : vector<16xf32> to vector<32xbf16>
        %unpack3A_1664 = tpu.unpack_subelements %bitcast3A_1663, 0 {pack_format = #tpu.pack_format<interleaved>} : vector<32xbf16> -> vector<16xf32>
        %unpack3A_1665 = tpu.unpack_subelements %bitcast3A_1663, 1 {pack_format = #tpu.pack_format<interleaved>} : vector<32xbf16> -> vector<16xf32>
        %add3A_1666 = arith.addf %add3A_1642, %unpack3A_1664 : vector<16xf32>
        %add3A_1667 = arith.addf %add3A_1643, %unpack3A_1665 : vector<16xf32>
        %mul3A_1668 = arith.constant 208 : i32
        %mul3A_1669 = arith.muli %add3A_1252, %mul3A_1668 : i32
        %mul3A_1670 = arith.constant 16 : i32
        %mul3A_1671 = arith.muli %mul3A_1670, %scan3A_1658 : i32
        %add3A_1672 = arith.addi %mul3A_1669, %mul3A_1671 : i32
        %get3A_1673 = arith.index_cast %add3A_1672 : i32 to index
        %get3A_1674 = tpu.vector_load %arg6[%get3A_1673] {strides = array<i32>} : memref<26624xi32, #tpu.memory_space<vmem>>, vector<16xi32>,
        %ne3A_1675 = arith.constant 0 : i32
        %ne3A_1676 = vector.broadcast %ne3A_1675 : i32 to vector<16xi32>
        %ne3A_1677 = arith.cmpi ne, %get3A_1674, %ne3A_1676 : vector<16xi32>
        %convert_element_type3A_1678 = arith.extui %ne3A_1677 : vector<16xi1> to vector<16xi32>
        %convert_element_type3A_1679 = arith.sitofp %convert_element_type3A_1678 : vector<16xi32> to vector<16xf32>
        %add3A_1680 = arith.addf %add3A_1656, %convert_element_type3A_1679 : vector<16xf32>
        %scan3A_1681 = arith.constant 3 : i32
        %scan3A_1682 = arith.addi %scan3A_1607, %scan3A_1681 : i32
        %mul3A_1683 = arith.constant 16 : i32
        %mul3A_1684 = arith.muli %mul3A_1683, %scan3A_1682 : i32
        %get3A_1685 = arith.index_cast %mul3A_1684 : i32 to index
        %get3A_1686 = tpu.vector_load %arg19[%get3A_1685] {strides = array<i32>} : memref<208xf32, #tpu.memory_space<vmem>>, vector<16xf32>,
        %bitcast3A_1687 = vector.bitcast %get3A_1686 : vector<16xf32> to vector<32xbf16>
        %unpack3A_1688 = tpu.unpack_subelements %bitcast3A_1687, 0 {pack_format = #tpu.pack_format<interleaved>} : vector<32xbf16> -> vector<16xf32>
        %unpack3A_1689 = tpu.unpack_subelements %bitcast3A_1687, 1 {pack_format = #tpu.pack_format<interleaved>} : vector<32xbf16> -> vector<16xf32>
        %add3A_1690 = arith.addf %add3A_1666, %unpack3A_1688 : vector<16xf32>
        %add3A_1691 = arith.addf %add3A_1667, %unpack3A_1689 : vector<16xf32>
        %mul3A_1692 = arith.constant 208 : i32
        %mul3A_1693 = arith.muli %add3A_1252, %mul3A_1692 : i32
        %mul3A_1694 = arith.constant 16 : i32
        %mul3A_1695 = arith.muli %mul3A_1694, %scan3A_1682 : i32
        %add3A_1696 = arith.addi %mul3A_1693, %mul3A_1695 : i32
        %get3A_1697 = arith.index_cast %add3A_1696 : i32 to index
        %get3A_1698 = tpu.vector_load %arg6[%get3A_1697] {strides = array<i32>} : memref<26624xi32, #tpu.memory_space<vmem>>, vector<16xi32>,
        %ne3A_1699 = arith.constant 0 : i32
        %ne3A_1700 = vector.broadcast %ne3A_1699 : i32 to vector<16xi32>
        %ne3A_1701 = arith.cmpi ne, %get3A_1698, %ne3A_1700 : vector<16xi32>
        %convert_element_type3A_1702 = arith.extui %ne3A_1701 : vector<16xi1> to vector<16xi32>
        %convert_element_type3A_1703 = arith.sitofp %convert_element_type3A_1702 : vector<16xi32> to vector<16xf32>
        %add3A_1704 = arith.addf %add3A_1680, %convert_element_type3A_1703 : vector<16xf32>
        scf.yield %add3A_1690, %add3A_1691, %add3A_1704 : vector<16xf32>, vector<16xf32>, vector<16xf32>
      }
      %scan3A_1285 = arith.constant 12 : i32
      %get3A_1286 = arith.constant 192 : index
      %get3A_1287 = tpu.vector_load %arg19[%get3A_1286] {strides = array<i32>} : memref<208xf32, #tpu.memory_space<vmem>>, vector<16xf32>,
      %bitcast3A_1288 = vector.bitcast %get3A_1287 : vector<16xf32> to vector<32xbf16>
      %unpack3A_1289 = tpu.unpack_subelements %bitcast3A_1288, 0 {pack_format = #tpu.pack_format<interleaved>} : vector<32xbf16> -> vector<16xf32>
      %unpack3A_1290 = tpu.unpack_subelements %bitcast3A_1288, 1 {pack_format = #tpu.pack_format<interleaved>} : vector<32xbf16> -> vector<16xf32>
      %jit3A_1291 = arith.constant 0.000000e+00 : f32
      %broadcast_in_dim3A_1292 = vector.broadcast %jit3A_1291 : f32 to vector<16xf32>
      %select_n3A_1293 = arith.select %lt3A_6, %unpack3A_1289, %broadcast_in_dim3A_1292 : vector<16xi1>, vector<16xf32>
      %add3A_1294 = arith.addf %scan3A_1284#0, %select_n3A_1293 : vector<16xf32>
      %jit3A_1295 = arith.constant 0.000000e+00 : f32
      %broadcast_in_dim3A_1296 = vector.broadcast %jit3A_1295 : f32 to vector<16xf32>
      %select_n3A_1297 = arith.select %lt3A_6, %unpack3A_1290, %broadcast_in_dim3A_1296 : vector<16xi1>, vector<16xf32>
      %add3A_1298 = arith.addf %scan3A_1284#1, %select_n3A_1297 : vector<16xf32>
      %mul3A_1299 = arith.constant 208 : i32
      %mul3A_1300 = arith.muli %add3A_1252, %mul3A_1299 : i32
      %add3A_1301 = arith.constant 192 : i32
      %add3A_1302 = arith.addi %mul3A_1300, %add3A_1301 : i32
      %get3A_1303 = arith.index_cast %add3A_1302 : i32 to index
      %get3A_1304 = tpu.vector_load %arg6[%get3A_1303] {strides = array<i32>} : memref<26624xi32, #tpu.memory_space<vmem>>, vector<16xi32>,
      %ne3A_1305 = arith.constant 0 : i32
      %ne3A_1306 = vector.broadcast %ne3A_1305 : i32 to vector<16xi32>
      %ne3A_1307 = arith.cmpi ne, %get3A_1304, %ne3A_1306 : vector<16xi32>
      %convert_element_type3A_1308 = arith.extui %ne3A_1307 : vector<16xi1> to vector<16xi32>
      %convert_element_type3A_1309 = arith.sitofp %convert_element_type3A_1308 : vector<16xi32> to vector<16xf32>
      %jit3A_1310 = arith.constant 0.000000e+00 : f32
      %broadcast_in_dim3A_1311 = vector.broadcast %jit3A_1310 : f32 to vector<16xf32>
      %select_n3A_1312 = arith.select %lt3A_6, %convert_element_type3A_1309, %broadcast_in_dim3A_1311 : vector<16xi1>, vector<16xf32>
      %add3A_1313 = arith.addf %scan3A_1284#2, %select_n3A_1312 : vector<16xf32>
      %reduce_sum3A_1314 = arith.constant true
      %reduce_sum3A_1315 = vector.broadcast %reduce_sum3A_1314 : i1 to vector<16xi1>
      %reduce_sum3A_1316 = tpu.scan <sum>, %add3A_1298 masked %reduce_sum3A_1315 : vector<16xf32>, vector<16xi1> -> vector<16xf32>
      %reduce_sum3A_1317 = vector.extract %reduce_sum3A_1316[15] : f32 from vector<16xf32>
      %broadcast_in_dim3A_1318 = vector.broadcast %reduce_sum3A_1317 : f32 to vector<16xf32>
      %reduce_sum3A_1319 = arith.constant true
      %reduce_sum3A_1320 = vector.broadcast %reduce_sum3A_1319 : i1 to vector<16xi1>
      %reduce_sum3A_1321 = tpu.scan <sum>, %add3A_1294 masked %reduce_sum3A_1320 : vector<16xf32>, vector<16xi1> -> vector<16xf32>
      %reduce_sum3A_1322 = vector.extract %reduce_sum3A_1321[15] : f32 from vector<16xf32>
      %broadcast_in_dim3A_1323 = vector.broadcast %reduce_sum3A_1322 : f32 to vector<16xf32>
      %reduce_sum3A_1324 = arith.constant true
      %reduce_sum3A_1325 = vector.broadcast %reduce_sum3A_1324 : i1 to vector<16xi1>
      %reduce_sum3A_1326 = tpu.scan <sum>, %add3A_1313 masked %reduce_sum3A_1325 : vector<16xf32>, vector<16xi1> -> vector<16xf32>
      %reduce_sum3A_1327 = vector.extract %reduce_sum3A_1326[15] : f32 from vector<16xf32>
      %broadcast_in_dim3A_1328 = vector.broadcast %reduce_sum3A_1327 : f32 to vector<16xf32>
      %select_n3A_1329 = arith.select %eq3A_9, %broadcast_in_dim3A_1318, %broadcast_in_dim3A_1323 : vector<16xi1>, vector<16xf32>
      %add3A_1330 = arith.constant 9.99999993E-9 : f32
      %add3A_1331 = vector.broadcast %add3A_1330 : f32 to vector<16xf32>
      %add3A_1332 = arith.addf %broadcast_in_dim3A_1328, %add3A_1331 : vector<16xf32>
      %div3A_1333 = arith.divf %select_n3A_1329, %add3A_1332 : vector<16xf32>
      %get3A_1334 = arith.constant 0 : index
      %get3A_1335 = tpu.vector_load %arg24[%get3A_1334] {strides = array<i32>} : memref<16xf32, #tpu.memory_space<vmem>>, vector<16xf32>,
      %add3A_1336 = arith.addf %div3A_1333, %get3A_1335 : vector<16xf32>
      %swap3A_1337 = arith.index_cast %add3A_1252 : i32 to index
      %swap3A_1338 = arith.constant 0 : index
      %swap3A_1339 = tpu.vector_load %arg23[%swap3A_1337, %swap3A_1338] {strides = array<i32>} : memref<128x16xf32, #tpu.memory_space<vmem>>, vector<16xf32>,
      tpu.vector_store %arg23[%swap3A_1337, %swap3A_1338], %add3A_1336 {strides = array<i32>} : memref<128x16xf32, #tpu.memory_space<vmem>>, vector<16xf32>,
      %add3A_1340 = arith.constant 13 : i32
      %add3A_1341 = arith.addi %mul3A_196, %add3A_1340 : i32
      %add3A_1342 = arith.constant 16 : i32
      %add3A_1343 = arith.addi %add3A_1341, %add3A_1342 : i32
      %sub3A_1344 = arith.constant 1 : i32
      %sub3A_1345 = arith.subi %add3A_1343, %sub3A_1344 : i32
      %lt3A_1346 = arith.constant 128 : i32
      %lt3A_1347 = arith.cmpi slt, %sub3A_1345, %lt3A_1346 : i32
      %convert_element_type3A_1348 = arith.extui %lt3A_1347 : i1 to i32
      %cond3A_1349 = arith.constant 0 : i32
      %cond3A_1350 = arith.cmpi ne, %convert_element_type3A_1348, %cond3A_1349 : i32
      scf.if %cond3A_1350 {
        %add3A_1607 = arith.constant 16 : i32
        %add3A_1608 = arith.addi %add3A_1341, %add3A_1607 : i32
        %sub3A_1609 = arith.constant 1 : i32
        %sub3A_1610 = arith.subi %add3A_1608, %sub3A_1609 : i32
        %mul3A_1611 = arith.constant 208 : i32
        %mul3A_1612 = arith.muli %sub3A_1610, %mul3A_1611 : i32
        %mul3A_1613 = arith.constant 208 : i32
        %mul3A_1614 = arith.muli %sub3A_1610, %mul3A_1613 : i32
        %add3A_1615 = arith.constant 104 : i32
        %add3A_1616 = arith.addi %mul3A_1614, %add3A_1615 : i32
        %dma_start3A_1617 = arith.constant 0 : i32
        %dma_start3A_1618 = tpu.memref_slice %arg19[%dma_start3A_1617] : memref<208xf32, #tpu.memory_space<vmem>> -> memref<104xf32, #tpu.memory_space<vmem>>
        %dma_start3A_1619 = tpu.memref_slice %arg6[%mul3A_1612] : memref<26624xi32, #tpu.memory_space<vmem>> -> memref<104xi32, #tpu.memory_space<vmem>>
        %dma_start3A_1620 = arith.constant 0 : i32
        %dma_start3A_1621 = tpu.memref_slice %arg3[%dma_start3A_1620] : memref<1015808xf32, #tpu.memory_space<hbm>> -> memref<1015808xf32, #tpu.memory_space<hbm>>
        tpu.enqueue_indirect_dma source(%dma_start3A_1621 : memref<1015808xf32, #tpu.memory_space<hbm>>) target(%dma_start3A_1618 : memref<104xf32, #tpu.memory_space<vmem>>) offsets(%dma_start3A_1619 : memref<104xi32, #tpu.memory_space<vmem>>) semaphore(%arg37 : memref<!tpu.dma_semaphore, #tpu.memory_space<semaphore_mem>>)
        %dma_start3A_1622 = arith.constant 104 : i32
        %dma_start3A_1623 = tpu.memref_slice %arg19[%dma_start3A_1622] : memref<208xf32, #tpu.memory_space<vmem>> -> memref<104xf32, #tpu.memory_space<vmem>>
        %dma_start3A_1624 = tpu.memref_slice %arg6[%add3A_1616] : memref<26624xi32, #tpu.memory_space<vmem>> -> memref<104xi32, #tpu.memory_space<vmem>>
        %dma_start3A_1625 = arith.constant 0 : i32
        %dma_start3A_1626 = tpu.memref_slice %arg3[%dma_start3A_1625] : memref<1015808xf32, #tpu.memory_space<hbm>> -> memref<1015808xf32, #tpu.memory_space<hbm>>
        tpu.enqueue_indirect_dma source(%dma_start3A_1626 : memref<1015808xf32, #tpu.memory_space<hbm>>) target(%dma_start3A_1623 : memref<104xf32, #tpu.memory_space<vmem>>) offsets(%dma_start3A_1624 : memref<104xi32, #tpu.memory_space<vmem>>) semaphore(%arg37 : memref<!tpu.dma_semaphore, #tpu.memory_space<semaphore_mem>>)
      } else {
      }
      %mul3A_1351 = arith.constant 208 : i32
      %mul3A_1352 = arith.muli %add3A_1341, %mul3A_1351 : i32
      %mul3A_1353 = arith.constant 208 : i32
      %mul3A_1354 = arith.muli %add3A_1341, %mul3A_1353 : i32
      %add3A_1355 = arith.constant 104 : i32
      %add3A_1356 = arith.addi %mul3A_1354, %add3A_1355 : i32
      %dma_wait3A_1357 = arith.constant 0 : i32
      %dma_wait3A_1358 = tpu.memref_slice %arg20[%dma_wait3A_1357] : memref<208xf32, #tpu.memory_space<vmem>> -> memref<104xf32, #tpu.memory_space<vmem>>
      %dma_wait3A_1359 = tpu.memref_slice %arg6[%mul3A_1352] : memref<26624xi32, #tpu.memory_space<vmem>> -> memref<104xi32, #tpu.memory_space<vmem>>
      %dma_wait3A_1360 = arith.constant 0 : i32
      %dma_wait3A_1361 = tpu.memref_slice %arg3[%dma_wait3A_1360] : memref<1015808xf32, #tpu.memory_space<hbm>> -> memref<1015808xf32, #tpu.memory_space<hbm>>
      tpu.wait_indirect_dma semaphore(%arg38 : memref<!tpu.dma_semaphore, #tpu.memory_space<semaphore_mem>>) src(%dma_wait3A_1361 : memref<1015808xf32, #tpu.memory_space<hbm>>) dst(%dma_wait3A_1358 : memref<104xf32, #tpu.memory_space<vmem>>)
      %dma_wait3A_1362 = arith.constant 104 : i32
      %dma_wait3A_1363 = tpu.memref_slice %arg20[%dma_wait3A_1362] : memref<208xf32, #tpu.memory_space<vmem>> -> memref<104xf32, #tpu.memory_space<vmem>>
      %dma_wait3A_1364 = tpu.memref_slice %arg6[%add3A_1356] : memref<26624xi32, #tpu.memory_space<vmem>> -> memref<104xi32, #tpu.memory_space<vmem>>
      %dma_wait3A_1365 = arith.constant 0 : i32
      %dma_wait3A_1366 = tpu.memref_slice %arg3[%dma_wait3A_1365] : memref<1015808xf32, #tpu.memory_space<hbm>> -> memref<1015808xf32, #tpu.memory_space<hbm>>
      tpu.wait_indirect_dma semaphore(%arg38 : memref<!tpu.dma_semaphore, #tpu.memory_space<semaphore_mem>>) src(%dma_wait3A_1366 : memref<1015808xf32, #tpu.memory_space<hbm>>) dst(%dma_wait3A_1363 : memref<104xf32, #tpu.memory_space<vmem>>)
      %broadcast_in_dim3A_1367 = arith.constant 0.000000e+00 : f32
      %broadcast_in_dim3A_1368 = vector.broadcast %broadcast_in_dim3A_1367 : f32 to vector<16xf32>
      %scan3A_1369 = arith.constant 0 : i32
      %scan3A_1370 = arith.constant 12 : i32
      %scan3A_1371 = arith.addi %scan3A_1369, %scan3A_1370 : i32
      %scan3A_1372 = arith.constant 4 : i32
      %scan3A_1373:3 = scf.for %scan3A_1607 = %scan3A_1369 to %scan3A_1371 step %scan3A_1372 iter_args(%scan3A_1608 = %broadcast_in_dim3A_1368, %scan3A_1609 = %broadcast_in_dim3A_1368, %scan3A_1610 = %broadcast_in_dim3A_1368) -> (vector<16xf32>, vector<16xf32>, vector<16xf32>)  : i32 {
        %mul3A_1611 = arith.constant 16 : i32
        %mul3A_1612 = arith.muli %mul3A_1611, %scan3A_1607 : i32
        %get3A_1613 = arith.index_cast %mul3A_1612 : i32 to index
        %get3A_1614 = tpu.vector_load %arg20[%get3A_1613] {strides = array<i32>} : memref<208xf32, #tpu.memory_space<vmem>>, vector<16xf32>,
        %bitcast3A_1615 = vector.bitcast %get3A_1614 : vector<16xf32> to vector<32xbf16>
        %unpack3A_1616 = tpu.unpack_subelements %bitcast3A_1615, 0 {pack_format = #tpu.pack_format<interleaved>} : vector<32xbf16> -> vector<16xf32>
        %unpack3A_1617 = tpu.unpack_subelements %bitcast3A_1615, 1 {pack_format = #tpu.pack_format<interleaved>} : vector<32xbf16> -> vector<16xf32>
        %add3A_1618 = arith.addf %scan3A_1608, %unpack3A_1616 : vector<16xf32>
        %add3A_1619 = arith.addf %scan3A_1609, %unpack3A_1617 : vector<16xf32>
        %mul3A_1620 = arith.constant 208 : i32
        %mul3A_1621 = arith.muli %add3A_1341, %mul3A_1620 : i32
        %mul3A_1622 = arith.constant 16 : i32
        %mul3A_1623 = arith.muli %mul3A_1622, %scan3A_1607 : i32
        %add3A_1624 = arith.addi %mul3A_1621, %mul3A_1623 : i32
        %get3A_1625 = arith.index_cast %add3A_1624 : i32 to index
        %get3A_1626 = tpu.vector_load %arg6[%get3A_1625] {strides = array<i32>} : memref<26624xi32, #tpu.memory_space<vmem>>, vector<16xi32>,
        %ne3A_1627 = arith.constant 0 : i32
        %ne3A_1628 = vector.broadcast %ne3A_1627 : i32 to vector<16xi32>
        %ne3A_1629 = arith.cmpi ne, %get3A_1626, %ne3A_1628 : vector<16xi32>
        %convert_element_type3A_1630 = arith.extui %ne3A_1629 : vector<16xi1> to vector<16xi32>
        %convert_element_type3A_1631 = arith.sitofp %convert_element_type3A_1630 : vector<16xi32> to vector<16xf32>
        %add3A_1632 = arith.addf %scan3A_1610, %convert_element_type3A_1631 : vector<16xf32>
        %scan3A_1633 = arith.constant 1 : i32
        %scan3A_1634 = arith.addi %scan3A_1607, %scan3A_1633 : i32
        %mul3A_1635 = arith.constant 16 : i32
        %mul3A_1636 = arith.muli %mul3A_1635, %scan3A_1634 : i32
        %get3A_1637 = arith.index_cast %mul3A_1636 : i32 to index
        %get3A_1638 = tpu.vector_load %arg20[%get3A_1637] {strides = array<i32>} : memref<208xf32, #tpu.memory_space<vmem>>, vector<16xf32>,
        %bitcast3A_1639 = vector.bitcast %get3A_1638 : vector<16xf32> to vector<32xbf16>
        %unpack3A_1640 = tpu.unpack_subelements %bitcast3A_1639, 0 {pack_format = #tpu.pack_format<interleaved>} : vector<32xbf16> -> vector<16xf32>
        %unpack3A_1641 = tpu.unpack_subelements %bitcast3A_1639, 1 {pack_format = #tpu.pack_format<interleaved>} : vector<32xbf16> -> vector<16xf32>
        %add3A_1642 = arith.addf %add3A_1618, %unpack3A_1640 : vector<16xf32>
        %add3A_1643 = arith.addf %add3A_1619, %unpack3A_1641 : vector<16xf32>
        %mul3A_1644 = arith.constant 208 : i32
        %mul3A_1645 = arith.muli %add3A_1341, %mul3A_1644 : i32
        %mul3A_1646 = arith.constant 16 : i32
        %mul3A_1647 = arith.muli %mul3A_1646, %scan3A_1634 : i32
        %add3A_1648 = arith.addi %mul3A_1645, %mul3A_1647 : i32
        %get3A_1649 = arith.index_cast %add3A_1648 : i32 to index
        %get3A_1650 = tpu.vector_load %arg6[%get3A_1649] {strides = array<i32>} : memref<26624xi32, #tpu.memory_space<vmem>>, vector<16xi32>,
        %ne3A_1651 = arith.constant 0 : i32
        %ne3A_1652 = vector.broadcast %ne3A_1651 : i32 to vector<16xi32>
        %ne3A_1653 = arith.cmpi ne, %get3A_1650, %ne3A_1652 : vector<16xi32>
        %convert_element_type3A_1654 = arith.extui %ne3A_1653 : vector<16xi1> to vector<16xi32>
        %convert_element_type3A_1655 = arith.sitofp %convert_element_type3A_1654 : vector<16xi32> to vector<16xf32>
        %add3A_1656 = arith.addf %add3A_1632, %convert_element_type3A_1655 : vector<16xf32>
        %scan3A_1657 = arith.constant 2 : i32
        %scan3A_1658 = arith.addi %scan3A_1607, %scan3A_1657 : i32
        %mul3A_1659 = arith.constant 16 : i32
        %mul3A_1660 = arith.muli %mul3A_1659, %scan3A_1658 : i32
        %get3A_1661 = arith.index_cast %mul3A_1660 : i32 to index
        %get3A_1662 = tpu.vector_load %arg20[%get3A_1661] {strides = array<i32>} : memref<208xf32, #tpu.memory_space<vmem>>, vector<16xf32>,
        %bitcast3A_1663 = vector.bitcast %get3A_1662 : vector<16xf32> to vector<32xbf16>
        %unpack3A_1664 = tpu.unpack_subelements %bitcast3A_1663, 0 {pack_format = #tpu.pack_format<interleaved>} : vector<32xbf16> -> vector<16xf32>
        %unpack3A_1665 = tpu.unpack_subelements %bitcast3A_1663, 1 {pack_format = #tpu.pack_format<interleaved>} : vector<32xbf16> -> vector<16xf32>
        %add3A_1666 = arith.addf %add3A_1642, %unpack3A_1664 : vector<16xf32>
        %add3A_1667 = arith.addf %add3A_1643, %unpack3A_1665 : vector<16xf32>
        %mul3A_1668 = arith.constant 208 : i32
        %mul3A_1669 = arith.muli %add3A_1341, %mul3A_1668 : i32
        %mul3A_1670 = arith.constant 16 : i32
        %mul3A_1671 = arith.muli %mul3A_1670, %scan3A_1658 : i32
        %add3A_1672 = arith.addi %mul3A_1669, %mul3A_1671 : i32
        %get3A_1673 = arith.index_cast %add3A_1672 : i32 to index
        %get3A_1674 = tpu.vector_load %arg6[%get3A_1673] {strides = array<i32>} : memref<26624xi32, #tpu.memory_space<vmem>>, vector<16xi32>,
        %ne3A_1675 = arith.constant 0 : i32
        %ne3A_1676 = vector.broadcast %ne3A_1675 : i32 to vector<16xi32>
        %ne3A_1677 = arith.cmpi ne, %get3A_1674, %ne3A_1676 : vector<16xi32>
        %convert_element_type3A_1678 = arith.extui %ne3A_1677 : vector<16xi1> to vector<16xi32>
        %convert_element_type3A_1679 = arith.sitofp %convert_element_type3A_1678 : vector<16xi32> to vector<16xf32>
        %add3A_1680 = arith.addf %add3A_1656, %convert_element_type3A_1679 : vector<16xf32>
        %scan3A_1681 = arith.constant 3 : i32
        %scan3A_1682 = arith.addi %scan3A_1607, %scan3A_1681 : i32
        %mul3A_1683 = arith.constant 16 : i32
        %mul3A_1684 = arith.muli %mul3A_1683, %scan3A_1682 : i32
        %get3A_1685 = arith.index_cast %mul3A_1684 : i32 to index
        %get3A_1686 = tpu.vector_load %arg20[%get3A_1685] {strides = array<i32>} : memref<208xf32, #tpu.memory_space<vmem>>, vector<16xf32>,
        %bitcast3A_1687 = vector.bitcast %get3A_1686 : vector<16xf32> to vector<32xbf16>
        %unpack3A_1688 = tpu.unpack_subelements %bitcast3A_1687, 0 {pack_format = #tpu.pack_format<interleaved>} : vector<32xbf16> -> vector<16xf32>
        %unpack3A_1689 = tpu.unpack_subelements %bitcast3A_1687, 1 {pack_format = #tpu.pack_format<interleaved>} : vector<32xbf16> -> vector<16xf32>
        %add3A_1690 = arith.addf %add3A_1666, %unpack3A_1688 : vector<16xf32>
        %add3A_1691 = arith.addf %add3A_1667, %unpack3A_1689 : vector<16xf32>
        %mul3A_1692 = arith.constant 208 : i32
        %mul3A_1693 = arith.muli %add3A_1341, %mul3A_1692 : i32
        %mul3A_1694 = arith.constant 16 : i32
        %mul3A_1695 = arith.muli %mul3A_1694, %scan3A_1682 : i32
        %add3A_1696 = arith.addi %mul3A_1693, %mul3A_1695 : i32
        %get3A_1697 = arith.index_cast %add3A_1696 : i32 to index
        %get3A_1698 = tpu.vector_load %arg6[%get3A_1697] {strides = array<i32>} : memref<26624xi32, #tpu.memory_space<vmem>>, vector<16xi32>,
        %ne3A_1699 = arith.constant 0 : i32
        %ne3A_1700 = vector.broadcast %ne3A_1699 : i32 to vector<16xi32>
        %ne3A_1701 = arith.cmpi ne, %get3A_1698, %ne3A_1700 : vector<16xi32>
        %convert_element_type3A_1702 = arith.extui %ne3A_1701 : vector<16xi1> to vector<16xi32>
        %convert_element_type3A_1703 = arith.sitofp %convert_element_type3A_1702 : vector<16xi32> to vector<16xf32>
        %add3A_1704 = arith.addf %add3A_1680, %convert_element_type3A_1703 : vector<16xf32>
        scf.yield %add3A_1690, %add3A_1691, %add3A_1704 : vector<16xf32>, vector<16xf32>, vector<16xf32>
      }
      %scan3A_1374 = arith.constant 12 : i32
      %get3A_1375 = arith.constant 192 : index
      %get3A_1376 = tpu.vector_load %arg20[%get3A_1375] {strides = array<i32>} : memref<208xf32, #tpu.memory_space<vmem>>, vector<16xf32>,
      %bitcast3A_1377 = vector.bitcast %get3A_1376 : vector<16xf32> to vector<32xbf16>
      %unpack3A_1378 = tpu.unpack_subelements %bitcast3A_1377, 0 {pack_format = #tpu.pack_format<interleaved>} : vector<32xbf16> -> vector<16xf32>
      %unpack3A_1379 = tpu.unpack_subelements %bitcast3A_1377, 1 {pack_format = #tpu.pack_format<interleaved>} : vector<32xbf16> -> vector<16xf32>
      %jit3A_1380 = arith.constant 0.000000e+00 : f32
      %broadcast_in_dim3A_1381 = vector.broadcast %jit3A_1380 : f32 to vector<16xf32>
      %select_n3A_1382 = arith.select %lt3A_6, %unpack3A_1378, %broadcast_in_dim3A_1381 : vector<16xi1>, vector<16xf32>
      %add3A_1383 = arith.addf %scan3A_1373#0, %select_n3A_1382 : vector<16xf32>
      %jit3A_1384 = arith.constant 0.000000e+00 : f32
      %broadcast_in_dim3A_1385 = vector.broadcast %jit3A_1384 : f32 to vector<16xf32>
      %select_n3A_1386 = arith.select %lt3A_6, %unpack3A_1379, %broadcast_in_dim3A_1385 : vector<16xi1>, vector<16xf32>
      %add3A_1387 = arith.addf %scan3A_1373#1, %select_n3A_1386 : vector<16xf32>
      %mul3A_1388 = arith.constant 208 : i32
      %mul3A_1389 = arith.muli %add3A_1341, %mul3A_1388 : i32
      %add3A_1390 = arith.constant 192 : i32
      %add3A_1391 = arith.addi %mul3A_1389, %add3A_1390 : i32
      %get3A_1392 = arith.index_cast %add3A_1391 : i32 to index
      %get3A_1393 = tpu.vector_load %arg6[%get3A_1392] {strides = array<i32>} : memref<26624xi32, #tpu.memory_space<vmem>>, vector<16xi32>,
      %ne3A_1394 = arith.constant 0 : i32
      %ne3A_1395 = vector.broadcast %ne3A_1394 : i32 to vector<16xi32>
      %ne3A_1396 = arith.cmpi ne, %get3A_1393, %ne3A_1395 : vector<16xi32>
      %convert_element_type3A_1397 = arith.extui %ne3A_1396 : vector<16xi1> to vector<16xi32>
      %convert_element_type3A_1398 = arith.sitofp %convert_element_type3A_1397 : vector<16xi32> to vector<16xf32>
      %jit3A_1399 = arith.constant 0.000000e+00 : f32
      %broadcast_in_dim3A_1400 = vector.broadcast %jit3A_1399 : f32 to vector<16xf32>
      %select_n3A_1401 = arith.select %lt3A_6, %convert_element_type3A_1398, %broadcast_in_dim3A_1400 : vector<16xi1>, vector<16xf32>
      %add3A_1402 = arith.addf %scan3A_1373#2, %select_n3A_1401 : vector<16xf32>
      %reduce_sum3A_1403 = arith.constant true
      %reduce_sum3A_1404 = vector.broadcast %reduce_sum3A_1403 : i1 to vector<16xi1>
      %reduce_sum3A_1405 = tpu.scan <sum>, %add3A_1387 masked %reduce_sum3A_1404 : vector<16xf32>, vector<16xi1> -> vector<16xf32>
      %reduce_sum3A_1406 = vector.extract %reduce_sum3A_1405[15] : f32 from vector<16xf32>
      %broadcast_in_dim3A_1407 = vector.broadcast %reduce_sum3A_1406 : f32 to vector<16xf32>
      %reduce_sum3A_1408 = arith.constant true
      %reduce_sum3A_1409 = vector.broadcast %reduce_sum3A_1408 : i1 to vector<16xi1>
      %reduce_sum3A_1410 = tpu.scan <sum>, %add3A_1383 masked %reduce_sum3A_1409 : vector<16xf32>, vector<16xi1> -> vector<16xf32>
      %reduce_sum3A_1411 = vector.extract %reduce_sum3A_1410[15] : f32 from vector<16xf32>
      %broadcast_in_dim3A_1412 = vector.broadcast %reduce_sum3A_1411 : f32 to vector<16xf32>
      %reduce_sum3A_1413 = arith.constant true
      %reduce_sum3A_1414 = vector.broadcast %reduce_sum3A_1413 : i1 to vector<16xi1>
      %reduce_sum3A_1415 = tpu.scan <sum>, %add3A_1402 masked %reduce_sum3A_1414 : vector<16xf32>, vector<16xi1> -> vector<16xf32>
      %reduce_sum3A_1416 = vector.extract %reduce_sum3A_1415[15] : f32 from vector<16xf32>
      %broadcast_in_dim3A_1417 = vector.broadcast %reduce_sum3A_1416 : f32 to vector<16xf32>
      %select_n3A_1418 = arith.select %eq3A_9, %broadcast_in_dim3A_1407, %broadcast_in_dim3A_1412 : vector<16xi1>, vector<16xf32>
      %add3A_1419 = arith.constant 9.99999993E-9 : f32
      %add3A_1420 = vector.broadcast %add3A_1419 : f32 to vector<16xf32>
      %add3A_1421 = arith.addf %broadcast_in_dim3A_1417, %add3A_1420 : vector<16xf32>
      %div3A_1422 = arith.divf %select_n3A_1418, %add3A_1421 : vector<16xf32>
      %get3A_1423 = arith.constant 0 : index
      %get3A_1424 = tpu.vector_load %arg24[%get3A_1423] {strides = array<i32>} : memref<16xf32, #tpu.memory_space<vmem>>, vector<16xf32>,
      %add3A_1425 = arith.addf %div3A_1422, %get3A_1424 : vector<16xf32>
      %swap3A_1426 = arith.index_cast %add3A_1341 : i32 to index
      %swap3A_1427 = arith.constant 0 : index
      %swap3A_1428 = tpu.vector_load %arg23[%swap3A_1426, %swap3A_1427] {strides = array<i32>} : memref<128x16xf32, #tpu.memory_space<vmem>>, vector<16xf32>,
      tpu.vector_store %arg23[%swap3A_1426, %swap3A_1427], %add3A_1425 {strides = array<i32>} : memref<128x16xf32, #tpu.memory_space<vmem>>, vector<16xf32>,
      %add3A_1429 = arith.constant 14 : i32
      %add3A_1430 = arith.addi %mul3A_196, %add3A_1429 : i32
      %add3A_1431 = arith.constant 16 : i32
      %add3A_1432 = arith.addi %add3A_1430, %add3A_1431 : i32
      %sub3A_1433 = arith.constant 1 : i32
      %sub3A_1434 = arith.subi %add3A_1432, %sub3A_1433 : i32
      %lt3A_1435 = arith.constant 128 : i32
      %lt3A_1436 = arith.cmpi slt, %sub3A_1434, %lt3A_1435 : i32
      %convert_element_type3A_1437 = arith.extui %lt3A_1436 : i1 to i32
      %cond3A_1438 = arith.constant 0 : i32
      %cond3A_1439 = arith.cmpi ne, %convert_element_type3A_1437, %cond3A_1438 : i32
      scf.if %cond3A_1439 {
        %add3A_1607 = arith.constant 16 : i32
        %add3A_1608 = arith.addi %add3A_1430, %add3A_1607 : i32
        %sub3A_1609 = arith.constant 1 : i32
        %sub3A_1610 = arith.subi %add3A_1608, %sub3A_1609 : i32
        %mul3A_1611 = arith.constant 208 : i32
        %mul3A_1612 = arith.muli %sub3A_1610, %mul3A_1611 : i32
        %mul3A_1613 = arith.constant 208 : i32
        %mul3A_1614 = arith.muli %sub3A_1610, %mul3A_1613 : i32
        %add3A_1615 = arith.constant 104 : i32
        %add3A_1616 = arith.addi %mul3A_1614, %add3A_1615 : i32
        %dma_start3A_1617 = arith.constant 0 : i32
        %dma_start3A_1618 = tpu.memref_slice %arg20[%dma_start3A_1617] : memref<208xf32, #tpu.memory_space<vmem>> -> memref<104xf32, #tpu.memory_space<vmem>>
        %dma_start3A_1619 = tpu.memref_slice %arg6[%mul3A_1612] : memref<26624xi32, #tpu.memory_space<vmem>> -> memref<104xi32, #tpu.memory_space<vmem>>
        %dma_start3A_1620 = arith.constant 0 : i32
        %dma_start3A_1621 = tpu.memref_slice %arg3[%dma_start3A_1620] : memref<1015808xf32, #tpu.memory_space<hbm>> -> memref<1015808xf32, #tpu.memory_space<hbm>>
        tpu.enqueue_indirect_dma source(%dma_start3A_1621 : memref<1015808xf32, #tpu.memory_space<hbm>>) target(%dma_start3A_1618 : memref<104xf32, #tpu.memory_space<vmem>>) offsets(%dma_start3A_1619 : memref<104xi32, #tpu.memory_space<vmem>>) semaphore(%arg38 : memref<!tpu.dma_semaphore, #tpu.memory_space<semaphore_mem>>)
        %dma_start3A_1622 = arith.constant 104 : i32
        %dma_start3A_1623 = tpu.memref_slice %arg20[%dma_start3A_1622] : memref<208xf32, #tpu.memory_space<vmem>> -> memref<104xf32, #tpu.memory_space<vmem>>
        %dma_start3A_1624 = tpu.memref_slice %arg6[%add3A_1616] : memref<26624xi32, #tpu.memory_space<vmem>> -> memref<104xi32, #tpu.memory_space<vmem>>
        %dma_start3A_1625 = arith.constant 0 : i32
        %dma_start3A_1626 = tpu.memref_slice %arg3[%dma_start3A_1625] : memref<1015808xf32, #tpu.memory_space<hbm>> -> memref<1015808xf32, #tpu.memory_space<hbm>>
        tpu.enqueue_indirect_dma source(%dma_start3A_1626 : memref<1015808xf32, #tpu.memory_space<hbm>>) target(%dma_start3A_1623 : memref<104xf32, #tpu.memory_space<vmem>>) offsets(%dma_start3A_1624 : memref<104xi32, #tpu.memory_space<vmem>>) semaphore(%arg38 : memref<!tpu.dma_semaphore, #tpu.memory_space<semaphore_mem>>)
      } else {
      }
      %mul3A_1440 = arith.constant 208 : i32
      %mul3A_1441 = arith.muli %add3A_1430, %mul3A_1440 : i32
      %mul3A_1442 = arith.constant 208 : i32
      %mul3A_1443 = arith.muli %add3A_1430, %mul3A_1442 : i32
      %add3A_1444 = arith.constant 104 : i32
      %add3A_1445 = arith.addi %mul3A_1443, %add3A_1444 : i32
      %dma_wait3A_1446 = arith.constant 0 : i32
      %dma_wait3A_1447 = tpu.memref_slice %arg21[%dma_wait3A_1446] : memref<208xf32, #tpu.memory_space<vmem>> -> memref<104xf32, #tpu.memory_space<vmem>>
      %dma_wait3A_1448 = tpu.memref_slice %arg6[%mul3A_1441] : memref<26624xi32, #tpu.memory_space<vmem>> -> memref<104xi32, #tpu.memory_space<vmem>>
      %dma_wait3A_1449 = arith.constant 0 : i32
      %dma_wait3A_1450 = tpu.memref_slice %arg3[%dma_wait3A_1449] : memref<1015808xf32, #tpu.memory_space<hbm>> -> memref<1015808xf32, #tpu.memory_space<hbm>>
      tpu.wait_indirect_dma semaphore(%arg39 : memref<!tpu.dma_semaphore, #tpu.memory_space<semaphore_mem>>) src(%dma_wait3A_1450 : memref<1015808xf32, #tpu.memory_space<hbm>>) dst(%dma_wait3A_1447 : memref<104xf32, #tpu.memory_space<vmem>>)
      %dma_wait3A_1451 = arith.constant 104 : i32
      %dma_wait3A_1452 = tpu.memref_slice %arg21[%dma_wait3A_1451] : memref<208xf32, #tpu.memory_space<vmem>> -> memref<104xf32, #tpu.memory_space<vmem>>
      %dma_wait3A_1453 = tpu.memref_slice %arg6[%add3A_1445] : memref<26624xi32, #tpu.memory_space<vmem>> -> memref<104xi32, #tpu.memory_space<vmem>>
      %dma_wait3A_1454 = arith.constant 0 : i32
      %dma_wait3A_1455 = tpu.memref_slice %arg3[%dma_wait3A_1454] : memref<1015808xf32, #tpu.memory_space<hbm>> -> memref<1015808xf32, #tpu.memory_space<hbm>>
      tpu.wait_indirect_dma semaphore(%arg39 : memref<!tpu.dma_semaphore, #tpu.memory_space<semaphore_mem>>) src(%dma_wait3A_1455 : memref<1015808xf32, #tpu.memory_space<hbm>>) dst(%dma_wait3A_1452 : memref<104xf32, #tpu.memory_space<vmem>>)
      %broadcast_in_dim3A_1456 = arith.constant 0.000000e+00 : f32
      %broadcast_in_dim3A_1457 = vector.broadcast %broadcast_in_dim3A_1456 : f32 to vector<16xf32>
      %scan3A_1458 = arith.constant 0 : i32
      %scan3A_1459 = arith.constant 12 : i32
      %scan3A_1460 = arith.addi %scan3A_1458, %scan3A_1459 : i32
      %scan3A_1461 = arith.constant 4 : i32
      %scan3A_1462:3 = scf.for %scan3A_1607 = %scan3A_1458 to %scan3A_1460 step %scan3A_1461 iter_args(%scan3A_1608 = %broadcast_in_dim3A_1457, %scan3A_1609 = %broadcast_in_dim3A_1457, %scan3A_1610 = %broadcast_in_dim3A_1457) -> (vector<16xf32>, vector<16xf32>, vector<16xf32>)  : i32 {
        %mul3A_1611 = arith.constant 16 : i32
        %mul3A_1612 = arith.muli %mul3A_1611, %scan3A_1607 : i32
        %get3A_1613 = arith.index_cast %mul3A_1612 : i32 to index
        %get3A_1614 = tpu.vector_load %arg21[%get3A_1613] {strides = array<i32>} : memref<208xf32, #tpu.memory_space<vmem>>, vector<16xf32>,
        %bitcast3A_1615 = vector.bitcast %get3A_1614 : vector<16xf32> to vector<32xbf16>
        %unpack3A_1616 = tpu.unpack_subelements %bitcast3A_1615, 0 {pack_format = #tpu.pack_format<interleaved>} : vector<32xbf16> -> vector<16xf32>
        %unpack3A_1617 = tpu.unpack_subelements %bitcast3A_1615, 1 {pack_format = #tpu.pack_format<interleaved>} : vector<32xbf16> -> vector<16xf32>
        %add3A_1618 = arith.addf %scan3A_1608, %unpack3A_1616 : vector<16xf32>
        %add3A_1619 = arith.addf %scan3A_1609, %unpack3A_1617 : vector<16xf32>
        %mul3A_1620 = arith.constant 208 : i32
        %mul3A_1621 = arith.muli %add3A_1430, %mul3A_1620 : i32
        %mul3A_1622 = arith.constant 16 : i32
        %mul3A_1623 = arith.muli %mul3A_1622, %scan3A_1607 : i32
        %add3A_1624 = arith.addi %mul3A_1621, %mul3A_1623 : i32
        %get3A_1625 = arith.index_cast %add3A_1624 : i32 to index
        %get3A_1626 = tpu.vector_load %arg6[%get3A_1625] {strides = array<i32>} : memref<26624xi32, #tpu.memory_space<vmem>>, vector<16xi32>,
        %ne3A_1627 = arith.constant 0 : i32
        %ne3A_1628 = vector.broadcast %ne3A_1627 : i32 to vector<16xi32>
        %ne3A_1629 = arith.cmpi ne, %get3A_1626, %ne3A_1628 : vector<16xi32>
        %convert_element_type3A_1630 = arith.extui %ne3A_1629 : vector<16xi1> to vector<16xi32>
        %convert_element_type3A_1631 = arith.sitofp %convert_element_type3A_1630 : vector<16xi32> to vector<16xf32>
        %add3A_1632 = arith.addf %scan3A_1610, %convert_element_type3A_1631 : vector<16xf32>
        %scan3A_1633 = arith.constant 1 : i32
        %scan3A_1634 = arith.addi %scan3A_1607, %scan3A_1633 : i32
        %mul3A_1635 = arith.constant 16 : i32
        %mul3A_1636 = arith.muli %mul3A_1635, %scan3A_1634 : i32
        %get3A_1637 = arith.index_cast %mul3A_1636 : i32 to index
        %get3A_1638 = tpu.vector_load %arg21[%get3A_1637] {strides = array<i32>} : memref<208xf32, #tpu.memory_space<vmem>>, vector<16xf32>,
        %bitcast3A_1639 = vector.bitcast %get3A_1638 : vector<16xf32> to vector<32xbf16>
        %unpack3A_1640 = tpu.unpack_subelements %bitcast3A_1639, 0 {pack_format = #tpu.pack_format<interleaved>} : vector<32xbf16> -> vector<16xf32>
        %unpack3A_1641 = tpu.unpack_subelements %bitcast3A_1639, 1 {pack_format = #tpu.pack_format<interleaved>} : vector<32xbf16> -> vector<16xf32>
        %add3A_1642 = arith.addf %add3A_1618, %unpack3A_1640 : vector<16xf32>
        %add3A_1643 = arith.addf %add3A_1619, %unpack3A_1641 : vector<16xf32>
        %mul3A_1644 = arith.constant 208 : i32
        %mul3A_1645 = arith.muli %add3A_1430, %mul3A_1644 : i32
        %mul3A_1646 = arith.constant 16 : i32
        %mul3A_1647 = arith.muli %mul3A_1646, %scan3A_1634 : i32
        %add3A_1648 = arith.addi %mul3A_1645, %mul3A_1647 : i32
        %get3A_1649 = arith.index_cast %add3A_1648 : i32 to index
        %get3A_1650 = tpu.vector_load %arg6[%get3A_1649] {strides = array<i32>} : memref<26624xi32, #tpu.memory_space<vmem>>, vector<16xi32>,
        %ne3A_1651 = arith.constant 0 : i32
        %ne3A_1652 = vector.broadcast %ne3A_1651 : i32 to vector<16xi32>
        %ne3A_1653 = arith.cmpi ne, %get3A_1650, %ne3A_1652 : vector<16xi32>
        %convert_element_type3A_1654 = arith.extui %ne3A_1653 : vector<16xi1> to vector<16xi32>
        %convert_element_type3A_1655 = arith.sitofp %convert_element_type3A_1654 : vector<16xi32> to vector<16xf32>
        %add3A_1656 = arith.addf %add3A_1632, %convert_element_type3A_1655 : vector<16xf32>
        %scan3A_1657 = arith.constant 2 : i32
        %scan3A_1658 = arith.addi %scan3A_1607, %scan3A_1657 : i32
        %mul3A_1659 = arith.constant 16 : i32
        %mul3A_1660 = arith.muli %mul3A_1659, %scan3A_1658 : i32
        %get3A_1661 = arith.index_cast %mul3A_1660 : i32 to index
        %get3A_1662 = tpu.vector_load %arg21[%get3A_1661] {strides = array<i32>} : memref<208xf32, #tpu.memory_space<vmem>>, vector<16xf32>,
        %bitcast3A_1663 = vector.bitcast %get3A_1662 : vector<16xf32> to vector<32xbf16>
        %unpack3A_1664 = tpu.unpack_subelements %bitcast3A_1663, 0 {pack_format = #tpu.pack_format<interleaved>} : vector<32xbf16> -> vector<16xf32>
        %unpack3A_1665 = tpu.unpack_subelements %bitcast3A_1663, 1 {pack_format = #tpu.pack_format<interleaved>} : vector<32xbf16> -> vector<16xf32>
        %add3A_1666 = arith.addf %add3A_1642, %unpack3A_1664 : vector<16xf32>
        %add3A_1667 = arith.addf %add3A_1643, %unpack3A_1665 : vector<16xf32>
        %mul3A_1668 = arith.constant 208 : i32
        %mul3A_1669 = arith.muli %add3A_1430, %mul3A_1668 : i32
        %mul3A_1670 = arith.constant 16 : i32
        %mul3A_1671 = arith.muli %mul3A_1670, %scan3A_1658 : i32
        %add3A_1672 = arith.addi %mul3A_1669, %mul3A_1671 : i32
        %get3A_1673 = arith.index_cast %add3A_1672 : i32 to index
        %get3A_1674 = tpu.vector_load %arg6[%get3A_1673] {strides = array<i32>} : memref<26624xi32, #tpu.memory_space<vmem>>, vector<16xi32>,
        %ne3A_1675 = arith.constant 0 : i32
        %ne3A_1676 = vector.broadcast %ne3A_1675 : i32 to vector<16xi32>
        %ne3A_1677 = arith.cmpi ne, %get3A_1674, %ne3A_1676 : vector<16xi32>
        %convert_element_type3A_1678 = arith.extui %ne3A_1677 : vector<16xi1> to vector<16xi32>
        %convert_element_type3A_1679 = arith.sitofp %convert_element_type3A_1678 : vector<16xi32> to vector<16xf32>
        %add3A_1680 = arith.addf %add3A_1656, %convert_element_type3A_1679 : vector<16xf32>
        %scan3A_1681 = arith.constant 3 : i32
        %scan3A_1682 = arith.addi %scan3A_1607, %scan3A_1681 : i32
        %mul3A_1683 = arith.constant 16 : i32
        %mul3A_1684 = arith.muli %mul3A_1683, %scan3A_1682 : i32
        %get3A_1685 = arith.index_cast %mul3A_1684 : i32 to index
        %get3A_1686 = tpu.vector_load %arg21[%get3A_1685] {strides = array<i32>} : memref<208xf32, #tpu.memory_space<vmem>>, vector<16xf32>,
        %bitcast3A_1687 = vector.bitcast %get3A_1686 : vector<16xf32> to vector<32xbf16>
        %unpack3A_1688 = tpu.unpack_subelements %bitcast3A_1687, 0 {pack_format = #tpu.pack_format<interleaved>} : vector<32xbf16> -> vector<16xf32>
        %unpack3A_1689 = tpu.unpack_subelements %bitcast3A_1687, 1 {pack_format = #tpu.pack_format<interleaved>} : vector<32xbf16> -> vector<16xf32>
        %add3A_1690 = arith.addf %add3A_1666, %unpack3A_1688 : vector<16xf32>
        %add3A_1691 = arith.addf %add3A_1667, %unpack3A_1689 : vector<16xf32>
        %mul3A_1692 = arith.constant 208 : i32
        %mul3A_1693 = arith.muli %add3A_1430, %mul3A_1692 : i32
        %mul3A_1694 = arith.constant 16 : i32
        %mul3A_1695 = arith.muli %mul3A_1694, %scan3A_1682 : i32
        %add3A_1696 = arith.addi %mul3A_1693, %mul3A_1695 : i32
        %get3A_1697 = arith.index_cast %add3A_1696 : i32 to index
        %get3A_1698 = tpu.vector_load %arg6[%get3A_1697] {strides = array<i32>} : memref<26624xi32, #tpu.memory_space<vmem>>, vector<16xi32>,
        %ne3A_1699 = arith.constant 0 : i32
        %ne3A_1700 = vector.broadcast %ne3A_1699 : i32 to vector<16xi32>
        %ne3A_1701 = arith.cmpi ne, %get3A_1698, %ne3A_1700 : vector<16xi32>
        %convert_element_type3A_1702 = arith.extui %ne3A_1701 : vector<16xi1> to vector<16xi32>
        %convert_element_type3A_1703 = arith.sitofp %convert_element_type3A_1702 : vector<16xi32> to vector<16xf32>
        %add3A_1704 = arith.addf %add3A_1680, %convert_element_type3A_1703 : vector<16xf32>
        scf.yield %add3A_1690, %add3A_1691, %add3A_1704 : vector<16xf32>, vector<16xf32>, vector<16xf32>
      }
      %scan3A_1463 = arith.constant 12 : i32
      %get3A_1464 = arith.constant 192 : index
      %get3A_1465 = tpu.vector_load %arg21[%get3A_1464] {strides = array<i32>} : memref<208xf32, #tpu.memory_space<vmem>>, vector<16xf32>,
      %bitcast3A_1466 = vector.bitcast %get3A_1465 : vector<16xf32> to vector<32xbf16>
      %unpack3A_1467 = tpu.unpack_subelements %bitcast3A_1466, 0 {pack_format = #tpu.pack_format<interleaved>} : vector<32xbf16> -> vector<16xf32>
      %unpack3A_1468 = tpu.unpack_subelements %bitcast3A_1466, 1 {pack_format = #tpu.pack_format<interleaved>} : vector<32xbf16> -> vector<16xf32>
      %jit3A_1469 = arith.constant 0.000000e+00 : f32
      %broadcast_in_dim3A_1470 = vector.broadcast %jit3A_1469 : f32 to vector<16xf32>
      %select_n3A_1471 = arith.select %lt3A_6, %unpack3A_1467, %broadcast_in_dim3A_1470 : vector<16xi1>, vector<16xf32>
      %add3A_1472 = arith.addf %scan3A_1462#0, %select_n3A_1471 : vector<16xf32>
      %jit3A_1473 = arith.constant 0.000000e+00 : f32
      %broadcast_in_dim3A_1474 = vector.broadcast %jit3A_1473 : f32 to vector<16xf32>
      %select_n3A_1475 = arith.select %lt3A_6, %unpack3A_1468, %broadcast_in_dim3A_1474 : vector<16xi1>, vector<16xf32>
      %add3A_1476 = arith.addf %scan3A_1462#1, %select_n3A_1475 : vector<16xf32>
      %mul3A_1477 = arith.constant 208 : i32
      %mul3A_1478 = arith.muli %add3A_1430, %mul3A_1477 : i32
      %add3A_1479 = arith.constant 192 : i32
      %add3A_1480 = arith.addi %mul3A_1478, %add3A_1479 : i32
      %get3A_1481 = arith.index_cast %add3A_1480 : i32 to index
      %get3A_1482 = tpu.vector_load %arg6[%get3A_1481] {strides = array<i32>} : memref<26624xi32, #tpu.memory_space<vmem>>, vector<16xi32>,
      %ne3A_1483 = arith.constant 0 : i32
      %ne3A_1484 = vector.broadcast %ne3A_1483 : i32 to vector<16xi32>
      %ne3A_1485 = arith.cmpi ne, %get3A_1482, %ne3A_1484 : vector<16xi32>
      %convert_element_type3A_1486 = arith.extui %ne3A_1485 : vector<16xi1> to vector<16xi32>
      %convert_element_type3A_1487 = arith.sitofp %convert_element_type3A_1486 : vector<16xi32> to vector<16xf32>
      %jit3A_1488 = arith.constant 0.000000e+00 : f32
      %broadcast_in_dim3A_1489 = vector.broadcast %jit3A_1488 : f32 to vector<16xf32>
      %select_n3A_1490 = arith.select %lt3A_6, %convert_element_type3A_1487, %broadcast_in_dim3A_1489 : vector<16xi1>, vector<16xf32>
      %add3A_1491 = arith.addf %scan3A_1462#2, %select_n3A_1490 : vector<16xf32>
      %reduce_sum3A_1492 = arith.constant true
      %reduce_sum3A_1493 = vector.broadcast %reduce_sum3A_1492 : i1 to vector<16xi1>
      %reduce_sum3A_1494 = tpu.scan <sum>, %add3A_1476 masked %reduce_sum3A_1493 : vector<16xf32>, vector<16xi1> -> vector<16xf32>
      %reduce_sum3A_1495 = vector.extract %reduce_sum3A_1494[15] : f32 from vector<16xf32>
      %broadcast_in_dim3A_1496 = vector.broadcast %reduce_sum3A_1495 : f32 to vector<16xf32>
      %reduce_sum3A_1497 = arith.constant true
      %reduce_sum3A_1498 = vector.broadcast %reduce_sum3A_1497 : i1 to vector<16xi1>
      %reduce_sum3A_1499 = tpu.scan <sum>, %add3A_1472 masked %reduce_sum3A_1498 : vector<16xf32>, vector<16xi1> -> vector<16xf32>
      %reduce_sum3A_1500 = vector.extract %reduce_sum3A_1499[15] : f32 from vector<16xf32>
      %broadcast_in_dim3A_1501 = vector.broadcast %reduce_sum3A_1500 : f32 to vector<16xf32>
      %reduce_sum3A_1502 = arith.constant true
      %reduce_sum3A_1503 = vector.broadcast %reduce_sum3A_1502 : i1 to vector<16xi1>
      %reduce_sum3A_1504 = tpu.scan <sum>, %add3A_1491 masked %reduce_sum3A_1503 : vector<16xf32>, vector<16xi1> -> vector<16xf32>
      %reduce_sum3A_1505 = vector.extract %reduce_sum3A_1504[15] : f32 from vector<16xf32>
      %broadcast_in_dim3A_1506 = vector.broadcast %reduce_sum3A_1505 : f32 to vector<16xf32>
      %select_n3A_1507 = arith.select %eq3A_9, %broadcast_in_dim3A_1496, %broadcast_in_dim3A_1501 : vector<16xi1>, vector<16xf32>
      %add3A_1508 = arith.constant 9.99999993E-9 : f32
      %add3A_1509 = vector.broadcast %add3A_1508 : f32 to vector<16xf32>
      %add3A_1510 = arith.addf %broadcast_in_dim3A_1506, %add3A_1509 : vector<16xf32>
      %div3A_1511 = arith.divf %select_n3A_1507, %add3A_1510 : vector<16xf32>
      %get3A_1512 = arith.constant 0 : index
      %get3A_1513 = tpu.vector_load %arg24[%get3A_1512] {strides = array<i32>} : memref<16xf32, #tpu.memory_space<vmem>>, vector<16xf32>,
      %add3A_1514 = arith.addf %div3A_1511, %get3A_1513 : vector<16xf32>
      %swap3A_1515 = arith.index_cast %add3A_1430 : i32 to index
      %swap3A_1516 = arith.constant 0 : index
      %swap3A_1517 = tpu.vector_load %arg23[%swap3A_1515, %swap3A_1516] {strides = array<i32>} : memref<128x16xf32, #tpu.memory_space<vmem>>, vector<16xf32>,
      tpu.vector_store %arg23[%swap3A_1515, %swap3A_1516], %add3A_1514 {strides = array<i32>} : memref<128x16xf32, #tpu.memory_space<vmem>>, vector<16xf32>,
      %add3A_1518 = arith.constant 15 : i32
      %add3A_1519 = arith.addi %mul3A_196, %add3A_1518 : i32
      %add3A_1520 = arith.constant 16 : i32
      %add3A_1521 = arith.addi %add3A_1519, %add3A_1520 : i32
      %sub3A_1522 = arith.constant 1 : i32
      %sub3A_1523 = arith.subi %add3A_1521, %sub3A_1522 : i32
      %lt3A_1524 = arith.constant 128 : i32
      %lt3A_1525 = arith.cmpi slt, %sub3A_1523, %lt3A_1524 : i32
      %convert_element_type3A_1526 = arith.extui %lt3A_1525 : i1 to i32
      %cond3A_1527 = arith.constant 0 : i32
      %cond3A_1528 = arith.cmpi ne, %convert_element_type3A_1526, %cond3A_1527 : i32
      scf.if %cond3A_1528 {
        %add3A_1607 = arith.constant 16 : i32
        %add3A_1608 = arith.addi %add3A_1519, %add3A_1607 : i32
        %sub3A_1609 = arith.constant 1 : i32
        %sub3A_1610 = arith.subi %add3A_1608, %sub3A_1609 : i32
        %mul3A_1611 = arith.constant 208 : i32
        %mul3A_1612 = arith.muli %sub3A_1610, %mul3A_1611 : i32
        %mul3A_1613 = arith.constant 208 : i32
        %mul3A_1614 = arith.muli %sub3A_1610, %mul3A_1613 : i32
        %add3A_1615 = arith.constant 104 : i32
        %add3A_1616 = arith.addi %mul3A_1614, %add3A_1615 : i32
        %dma_start3A_1617 = arith.constant 0 : i32
        %dma_start3A_1618 = tpu.memref_slice %arg21[%dma_start3A_1617] : memref<208xf32, #tpu.memory_space<vmem>> -> memref<104xf32, #tpu.memory_space<vmem>>
        %dma_start3A_1619 = tpu.memref_slice %arg6[%mul3A_1612] : memref<26624xi32, #tpu.memory_space<vmem>> -> memref<104xi32, #tpu.memory_space<vmem>>
        %dma_start3A_1620 = arith.constant 0 : i32
        %dma_start3A_1621 = tpu.memref_slice %arg3[%dma_start3A_1620] : memref<1015808xf32, #tpu.memory_space<hbm>> -> memref<1015808xf32, #tpu.memory_space<hbm>>
        tpu.enqueue_indirect_dma source(%dma_start3A_1621 : memref<1015808xf32, #tpu.memory_space<hbm>>) target(%dma_start3A_1618 : memref<104xf32, #tpu.memory_space<vmem>>) offsets(%dma_start3A_1619 : memref<104xi32, #tpu.memory_space<vmem>>) semaphore(%arg39 : memref<!tpu.dma_semaphore, #tpu.memory_space<semaphore_mem>>)
        %dma_start3A_1622 = arith.constant 104 : i32
        %dma_start3A_1623 = tpu.memref_slice %arg21[%dma_start3A_1622] : memref<208xf32, #tpu.memory_space<vmem>> -> memref<104xf32, #tpu.memory_space<vmem>>
        %dma_start3A_1624 = tpu.memref_slice %arg6[%add3A_1616] : memref<26624xi32, #tpu.memory_space<vmem>> -> memref<104xi32, #tpu.memory_space<vmem>>
        %dma_start3A_1625 = arith.constant 0 : i32
        %dma_start3A_1626 = tpu.memref_slice %arg3[%dma_start3A_1625] : memref<1015808xf32, #tpu.memory_space<hbm>> -> memref<1015808xf32, #tpu.memory_space<hbm>>
        tpu.enqueue_indirect_dma source(%dma_start3A_1626 : memref<1015808xf32, #tpu.memory_space<hbm>>) target(%dma_start3A_1623 : memref<104xf32, #tpu.memory_space<vmem>>) offsets(%dma_start3A_1624 : memref<104xi32, #tpu.memory_space<vmem>>) semaphore(%arg39 : memref<!tpu.dma_semaphore, #tpu.memory_space<semaphore_mem>>)
      } else {
      }
      %mul3A_1529 = arith.constant 208 : i32
      %mul3A_1530 = arith.muli %add3A_1519, %mul3A_1529 : i32
      %mul3A_1531 = arith.constant 208 : i32
      %mul3A_1532 = arith.muli %add3A_1519, %mul3A_1531 : i32
      %add3A_1533 = arith.constant 104 : i32
      %add3A_1534 = arith.addi %mul3A_1532, %add3A_1533 : i32
      %dma_wait3A_1535 = arith.constant 0 : i32
      %dma_wait3A_1536 = tpu.memref_slice %arg22[%dma_wait3A_1535] : memref<208xf32, #tpu.memory_space<vmem>> -> memref<104xf32, #tpu.memory_space<vmem>>
      %dma_wait3A_1537 = tpu.memref_slice %arg6[%mul3A_1530] : memref<26624xi32, #tpu.memory_space<vmem>> -> memref<104xi32, #tpu.memory_space<vmem>>
      %dma_wait3A_1538 = arith.constant 0 : i32
      %dma_wait3A_1539 = tpu.memref_slice %arg3[%dma_wait3A_1538] : memref<1015808xf32, #tpu.memory_space<hbm>> -> memref<1015808xf32, #tpu.memory_space<hbm>>
      tpu.wait_indirect_dma semaphore(%arg40 : memref<!tpu.dma_semaphore, #tpu.memory_space<semaphore_mem>>) src(%dma_wait3A_1539 : memref<1015808xf32, #tpu.memory_space<hbm>>) dst(%dma_wait3A_1536 : memref<104xf32, #tpu.memory_space<vmem>>)
      %dma_wait3A_1540 = arith.constant 104 : i32
      %dma_wait3A_1541 = tpu.memref_slice %arg22[%dma_wait3A_1540] : memref<208xf32, #tpu.memory_space<vmem>> -> memref<104xf32, #tpu.memory_space<vmem>>
      %dma_wait3A_1542 = tpu.memref_slice %arg6[%add3A_1534] : memref<26624xi32, #tpu.memory_space<vmem>> -> memref<104xi32, #tpu.memory_space<vmem>>
      %dma_wait3A_1543 = arith.constant 0 : i32
      %dma_wait3A_1544 = tpu.memref_slice %arg3[%dma_wait3A_1543] : memref<1015808xf32, #tpu.memory_space<hbm>> -> memref<1015808xf32, #tpu.memory_space<hbm>>
      tpu.wait_indirect_dma semaphore(%arg40 : memref<!tpu.dma_semaphore, #tpu.memory_space<semaphore_mem>>) src(%dma_wait3A_1544 : memref<1015808xf32, #tpu.memory_space<hbm>>) dst(%dma_wait3A_1541 : memref<104xf32, #tpu.memory_space<vmem>>)
      %broadcast_in_dim3A_1545 = arith.constant 0.000000e+00 : f32
      %broadcast_in_dim3A_1546 = vector.broadcast %broadcast_in_dim3A_1545 : f32 to vector<16xf32>
      %scan3A_1547 = arith.constant 0 : i32
      %scan3A_1548 = arith.constant 12 : i32
      %scan3A_1549 = arith.addi %scan3A_1547, %scan3A_1548 : i32
      %scan3A_1550 = arith.constant 4 : i32
      %scan3A_1551:3 = scf.for %scan3A_1607 = %scan3A_1547 to %scan3A_1549 step %scan3A_1550 iter_args(%scan3A_1608 = %broadcast_in_dim3A_1546, %scan3A_1609 = %broadcast_in_dim3A_1546, %scan3A_1610 = %broadcast_in_dim3A_1546) -> (vector<16xf32>, vector<16xf32>, vector<16xf32>)  : i32 {
        %mul3A_1611 = arith.constant 16 : i32
        %mul3A_1612 = arith.muli %mul3A_1611, %scan3A_1607 : i32
        %get3A_1613 = arith.index_cast %mul3A_1612 : i32 to index
        %get3A_1614 = tpu.vector_load %arg22[%get3A_1613] {strides = array<i32>} : memref<208xf32, #tpu.memory_space<vmem>>, vector<16xf32>,
        %bitcast3A_1615 = vector.bitcast %get3A_1614 : vector<16xf32> to vector<32xbf16>
        %unpack3A_1616 = tpu.unpack_subelements %bitcast3A_1615, 0 {pack_format = #tpu.pack_format<interleaved>} : vector<32xbf16> -> vector<16xf32>
        %unpack3A_1617 = tpu.unpack_subelements %bitcast3A_1615, 1 {pack_format = #tpu.pack_format<interleaved>} : vector<32xbf16> -> vector<16xf32>
        %add3A_1618 = arith.addf %scan3A_1608, %unpack3A_1616 : vector<16xf32>
        %add3A_1619 = arith.addf %scan3A_1609, %unpack3A_1617 : vector<16xf32>
        %mul3A_1620 = arith.constant 208 : i32
        %mul3A_1621 = arith.muli %add3A_1519, %mul3A_1620 : i32
        %mul3A_1622 = arith.constant 16 : i32
        %mul3A_1623 = arith.muli %mul3A_1622, %scan3A_1607 : i32
        %add3A_1624 = arith.addi %mul3A_1621, %mul3A_1623 : i32
        %get3A_1625 = arith.index_cast %add3A_1624 : i32 to index
        %get3A_1626 = tpu.vector_load %arg6[%get3A_1625] {strides = array<i32>} : memref<26624xi32, #tpu.memory_space<vmem>>, vector<16xi32>,
        %ne3A_1627 = arith.constant 0 : i32
        %ne3A_1628 = vector.broadcast %ne3A_1627 : i32 to vector<16xi32>
        %ne3A_1629 = arith.cmpi ne, %get3A_1626, %ne3A_1628 : vector<16xi32>
        %convert_element_type3A_1630 = arith.extui %ne3A_1629 : vector<16xi1> to vector<16xi32>
        %convert_element_type3A_1631 = arith.sitofp %convert_element_type3A_1630 : vector<16xi32> to vector<16xf32>
        %add3A_1632 = arith.addf %scan3A_1610, %convert_element_type3A_1631 : vector<16xf32>
        %scan3A_1633 = arith.constant 1 : i32
        %scan3A_1634 = arith.addi %scan3A_1607, %scan3A_1633 : i32
        %mul3A_1635 = arith.constant 16 : i32
        %mul3A_1636 = arith.muli %mul3A_1635, %scan3A_1634 : i32
        %get3A_1637 = arith.index_cast %mul3A_1636 : i32 to index
        %get3A_1638 = tpu.vector_load %arg22[%get3A_1637] {strides = array<i32>} : memref<208xf32, #tpu.memory_space<vmem>>, vector<16xf32>,
        %bitcast3A_1639 = vector.bitcast %get3A_1638 : vector<16xf32> to vector<32xbf16>
        %unpack3A_1640 = tpu.unpack_subelements %bitcast3A_1639, 0 {pack_format = #tpu.pack_format<interleaved>} : vector<32xbf16> -> vector<16xf32>
        %unpack3A_1641 = tpu.unpack_subelements %bitcast3A_1639, 1 {pack_format = #tpu.pack_format<interleaved>} : vector<32xbf16> -> vector<16xf32>
        %add3A_1642 = arith.addf %add3A_1618, %unpack3A_1640 : vector<16xf32>
        %add3A_1643 = arith.addf %add3A_1619, %unpack3A_1641 : vector<16xf32>
        %mul3A_1644 = arith.constant 208 : i32
        %mul3A_1645 = arith.muli %add3A_1519, %mul3A_1644 : i32
        %mul3A_1646 = arith.constant 16 : i32
        %mul3A_1647 = arith.muli %mul3A_1646, %scan3A_1634 : i32
        %add3A_1648 = arith.addi %mul3A_1645, %mul3A_1647 : i32
        %get3A_1649 = arith.index_cast %add3A_1648 : i32 to index
        %get3A_1650 = tpu.vector_load %arg6[%get3A_1649] {strides = array<i32>} : memref<26624xi32, #tpu.memory_space<vmem>>, vector<16xi32>,
        %ne3A_1651 = arith.constant 0 : i32
        %ne3A_1652 = vector.broadcast %ne3A_1651 : i32 to vector<16xi32>
        %ne3A_1653 = arith.cmpi ne, %get3A_1650, %ne3A_1652 : vector<16xi32>
        %convert_element_type3A_1654 = arith.extui %ne3A_1653 : vector<16xi1> to vector<16xi32>
        %convert_element_type3A_1655 = arith.sitofp %convert_element_type3A_1654 : vector<16xi32> to vector<16xf32>
        %add3A_1656 = arith.addf %add3A_1632, %convert_element_type3A_1655 : vector<16xf32>
        %scan3A_1657 = arith.constant 2 : i32
        %scan3A_1658 = arith.addi %scan3A_1607, %scan3A_1657 : i32
        %mul3A_1659 = arith.constant 16 : i32
        %mul3A_1660 = arith.muli %mul3A_1659, %scan3A_1658 : i32
        %get3A_1661 = arith.index_cast %mul3A_1660 : i32 to index
        %get3A_1662 = tpu.vector_load %arg22[%get3A_1661] {strides = array<i32>} : memref<208xf32, #tpu.memory_space<vmem>>, vector<16xf32>,
        %bitcast3A_1663 = vector.bitcast %get3A_1662 : vector<16xf32> to vector<32xbf16>
        %unpack3A_1664 = tpu.unpack_subelements %bitcast3A_1663, 0 {pack_format = #tpu.pack_format<interleaved>} : vector<32xbf16> -> vector<16xf32>
        %unpack3A_1665 = tpu.unpack_subelements %bitcast3A_1663, 1 {pack_format = #tpu.pack_format<interleaved>} : vector<32xbf16> -> vector<16xf32>
        %add3A_1666 = arith.addf %add3A_1642, %unpack3A_1664 : vector<16xf32>
        %add3A_1667 = arith.addf %add3A_1643, %unpack3A_1665 : vector<16xf32>
        %mul3A_1668 = arith.constant 208 : i32
        %mul3A_1669 = arith.muli %add3A_1519, %mul3A_1668 : i32
        %mul3A_1670 = arith.constant 16 : i32
        %mul3A_1671 = arith.muli %mul3A_1670, %scan3A_1658 : i32
        %add3A_1672 = arith.addi %mul3A_1669, %mul3A_1671 : i32
        %get3A_1673 = arith.index_cast %add3A_1672 : i32 to index
        %get3A_1674 = tpu.vector_load %arg6[%get3A_1673] {strides = array<i32>} : memref<26624xi32, #tpu.memory_space<vmem>>, vector<16xi32>,
        %ne3A_1675 = arith.constant 0 : i32
        %ne3A_1676 = vector.broadcast %ne3A_1675 : i32 to vector<16xi32>
        %ne3A_1677 = arith.cmpi ne, %get3A_1674, %ne3A_1676 : vector<16xi32>
        %convert_element_type3A_1678 = arith.extui %ne3A_1677 : vector<16xi1> to vector<16xi32>
        %convert_element_type3A_1679 = arith.sitofp %convert_element_type3A_1678 : vector<16xi32> to vector<16xf32>
        %add3A_1680 = arith.addf %add3A_1656, %convert_element_type3A_1679 : vector<16xf32>
        %scan3A_1681 = arith.constant 3 : i32
        %scan3A_1682 = arith.addi %scan3A_1607, %scan3A_1681 : i32
        %mul3A_1683 = arith.constant 16 : i32
        %mul3A_1684 = arith.muli %mul3A_1683, %scan3A_1682 : i32
        %get3A_1685 = arith.index_cast %mul3A_1684 : i32 to index
        %get3A_1686 = tpu.vector_load %arg22[%get3A_1685] {strides = array<i32>} : memref<208xf32, #tpu.memory_space<vmem>>, vector<16xf32>,
        %bitcast3A_1687 = vector.bitcast %get3A_1686 : vector<16xf32> to vector<32xbf16>
        %unpack3A_1688 = tpu.unpack_subelements %bitcast3A_1687, 0 {pack_format = #tpu.pack_format<interleaved>} : vector<32xbf16> -> vector<16xf32>
        %unpack3A_1689 = tpu.unpack_subelements %bitcast3A_1687, 1 {pack_format = #tpu.pack_format<interleaved>} : vector<32xbf16> -> vector<16xf32>
        %add3A_1690 = arith.addf %add3A_1666, %unpack3A_1688 : vector<16xf32>
        %add3A_1691 = arith.addf %add3A_1667, %unpack3A_1689 : vector<16xf32>
        %mul3A_1692 = arith.constant 208 : i32
        %mul3A_1693 = arith.muli %add3A_1519, %mul3A_1692 : i32
        %mul3A_1694 = arith.constant 16 : i32
        %mul3A_1695 = arith.muli %mul3A_1694, %scan3A_1682 : i32
        %add3A_1696 = arith.addi %mul3A_1693, %mul3A_1695 : i32
        %get3A_1697 = arith.index_cast %add3A_1696 : i32 to index
        %get3A_1698 = tpu.vector_load %arg6[%get3A_1697] {strides = array<i32>} : memref<26624xi32, #tpu.memory_space<vmem>>, vector<16xi32>,
        %ne3A_1699 = arith.constant 0 : i32
        %ne3A_1700 = vector.broadcast %ne3A_1699 : i32 to vector<16xi32>
        %ne3A_1701 = arith.cmpi ne, %get3A_1698, %ne3A_1700 : vector<16xi32>
        %convert_element_type3A_1702 = arith.extui %ne3A_1701 : vector<16xi1> to vector<16xi32>
        %convert_element_type3A_1703 = arith.sitofp %convert_element_type3A_1702 : vector<16xi32> to vector<16xf32>
        %add3A_1704 = arith.addf %add3A_1680, %convert_element_type3A_1703 : vector<16xf32>
        scf.yield %add3A_1690, %add3A_1691, %add3A_1704 : vector<16xf32>, vector<16xf32>, vector<16xf32>
      }
      %scan3A_1552 = arith.constant 12 : i32
      %get3A_1553 = arith.constant 192 : index
      %get3A_1554 = tpu.vector_load %arg22[%get3A_1553] {strides = array<i32>} : memref<208xf32, #tpu.memory_space<vmem>>, vector<16xf32>,
      %bitcast3A_1555 = vector.bitcast %get3A_1554 : vector<16xf32> to vector<32xbf16>
      %unpack3A_1556 = tpu.unpack_subelements %bitcast3A_1555, 0 {pack_format = #tpu.pack_format<interleaved>} : vector<32xbf16> -> vector<16xf32>
      %unpack3A_1557 = tpu.unpack_subelements %bitcast3A_1555, 1 {pack_format = #tpu.pack_format<interleaved>} : vector<32xbf16> -> vector<16xf32>
      %jit3A_1558 = arith.constant 0.000000e+00 : f32
      %broadcast_in_dim3A_1559 = vector.broadcast %jit3A_1558 : f32 to vector<16xf32>
      %select_n3A_1560 = arith.select %lt3A_6, %unpack3A_1556, %broadcast_in_dim3A_1559 : vector<16xi1>, vector<16xf32>
      %add3A_1561 = arith.addf %scan3A_1551#0, %select_n3A_1560 : vector<16xf32>
      %jit3A_1562 = arith.constant 0.000000e+00 : f32
      %broadcast_in_dim3A_1563 = vector.broadcast %jit3A_1562 : f32 to vector<16xf32>
      %select_n3A_1564 = arith.select %lt3A_6, %unpack3A_1557, %broadcast_in_dim3A_1563 : vector<16xi1>, vector<16xf32>
      %add3A_1565 = arith.addf %scan3A_1551#1, %select_n3A_1564 : vector<16xf32>
      %mul3A_1566 = arith.constant 208 : i32
      %mul3A_1567 = arith.muli %add3A_1519, %mul3A_1566 : i32
      %add3A_1568 = arith.constant 192 : i32
      %add3A_1569 = arith.addi %mul3A_1567, %add3A_1568 : i32
      %get3A_1570 = arith.index_cast %add3A_1569 : i32 to index
      %get3A_1571 = tpu.vector_load %arg6[%get3A_1570] {strides = array<i32>} : memref<26624xi32, #tpu.memory_space<vmem>>, vector<16xi32>,
      %ne3A_1572 = arith.constant 0 : i32
      %ne3A_1573 = vector.broadcast %ne3A_1572 : i32 to vector<16xi32>
      %ne3A_1574 = arith.cmpi ne, %get3A_1571, %ne3A_1573 : vector<16xi32>
      %convert_element_type3A_1575 = arith.extui %ne3A_1574 : vector<16xi1> to vector<16xi32>
      %convert_element_type3A_1576 = arith.sitofp %convert_element_type3A_1575 : vector<16xi32> to vector<16xf32>
      %jit3A_1577 = arith.constant 0.000000e+00 : f32
      %broadcast_in_dim3A_1578 = vector.broadcast %jit3A_1577 : f32 to vector<16xf32>
      %select_n3A_1579 = arith.select %lt3A_6, %convert_element_type3A_1576, %broadcast_in_dim3A_1578 : vector<16xi1>, vector<16xf32>
      %add3A_1580 = arith.addf %scan3A_1551#2, %select_n3A_1579 : vector<16xf32>
      %reduce_sum3A_1581 = arith.constant true
      %reduce_sum3A_1582 = vector.broadcast %reduce_sum3A_1581 : i1 to vector<16xi1>
      %reduce_sum3A_1583 = tpu.scan <sum>, %add3A_1565 masked %reduce_sum3A_1582 : vector<16xf32>, vector<16xi1> -> vector<16xf32>
      %reduce_sum3A_1584 = vector.extract %reduce_sum3A_1583[15] : f32 from vector<16xf32>
      %broadcast_in_dim3A_1585 = vector.broadcast %reduce_sum3A_1584 : f32 to vector<16xf32>
      %reduce_sum3A_1586 = arith.constant true
      %reduce_sum3A_1587 = vector.broadcast %reduce_sum3A_1586 : i1 to vector<16xi1>
      %reduce_sum3A_1588 = tpu.scan <sum>, %add3A_1561 masked %reduce_sum3A_1587 : vector<16xf32>, vector<16xi1> -> vector<16xf32>
      %reduce_sum3A_1589 = vector.extract %reduce_sum3A_1588[15] : f32 from vector<16xf32>
      %broadcast_in_dim3A_1590 = vector.broadcast %reduce_sum3A_1589 : f32 to vector<16xf32>
      %reduce_sum3A_1591 = arith.constant true
      %reduce_sum3A_1592 = vector.broadcast %reduce_sum3A_1591 : i1 to vector<16xi1>
      %reduce_sum3A_1593 = tpu.scan <sum>, %add3A_1580 masked %reduce_sum3A_1592 : vector<16xf32>, vector<16xi1> -> vector<16xf32>
      %reduce_sum3A_1594 = vector.extract %reduce_sum3A_1593[15] : f32 from vector<16xf32>
      %broadcast_in_dim3A_1595 = vector.broadcast %reduce_sum3A_1594 : f32 to vector<16xf32>
      %select_n3A_1596 = arith.select %eq3A_9, %broadcast_in_dim3A_1585, %broadcast_in_dim3A_1590 : vector<16xi1>, vector<16xf32>
      %add3A_1597 = arith.constant 9.99999993E-9 : f32
      %add3A_1598 = vector.broadcast %add3A_1597 : f32 to vector<16xf32>
      %add3A_1599 = arith.addf %broadcast_in_dim3A_1595, %add3A_1598 : vector<16xf32>
      %div3A_1600 = arith.divf %select_n3A_1596, %add3A_1599 : vector<16xf32>
      %get3A_1601 = arith.constant 0 : index
      %get3A_1602 = tpu.vector_load %arg24[%get3A_1601] {strides = array<i32>} : memref<16xf32, #tpu.memory_space<vmem>>, vector<16xf32>,
      %add3A_1603 = arith.addf %div3A_1600, %get3A_1602 : vector<16xf32>
      %swap3A_1604 = arith.index_cast %add3A_1519 : i32 to index
      %swap3A_1605 = arith.constant 0 : index
      %swap3A_1606 = tpu.vector_load %arg23[%swap3A_1604, %swap3A_1605] {strides = array<i32>} : memref<128x16xf32, #tpu.memory_space<vmem>>, vector<16xf32>,
      tpu.vector_store %arg23[%swap3A_1604, %swap3A_1605], %add3A_1603 {strides = array<i32>} : memref<128x16xf32, #tpu.memory_space<vmem>>, vector<16xf32>,
    }
    %scan3A_193 = arith.constant 8 : i32
    "tpu.region"() ({
      %run_scoped3A = tpu.sem_alloc : memref<!tpu.dma_semaphore, #tpu.memory_space<semaphore_mem>>
      %dma_start3A_194 = arith.constant 0 : i32
      %dma_start3A_195 = tpu.memref_slice %arg5[%mul3A_2, %dma_start3A_194] : memref<4096x16xf32, #tpu.memory_space<hbm>> -> memref<128x16xf32, #tpu.memory_space<hbm>>
      %dma_start3A_196 = arith.constant 0 : i32
      %dma_start3A_197 = tpu.memref_slice %arg5[%mul3A_2, %dma_start3A_196] : memref<4096x16xf32, #tpu.memory_space<hbm>> -> memref<128x16xf32, #tpu.memory_space<hbm>>
      tpu.enqueue_dma source(%arg23 : memref<128x16xf32, #tpu.memory_space<vmem>>) target(%dma_start3A_197 : memref<128x16xf32, #tpu.memory_space<hbm>>) target_semaphore(%run_scoped3A : memref<!tpu.dma_semaphore, #tpu.memory_space<semaphore_mem>>)
      %dma_wait3A = arith.constant 0 : i32
      %dma_wait3A_198 = tpu.memref_slice %arg5[%mul3A_2, %dma_wait3A] : memref<4096x16xf32, #tpu.memory_space<hbm>> -> memref<128x16xf32, #tpu.memory_space<hbm>>
      %dma_wait3A_199 = arith.constant 0 : i32
      %dma_wait3A_200 = tpu.memref_slice %arg5[%mul3A_2, %dma_wait3A_199] : memref<4096x16xf32, #tpu.memory_space<hbm>> -> memref<128x16xf32, #tpu.memory_space<hbm>>
      tpu.wait_dma2 semaphore(%run_scoped3A : memref<!tpu.dma_semaphore, #tpu.memory_space<semaphore_mem>>) src(%arg23 : memref<128x16xf32, #tpu.memory_space<vmem>>) dst(%dma_wait3A_200 : memref<128x16xf32, #tpu.memory_space<hbm>>)
      tpu.yield
    }) : () -> ()
    return
  }
}

module attributes {stable_mosaic.version = 14 : i64} {
  func.func @body(%arg0: i32, %arg1: memref<64x32768xf32, #tpu.memory_space<vmem>>, %arg2: memref<8x64xf32, #tpu.memory_space<vmem>>, %arg3: memref<1x1x32768xf32, #tpu.memory_space<vmem>>) attributes {dimension_semantics = [#tpu.dimension_semantics<arbitrary>], iteration_bounds = array<i64: 31>, scalar_prefetch = 0 : i64, scratch_operands = 0 : i64, tpu.core_type = #tpu.core_type<tc>, window_params = [{transform_indices = @transform_0, window_bounds = array<i64: 64, 32768>}, {pipeline_mode = #tpu.pipeline_mode<synchronous>, transform_indices = @transform_1, window_bounds = array<i64: 8, 64>}, {transform_indices = @transform_2, window_bounds = array<i64: 1, 1, 32768>}]} {
    %get3A = arith.constant 0 : index
    %get3A_0 = arith.constant 0 : index
    %get3A_1 = vector.load %arg2[%get3A, %get3A_0] : memref<8x64xf32, #tpu.memory_space<vmem>>, vector<2x64xf32>
    %convert_element_type3A = arith.truncf %get3A_1 : vector<2x64xf32> to vector<2x64xbf16>
    %get3A_2 = arith.constant 0 : index
    %get3A_3 = arith.constant 0 : index
    %get3A_4 = vector.load %arg1[%get3A_2, %get3A_3] : memref<64x32768xf32, #tpu.memory_space<vmem>>, vector<64x32768xf32>
    %convert_element_type3A_5 = arith.truncf %get3A_4 : vector<64x32768xf32> to vector<64x32768xbf16>
    %dot_general3A = arith.constant dense<0.000000e+00> : vector<2x32768xf32>
    %dot_general3A_6 = tpu.matmul %convert_element_type3A, %convert_element_type3A_5, %dot_general3A {dimension_numbers = #tpu.dot_dimension_numbers<[1], [0], [0], [1], [0, 0, 1, 1], [], []>, transpose_lhs_hint = false} : vector<2x64xbf16>, vector<64x32768xbf16>, vector<2x32768xf32> -> vector<2x32768xf32>
    %convert_element_type3A_7 = arith.truncf %dot_general3A_6 : vector<2x32768xf32> to vector<2x32768xbf16>
    %bitcast_convert_type3A = tpu.bitcast %convert_element_type3A_7 : vector<2x32768xbf16> -> vector<2x32768xi16>
    %convert_element_type3A_8 = arith.extui %bitcast_convert_type3A : vector<2x32768xi16> to vector<2x32768xi32>
    %slice3A = vector.extract_strided_slice %convert_element_type3A_8 {offsets = [0, 0], sizes = [1, 32768], strides = [1, 1]} : vector<2x32768xi32> to vector<1x32768xi32>
    %shift_left3A = arith.constant 16 : i32
    %shift_left3A_9 = vector.broadcast %shift_left3A : i32 to vector<1x32768xi32>
    %shift_left3A_10 = arith.shli %slice3A, %shift_left3A_9 : vector<1x32768xi32>
    %slice3A_11 = vector.extract_strided_slice %convert_element_type3A_8 {offsets = [1, 0], sizes = [1, 32768], strides = [1, 1]} : vector<2x32768xi32> to vector<1x32768xi32>
    %or3A = arith.ori %shift_left3A_10, %slice3A_11 : vector<1x32768xi32>
    %bitcast_convert_type3A_12 = tpu.bitcast %or3A : vector<1x32768xi32> -> vector<1x32768xf32>
    %swap3A = arith.constant 0 : index
    %swap3A_13 = arith.constant 0 : index
    %swap3A_14 = arith.constant 0 : index
    %swap3A_15 = vector.load %arg3[%swap3A, %swap3A_13, %swap3A_14] : memref<1x1x32768xf32, #tpu.memory_space<vmem>>, vector<1x1x32768xf32>
    %swap3A_16 = vector.shape_cast %swap3A_15 : vector<1x1x32768xf32> to vector<1x32768xf32>
    %swap3A_17 = vector.shape_cast %bitcast_convert_type3A_12 : vector<1x32768xf32> to vector<1x1x32768xf32>
    tpu.vector_store %arg3[%swap3A, %swap3A_13, %swap3A_14], %swap3A_17 {strides = array<i32>} : memref<1x1x32768xf32, #tpu.memory_space<vmem>>, vector<1x1x32768xf32>,
    return
  }
  func.func @transform_0(%arg0: i32) -> (i32, i32) {
    %c0_i32 = arith.constant 0 : i32
    %c0_i32_0 = arith.constant 0 : i32
    return %c0_i32, %arg0 : i32, i32
  }
  func.func @transform_1(%arg0: i32) -> (i32, i32) {
    %c0_i32 = arith.constant 0 : i32
    %c0_i32_0 = arith.constant 0 : i32
    %c0_i32_1 = arith.constant 0 : i32
    return %c0_i32, %c0_i32_0 : i32, i32
  }
  func.func @transform_2(%arg0: i32) -> (i32, i32, i32) {
    %c0_i32 = arith.constant 0 : i32
    %c0_i32_0 = arith.constant 0 : i32
    %c0_i32_1 = arith.constant 0 : i32
    return %arg0, %c0_i32, %c0_i32_0 : i32, i32, i32
  }
}

</mosaic_0001>

<sc_bundles>
// kernel: kernel.4.cloned.1.call-start
scs
__scs_entry_jumppad:
0x0: {  	(pc) =	sbr.rel $0x88, $3  }
0x1: {  	(tag) =	ssettag $0x0;
	lr =	simm.s32 $0x1  }
0x2: {  	[smem:$0x3F9D] =	sst lr;
	_ =	strace $0xD0000000  }
0x3: {  	_ = 	snop  }
0x4: {  	_ = 	snop  }
0x5: {  	_ = 	snop  }
0x6: {  	_ = 	snop  }
0x7: {  	_ = 	snop  }
__scs_overlays_trampoline_lowered:
0x8: {  	[smem:$0x3FAC] =	sst s0  }
0x9: {  	[smem:$0x3FAD] =	sst s1  }
0xa: {  	[smem:$0x3FAE] =	sst s2  }
0xb: {  	[smem:$0x3FAF] =	sst s3  }
0xc: {  	[smem:$0x3FB0] =	sst s4  }
0xd: {  	[smem:$0x3FB1] =	sst s5  }
0xe: {  	[smem:$0x3FB2] =	sst s6  }
0xf: {  	[smem:$0x3FB3] =	sst s7  }
0x10: {  	[smem:$0x3FB4] =	sst s8  }
0x11: {  	[smem:$0x3FB5] =	sst s9;
	s0 =	simm.s32 @!p0 $0x0  }
0x12: {  	s1 =	sld [smem:$0x3F9B];
	s0 =	simm.s32 @p0 $0x1  }
0x13: {  	[smem:$0x3FB6] =	sst s0;
	s0 =	simm.s32 @!p1 $0x0  }
0x14: {  	s2 =	sld [smem:$0x3F9A];
	s0 =	simm.s32 @p1 $0x1  }
0x15: {  	[smem:$0x3FB7] =	sst s0;
	s0 =	simm.s32 @!p2 $0x0  }
0x16: {  	s3 =	sld [smem:$0x3FDB];
	s0 =	simm.s32 @p2 $0x1  }
0x17: {  	s4 =	simm.s32 $0x1BF5;
	[smem:$0x3FB9] =	sst s0  }
0x18: {  	s0 =	sld [smem:$0x3F9C];
	_ =	swait.ge [sflag:s4], $0x0  }
0x19: {  	s7 =	sld [smem:$0x3F9D]  }
0x1a: {  	s8 =	sadd.s32 $0xFFFFE003, lr  }
0x1b: {  	s9 =	sadd.s32 $0xFFFFFEF7, lr;
	s5 =	simm.s32 $0xFFFFFFFF;
	p2 =	slt.u32 s8, $0xFFFFF086  }
0x1c: {  	p1 =	slt.u32 s9, $0xF7A;
	s5 =	simm.s32 @!p2 $0x0  }
0x1d: {  	s5 =	simm.s32 @p1 $0x1;
	p0 =	seq.s32 s7, s2  }
0x1e: {  	s7 =	smul.u32 @!p0 $0xF7A, s2;
	p2 =	seq.s32 @!p0 s5, $0x0  }
0x1f: {  	s9 =	smul.u32 $0xF7A, s1;
	s8 =	simm.s32 @!p0 $0x1BF5;
	p2 =	por !p2, p0  }
0x20: {  	[sflag:s8] =	ssyncset.s32 @!p0 $0xFFFFF086;
	s6 =	sadd.s32 @!p0 s3, s7;
	s7 =	simm.s32 @!p0 $0x108  }
0x21: {  	s3 =	sadd.s32 s3, s9;
	s6 =	sadd.s32 @!p0 $0x88, s6;
	s7 =	simm.s32 @p2 $0x1082  }
0x22: {  	[simem:s7], [sflag:s8] =	dma.local @!p0 [hbm:s6], $0xF7A  }
0x23: {  	s9 =	sor.u32 $0xD0000000, s2;
	s6 =	simm.s32 $0x108;
	_ =	swait.ge @!p0 [sflag:s8], $0x0  }
0x24: {  	s3 =	sadd.s32 $0x88, s3;
	s6 =	simm.s32 @!p1 $0x1082;
	[sflag:s4] =	ssyncset.s32 $0xFFFFF086  }
0x25: {  	[simem:s6], [sflag:s4] =	dma.local [hbm:s3], $0xF7A  }
0x26: {  	[smem:$0x3F9D] =	sst s1;
	(tag) =	ssettag s2;
	_ =	strace s9  }
0x27: {  	s1 =	sld [smem:$0x3FAD]  }
0x28: {  	s2 =	sld [smem:$0x3FAE]  }
0x29: {  	s4 =	sld [smem:$0x3FB0]  }
0x2a: {  	p0 =	seq.s32 s5, $0x0;
	s5 =	sld [smem:$0x3FB1]  }
0x2b: {  	s6 =	sld [smem:$0x3FB2]  }
0x2c: {  	s7 =	sld [smem:$0x3FB3]  }
0x2d: {  	s3 =	simm.s32 $0x108;
	s8 =	sld [smem:$0x3FB4]  }
0x2e: {  	s3 =	simm.s32 @!p0 $0x1082;
	s9 =	sld [smem:$0x3FB5]  }
0x2f: {  	lr =	sadd.s32 s0, s3;
	s0 =	sld [smem:$0x3FAC]  }
0x30: {  	s3 =	sld [smem:$0x3FAF]  }
0x31: {  	[smem:$0x3FB8] =	sst s10  }
0x32: {  	s10 =	sld [smem:$0x3FB6];
	_ =	sdelay $0x3  }
0x33: {  	p0 =	seq.s32 s10, $0x1;
	s10 =	sld [smem:$0x3FB8];
	_ =	sdelay $0x3  }
0x34: {  	[smem:$0x3FB8] =	sst s10  }
0x35: {  	s10 =	sld [smem:$0x3FB7];
	_ =	sdelay $0x3  }
0x36: {  	p1 =	seq.s32 s10, $0x1;
	s10 =	sld [smem:$0x3FB8];
	_ =	sdelay $0x3  }
0x37: {  	[smem:$0x3FB8] =	sst s10  }
0x38: {  	s10 =	sld [smem:$0x3FB9]  }
0x39: {  	_ = 	snop;
	(pc) =	sbr.ind lr, $3  }
0x3a: {  	_ = 	snop  }
0x3b: {  	_ = 	snop  }
0x3c: {  	p2 =	seq.s32 s10, $0x1;
	s10 =	sld [smem:$0x3FB8]  }
0x3d: {  	_ =	shalt  }
0x3e: {  	_ =	shalt  }
0x3f: {  	_ =	shalt  }
0x40: {  	_ =	shalt  }
0x41: {  	_ =	shalt  }
0x42: {  	_ =	shalt  }
0x43: {  	_ =	shalt  }
0x44: {  	_ =	shalt  }
0x45: {  	_ =	shalt  }
0x46: {  	_ =	shalt  }
0x47: {  	_ =	shalt  }
0x48: {  	_ =	shalt  }
0x49: {  	_ =	shalt  }
0x4a: {  	_ =	shalt  }
0x4b: {  	_ =	shalt  }
0x4c: {  	_ =	shalt  }
0x4d: {  	_ =	shalt  }
0x4e: {  	_ =	shalt  }
0x4f: {  	_ =	shalt  }
0x50: {  	_ =	shalt  }
0x51: {  	_ =	shalt  }
0x52: {  	_ =	shalt  }
0x53: {  	_ =	shalt  }
0x54: {  	_ =	shalt  }
0x55: {  	_ =	shalt  }
0x56: {  	_ =	shalt  }
0x57: {  	_ =	shalt  }
0x58: {  	_ =	shalt  }
0x59: {  	_ =	shalt  }
0x5a: {  	_ =	shalt  }
0x5b: {  	_ =	shalt  }
0x5c: {  	_ =	shalt  }
0x5d: {  	_ =	shalt  }
0x5e: {  	_ =	shalt  }
0x5f: {  	_ =	shalt  }
0x60: {  	_ =	shalt  }
0x61: {  	_ =	shalt  }
0x62: {  	_ =	shalt  }
0x63: {  	_ =	shalt  }
0x64: {  	_ =	shalt  }
0x65: {  	_ =	shalt  }
0x66: {  	_ =	shalt  }
0x67: {  	_ =	shalt  }
0x68: {  	_ =	shalt  }
0x69: {  	_ =	shalt  }
0x6a: {  	_ =	shalt  }
0x6b: {  	_ =	shalt  }
0x6c: {  	_ =	shalt  }
0x6d: {  	_ =	shalt  }
0x6e: {  	_ =	shalt  }
0x6f: {  	_ =	shalt  }
0x70: {  	_ =	shalt  }
0x71: {  	_ =	shalt  }
0x72: {  	_ =	shalt  }
0x73: {  	_ =	shalt  }
0x74: {  	_ =	shalt  }
0x75: {  	_ =	shalt  }
0x76: {  	_ =	shalt  }
0x77: {  	_ =	shalt  }
0x78: {  	_ =	shalt  }
0x79: {  	_ =	shalt  }
0x7a: {  	_ =	shalt  }
0x7b: {  	_ =	shalt  }
0x7c: {  	_ =	shalt  }
0x7d: {  	_ =	shalt  }
0x7e: {  	_ =	shalt  }
0x7f: {  	_ =	shalt  }
0x80: {  	_ =	shalt  }
0x81: {  	_ =	shalt  }
0x82: {  	_ =	shalt  }
0x83: {  	_ =	shalt  }
0x84: {  	_ =	shalt  }
0x85: {  	_ =	shalt  }
0x86: {  	_ =	shalt  }
0x87: {  	_ =	shalt  }
.Lfunc_end0:
.L_simem_size_0:
called_computation_lowered:
.L_overlay_start_0:
0x88: {  	s2 =	sld [smem:$0x3FD9]  }
0x89: {  	s3 =	sld [smem:$0x3FFE];
	_ =	sdelay $0x1  }
0x8a: {  	s1 =	srdreg.scid  }
0x8b: {  	s0 =	sand.u32 $0x1, s1  }
0x8c: {  	s16 =	sshll.u32 s0, $0xA;
	s2 =	sadd.s32 s3, s2  }
0x8d: {  	s2 =	sadd.s32 s2, s16  }
0x8e: {  	[smem:$0x3FC4] =	sst s2  }
0x8f: {  	_ = 	snop  }
0x90: {  	(tm) =	ssettm $0x1  }
0x91: {  	s17 =	sld [smem:$0x3FFB];
	_ =	sdelay $0x3  }
0x92: {  	_ =	strace s17  }
0x93: {  	s2 =	sld [smem:$0x3FFC];
	_ =	sdelay $0x3  }
0x94: {  	_ =	strace s2  }
0x95: {  	s2 =	sld [smem:$0x3FFD];
	_ =	sdelay $0x3  }
0x96: {  	_ =	strace s2  }
0x97: {  	_ =	strace $0x8FFFFFFF  }
0x98: {  	s18 =	sld [smem:$0x3FDB];
	_ =	sdelay $0x1  }
0x99: {  	s19 =	simm.s32 $_scs_section_size  }
0x9a: {  	s4 =	simm.s32 $_size__tile_overlayer_lowered;
	s5 =	simm.s32 $_tile_overlayer_lowered  }
0x9b: {  	s22 =	simm.s32 $0x1BFF;
	s21 =	sshll.u32 s5, $0x1;
	s2 =	sadd.s32 s19, s18  }
0x9c: {  	s6 =	simm.s32 $0x0;
	s20 =	sshll.u32 s4, $0x1;
	s4 =	sadd.s32 s21, s2  }
0x9d: {  	[timem:s6], [sflag:s22] =	dma.local [hbm:s4], s20  }
0x9e: {  	_ =	swait.ge [sflag:s22], s20  }
0x9f: {  	s3 =	ssub.s32 $0x0, s20;
	[sflag:s22] =	ssyncset.done $0x0  }
0xa0: {  	[sflag:s22] =	ssyncadd.s32 s3;
	_ =	sdelay $0x1  }
0xa1: {  	s23 =	simm.s32 $0x1B8B  }
0xa2: {  	_ =	swait.ge [sflag:s23], $0x1  }
0xa3: {  	[sflag:s23] =	ssyncset.done $0x0  }
0xa4: {  	s25 =	simm.s32 $0x1B8E;
	s24 =	sld [smem:$0x3FFE];
	[sflag:s23] =	ssyncadd.s32 $0xFFFFFFFF  }
0xa5: {  	s26 =	simm.s32 $execute0_lowered;
	[smem:$0x3FD2] =	sst s25  }
0xa6: {  	s4 =	sshll.u32 s26, $0x1;
	_ =	strace $0x80000046;
	[dreg:$0x1] =	wrdreg $0xFFFFFFFF  }
0xa7: {  	s28 =	simm.s32 $_size_execute0_lowered;
	s2 =	sadd.s32 s2, s4;
	[dreg:$0x0] =	wrdreg $0x0  }
0xa8: {  	s4 =	sshll.u32 s28, $0x1;
	[dreg:$0x2] =	wrdreg s2  }
0xa9: {  	[dreg:$0x3] =	wrdreg s4  }
0xaa: {  	[dreg:$0x4] =	wrdreg $0xC0  }
0xab: {  	_ =	task [dreg:s6], $0x5FFFF  }
0xac: {  	[dreg:$0x1] =	wrdreg $0xFFFFFFFF  }
0xad: {  	[dreg:$0x0] =	wrdreg $0x60  }
0xae: {  	[dreg:$0x2] =	wrdreg s24  }
0xaf: {  	[dreg:$0x3] =	wrdreg $0x9  }
0xb0: {  	_ =	task.clear_ibuf [dreg:s6], $0x4FFFF;
	_ =	strace $0x90000046  }
0xb1: {  	s29 =	simm.s32 $0x9;
	_ =	strace $0x80000048  }
0xb2: {  	_ =	swait.ge [sflag:s29], $0x1  }
0xb3: {  	[sflag:s29] =	ssyncadd.s32 $0xFFFFFFFF  }
0xb4: {  	_ =	strace $0x90000048  }
0xb5: {  	_ =	sfence  }
0xb6: {  	s30 =	sld [smem:$0x0];
	_ =	sdelay $0x2  }
0xb7: {  	s31 =	sshll.u32 s1, $0xD;
	s1 =	sshrl.u32 s1, $0x2  }
0xb8: {  	s3 =	sand.u32 $0x4000, s31;
	s1 =	sadd.s32 s1, s30  }
0xb9: {  	s0 =	sor.u32 s3, s0;
	s1 =	sshll.u32 s1, $0x11  }
0xba: {  	s0 =	sor.u32 s1, s0  }
0xbb: {  	s0 =	sadd.s32 $0x8F2B, s0  }
0xbc: {  	[sflag:s0] =	ssyncadd.remote.s32 $0x1  }
0xbd: {  	_ =	sfence.sel $0xFFFF  }
0xbe: {  	[dreg:$0x0] =	wrdreg $0xFFFFFFFF;
	(pc) =	sbr.abs _section_cstart, $3  }
0xbf: {  	[dreg:$0x1] =	wrdreg $0xFFFFFFFF  }
0xc0: {  	_ =	task.clear_ibuf [dreg:s6], $0x2FFFF;
	_ =	strace $0x9FFFFFFF  }
0xc1: {  	(tm) =	ssettm $0x7FFFFFFF  }
tec
execute0_lowered:
.L_overlay_start_1:
0x0: {  	(tag) =	ssettag $0x1  }
0x1: {  	s0 =	srdreg.scid  }
0x2: {  	s1 =	stileid.u32;
	s4 =	rddreg [dreg:$0x0];
	s2 =	simm.s32 $0x0  }
0x3: {  	s9 =	simm.s32 $0x11;
	s10 =	simm.s32 $0x68;
	s25 =	simm.s32 $0x7430  }
0x4: {  	s26 =	simm.s32 $0x7498;
	s28 =	simm.s32 $0x5;
	s29 =	simm.s32 $0x6  }
0x5: {  	s30 =	simm.s32 $0x7;
	s31 =	simm.s32 $0x8;
	s8 =	simm.s32 $0xB  }
0x6: {  	s11 =	simm.s32 $0xC;
	s12 =	simm.s32 $0xD;
	s13 =	simm.s32 $0xE  }
0x7: {  	s14 =	simm.s32 $0xF;
	s15 =	simm.s32 $0x10;
	s17 =	simm.s32 $0x0  }
0x8: {  	s0 =	sand.u32 $0x1, s0;
	[smem:$0x7FF] =	sst s2;
	s6 =	sadd.s32 $0x1AC00, s4  }
0x9: {  	s1 =	sshll.u32 s1, $0x1;
	_ =	strace $0x80000047;
	[dreg:$0x4] =	wrdreg s6  }
0xa: {  	s1 =	sor.u32 s0, s1;
	s0 =	ssub.s32 $0x2, s0;
	[dreg:$0x2] =	wrdreg s25  }
0xb: {  	[dreg:$0x3] =	wrdreg s26;
	s25 =	simm.s32 $0x3;
	s26 =	simm.s32 $0x4  }
0xc: {  	s3 =	smul.u32 $0xD00, s1;
	s1 =	sshll.u32 s1, $0x8;
	s23 =	sshrl.u32 s0, $0x1  }
0xd: {  	s1 =	sadd.s32 s1, s4;
	s0 =	ssub.s32 s0, s23;
	s23 =	simm.s32 $0x1  }
0xe: {  	s5 =	sadd.s32 s3, s4;
	s3 =	sadd.s32 $0x1AE00, s4;
	s6 =	sadd.s32 $0x39E00, s1  }
0xf: {  	s7 =	smax.u32 s0, $0x1;
	s1 =	simm.s32 $0x9;
	s24 =	sadd.s32 $0xC00, s5  }
0x10: {  	v0 =	vimm.s32 $0x0;
	vm0 =	vmmov $0xff;
	vm1 =	vmmov $0x1;
	s0 =	simm.s32 $0xA;
	[dreg:$0x5] =	wrdreg s24;
	s24 =	simm.s32 $0x2  }
.LBB2_1:
0x11: {  	s4 =	rddreg [dreg:$0x4];
	s5 =	simm.s32 $0x7D00  }
0x12: {  	[tilespmem:s5], [sflag:$0x11] =	stream.linear.gather [hbm4b:s4+s2], $0x10, $0x38;
	[tilespmem:$0x7D10] =	vst v63  }
0x13: {  	_ =	swait.ge [sflag:s9], $0x10  }
0x14: {  	[sflag:s9] =	ssyncset.done $0x0  }
0x15: {  	s18 =	rddreg [dreg:$0x5];
	[sflag:s9] =	ssyncadd.s32 $0xFFFFFFF0  }
0x16: {  	[tilespmem:s2], [sflag:$0x11] =	stream.linear.gather [hbm4b:s18+s2], $0x6800, $0x38;
	[tilespmem:$0x7D10] =	vst v63  }
0x17: {  	_ =	swait.ge [sflag:s9], $0x6800  }
0x18: {  	[sflag:s9] =	ssyncset.done $0x0  }
0x19: {  	s19 =	simm.s32 $0x6800;
	[sflag:s9] =	ssyncadd.s32 $0xFFFF9800  }
0x1a: {  	[tilespmem:s19], [sflag:$0x1] =	stream.indirect.gather [hbm4b:s3+s10], $0x1, s2, s10, $0xb8;
	[tilespmem:$0x7D10] =	vst v63  }
0x1b: {  	s20 =	simm.s32 $0x6868  }
0x1c: {  	[tilespmem:s20], [sflag:$0x1] =	stream.indirect.gather [hbm4b:s3+s10], $0x1, s10, s10, $0xb8;
	[tilespmem:$0x7D10] =	vst v63  }
0x1d: {  	s21 =	simm.s32 $0xD0;
	s22 =	simm.s32 $0x68D0  }
0x1e: {  	[tilespmem:s22], [sflag:$0x2] =	stream.indirect.gather [hbm4b:s3+s10], $0x1, s21, s10, $0xb8;
	[tilespmem:$0x7D10] =	vst v63  }
0x1f: {  	s16 =	simm.s32 $0x138;
	s18 =	simm.s32 $0x6938  }
0x20: {  	[tilespmem:s18], [sflag:$0x2] =	stream.indirect.gather [hbm4b:s3+s10], $0x1, s16, s10, $0xb8;
	[tilespmem:$0x7D10] =	vst v63  }
0x21: {  	s19 =	simm.s32 $0x1A0;
	s20 =	simm.s32 $0x69A0  }
0x22: {  	[tilespmem:s20], [sflag:$0x3] =	stream.indirect.gather [hbm4b:s3+s10], $0x1, s19, s10, $0xb8;
	[tilespmem:$0x7D10] =	vst v63  }
0x23: {  	s21 =	simm.s32 $0x208;
	s22 =	simm.s32 $0x6A08  }
0x24: {  	[tilespmem:s22], [sflag:$0x3] =	stream.indirect.gather [hbm4b:s3+s10], $0x1, s21, s10, $0xb8;
	[tilespmem:$0x7D10] =	vst v63  }
0x25: {  	s16 =	simm.s32 $0x270;
	s18 =	simm.s32 $0x6A70  }
0x26: {  	[tilespmem:s18], [sflag:$0x4] =	stream.indirect.gather [hbm4b:s3+s10], $0x1, s16, s10, $0xb8;
	[tilespmem:$0x7D10] =	vst v63  }
0x27: {  	s19 =	simm.s32 $0x2D8;
	s20 =	simm.s32 $0x6AD8  }
0x28: {  	[tilespmem:s20], [sflag:$0x4] =	stream.indirect.gather [hbm4b:s3+s10], $0x1, s19, s10, $0xb8;
	[tilespmem:$0x7D10] =	vst v63  }
0x29: {  	s21 =	simm.s32 $0x340;
	s22 =	simm.s32 $0x6B40  }
0x2a: {  	[tilespmem:s22], [sflag:$0x5] =	stream.indirect.gather [hbm4b:s3+s10], $0x1, s21, s10, $0xb8;
	[tilespmem:$0x7D10] =	vst v63  }
0x2b: {  	s16 =	simm.s32 $0x3A8;
	s18 =	simm.s32 $0x6BA8  }
0x2c: {  	[tilespmem:s18], [sflag:$0x5] =	stream.indirect.gather [hbm4b:s3+s10], $0x1, s16, s10, $0xb8;
	[tilespmem:$0x7D10] =	vst v63  }
0x2d: {  	s19 =	simm.s32 $0x410;
	s20 =	simm.s32 $0x6C10  }
0x2e: {  	[tilespmem:s20], [sflag:$0x6] =	stream.indirect.gather [hbm4b:s3+s10], $0x1, s19, s10, $0xb8;
	[tilespmem:$0x7D10] =	vst v63  }
0x2f: {  	s21 =	simm.s32 $0x478;
	s22 =	simm.s32 $0x6C78  }
0x30: {  	[tilespmem:s22], [sflag:$0x6] =	stream.indirect.gather [hbm4b:s3+s10], $0x1, s21, s10, $0xb8;
	[tilespmem:$0x7D10] =	vst v63  }
0x31: {  	s16 =	simm.s32 $0x4E0;
	s18 =	simm.s32 $0x6CE0  }
0x32: {  	[tilespmem:s18], [sflag:$0x7] =	stream.indirect.gather [hbm4b:s3+s10], $0x1, s16, s10, $0xb8;
	[tilespmem:$0x7D10] =	vst v63  }
0x33: {  	s19 =	simm.s32 $0x548;
	s20 =	simm.s32 $0x6D48  }
0x34: {  	[tilespmem:s20], [sflag:$0x7] =	stream.indirect.gather [hbm4b:s3+s10], $0x1, s19, s10, $0xb8;
	[tilespmem:$0x7D10] =	vst v63  }
0x35: {  	s21 =	simm.s32 $0x5B0;
	s22 =	simm.s32 $0x6DB0  }
0x36: {  	[tilespmem:s22], [sflag:$0x8] =	stream.indirect.gather [hbm4b:s3+s10], $0x1, s21, s10, $0xb8;
	[tilespmem:$0x7D10] =	vst v63  }
0x37: {  	s16 =	simm.s32 $0x618;
	s18 =	simm.s32 $0x6E18  }
0x38: {  	[tilespmem:s18], [sflag:$0x8] =	stream.indirect.gather [hbm4b:s3+s10], $0x1, s16, s10, $0xb8;
	[tilespmem:$0x7D10] =	vst v63  }
0x39: {  	s19 =	simm.s32 $0x680;
	s20 =	simm.s32 $0x6E80  }
0x3a: {  	[tilespmem:s20], [sflag:$0x9] =	stream.indirect.gather [hbm4b:s3+s10], $0x1, s19, s10, $0xb8;
	[tilespmem:$0x7D10] =	vst v63  }
0x3b: {  	s21 =	simm.s32 $0x6E8;
	s22 =	simm.s32 $0x6EE8  }
0x3c: {  	[tilespmem:s22], [sflag:$0x9] =	stream.indirect.gather [hbm4b:s3+s10], $0x1, s21, s10, $0xb8;
	[tilespmem:$0x7D10] =	vst v63  }
0x3d: {  	s16 =	simm.s32 $0x750;
	s18 =	simm.s32 $0x6F50  }
0x3e: {  	[tilespmem:s18], [sflag:$0xA] =	stream.indirect.gather [hbm4b:s3+s10], $0x1, s16, s10, $0xb8;
	[tilespmem:$0x7D10] =	vst v63  }
0x3f: {  	s19 =	simm.s32 $0x7B8;
	s20 =	simm.s32 $0x6FB8  }
0x40: {  	[tilespmem:s20], [sflag:$0xA] =	stream.indirect.gather [hbm4b:s3+s10], $0x1, s19, s10, $0xb8;
	[tilespmem:$0x7D10] =	vst v63  }
0x41: {  	s21 =	simm.s32 $0x820;
	s22 =	simm.s32 $0x7020  }
0x42: {  	[tilespmem:s22], [sflag:$0xB] =	stream.indirect.gather [hbm4b:s3+s10], $0x1, s21, s10, $0xb8;
	[tilespmem:$0x7D10] =	vst v63  }
0x43: {  	s16 =	simm.s32 $0x888;
	s18 =	simm.s32 $0x7088  }
0x44: {  	[tilespmem:s18], [sflag:$0xB] =	stream.indirect.gather [hbm4b:s3+s10], $0x1, s16, s10, $0xb8;
	[tilespmem:$0x7D10] =	vst v63  }
0x45: {  	s19 =	simm.s32 $0x8F0;
	s20 =	simm.s32 $0x70F0  }
0x46: {  	[tilespmem:s20], [sflag:$0xC] =	stream.indirect.gather [hbm4b:s3+s10], $0x1, s19, s10, $0xb8;
	[tilespmem:$0x7D10] =	vst v63  }
0x47: {  	s21 =	simm.s32 $0x958;
	s22 =	simm.s32 $0x7158  }
0x48: {  	[tilespmem:s22], [sflag:$0xC] =	stream.indirect.gather [hbm4b:s3+s10], $0x1, s21, s10, $0xb8;
	[tilespmem:$0x7D10] =	vst v63  }
0x49: {  	s16 =	simm.s32 $0x9C0;
	s18 =	simm.s32 $0x71C0  }
0x4a: {  	[tilespmem:s18], [sflag:$0xD] =	stream.indirect.gather [hbm4b:s3+s10], $0x1, s16, s10, $0xb8;
	[tilespmem:$0x7D10] =	vst v63  }
0x4b: {  	s19 =	simm.s32 $0xA28;
	s20 =	simm.s32 $0x7228  }
0x4c: {  	[tilespmem:s20], [sflag:$0xD] =	stream.indirect.gather [hbm4b:s3+s10], $0x1, s19, s10, $0xb8;
	[tilespmem:$0x7D10] =	vst v63  }
0x4d: {  	s21 =	simm.s32 $0xA90;
	s22 =	simm.s32 $0x7290  }
0x4e: {  	[tilespmem:s22], [sflag:$0xE] =	stream.indirect.gather [hbm4b:s3+s10], $0x1, s21, s10, $0xb8;
	[tilespmem:$0x7D10] =	vst v63  }
0x4f: {  	s16 =	simm.s32 $0xAF8;
	s18 =	simm.s32 $0x72F8  }
0x50: {  	[tilespmem:s18], [sflag:$0xE] =	stream.indirect.gather [hbm4b:s3+s10], $0x1, s16, s10, $0xb8;
	[tilespmem:$0x7D10] =	vst v63  }
0x51: {  	s19 =	simm.s32 $0xB60;
	s20 =	simm.s32 $0x7360  }
0x52: {  	[tilespmem:s20], [sflag:$0xF] =	stream.indirect.gather [hbm4b:s3+s10], $0x1, s19, s10, $0xb8;
	[tilespmem:$0x7D10] =	vst v63  }
0x53: {  	s21 =	simm.s32 $0xBC8;
	s22 =	simm.s32 $0x73C8;
	s18 =	simm.s32 $0x0  }
0x54: {  	[tilespmem:s22], [sflag:$0xF] =	stream.indirect.gather [hbm4b:s3+s10], $0x1, s21, s10, $0xb8;
	[tilespmem:$0x7D10] =	vst v63  }
.LBB2_2:
0x55: {  	s19 =	sshllo.u32 s18, $0x4  }
0x56: {  	s4 =	smul.u32 $0x340, s19;
	_ =	sdelay $0x1  }
0x57: {  	s5 =	rddreg [dreg:$0x2];
	s20 =	sshra.s32 s4, $0x2  }
0x58: {  	[tilespmem:s5], [sflag:$0x10] =	stream.indirect.gather [hbm4b:s3+s10], $0x1, s20, s10, $0xb8;
	[tilespmem:$0x7D10] =	vst v63  }
0x59: {  	s16 =	rddreg [dreg:$0x3];
	s21 =	sadd.s32 $0x68, s20  }
0x5a: {  	[tilespmem:s16], [sflag:$0x10] =	stream.indirect.gather [hbm4b:s3+s10], $0x1, s21, s10, $0xb8;
	[tilespmem:$0x7D10] =	vst v63  }
0x5b: {  	_ =	swait.ge [sflag:s23], $0x68  }
0x5c: {  	[sflag:s23] =	ssyncset.done $0x0  }
0x5d: {  	[sflag:s23] =	ssyncadd.s32 $0xFFFFFF98  }
0x5e: {  	_ =	swait.ge [sflag:s23], $0x68  }
0x5f: {  	s22 =	smul.u32 $0x3400, s18;
	[sflag:s23] =	ssyncset.done $0x0  }
0x60: {  	[sflag:s23] =	ssyncadd.s32 $0xFFFFFF98  }
0x61: {  	s21 =	sshra.s32 s22, $0x2;
	v1 =	vld [tilespmem:$0x6800]  }
0x62: {  	v2 =	vld [tilespmem:s21+$0x0]  }
0x63: {  	v3 =	vld [tilespmem:$0x6810]  }
0x64: {  	v5 =	vld [tilespmem:$0x6820]  }
0x65: {  	v43 =	vld [tilespmem:$0x6840]  }
0x66: {  	v47 =	vld [tilespmem:$0x6850]  }
0x67: {  	v51 =	vld [tilespmem:$0x6860]  }
0x68: {  	v55 =	vld [tilespmem:$0x6870]  }
0x69: {  	v59 =	vld [tilespmem:$0x6880]  }
0x6a: {  	v63 =	vld [tilespmem:$0x6890]  }
0x6b: {  	v15 =	vld [tilespmem:$0x68A0]  }
0x6c: {  	v19 =	vld [tilespmem:$0x68B0]  }
0x6d: {  	v23 =	vld [tilespmem:$0x68C0];
	v6 =	vunpack.i.u.bf16.f32 v1;
	v1 =	vunpack.i.l.bf16.f32 v1;
	vm2 =	vne.s32 v2, $0x0  }
0x6e: {  	v4 =	vld [tilespmem:s21+$0x10];
	v9 =	vunpack.i.l.bf16.f32 v3;
	v3 =	vunpack.i.u.bf16.f32 v3;
	v44 =	vunpack.i.u.bf16.f32 v5  }
0x6f: {  	v7 =	vld [tilespmem:s21+$0x20];
	v5 =	vunpack.i.l.bf16.f32 v5;
	v52 =	vunpack.i.u.bf16.f32 v43;
	v56 =	vunpack.i.l.bf16.f32 v47  }
0x70: {  	v40 =	vld [tilespmem:s21+$0x30];
	v60 =	vunpack.i.u.bf16.f32 v51;
	v12 =	vunpack.i.l.bf16.f32 v55;
	v16 =	vunpack.i.u.bf16.f32 v59  }
0x71: {  	v20 =	vunpack.i.l.bf16.f32 v63;
	v24 =	vunpack.i.u.bf16.f32 v15;
	v27 =	vunpack.i.l.bf16.f32 v19  }
0x72: {  	v2 =	vld [tilespmem:$0x6830];
	v28 =	vunpack.i.u.bf16.f32 v19;
	v30 =	vunpack.i.u.bf16.f32 v23;
	v6 =	vadd.f32 $0.0e+00, v6  }
0x73: {  	v45 =	vld [tilespmem:s21+$0x40];
	v1 =	vadd.f32 $0.0e+00, v1;
	v8 =	vsel vm2, $0x3F800000, v0;
	vm2 =	vne.s32 v4, $0x0  }
0x74: {  	v41 =	vsel vm2, $0x3F800000, v0;
	vm2 =	vne.s32 v7, $0x0;
	v3 =	vadd.f32 v3, v6  }
0x75: {  	v49 =	vld [tilespmem:s21+$0x50];
	v1 =	vadd.f32 v9, v1;
	v46 =	vsel vm2, $0x3F800000, v0;
	vm2 =	vne.s32 v40, $0x0  }
0x76: {  	v42 =	vadd.f32 v41, v8;
	v50 =	vsel vm2, $0x3F800000, v0;
	v3 =	vadd.f32 v44, v3  }
0x77: {  	v53 =	vld [tilespmem:s21+$0x60];
	v1 =	vadd.f32 v5, v1;
	v48 =	vunpack.i.l.bf16.f32 v2;
	v2 =	vunpack.i.u.bf16.f32 v2  }
0x78: {  	vm2 =	vne.s32 v45, $0x0;
	v5 =	vadd.f32 v46, v42;
	v2 =	vadd.f32 v2, v3  }
0x79: {  	v57 =	vld [tilespmem:s21+$0x70];
	v8 =	vunpack.i.l.bf16.f32 v43;
	v54 =	vsel vm2, $0x3F800000, v0;
	v1 =	vadd.f32 v48, v1  }
0x7a: {  	vm2 =	vne.s32 v49, $0x0;
	v3 =	vadd.f32 v50, v5;
	v2 =	vadd.f32 v52, v2  }
0x7b: {  	v61 =	vld [tilespmem:s21+$0x80];
	v9 =	vunpack.i.u.bf16.f32 v47;
	v58 =	vsel vm2, $0x3F800000, v0;
	v1 =	vadd.f32 v8, v1  }
0x7c: {  	vm2 =	vne.s32 v53, $0x0;
	v3 =	vadd.f32 v54, v3;
	v2 =	vadd.f32 v9, v2  }
0x7d: {  	v13 =	vld [tilespmem:s21+$0x90];
	v5 =	vunpack.i.l.bf16.f32 v51;
	v62 =	vsel vm2, $0x3F800000, v0;
	v1 =	vadd.f32 v56, v1  }
0x7e: {  	vm2 =	vne.s32 v57, $0x0;
	v3 =	vadd.f32 v58, v3;
	v2 =	vadd.f32 v60, v2  }
0x7f: {  	v17 =	vld [tilespmem:s21+$0xA0];
	v14 =	vsel vm2, $0x3F800000, v0;
	v8 =	vunpack.i.u.bf16.f32 v55;
	v1 =	vadd.f32 v5, v1  }
0x80: {  	v21 =	vld [tilespmem:s21+$0xB0];
	vm2 =	vne.s32 v61, $0x0;
	v3 =	vadd.f32 v62, v3;
	v2 =	vadd.f32 v8, v2  }
0x81: {  	v6 =	vunpack.i.l.bf16.f32 v59;
	v18 =	vsel vm2, $0x3F800000, v0;
	v1 =	vadd.f32 v12, v1  }
0x82: {  	vm2 =	vne.s32 v13, $0x0;
	v3 =	vadd.f32 v14, v3;
	v2 =	vadd.f32 v16, v2  }
0x83: {  	v25 =	vld [tilespmem:s21+$0xC0];
	v22 =	vsel vm2, $0x3F800000, v0;
	v9 =	vunpack.i.u.bf16.f32 v63;
	v1 =	vadd.f32 v6, v1  }
0x84: {  	vm2 =	vne.s32 v17, $0x0;
	v3 =	vadd.f32 v18, v3;
	v2 =	vadd.f32 v9, v2  }
0x85: {  	v26 =	vsel vm2, $0x3F800000, v0;
	vm2 =	vne.s32 v21, $0x0;
	v1 =	vadd.f32 v20, v1  }
0x86: {  	v5 =	vunpack.i.l.bf16.f32 v15;
	v3 =	vadd.f32 v22, v3;
	v2 =	vadd.f32 v24, v2  }
0x87: {  	v31 =	vunpack.i.l.bf16.f32 v23;
	v29 =	vsel vm2, $0x3F800000, v0;
	v1 =	vadd.f32 v5, v1  }
0x88: {  	vm2 =	vne.s32 v25, $0x0;
	v3 =	vadd.f32 v26, v3;
	v2 =	vadd.f32 v28, v2  }
0x89: {  	v4 =	vnsel vm0, $0x0, v30;
	v32 =	vsel vm2, $0x3F800000, v0;
	v1 =	vadd.f32 v27, v1  }
0x8a: {  	v5 =	vnsel vm0, $0x0, v31;
	v3 =	vadd.f32 v29, v3;
	v2 =	vadd.f32 v4, v2  }
0x8b: {  	v1 =	vadd.f32 v5, v1;
	v4 =	vnsel vm0, $0x0, v32  }
0x8c: {  	v3 =	vadd.f32 v4, v3;
	(xrf2) =	vadd.scan.msk.f32 $0xffff, v2  }
0x8d: {  	(xrf2) =	vadd.scan.msk.f32 $0xffff, v1  }
0x8e: {  	(xrf2) =	vadd.scan.msk.f32 $0xffff, v3;
	_ =	sdelay $0x7  }
0x8f: {  	v1, _, _ =	vpop (xrf2)  }
0x90: {  	v2, _, _ =	vpop (xrf2)  }
0x91: {  	v3, _, _ =	vpop (xrf2)  }
0x92: {  	v3 =	vadd.f32 $9.999999930e-09, v3;
	_ =	sdelay $0x1  }
0x93: {  	v3 =	vbroadcast v3, $0xF;
	_ =	sdelay $0x1  }
0x94: {  	(erf) = vrcp.f32 v3;
	_ =	sdelay $0x4  }
0x95: {  	v2 =	vbroadcast v2, $0xF;
	_ =	sdelay $0x1  }
0x96: {  	v1 =	vbroadcast v1, $0xF;
	v3 =	vld [tilespmem:$0x7D00];
	_ =	sdelay $0x1  }
0x97: {  	v1 =	vsel vm1, v1, v2;
	v2 =	vpop (erf)  }
0x98: {  	v1 =	vmul.f32 v2, v1;
	_ =	sdelay $0x1  }
0x99: {  	s5 =	sshll.u32 s18, $0x8;
	v1 =	vadd.f32 v1, v3  }
0x9a: {  	p0 =	seq.s32 s18, $0x7;
	s4 =	sand.u32 $0x3FFFFF00, s5  }
0x9b: {  	s5 =	simm.s32 @!p0 $0x6800;
	s22 =	simm.s32 @!p0 $0x68;
	[tilespmem:s4+$0x7500] =	vst v1;
	s4 =	sadd.s32 @!p0 $0xD00, s21  }
0x9c: {  	[tilespmem:s5], [sflag:$0x1] =	stream.indirect.gather @!p0 [hbm4b:s3+s22], $0x1, s4, s22, $0xb8;
	[tilespmem:$0x7D10] =	vst v63  }
0x9d: {  	s4 =	sadd.s32 @!p0 $0xD68, s21;
	s5 =	simm.s32 @!p0 $0x6868  }
0x9e: {  	[tilespmem:s5], [sflag:$0x1] =	stream.indirect.gather @!p0 [hbm4b:s3+s22], $0x1, s4, s22, $0xb8;
	[tilespmem:$0x7D10] =	vst v63  }
0x9f: {  	_ =	swait.ge [sflag:s24], $0x68  }
0xa0: {  	[sflag:s24] =	ssyncset.done $0x0  }
0xa1: {  	s16 =	sshll.u32 s18, $0x4;
	[sflag:s24] =	ssyncadd.s32 $0xFFFFFF98  }
0xa2: {  	s4 =	sor.u32 $0x1, s16;
	_ =	swait.ge [sflag:s24], $0x68  }
0xa3: {  	s5 =	smul.u32 $0x340, s4;
	[sflag:s24] =	ssyncset.done $0x0  }
0xa4: {  	[sflag:s24] =	ssyncadd.s32 $0xFFFFFF98  }
0xa5: {  	s5 =	sshra.s32 s5, $0x2;
	v1 =	vld [tilespmem:$0x68D0]  }
0xa6: {  	v2 =	vld [tilespmem:s5+$0x0]  }
0xa7: {  	v3 =	vld [tilespmem:$0x68E0]  }
0xa8: {  	v34 =	vld [tilespmem:$0x68F0]  }
0xa9: {  	v42 =	vld [tilespmem:$0x6910]  }
0xaa: {  	v46 =	vld [tilespmem:$0x6920]  }
0xab: {  	v50 =	vld [tilespmem:$0x6930]  }
0xac: {  	v54 =	vld [tilespmem:$0x6940]  }
0xad: {  	v58 =	vld [tilespmem:$0x6950]  }
0xae: {  	v62 =	vld [tilespmem:$0x6960]  }
0xaf: {  	v14 =	vld [tilespmem:$0x6970]  }
0xb0: {  	v18 =	vld [tilespmem:$0x6980];
	v35 =	vunpack.i.u.bf16.f32 v1;
	v1 =	vunpack.i.l.bf16.f32 v1;
	vm2 =	vne.s32 v2, $0x0  }
0xb1: {  	v33 =	vld [tilespmem:s5+$0x10];
	v38 =	vunpack.i.l.bf16.f32 v3;
	v3 =	vunpack.i.u.bf16.f32 v3;
	v43 =	vunpack.i.u.bf16.f32 v34  }
0xb2: {  	v36 =	vld [tilespmem:s5+$0x20];
	v5 =	vunpack.i.l.bf16.f32 v34;
	v51 =	vunpack.i.u.bf16.f32 v42;
	v8 =	vunpack.i.l.bf16.f32 v42  }
0xb3: {  	v39 =	vld [tilespmem:s5+$0x30];
	v55 =	vunpack.i.l.bf16.f32 v46;
	v9 =	vunpack.i.u.bf16.f32 v46;
	v59 =	vunpack.i.u.bf16.f32 v50  }
0xb4: {  	v63 =	vunpack.i.l.bf16.f32 v54;
	v15 =	vunpack.i.u.bf16.f32 v58;
	v19 =	vunpack.i.l.bf16.f32 v62  }
0xb5: {  	v2 =	vld [tilespmem:$0x6900];
	v23 =	vunpack.i.u.bf16.f32 v14;
	v26 =	vunpack.i.l.bf16.f32 v18;
	v6 =	vadd.f32 $0.0e+00, v35  }
0xb6: {  	v44 =	vld [tilespmem:s5+$0x40];
	v1 =	vadd.f32 $0.0e+00, v1;
	v37 =	vsel vm2, $0x3F800000, v0;
	vm2 =	vne.s32 v33, $0x0  }
0xb7: {  	v40 =	vsel vm2, $0x3F800000, v0;
	vm2 =	vne.s32 v36, $0x0;
	v3 =	vadd.f32 v3, v6  }
0xb8: {  	v48 =	vld [tilespmem:s5+$0x50];
	v1 =	vadd.f32 v38, v1;
	v45 =	vsel vm2, $0x3F800000, v0;
	vm2 =	vne.s32 v39, $0x0  }
0xb9: {  	v22 =	vld [tilespmem:$0x6990];
	v41 =	vadd.f32 v40, v37;
	v49 =	vsel vm2, $0x3F800000, v0;
	v3 =	vadd.f32 v43, v3  }
0xba: {  	v52 =	vld [tilespmem:s5+$0x60];
	v1 =	vadd.f32 v5, v1;
	v47 =	vunpack.i.l.bf16.f32 v2;
	v2 =	vunpack.i.u.bf16.f32 v2  }
0xbb: {  	vm2 =	vne.s32 v44, $0x0;
	v5 =	vadd.f32 v45, v41;
	v2 =	vadd.f32 v2, v3  }
0xbc: {  	v56 =	vld [tilespmem:s5+$0x70];
	v27 =	vunpack.i.u.bf16.f32 v18;
	v53 =	vsel vm2, $0x3F800000, v0;
	v1 =	vadd.f32 v47, v1  }
0xbd: {  	vm2 =	vne.s32 v48, $0x0;
	v3 =	vadd.f32 v49, v5;
	v2 =	vadd.f32 v51, v2  }
0xbe: {  	v60 =	vld [tilespmem:s5+$0x80];
	v29 =	vunpack.i.u.bf16.f32 v22;
	v57 =	vsel vm2, $0x3F800000, v0;
	v1 =	vadd.f32 v8, v1  }
0xbf: {  	vm2 =	vne.s32 v52, $0x0;
	v3 =	vadd.f32 v53, v3;
	v2 =	vadd.f32 v9, v2  }
0xc0: {  	v12 =	vld [tilespmem:s5+$0x90];
	v5 =	vunpack.i.l.bf16.f32 v50;
	v61 =	vsel vm2, $0x3F800000, v0;
	v1 =	vadd.f32 v55, v1  }
0xc1: {  	vm2 =	vne.s32 v56, $0x0;
	v3 =	vadd.f32 v57, v3;
	v2 =	vadd.f32 v59, v2  }
0xc2: {  	v16 =	vld [tilespmem:s5+$0xA0];
	v13 =	vsel vm2, $0x3F800000, v0;
	v8 =	vunpack.i.u.bf16.f32 v54;
	v1 =	vadd.f32 v5, v1  }
0xc3: {  	v20 =	vld [tilespmem:s5+$0xB0];
	vm2 =	vne.s32 v60, $0x0;
	v3 =	vadd.f32 v61, v3;
	v2 =	vadd.f32 v8, v2  }
0xc4: {  	v6 =	vunpack.i.l.bf16.f32 v58;
	v17 =	vsel vm2, $0x3F800000, v0;
	v1 =	vadd.f32 v63, v1  }
0xc5: {  	vm2 =	vne.s32 v12, $0x0;
	v3 =	vadd.f32 v13, v3;
	v2 =	vadd.f32 v15, v2  }
0xc6: {  	v24 =	vld [tilespmem:s5+$0xC0];
	v21 =	vsel vm2, $0x3F800000, v0;
	v9 =	vunpack.i.u.bf16.f32 v62;
	v1 =	vadd.f32 v6, v1  }
0xc7: {  	vm2 =	vne.s32 v16, $0x0;
	v3 =	vadd.f32 v17, v3;
	v2 =	vadd.f32 v9, v2  }
0xc8: {  	v25 =	vsel vm2, $0x3F800000, v0;
	vm2 =	vne.s32 v20, $0x0;
	v1 =	vadd.f32 v19, v1  }
0xc9: {  	v5 =	vunpack.i.l.bf16.f32 v14;
	v3 =	vadd.f32 v21, v3;
	v2 =	vadd.f32 v23, v2  }
0xca: {  	v30 =	vunpack.i.l.bf16.f32 v22;
	v28 =	vsel vm2, $0x3F800000, v0;
	v1 =	vadd.f32 v5, v1  }
0xcb: {  	vm2 =	vne.s32 v24, $0x0;
	v3 =	vadd.f32 v25, v3;
	v2 =	vadd.f32 v27, v2  }
0xcc: {  	v4 =	vnsel vm0, $0x0, v29;
	v31 =	vsel vm2, $0x3F800000, v0;
	v1 =	vadd.f32 v26, v1  }
0xcd: {  	v5 =	vnsel vm0, $0x0, v30;
	v3 =	vadd.f32 v28, v3;
	v2 =	vadd.f32 v4, v2  }
0xce: {  	v1 =	vadd.f32 v5, v1;
	v4 =	vnsel vm0, $0x0, v31  }
0xcf: {  	v3 =	vadd.f32 v4, v3;
	(xrf2) =	vadd.scan.msk.f32 $0xffff, v2  }
0xd0: {  	(xrf2) =	vadd.scan.msk.f32 $0xffff, v1  }
0xd1: {  	(xrf2) =	vadd.scan.msk.f32 $0xffff, v3;
	_ =	sdelay $0x7  }
0xd2: {  	v1, _, _ =	vpop (xrf2)  }
0xd3: {  	v2, _, _ =	vpop (xrf2)  }
0xd4: {  	v3, _, _ =	vpop (xrf2)  }
0xd5: {  	v3 =	vadd.f32 $9.999999930e-09, v3;
	_ =	sdelay $0x1  }
0xd6: {  	v3 =	vbroadcast v3, $0xF;
	_ =	sdelay $0x1  }
0xd7: {  	(erf) = vrcp.f32 v3;
	_ =	sdelay $0x4  }
0xd8: {  	v2 =	vbroadcast v2, $0xF;
	_ =	sdelay $0x1  }
0xd9: {  	v1 =	vbroadcast v1, $0xF;
	v3 =	vld [tilespmem:$0x7D00];
	_ =	sdelay $0x1  }
0xda: {  	v1 =	vsel vm1, v1, v2;
	v2 =	vpop (erf)  }
0xdb: {  	v1 =	vmul.f32 v2, v1;
	_ =	sdelay $0x1  }
0xdc: {  	s4 =	sshll.u32 s4, $0x4;
	v1 =	vadd.f32 v1, v3  }
0xdd: {  	s4 =	sand.u32 $0x3FFFFFF0, s4  }
0xde: {  	s5 =	simm.s32 @!p0 $0x68D0;
	[tilespmem:s4+$0x7500] =	vst v1;
	s4 =	sadd.s32 @!p0 $0xDD0, s21  }
0xdf: {  	[tilespmem:s5], [sflag:$0x2] =	stream.indirect.gather @!p0 [hbm4b:s3+s22], $0x1, s4, s22, $0xb8;
	[tilespmem:$0x7D10] =	vst v63  }
0xe0: {  	s4 =	sadd.s32 @!p0 $0xE38, s21;
	s5 =	simm.s32 @!p0 $0x6938  }
0xe1: {  	[tilespmem:s5], [sflag:$0x2] =	stream.indirect.gather @!p0 [hbm4b:s3+s22], $0x1, s4, s22, $0xb8;
	[tilespmem:$0x7D10] =	vst v63  }
0xe2: {  	_ =	swait.ge [sflag:s25], $0x68  }
0xe3: {  	[sflag:s25] =	ssyncset.done $0x0  }
0xe4: {  	[sflag:s25] =	ssyncadd.s32 $0xFFFFFF98  }
0xe5: {  	s4 =	sor.u32 $0x2, s16;
	_ =	swait.ge [sflag:s25], $0x68  }
0xe6: {  	s5 =	smul.u32 $0x340, s4;
	[sflag:s25] =	ssyncset.done $0x0  }
0xe7: {  	[sflag:s25] =	ssyncadd.s32 $0xFFFFFF98  }
0xe8: {  	s5 =	sshra.s32 s5, $0x2;
	v1 =	vld [tilespmem:$0x69A0]  }
0xe9: {  	v2 =	vld [tilespmem:s5+$0x0]  }
0xea: {  	v3 =	vld [tilespmem:$0x69B0]  }
0xeb: {  	v33 =	vld [tilespmem:$0x69C0]  }
0xec: {  	v41 =	vld [tilespmem:$0x69E0]  }
0xed: {  	v45 =	vld [tilespmem:$0x69F0]  }
0xee: {  	v49 =	vld [tilespmem:$0x6A00]  }
0xef: {  	v53 =	vld [tilespmem:$0x6A10]  }
0xf0: {  	v57 =	vld [tilespmem:$0x6A20]  }
0xf1: {  	v61 =	vld [tilespmem:$0x6A30]  }
0xf2: {  	v12 =	vld [tilespmem:$0x6A40]  }
0xf3: {  	v16 =	vld [tilespmem:$0x6A50];
	v34 =	vunpack.i.u.bf16.f32 v1;
	v1 =	vunpack.i.l.bf16.f32 v1;
	vm2 =	vne.s32 v2, $0x0  }
0xf4: {  	v32 =	vld [tilespmem:s5+$0x10];
	v37 =	vunpack.i.l.bf16.f32 v3;
	v3 =	vunpack.i.u.bf16.f32 v3;
	v42 =	vunpack.i.u.bf16.f32 v33  }
0xf5: {  	v35 =	vld [tilespmem:s5+$0x20];
	v5 =	vunpack.i.l.bf16.f32 v33;
	v50 =	vunpack.i.u.bf16.f32 v41;
	v8 =	vunpack.i.l.bf16.f32 v41  }
0xf6: {  	v38 =	vld [tilespmem:s5+$0x30];
	v54 =	vunpack.i.l.bf16.f32 v45;
	v9 =	vunpack.i.u.bf16.f32 v45;
	v58 =	vunpack.i.u.bf16.f32 v49  }
0xf7: {  	v62 =	vunpack.i.l.bf16.f32 v53;
	v13 =	vunpack.i.u.bf16.f32 v57;
	v17 =	vunpack.i.l.bf16.f32 v61  }
0xf8: {  	v2 =	vld [tilespmem:$0x69D0];
	v21 =	vunpack.i.u.bf16.f32 v12;
	v24 =	vunpack.i.l.bf16.f32 v16;
	v6 =	vadd.f32 $0.0e+00, v34  }
0xf9: {  	v43 =	vld [tilespmem:s5+$0x40];
	v1 =	vadd.f32 $0.0e+00, v1;
	v36 =	vsel vm2, $0x3F800000, v0;
	vm2 =	vne.s32 v32, $0x0  }
0xfa: {  	v39 =	vsel vm2, $0x3F800000, v0;
	vm2 =	vne.s32 v35, $0x0;
	v3 =	vadd.f32 v3, v6  }
0xfb: {  	v47 =	vld [tilespmem:s5+$0x50];
	v1 =	vadd.f32 v37, v1;
	v44 =	vsel vm2, $0x3F800000, v0;
	vm2 =	vne.s32 v38, $0x0  }
0xfc: {  	v20 =	vld [tilespmem:$0x6A60];
	v40 =	vadd.f32 v39, v36;
	v48 =	vsel vm2, $0x3F800000, v0;
	v3 =	vadd.f32 v42, v3  }
0xfd: {  	v51 =	vld [tilespmem:s5+$0x60];
	v1 =	vadd.f32 v5, v1;
	v46 =	vunpack.i.l.bf16.f32 v2;
	v2 =	vunpack.i.u.bf16.f32 v2  }
0xfe: {  	vm2 =	vne.s32 v43, $0x0;
	v5 =	vadd.f32 v44, v40;
	v2 =	vadd.f32 v2, v3  }
0xff: {  	v55 =	vld [tilespmem:s5+$0x70];
	v25 =	vunpack.i.u.bf16.f32 v16;
	v52 =	vsel vm2, $0x3F800000, v0;
	v1 =	vadd.f32 v46, v1  }
0x100: {  	vm2 =	vne.s32 v47, $0x0;
	v3 =	vadd.f32 v48, v5;
	v2 =	vadd.f32 v50, v2  }
0x101: {  	v59 =	vld [tilespmem:s5+$0x80];
	v27 =	vunpack.i.u.bf16.f32 v20;
	v56 =	vsel vm2, $0x3F800000, v0;
	v1 =	vadd.f32 v8, v1  }
0x102: {  	vm2 =	vne.s32 v51, $0x0;
	v3 =	vadd.f32 v52, v3;
	v2 =	vadd.f32 v9, v2  }
0x103: {  	v63 =	vld [tilespmem:s5+$0x90];
	v5 =	vunpack.i.l.bf16.f32 v49;
	v60 =	vsel vm2, $0x3F800000, v0;
	v1 =	vadd.f32 v54, v1  }
0x104: {  	vm2 =	vne.s32 v55, $0x0;
	v3 =	vadd.f32 v56, v3;
	v2 =	vadd.f32 v58, v2  }
0x105: {  	v14 =	vld [tilespmem:s5+$0xA0];
	v11 =	vsel vm2, $0x3F800000, v0;
	v8 =	vunpack.i.u.bf16.f32 v53;
	v1 =	vadd.f32 v5, v1  }
0x106: {  	v18 =	vld [tilespmem:s5+$0xB0];
	vm2 =	vne.s32 v59, $0x0;
	v3 =	vadd.f32 v60, v3;
	v2 =	vadd.f32 v8, v2  }
0x107: {  	v6 =	vunpack.i.l.bf16.f32 v57;
	v15 =	vsel vm2, $0x3F800000, v0;
	v1 =	vadd.f32 v62, v1  }
0x108: {  	vm2 =	vne.s32 v63, $0x0;
	v3 =	vadd.f32 v11, v3;
	v2 =	vadd.f32 v13, v2  }
0x109: {  	v22 =	vld [tilespmem:s5+$0xC0];
	v19 =	vsel vm2, $0x3F800000, v0;
	v9 =	vunpack.i.u.bf16.f32 v61;
	v1 =	vadd.f32 v6, v1  }
0x10a: {  	vm2 =	vne.s32 v14, $0x0;
	v3 =	vadd.f32 v15, v3;
	v2 =	vadd.f32 v9, v2  }
0x10b: {  	v23 =	vsel vm2, $0x3F800000, v0;
	vm2 =	vne.s32 v18, $0x0;
	v1 =	vadd.f32 v17, v1  }
0x10c: {  	v5 =	vunpack.i.l.bf16.f32 v12;
	v3 =	vadd.f32 v19, v3;
	v2 =	vadd.f32 v21, v2  }
0x10d: {  	v28 =	vunpack.i.l.bf16.f32 v20;
	v26 =	vsel vm2, $0x3F800000, v0;
	v1 =	vadd.f32 v5, v1  }
0x10e: {  	vm2 =	vne.s32 v22, $0x0;
	v3 =	vadd.f32 v23, v3;
	v2 =	vadd.f32 v25, v2  }
0x10f: {  	v4 =	vnsel vm0, $0x0, v27;
	v29 =	vsel vm2, $0x3F800000, v0;
	v1 =	vadd.f32 v24, v1  }
0x110: {  	v5 =	vnsel vm0, $0x0, v28;
	v3 =	vadd.f32 v26, v3;
	v2 =	vadd.f32 v4, v2  }
0x111: {  	v1 =	vadd.f32 v5, v1;
	v4 =	vnsel vm0, $0x0, v29  }
0x112: {  	v3 =	vadd.f32 v4, v3;
	(xrf2) =	vadd.scan.msk.f32 $0xffff, v2  }
0x113: {  	(xrf2) =	vadd.scan.msk.f32 $0xffff, v1  }
0x114: {  	(xrf2) =	vadd.scan.msk.f32 $0xffff, v3;
	_ =	sdelay $0x7  }
0x115: {  	v1, _, _ =	vpop (xrf2)  }
0x116: {  	v2, _, _ =	vpop (xrf2)  }
0x117: {  	v3, _, _ =	vpop (xrf2)  }
0x118: {  	v3 =	vadd.f32 $9.999999930e-09, v3;
	_ =	sdelay $0x1  }
0x119: {  	v3 =	vbroadcast v3, $0xF;
	_ =	sdelay $0x1  }
0x11a: {  	(erf) = vrcp.f32 v3;
	_ =	sdelay $0x4  }
0x11b: {  	v2 =	vbroadcast v2, $0xF;
	_ =	sdelay $0x1  }
0x11c: {  	v1 =	vbroadcast v1, $0xF;
	v3 =	vld [tilespmem:$0x7D00];
	_ =	sdelay $0x1  }
0x11d: {  	v1 =	vsel vm1, v1, v2;
	v2 =	vpop (erf)  }
0x11e: {  	v1 =	vmul.f32 v2, v1;
	_ =	sdelay $0x1  }
0x11f: {  	s4 =	sshll.u32 s4, $0x4;
	v1 =	vadd.f32 v1, v3  }
0x120: {  	s4 =	sand.u32 $0x3FFFFFF0, s4  }
0x121: {  	s5 =	simm.s32 @!p0 $0x69A0;
	[tilespmem:s4+$0x7500] =	vst v1;
	s4 =	sadd.s32 @!p0 $0xEA0, s21  }
0x122: {  	[tilespmem:s5], [sflag:$0x3] =	stream.indirect.gather @!p0 [hbm4b:s3+s22], $0x1, s4, s22, $0xb8;
	[tilespmem:$0x7D10] =	vst v63  }
0x123: {  	s4 =	sadd.s32 @!p0 $0xF08, s21;
	s5 =	simm.s32 @!p0 $0x6A08  }
0x124: {  	[tilespmem:s5], [sflag:$0x3] =	stream.indirect.gather @!p0 [hbm4b:s3+s22], $0x1, s4, s22, $0xb8;
	[tilespmem:$0x7D10] =	vst v63  }
0x125: {  	_ =	swait.ge [sflag:s26], $0x68  }
0x126: {  	[sflag:s26] =	ssyncset.done $0x0  }
0x127: {  	[sflag:s26] =	ssyncadd.s32 $0xFFFFFF98  }
0x128: {  	s4 =	sor.u32 $0x3, s16;
	_ =	swait.ge [sflag:s26], $0x68  }
0x129: {  	s5 =	smul.u32 $0x340, s4;
	[sflag:s26] =	ssyncset.done $0x0  }
0x12a: {  	[sflag:s26] =	ssyncadd.s32 $0xFFFFFF98  }
0x12b: {  	s5 =	sshra.s32 s5, $0x2;
	v1 =	vld [tilespmem:$0x6A70]  }
0x12c: {  	v2 =	vld [tilespmem:s5+$0x0]  }
0x12d: {  	v3 =	vld [tilespmem:$0x6A80]  }
0x12e: {  	v31 =	vld [tilespmem:$0x6A90]  }
0x12f: {  	v39 =	vld [tilespmem:$0x6AB0]  }
0x130: {  	v43 =	vld [tilespmem:$0x6AC0]  }
0x131: {  	v47 =	vld [tilespmem:$0x6AD0]  }
0x132: {  	v51 =	vld [tilespmem:$0x6AE0]  }
0x133: {  	v55 =	vld [tilespmem:$0x6AF0]  }
0x134: {  	v59 =	vld [tilespmem:$0x6B00]  }
0x135: {  	v63 =	vld [tilespmem:$0x6B10]  }
0x136: {  	v15 =	vld [tilespmem:$0x6B20];
	v32 =	vunpack.i.u.bf16.f32 v1;
	v1 =	vunpack.i.l.bf16.f32 v1;
	vm2 =	vne.s32 v2, $0x0  }
0x137: {  	v30 =	vld [tilespmem:s5+$0x10];
	v35 =	vunpack.i.l.bf16.f32 v3;
	v3 =	vunpack.i.u.bf16.f32 v3;
	v40 =	vunpack.i.u.bf16.f32 v31  }
0x138: {  	v33 =	vld [tilespmem:s5+$0x20];
	v5 =	vunpack.i.l.bf16.f32 v31;
	v48 =	vunpack.i.u.bf16.f32 v39;
	v8 =	vunpack.i.l.bf16.f32 v39  }
0x139: {  	v36 =	vld [tilespmem:s5+$0x30];
	v52 =	vunpack.i.l.bf16.f32 v43;
	v9 =	vunpack.i.u.bf16.f32 v43;
	v56 =	vunpack.i.u.bf16.f32 v47  }
0x13a: {  	v60 =	vunpack.i.l.bf16.f32 v51;
	v12 =	vunpack.i.u.bf16.f32 v55;
	v16 =	vunpack.i.l.bf16.f32 v59  }
0x13b: {  	v2 =	vld [tilespmem:$0x6AA0];
	v20 =	vunpack.i.u.bf16.f32 v63;
	v23 =	vunpack.i.l.bf16.f32 v15;
	v6 =	vadd.f32 $0.0e+00, v32  }
0x13c: {  	v41 =	vld [tilespmem:s5+$0x40];
	v1 =	vadd.f32 $0.0e+00, v1;
	v34 =	vsel vm2, $0x3F800000, v0;
	vm2 =	vne.s32 v30, $0x0  }
0x13d: {  	v37 =	vsel vm2, $0x3F800000, v0;
	vm2 =	vne.s32 v33, $0x0;
	v3 =	vadd.f32 v3, v6  }
0x13e: {  	v45 =	vld [tilespmem:s5+$0x50];
	v1 =	vadd.f32 v35, v1;
	v42 =	vsel vm2, $0x3F800000, v0;
	vm2 =	vne.s32 v36, $0x0  }
0x13f: {  	v19 =	vld [tilespmem:$0x6B30];
	v38 =	vadd.f32 v37, v34;
	v46 =	vsel vm2, $0x3F800000, v0;
	v3 =	vadd.f32 v40, v3  }
0x140: {  	v49 =	vld [tilespmem:s5+$0x60];
	v1 =	vadd.f32 v5, v1;
	v44 =	vunpack.i.l.bf16.f32 v2;
	v2 =	vunpack.i.u.bf16.f32 v2  }
0x141: {  	vm2 =	vne.s32 v41, $0x0;
	v5 =	vadd.f32 v42, v38;
	v2 =	vadd.f32 v2, v3  }
0x142: {  	v53 =	vld [tilespmem:s5+$0x70];
	v24 =	vunpack.i.u.bf16.f32 v15;
	v50 =	vsel vm2, $0x3F800000, v0;
	v1 =	vadd.f32 v44, v1  }
0x143: {  	vm2 =	vne.s32 v45, $0x0;
	v3 =	vadd.f32 v46, v5;
	v2 =	vadd.f32 v48, v2  }
0x144: {  	v57 =	vld [tilespmem:s5+$0x80];
	v26 =	vunpack.i.u.bf16.f32 v19;
	v54 =	vsel vm2, $0x3F800000, v0;
	v1 =	vadd.f32 v8, v1  }
0x145: {  	vm2 =	vne.s32 v49, $0x0;
	v3 =	vadd.f32 v50, v3;
	v2 =	vadd.f32 v9, v2  }
0x146: {  	v61 =	vld [tilespmem:s5+$0x90];
	v5 =	vunpack.i.l.bf16.f32 v47;
	v58 =	vsel vm2, $0x3F800000, v0;
	v1 =	vadd.f32 v52, v1  }
0x147: {  	vm2 =	vne.s32 v53, $0x0;
	v3 =	vadd.f32 v54, v3;
	v2 =	vadd.f32 v56, v2  }
0x148: {  	v13 =	vld [tilespmem:s5+$0xA0];
	v62 =	vsel vm2, $0x3F800000, v0;
	v8 =	vunpack.i.u.bf16.f32 v51;
	v1 =	vadd.f32 v5, v1  }
0x149: {  	v17 =	vld [tilespmem:s5+$0xB0];
	vm2 =	vne.s32 v57, $0x0;
	v3 =	vadd.f32 v58, v3;
	v2 =	vadd.f32 v8, v2  }
0x14a: {  	v6 =	vunpack.i.l.bf16.f32 v55;
	v14 =	vsel vm2, $0x3F800000, v0;
	v1 =	vadd.f32 v60, v1  }
0x14b: {  	vm2 =	vne.s32 v61, $0x0;
	v3 =	vadd.f32 v62, v3;
	v2 =	vadd.f32 v12, v2  }
0x14c: {  	v21 =	vld [tilespmem:s5+$0xC0];
	v18 =	vsel vm2, $0x3F800000, v0;
	v9 =	vunpack.i.u.bf16.f32 v59;
	v1 =	vadd.f32 v6, v1  }
0x14d: {  	vm2 =	vne.s32 v13, $0x0;
	v3 =	vadd.f32 v14, v3;
	v2 =	vadd.f32 v9, v2  }
0x14e: {  	v22 =	vsel vm2, $0x3F800000, v0;
	vm2 =	vne.s32 v17, $0x0;
	v1 =	vadd.f32 v16, v1  }
0x14f: {  	v5 =	vunpack.i.l.bf16.f32 v63;
	v3 =	vadd.f32 v18, v3;
	v2 =	vadd.f32 v20, v2  }
0x150: {  	v27 =	vunpack.i.l.bf16.f32 v19;
	v25 =	vsel vm2, $0x3F800000, v0;
	v1 =	vadd.f32 v5, v1  }
0x151: {  	vm2 =	vne.s32 v21, $0x0;
	v3 =	vadd.f32 v22, v3;
	v2 =	vadd.f32 v24, v2  }
0x152: {  	v4 =	vnsel vm0, $0x0, v26;
	v28 =	vsel vm2, $0x3F800000, v0;
	v1 =	vadd.f32 v23, v1  }
0x153: {  	v5 =	vnsel vm0, $0x0, v27;
	v3 =	vadd.f32 v25, v3;
	v2 =	vadd.f32 v4, v2  }
0x154: {  	v1 =	vadd.f32 v5, v1;
	v4 =	vnsel vm0, $0x0, v28  }
0x155: {  	v3 =	vadd.f32 v4, v3;
	(xrf2) =	vadd.scan.msk.f32 $0xffff, v2  }
0x156: {  	(xrf2) =	vadd.scan.msk.f32 $0xffff, v1  }
0x157: {  	(xrf2) =	vadd.scan.msk.f32 $0xffff, v3;
	_ =	sdelay $0x7  }
0x158: {  	v1, _, _ =	vpop (xrf2)  }
0x159: {  	v2, _, _ =	vpop (xrf2)  }
0x15a: {  	v3, _, _ =	vpop (xrf2)  }
0x15b: {  	v3 =	vadd.f32 $9.999999930e-09, v3;
	_ =	sdelay $0x1  }
0x15c: {  	v3 =	vbroadcast v3, $0xF;
	_ =	sdelay $0x1  }
0x15d: {  	(erf) = vrcp.f32 v3;
	_ =	sdelay $0x4  }
0x15e: {  	v2 =	vbroadcast v2, $0xF;
	_ =	sdelay $0x1  }
0x15f: {  	v1 =	vbroadcast v1, $0xF;
	v3 =	vld [tilespmem:$0x7D00];
	_ =	sdelay $0x1  }
0x160: {  	v1 =	vsel vm1, v1, v2;
	v2 =	vpop (erf)  }
0x161: {  	v1 =	vmul.f32 v2, v1;
	_ =	sdelay $0x1  }
0x162: {  	s4 =	sshll.u32 s4, $0x4;
	v1 =	vadd.f32 v1, v3  }
0x163: {  	s4 =	sand.u32 $0x3FFFFFF0, s4  }
0x164: {  	s5 =	simm.s32 @!p0 $0x6A70;
	[tilespmem:s4+$0x7500] =	vst v1;
	s4 =	sadd.s32 @!p0 $0xF70, s21  }
0x165: {  	[tilespmem:s5], [sflag:$0x4] =	stream.indirect.gather @!p0 [hbm4b:s3+s22], $0x1, s4, s22, $0xb8;
	[tilespmem:$0x7D10] =	vst v63  }
0x166: {  	s4 =	sadd.s32 @!p0 $0xFD8, s21;
	s5 =	simm.s32 @!p0 $0x6AD8  }
0x167: {  	[tilespmem:s5], [sflag:$0x4] =	stream.indirect.gather @!p0 [hbm4b:s3+s22], $0x1, s4, s22, $0xb8;
	[tilespmem:$0x7D10] =	vst v63  }
0x168: {  	_ =	swait.ge [sflag:s28], $0x68  }
0x169: {  	[sflag:s28] =	ssyncset.done $0x0  }
0x16a: {  	[sflag:s28] =	ssyncadd.s32 $0xFFFFFF98  }
0x16b: {  	s4 =	sor.u32 $0x4, s16;
	_ =	swait.ge [sflag:s28], $0x68  }
0x16c: {  	s5 =	smul.u32 $0x340, s4;
	[sflag:s28] =	ssyncset.done $0x0  }
0x16d: {  	[sflag:s28] =	ssyncadd.s32 $0xFFFFFF98  }
0x16e: {  	s5 =	sshra.s32 s5, $0x2;
	v1 =	vld [tilespmem:$0x6B40]  }
0x16f: {  	v2 =	vld [tilespmem:s5+$0x0]  }
0x170: {  	v3 =	vld [tilespmem:$0x6B50]  }
0x171: {  	v30 =	vld [tilespmem:$0x6B60]  }
0x172: {  	v38 =	vld [tilespmem:$0x6B80]  }
0x173: {  	v42 =	vld [tilespmem:$0x6B90]  }
0x174: {  	v46 =	vld [tilespmem:$0x6BA0]  }
0x175: {  	v50 =	vld [tilespmem:$0x6BB0]  }
0x176: {  	v54 =	vld [tilespmem:$0x6BC0]  }
0x177: {  	v58 =	vld [tilespmem:$0x6BD0]  }
0x178: {  	v62 =	vld [tilespmem:$0x6BE0]  }
0x179: {  	v14 =	vld [tilespmem:$0x6BF0];
	v31 =	vunpack.i.u.bf16.f32 v1;
	v1 =	vunpack.i.l.bf16.f32 v1;
	vm2 =	vne.s32 v2, $0x0  }
0x17a: {  	v29 =	vld [tilespmem:s5+$0x10];
	v34 =	vunpack.i.l.bf16.f32 v3;
	v3 =	vunpack.i.u.bf16.f32 v3;
	v39 =	vunpack.i.u.bf16.f32 v30  }
0x17b: {  	v32 =	vld [tilespmem:s5+$0x20];
	v5 =	vunpack.i.l.bf16.f32 v30;
	v47 =	vunpack.i.u.bf16.f32 v38;
	v8 =	vunpack.i.l.bf16.f32 v38  }
0x17c: {  	v35 =	vld [tilespmem:s5+$0x30];
	v51 =	vunpack.i.l.bf16.f32 v42;
	v9 =	vunpack.i.u.bf16.f32 v42;
	v55 =	vunpack.i.u.bf16.f32 v46  }
0x17d: {  	v59 =	vunpack.i.l.bf16.f32 v50;
	v63 =	vunpack.i.u.bf16.f32 v54;
	v15 =	vunpack.i.l.bf16.f32 v58  }
0x17e: {  	v2 =	vld [tilespmem:$0x6B70];
	v19 =	vunpack.i.u.bf16.f32 v62;
	v22 =	vunpack.i.l.bf16.f32 v14;
	v6 =	vadd.f32 $0.0e+00, v31  }
0x17f: {  	v40 =	vld [tilespmem:s5+$0x40];
	v1 =	vadd.f32 $0.0e+00, v1;
	v33 =	vsel vm2, $0x3F800000, v0;
	vm2 =	vne.s32 v29, $0x0  }
0x180: {  	v36 =	vsel vm2, $0x3F800000, v0;
	vm2 =	vne.s32 v32, $0x0;
	v3 =	vadd.f32 v3, v6  }
0x181: {  	v44 =	vld [tilespmem:s5+$0x50];
	v1 =	vadd.f32 v34, v1;
	v41 =	vsel vm2, $0x3F800000, v0;
	vm2 =	vne.s32 v35, $0x0  }
0x182: {  	v18 =	vld [tilespmem:$0x6C00];
	v37 =	vadd.f32 v36, v33;
	v45 =	vsel vm2, $0x3F800000, v0;
	v3 =	vadd.f32 v39, v3  }
0x183: {  	v48 =	vld [tilespmem:s5+$0x60];
	v1 =	vadd.f32 v5, v1;
	v43 =	vunpack.i.l.bf16.f32 v2;
	v2 =	vunpack.i.u.bf16.f32 v2  }
0x184: {  	vm2 =	vne.s32 v40, $0x0;
	v5 =	vadd.f32 v41, v37;
	v2 =	vadd.f32 v2, v3  }
0x185: {  	v52 =	vld [tilespmem:s5+$0x70];
	v23 =	vunpack.i.u.bf16.f32 v14;
	v49 =	vsel vm2, $0x3F800000, v0;
	v1 =	vadd.f32 v43, v1  }
0x186: {  	vm2 =	vne.s32 v44, $0x0;
	v3 =	vadd.f32 v45, v5;
	v2 =	vadd.f32 v47, v2  }
0x187: {  	v56 =	vld [tilespmem:s5+$0x80];
	v25 =	vunpack.i.u.bf16.f32 v18;
	v53 =	vsel vm2, $0x3F800000, v0;
	v1 =	vadd.f32 v8, v1  }
0x188: {  	vm2 =	vne.s32 v48, $0x0;
	v3 =	vadd.f32 v49, v3;
	v2 =	vadd.f32 v9, v2  }
0x189: {  	v60 =	vld [tilespmem:s5+$0x90];
	v5 =	vunpack.i.l.bf16.f32 v46;
	v57 =	vsel vm2, $0x3F800000, v0;
	v1 =	vadd.f32 v51, v1  }
0x18a: {  	vm2 =	vne.s32 v52, $0x0;
	v3 =	vadd.f32 v53, v3;
	v2 =	vadd.f32 v55, v2  }
0x18b: {  	v12 =	vld [tilespmem:s5+$0xA0];
	v61 =	vsel vm2, $0x3F800000, v0;
	v8 =	vunpack.i.u.bf16.f32 v50;
	v1 =	vadd.f32 v5, v1  }
0x18c: {  	v16 =	vld [tilespmem:s5+$0xB0];
	vm2 =	vne.s32 v56, $0x0;
	v3 =	vadd.f32 v57, v3;
	v2 =	vadd.f32 v8, v2  }
0x18d: {  	v6 =	vunpack.i.l.bf16.f32 v54;
	v13 =	vsel vm2, $0x3F800000, v0;
	v1 =	vadd.f32 v59, v1  }
0x18e: {  	vm2 =	vne.s32 v60, $0x0;
	v3 =	vadd.f32 v61, v3;
	v2 =	vadd.f32 v63, v2  }
0x18f: {  	v20 =	vld [tilespmem:s5+$0xC0];
	v17 =	vsel vm2, $0x3F800000, v0;
	v9 =	vunpack.i.u.bf16.f32 v58;
	v1 =	vadd.f32 v6, v1  }
0x190: {  	vm2 =	vne.s32 v12, $0x0;
	v3 =	vadd.f32 v13, v3;
	v2 =	vadd.f32 v9, v2  }
0x191: {  	v21 =	vsel vm2, $0x3F800000, v0;
	vm2 =	vne.s32 v16, $0x0;
	v1 =	vadd.f32 v15, v1  }
0x192: {  	v5 =	vunpack.i.l.bf16.f32 v62;
	v3 =	vadd.f32 v17, v3;
	v2 =	vadd.f32 v19, v2  }
0x193: {  	v26 =	vunpack.i.l.bf16.f32 v18;
	v24 =	vsel vm2, $0x3F800000, v0;
	v1 =	vadd.f32 v5, v1  }
0x194: {  	vm2 =	vne.s32 v20, $0x0;
	v3 =	vadd.f32 v21, v3;
	v2 =	vadd.f32 v23, v2  }
0x195: {  	v4 =	vnsel vm0, $0x0, v25;
	v27 =	vsel vm2, $0x3F800000, v0;
	v1 =	vadd.f32 v22, v1  }
0x196: {  	v5 =	vnsel vm0, $0x0, v26;
	v3 =	vadd.f32 v24, v3;
	v2 =	vadd.f32 v4, v2  }
0x197: {  	v1 =	vadd.f32 v5, v1;
	v4 =	vnsel vm0, $0x0, v27  }
0x198: {  	v3 =	vadd.f32 v4, v3;
	(xrf2) =	vadd.scan.msk.f32 $0xffff, v2  }
0x199: {  	(xrf2) =	vadd.scan.msk.f32 $0xffff, v1  }
0x19a: {  	(xrf2) =	vadd.scan.msk.f32 $0xffff, v3;
	_ =	sdelay $0x7  }
0x19b: {  	v1, _, _ =	vpop (xrf2)  }
0x19c: {  	v2, _, _ =	vpop (xrf2)  }
0x19d: {  	v3, _, _ =	vpop (xrf2)  }
0x19e: {  	v3 =	vadd.f32 $9.999999930e-09, v3;
	_ =	sdelay $0x1  }
0x19f: {  	v3 =	vbroadcast v3, $0xF;
	_ =	sdelay $0x1  }
0x1a0: {  	(erf) = vrcp.f32 v3;
	_ =	sdelay $0x4  }
0x1a1: {  	v2 =	vbroadcast v2, $0xF;
	_ =	sdelay $0x1  }
0x1a2: {  	v1 =	vbroadcast v1, $0xF;
	v3 =	vld [tilespmem:$0x7D00];
	_ =	sdelay $0x1  }
0x1a3: {  	v1 =	vsel vm1, v1, v2;
	v2 =	vpop (erf)  }
0x1a4: {  	v1 =	vmul.f32 v2, v1;
	_ =	sdelay $0x1  }
0x1a5: {  	s4 =	sshll.u32 s4, $0x4;
	v1 =	vadd.f32 v1, v3  }
0x1a6: {  	s4 =	sand.u32 $0x3FFFFFF0, s4  }
0x1a7: {  	s5 =	simm.s32 @!p0 $0x6B40;
	[tilespmem:s4+$0x7500] =	vst v1;
	s4 =	sadd.s32 @!p0 $0x1040, s21  }
0x1a8: {  	[tilespmem:s5], [sflag:$0x5] =	stream.indirect.gather @!p0 [hbm4b:s3+s22], $0x1, s4, s22, $0xb8;
	[tilespmem:$0x7D10] =	vst v63  }
0x1a9: {  	s4 =	sadd.s32 @!p0 $0x10A8, s21;
	s5 =	simm.s32 @!p0 $0x6BA8  }
0x1aa: {  	[tilespmem:s5], [sflag:$0x5] =	stream.indirect.gather @!p0 [hbm4b:s3+s22], $0x1, s4, s22, $0xb8;
	[tilespmem:$0x7D10] =	vst v63  }
0x1ab: {  	_ =	swait.ge [sflag:s29], $0x68  }
0x1ac: {  	[sflag:s29] =	ssyncset.done $0x0  }
0x1ad: {  	[sflag:s29] =	ssyncadd.s32 $0xFFFFFF98  }
0x1ae: {  	s4 =	sor.u32 $0x5, s16;
	_ =	swait.ge [sflag:s29], $0x68  }
0x1af: {  	s5 =	smul.u32 $0x340, s4;
	[sflag:s29] =	ssyncset.done $0x0  }
0x1b0: {  	[sflag:s29] =	ssyncadd.s32 $0xFFFFFF98  }
0x1b1: {  	s5 =	sshra.s32 s5, $0x2;
	v1 =	vld [tilespmem:$0x6C10]  }
0x1b2: {  	v2 =	vld [tilespmem:s5+$0x0]  }
0x1b3: {  	v3 =	vld [tilespmem:$0x6C20]  }
0x1b4: {  	v29 =	vld [tilespmem:$0x6C30]  }
0x1b5: {  	v37 =	vld [tilespmem:$0x6C50]  }
0x1b6: {  	v41 =	vld [tilespmem:$0x6C60]  }
0x1b7: {  	v45 =	vld [tilespmem:$0x6C70]  }
0x1b8: {  	v49 =	vld [tilespmem:$0x6C80]  }
0x1b9: {  	v53 =	vld [tilespmem:$0x6C90]  }
0x1ba: {  	v57 =	vld [tilespmem:$0x6CA0]  }
0x1bb: {  	v61 =	vld [tilespmem:$0x6CB0]  }
0x1bc: {  	v13 =	vld [tilespmem:$0x6CC0];
	v30 =	vunpack.i.u.bf16.f32 v1;
	v1 =	vunpack.i.l.bf16.f32 v1;
	vm2 =	vne.s32 v2, $0x0  }
0x1bd: {  	v28 =	vld [tilespmem:s5+$0x10];
	v33 =	vunpack.i.l.bf16.f32 v3;
	v3 =	vunpack.i.u.bf16.f32 v3;
	v38 =	vunpack.i.u.bf16.f32 v29  }
0x1be: {  	v31 =	vld [tilespmem:s5+$0x20];
	v5 =	vunpack.i.l.bf16.f32 v29;
	v46 =	vunpack.i.u.bf16.f32 v37;
	v8 =	vunpack.i.l.bf16.f32 v37  }
0x1bf: {  	v34 =	vld [tilespmem:s5+$0x30];
	v50 =	vunpack.i.l.bf16.f32 v41;
	v9 =	vunpack.i.u.bf16.f32 v41;
	v54 =	vunpack.i.u.bf16.f32 v45  }
0x1c0: {  	v58 =	vunpack.i.l.bf16.f32 v49;
	v62 =	vunpack.i.u.bf16.f32 v53;
	v14 =	vunpack.i.l.bf16.f32 v57  }
0x1c1: {  	v2 =	vld [tilespmem:$0x6C40];
	v18 =	vunpack.i.u.bf16.f32 v61;
	v21 =	vunpack.i.l.bf16.f32 v13;
	v6 =	vadd.f32 $0.0e+00, v30  }
0x1c2: {  	v39 =	vld [tilespmem:s5+$0x40];
	v1 =	vadd.f32 $0.0e+00, v1;
	v32 =	vsel vm2, $0x3F800000, v0;
	vm2 =	vne.s32 v28, $0x0  }
0x1c3: {  	v35 =	vsel vm2, $0x3F800000, v0;
	vm2 =	vne.s32 v31, $0x0;
	v3 =	vadd.f32 v3, v6  }
0x1c4: {  	v43 =	vld [tilespmem:s5+$0x50];
	v1 =	vadd.f32 v33, v1;
	v40 =	vsel vm2, $0x3F800000, v0;
	vm2 =	vne.s32 v34, $0x0  }
0x1c5: {  	v17 =	vld [tilespmem:$0x6CD0];
	v36 =	vadd.f32 v35, v32;
	v44 =	vsel vm2, $0x3F800000, v0;
	v3 =	vadd.f32 v38, v3  }
0x1c6: {  	v47 =	vld [tilespmem:s5+$0x60];
	v1 =	vadd.f32 v5, v1;
	v42 =	vunpack.i.l.bf16.f32 v2;
	v2 =	vunpack.i.u.bf16.f32 v2  }
0x1c7: {  	vm2 =	vne.s32 v39, $0x0;
	v5 =	vadd.f32 v40, v36;
	v2 =	vadd.f32 v2, v3  }
0x1c8: {  	v51 =	vld [tilespmem:s5+$0x70];
	v22 =	vunpack.i.u.bf16.f32 v13;
	v48 =	vsel vm2, $0x3F800000, v0;
	v1 =	vadd.f32 v42, v1  }
0x1c9: {  	vm2 =	vne.s32 v43, $0x0;
	v3 =	vadd.f32 v44, v5;
	v2 =	vadd.f32 v46, v2  }
0x1ca: {  	v55 =	vld [tilespmem:s5+$0x80];
	v24 =	vunpack.i.u.bf16.f32 v17;
	v52 =	vsel vm2, $0x3F800000, v0;
	v1 =	vadd.f32 v8, v1  }
0x1cb: {  	vm2 =	vne.s32 v47, $0x0;
	v3 =	vadd.f32 v48, v3;
	v2 =	vadd.f32 v9, v2  }
0x1cc: {  	v59 =	vld [tilespmem:s5+$0x90];
	v5 =	vunpack.i.l.bf16.f32 v45;
	v56 =	vsel vm2, $0x3F800000, v0;
	v1 =	vadd.f32 v50, v1  }
0x1cd: {  	vm2 =	vne.s32 v51, $0x0;
	v3 =	vadd.f32 v52, v3;
	v2 =	vadd.f32 v54, v2  }
0x1ce: {  	v63 =	vld [tilespmem:s5+$0xA0];
	v60 =	vsel vm2, $0x3F800000, v0;
	v8 =	vunpack.i.u.bf16.f32 v49;
	v1 =	vadd.f32 v5, v1  }
0x1cf: {  	v15 =	vld [tilespmem:s5+$0xB0];
	vm2 =	vne.s32 v55, $0x0;
	v3 =	vadd.f32 v56, v3;
	v2 =	vadd.f32 v8, v2  }
0x1d0: {  	v6 =	vunpack.i.l.bf16.f32 v53;
	v12 =	vsel vm2, $0x3F800000, v0;
	v1 =	vadd.f32 v58, v1  }
0x1d1: {  	vm2 =	vne.s32 v59, $0x0;
	v3 =	vadd.f32 v60, v3;
	v2 =	vadd.f32 v62, v2  }
0x1d2: {  	v19 =	vld [tilespmem:s5+$0xC0];
	v16 =	vsel vm2, $0x3F800000, v0;
	v9 =	vunpack.i.u.bf16.f32 v57;
	v1 =	vadd.f32 v6, v1  }
0x1d3: {  	vm2 =	vne.s32 v63, $0x0;
	v3 =	vadd.f32 v12, v3;
	v2 =	vadd.f32 v9, v2  }
0x1d4: {  	v20 =	vsel vm2, $0x3F800000, v0;
	vm2 =	vne.s32 v15, $0x0;
	v1 =	vadd.f32 v14, v1  }
0x1d5: {  	v5 =	vunpack.i.l.bf16.f32 v61;
	v3 =	vadd.f32 v16, v3;
	v2 =	vadd.f32 v18, v2  }
0x1d6: {  	v25 =	vunpack.i.l.bf16.f32 v17;
	v23 =	vsel vm2, $0x3F800000, v0;
	v1 =	vadd.f32 v5, v1  }
0x1d7: {  	vm2 =	vne.s32 v19, $0x0;
	v3 =	vadd.f32 v20, v3;
	v2 =	vadd.f32 v22, v2  }
0x1d8: {  	v4 =	vnsel vm0, $0x0, v24;
	v26 =	vsel vm2, $0x3F800000, v0;
	v1 =	vadd.f32 v21, v1  }
0x1d9: {  	v5 =	vnsel vm0, $0x0, v25;
	v3 =	vadd.f32 v23, v3;
	v2 =	vadd.f32 v4, v2  }
0x1da: {  	v1 =	vadd.f32 v5, v1;
	v4 =	vnsel vm0, $0x0, v26  }
0x1db: {  	v3 =	vadd.f32 v4, v3;
	(xrf2) =	vadd.scan.msk.f32 $0xffff, v2  }
0x1dc: {  	(xrf2) =	vadd.scan.msk.f32 $0xffff, v1  }
0x1dd: {  	(xrf2) =	vadd.scan.msk.f32 $0xffff, v3;
	_ =	sdelay $0x7  }
0x1de: {  	v1, _, _ =	vpop (xrf2)  }
0x1df: {  	v2, _, _ =	vpop (xrf2)  }
0x1e0: {  	v3, _, _ =	vpop (xrf2)  }
0x1e1: {  	v3 =	vadd.f32 $9.999999930e-09, v3;
	_ =	sdelay $0x1  }
0x1e2: {  	v3 =	vbroadcast v3, $0xF;
	_ =	sdelay $0x1  }
0x1e3: {  	(erf) = vrcp.f32 v3;
	_ =	sdelay $0x4  }
0x1e4: {  	v2 =	vbroadcast v2, $0xF;
	_ =	sdelay $0x1  }
0x1e5: {  	v1 =	vbroadcast v1, $0xF;
	v3 =	vld [tilespmem:$0x7D00];
	_ =	sdelay $0x1  }
0x1e6: {  	v1 =	vsel vm1, v1, v2;
	v2 =	vpop (erf)  }
0x1e7: {  	v1 =	vmul.f32 v2, v1;
	_ =	sdelay $0x1  }
0x1e8: {  	s4 =	sshll.u32 s4, $0x4;
	v1 =	vadd.f32 v1, v3  }
0x1e9: {  	s4 =	sand.u32 $0x3FFFFFF0, s4  }
0x1ea: {  	s5 =	simm.s32 @!p0 $0x6C10;
	[tilespmem:s4+$0x7500] =	vst v1;
	s4 =	sadd.s32 @!p0 $0x1110, s21  }
0x1eb: {  	[tilespmem:s5], [sflag:$0x6] =	stream.indirect.gather @!p0 [hbm4b:s3+s22], $0x1, s4, s22, $0xb8;
	[tilespmem:$0x7D10] =	vst v63  }
0x1ec: {  	s4 =	sadd.s32 @!p0 $0x1178, s21;
	s5 =	simm.s32 @!p0 $0x6C78  }
0x1ed: {  	[tilespmem:s5], [sflag:$0x6] =	stream.indirect.gather @!p0 [hbm4b:s3+s22], $0x1, s4, s22, $0xb8;
	[tilespmem:$0x7D10] =	vst v63  }
0x1ee: {  	_ =	swait.ge [sflag:s30], $0x68  }
0x1ef: {  	[sflag:s30] =	ssyncset.done $0x0  }
0x1f0: {  	[sflag:s30] =	ssyncadd.s32 $0xFFFFFF98  }
0x1f1: {  	s4 =	sor.u32 $0x6, s16;
	_ =	swait.ge [sflag:s30], $0x68  }
0x1f2: {  	s5 =	smul.u32 $0x340, s4;
	[sflag:s30] =	ssyncset.done $0x0  }
0x1f3: {  	[sflag:s30] =	ssyncadd.s32 $0xFFFFFF98  }
0x1f4: {  	s5 =	sshra.s32 s5, $0x2;
	v1 =	vld [tilespmem:$0x6CE0]  }
0x1f5: {  	v2 =	vld [tilespmem:s5+$0x0]  }
0x1f6: {  	v3 =	vld [tilespmem:$0x6CF0]  }
0x1f7: {  	v28 =	vld [tilespmem:$0x6D00]  }
0x1f8: {  	v36 =	vld [tilespmem:$0x6D20]  }
0x1f9: {  	v40 =	vld [tilespmem:$0x6D30]  }
0x1fa: {  	v44 =	vld [tilespmem:$0x6D40]  }
0x1fb: {  	v48 =	vld [tilespmem:$0x6D50]  }
0x1fc: {  	v52 =	vld [tilespmem:$0x6D60]  }
0x1fd: {  	v56 =	vld [tilespmem:$0x6D70]  }
0x1fe: {  	v60 =	vld [tilespmem:$0x6D80]  }
0x1ff: {  	v12 =	vld [tilespmem:$0x6D90];
	v29 =	vunpack.i.u.bf16.f32 v1;
	v1 =	vunpack.i.l.bf16.f32 v1;
	vm2 =	vne.s32 v2, $0x0  }
0x200: {  	v27 =	vld [tilespmem:s5+$0x10];
	v32 =	vunpack.i.l.bf16.f32 v3;
	v3 =	vunpack.i.u.bf16.f32 v3;
	v37 =	vunpack.i.u.bf16.f32 v28  }
0x201: {  	v30 =	vld [tilespmem:s5+$0x20];
	v5 =	vunpack.i.l.bf16.f32 v28;
	v45 =	vunpack.i.u.bf16.f32 v36;
	v8 =	vunpack.i.l.bf16.f32 v36  }
0x202: {  	v33 =	vld [tilespmem:s5+$0x30];
	v49 =	vunpack.i.l.bf16.f32 v40;
	v9 =	vunpack.i.u.bf16.f32 v40;
	v53 =	vunpack.i.u.bf16.f32 v44  }
0x203: {  	v57 =	vunpack.i.l.bf16.f32 v48;
	v61 =	vunpack.i.u.bf16.f32 v52;
	v13 =	vunpack.i.l.bf16.f32 v56  }
0x204: {  	v2 =	vld [tilespmem:$0x6D10];
	v17 =	vunpack.i.u.bf16.f32 v60;
	v20 =	vunpack.i.l.bf16.f32 v12;
	v6 =	vadd.f32 $0.0e+00, v29  }
0x205: {  	v38 =	vld [tilespmem:s5+$0x40];
	v1 =	vadd.f32 $0.0e+00, v1;
	v31 =	vsel vm2, $0x3F800000, v0;
	vm2 =	vne.s32 v27, $0x0  }
0x206: {  	v34 =	vsel vm2, $0x3F800000, v0;
	vm2 =	vne.s32 v30, $0x0;
	v3 =	vadd.f32 v3, v6  }
0x207: {  	v42 =	vld [tilespmem:s5+$0x50];
	v1 =	vadd.f32 v32, v1;
	v39 =	vsel vm2, $0x3F800000, v0;
	vm2 =	vne.s32 v33, $0x0  }
0x208: {  	v16 =	vld [tilespmem:$0x6DA0];
	v35 =	vadd.f32 v34, v31;
	v43 =	vsel vm2, $0x3F800000, v0;
	v3 =	vadd.f32 v37, v3  }
0x209: {  	v46 =	vld [tilespmem:s5+$0x60];
	v1 =	vadd.f32 v5, v1;
	v41 =	vunpack.i.l.bf16.f32 v2;
	v2 =	vunpack.i.u.bf16.f32 v2  }
0x20a: {  	vm2 =	vne.s32 v38, $0x0;
	v5 =	vadd.f32 v39, v35;
	v2 =	vadd.f32 v2, v3  }
0x20b: {  	v50 =	vld [tilespmem:s5+$0x70];
	v21 =	vunpack.i.u.bf16.f32 v12;
	v47 =	vsel vm2, $0x3F800000, v0;
	v1 =	vadd.f32 v41, v1  }
0x20c: {  	vm2 =	vne.s32 v42, $0x0;
	v3 =	vadd.f32 v43, v5;
	v2 =	vadd.f32 v45, v2  }
0x20d: {  	v54 =	vld [tilespmem:s5+$0x80];
	v23 =	vunpack.i.u.bf16.f32 v16;
	v51 =	vsel vm2, $0x3F800000, v0;
	v1 =	vadd.f32 v8, v1  }
0x20e: {  	vm2 =	vne.s32 v46, $0x0;
	v3 =	vadd.f32 v47, v3;
	v2 =	vadd.f32 v9, v2  }
0x20f: {  	v58 =	vld [tilespmem:s5+$0x90];
	v5 =	vunpack.i.l.bf16.f32 v44;
	v55 =	vsel vm2, $0x3F800000, v0;
	v1 =	vadd.f32 v49, v1  }
0x210: {  	vm2 =	vne.s32 v50, $0x0;
	v3 =	vadd.f32 v51, v3;
	v2 =	vadd.f32 v53, v2  }
0x211: {  	v62 =	vld [tilespmem:s5+$0xA0];
	v59 =	vsel vm2, $0x3F800000, v0;
	v8 =	vunpack.i.u.bf16.f32 v48;
	v1 =	vadd.f32 v5, v1  }
0x212: {  	v14 =	vld [tilespmem:s5+$0xB0];
	vm2 =	vne.s32 v54, $0x0;
	v3 =	vadd.f32 v55, v3;
	v2 =	vadd.f32 v8, v2  }
0x213: {  	v6 =	vunpack.i.l.bf16.f32 v52;
	v63 =	vsel vm2, $0x3F800000, v0;
	v1 =	vadd.f32 v57, v1  }
0x214: {  	vm2 =	vne.s32 v58, $0x0;
	v3 =	vadd.f32 v59, v3;
	v2 =	vadd.f32 v61, v2  }
0x215: {  	v18 =	vld [tilespmem:s5+$0xC0];
	v15 =	vsel vm2, $0x3F800000, v0;
	v9 =	vunpack.i.u.bf16.f32 v56;
	v1 =	vadd.f32 v6, v1  }
0x216: {  	vm2 =	vne.s32 v62, $0x0;
	v3 =	vadd.f32 v63, v3;
	v2 =	vadd.f32 v9, v2  }
0x217: {  	v19 =	vsel vm2, $0x3F800000, v0;
	vm2 =	vne.s32 v14, $0x0;
	v1 =	vadd.f32 v13, v1  }
0x218: {  	v5 =	vunpack.i.l.bf16.f32 v60;
	v3 =	vadd.f32 v15, v3;
	v2 =	vadd.f32 v17, v2  }
0x219: {  	v24 =	vunpack.i.l.bf16.f32 v16;
	v22 =	vsel vm2, $0x3F800000, v0;
	v1 =	vadd.f32 v5, v1  }
0x21a: {  	vm2 =	vne.s32 v18, $0x0;
	v3 =	vadd.f32 v19, v3;
	v2 =	vadd.f32 v21, v2  }
0x21b: {  	v4 =	vnsel vm0, $0x0, v23;
	v25 =	vsel vm2, $0x3F800000, v0;
	v1 =	vadd.f32 v20, v1  }
0x21c: {  	v5 =	vnsel vm0, $0x0, v24;
	v3 =	vadd.f32 v22, v3;
	v2 =	vadd.f32 v4, v2  }
0x21d: {  	v1 =	vadd.f32 v5, v1;
	v4 =	vnsel vm0, $0x0, v25  }
0x21e: {  	v3 =	vadd.f32 v4, v3;
	(xrf2) =	vadd.scan.msk.f32 $0xffff, v2  }
0x21f: {  	(xrf2) =	vadd.scan.msk.f32 $0xffff, v1  }
0x220: {  	(xrf2) =	vadd.scan.msk.f32 $0xffff, v3;
	_ =	sdelay $0x7  }
0x221: {  	v1, _, _ =	vpop (xrf2)  }
0x222: {  	v2, _, _ =	vpop (xrf2)  }
0x223: {  	v3, _, _ =	vpop (xrf2)  }
0x224: {  	v3 =	vadd.f32 $9.999999930e-09, v3;
	_ =	sdelay $0x1  }
0x225: {  	v3 =	vbroadcast v3, $0xF;
	_ =	sdelay $0x1  }
0x226: {  	(erf) = vrcp.f32 v3;
	_ =	sdelay $0x4  }
0x227: {  	v2 =	vbroadcast v2, $0xF;
	_ =	sdelay $0x1  }
0x228: {  	v1 =	vbroadcast v1, $0xF;
	v3 =	vld [tilespmem:$0x7D00];
	_ =	sdelay $0x1  }
0x229: {  	v1 =	vsel vm1, v1, v2;
	v2 =	vpop (erf)  }
0x22a: {  	v1 =	vmul.f32 v2, v1;
	_ =	sdelay $0x1  }
0x22b: {  	s4 =	sshll.u32 s4, $0x4;
	v1 =	vadd.f32 v1, v3  }
0x22c: {  	s4 =	sand.u32 $0x3FFFFFF0, s4  }
0x22d: {  	s5 =	simm.s32 @!p0 $0x6CE0;
	[tilespmem:s4+$0x7500] =	vst v1;
	s4 =	sadd.s32 @!p0 $0x11E0, s21  }
0x22e: {  	[tilespmem:s5], [sflag:$0x7] =	stream.indirect.gather @!p0 [hbm4b:s3+s22], $0x1, s4, s22, $0xb8;
	[tilespmem:$0x7D10] =	vst v63  }
0x22f: {  	s4 =	sadd.s32 @!p0 $0x1248, s21;
	s5 =	simm.s32 @!p0 $0x6D48  }
0x230: {  	[tilespmem:s5], [sflag:$0x7] =	stream.indirect.gather @!p0 [hbm4b:s3+s22], $0x1, s4, s22, $0xb8;
	[tilespmem:$0x7D10] =	vst v63  }
0x231: {  	_ =	swait.ge [sflag:s31], $0x68  }
0x232: {  	[sflag:s31] =	ssyncset.done $0x0  }
0x233: {  	[sflag:s31] =	ssyncadd.s32 $0xFFFFFF98  }
0x234: {  	s4 =	sor.u32 $0x7, s16;
	_ =	swait.ge [sflag:s31], $0x68  }
0x235: {  	s5 =	smul.u32 $0x340, s4;
	[sflag:s31] =	ssyncset.done $0x0  }
0x236: {  	[sflag:s31] =	ssyncadd.s32 $0xFFFFFF98  }
0x237: {  	s5 =	sshra.s32 s5, $0x2;
	v1 =	vld [tilespmem:$0x6DB0]  }
0x238: {  	v2 =	vld [tilespmem:s5+$0x0]  }
0x239: {  	v3 =	vld [tilespmem:$0x6DC0]  }
0x23a: {  	v27 =	vld [tilespmem:$0x6DD0]  }
0x23b: {  	v35 =	vld [tilespmem:$0x6DF0]  }
0x23c: {  	v39 =	vld [tilespmem:$0x6E00]  }
0x23d: {  	v43 =	vld [tilespmem:$0x6E10]  }
0x23e: {  	v47 =	vld [tilespmem:$0x6E20]  }
0x23f: {  	v51 =	vld [tilespmem:$0x6E30]  }
0x240: {  	v55 =	vld [tilespmem:$0x6E40]  }
0x241: {  	v59 =	vld [tilespmem:$0x6E50]  }
0x242: {  	v63 =	vld [tilespmem:$0x6E60];
	v28 =	vunpack.i.u.bf16.f32 v1;
	v1 =	vunpack.i.l.bf16.f32 v1;
	vm2 =	vne.s32 v2, $0x0  }
0x243: {  	v26 =	vld [tilespmem:s5+$0x10];
	v31 =	vunpack.i.l.bf16.f32 v3;
	v3 =	vunpack.i.u.bf16.f32 v3;
	v36 =	vunpack.i.u.bf16.f32 v27  }
0x244: {  	v29 =	vld [tilespmem:s5+$0x20];
	v5 =	vunpack.i.l.bf16.f32 v27;
	v44 =	vunpack.i.u.bf16.f32 v35;
	v8 =	vunpack.i.l.bf16.f32 v35  }
0x245: {  	v32 =	vld [tilespmem:s5+$0x30];
	v48 =	vunpack.i.l.bf16.f32 v39;
	v9 =	vunpack.i.u.bf16.f32 v39;
	v52 =	vunpack.i.u.bf16.f32 v43  }
0x246: {  	v56 =	vunpack.i.l.bf16.f32 v47;
	v60 =	vunpack.i.u.bf16.f32 v51;
	v12 =	vunpack.i.l.bf16.f32 v55  }
0x247: {  	v2 =	vld [tilespmem:$0x6DE0];
	v16 =	vunpack.i.u.bf16.f32 v59;
	v19 =	vunpack.i.l.bf16.f32 v63;
	v6 =	vadd.f32 $0.0e+00, v28  }
0x248: {  	v37 =	vld [tilespmem:s5+$0x40];
	v1 =	vadd.f32 $0.0e+00, v1;
	v30 =	vsel vm2, $0x3F800000, v0;
	vm2 =	vne.s32 v26, $0x0  }
0x249: {  	v33 =	vsel vm2, $0x3F800000, v0;
	vm2 =	vne.s32 v29, $0x0;
	v3 =	vadd.f32 v3, v6  }
0x24a: {  	v41 =	vld [tilespmem:s5+$0x50];
	v1 =	vadd.f32 v31, v1;
	v38 =	vsel vm2, $0x3F800000, v0;
	vm2 =	vne.s32 v32, $0x0  }
0x24b: {  	v15 =	vld [tilespmem:$0x6E70];
	v34 =	vadd.f32 v33, v30;
	v42 =	vsel vm2, $0x3F800000, v0;
	v3 =	vadd.f32 v36, v3  }
0x24c: {  	v45 =	vld [tilespmem:s5+$0x60];
	v1 =	vadd.f32 v5, v1;
	v40 =	vunpack.i.l.bf16.f32 v2;
	v2 =	vunpack.i.u.bf16.f32 v2  }
0x24d: {  	vm2 =	vne.s32 v37, $0x0;
	v5 =	vadd.f32 v38, v34;
	v2 =	vadd.f32 v2, v3  }
0x24e: {  	v49 =	vld [tilespmem:s5+$0x70];
	v20 =	vunpack.i.u.bf16.f32 v63;
	v46 =	vsel vm2, $0x3F800000, v0;
	v1 =	vadd.f32 v40, v1  }
0x24f: {  	vm2 =	vne.s32 v41, $0x0;
	v3 =	vadd.f32 v42, v5;
	v2 =	vadd.f32 v44, v2  }
0x250: {  	v53 =	vld [tilespmem:s5+$0x80];
	v22 =	vunpack.i.u.bf16.f32 v15;
	v50 =	vsel vm2, $0x3F800000, v0;
	v1 =	vadd.f32 v8, v1  }
0x251: {  	vm2 =	vne.s32 v45, $0x0;
	v3 =	vadd.f32 v46, v3;
	v2 =	vadd.f32 v9, v2  }
0x252: {  	v57 =	vld [tilespmem:s5+$0x90];
	v5 =	vunpack.i.l.bf16.f32 v43;
	v54 =	vsel vm2, $0x3F800000, v0;
	v1 =	vadd.f32 v48, v1  }
0x253: {  	vm2 =	vne.s32 v49, $0x0;
	v3 =	vadd.f32 v50, v3;
	v2 =	vadd.f32 v52, v2  }
0x254: {  	v61 =	vld [tilespmem:s5+$0xA0];
	v58 =	vsel vm2, $0x3F800000, v0;
	v8 =	vunpack.i.u.bf16.f32 v47;
	v1 =	vadd.f32 v5, v1  }
0x255: {  	v13 =	vld [tilespmem:s5+$0xB0];
	vm2 =	vne.s32 v53, $0x0;
	v3 =	vadd.f32 v54, v3;
	v2 =	vadd.f32 v8, v2  }
0x256: {  	v6 =	vunpack.i.l.bf16.f32 v51;
	v62 =	vsel vm2, $0x3F800000, v0;
	v1 =	vadd.f32 v56, v1  }
0x257: {  	vm2 =	vne.s32 v57, $0x0;
	v3 =	vadd.f32 v58, v3;
	v2 =	vadd.f32 v60, v2  }
0x258: {  	v17 =	vld [tilespmem:s5+$0xC0];
	v14 =	vsel vm2, $0x3F800000, v0;
	v9 =	vunpack.i.u.bf16.f32 v55;
	v1 =	vadd.f32 v6, v1  }
0x259: {  	vm2 =	vne.s32 v61, $0x0;
	v3 =	vadd.f32 v62, v3;
	v2 =	vadd.f32 v9, v2  }
0x25a: {  	v18 =	vsel vm2, $0x3F800000, v0;
	vm2 =	vne.s32 v13, $0x0;
	v1 =	vadd.f32 v12, v1  }
0x25b: {  	v5 =	vunpack.i.l.bf16.f32 v59;
	v3 =	vadd.f32 v14, v3;
	v2 =	vadd.f32 v16, v2  }
0x25c: {  	v23 =	vunpack.i.l.bf16.f32 v15;
	v21 =	vsel vm2, $0x3F800000, v0;
	v1 =	vadd.f32 v5, v1  }
0x25d: {  	vm2 =	vne.s32 v17, $0x0;
	v3 =	vadd.f32 v18, v3;
	v2 =	vadd.f32 v20, v2  }
0x25e: {  	v4 =	vnsel vm0, $0x0, v22;
	v24 =	vsel vm2, $0x3F800000, v0;
	v1 =	vadd.f32 v19, v1  }
0x25f: {  	v5 =	vnsel vm0, $0x0, v23;
	v3 =	vadd.f32 v21, v3;
	v2 =	vadd.f32 v4, v2  }
0x260: {  	v1 =	vadd.f32 v5, v1;
	v4 =	vnsel vm0, $0x0, v24  }
0x261: {  	v3 =	vadd.f32 v4, v3;
	(xrf2) =	vadd.scan.msk.f32 $0xffff, v2  }
0x262: {  	(xrf2) =	vadd.scan.msk.f32 $0xffff, v1  }
0x263: {  	(xrf2) =	vadd.scan.msk.f32 $0xffff, v3;
	_ =	sdelay $0x7  }
0x264: {  	v1, _, _ =	vpop (xrf2)  }
0x265: {  	v2, _, _ =	vpop (xrf2)  }
0x266: {  	v3, _, _ =	vpop (xrf2)  }
0x267: {  	v3 =	vadd.f32 $9.999999930e-09, v3;
	_ =	sdelay $0x1  }
0x268: {  	v3 =	vbroadcast v3, $0xF;
	_ =	sdelay $0x1  }
0x269: {  	(erf) = vrcp.f32 v3;
	_ =	sdelay $0x4  }
0x26a: {  	v2 =	vbroadcast v2, $0xF;
	_ =	sdelay $0x1  }
0x26b: {  	v1 =	vbroadcast v1, $0xF;
	v3 =	vld [tilespmem:$0x7D00];
	_ =	sdelay $0x1  }
0x26c: {  	v1 =	vsel vm1, v1, v2;
	v2 =	vpop (erf)  }
0x26d: {  	v1 =	vmul.f32 v2, v1;
	_ =	sdelay $0x1  }
0x26e: {  	s4 =	sshll.u32 s4, $0x4;
	v1 =	vadd.f32 v1, v3  }
0x26f: {  	s4 =	sand.u32 $0x3FFFFFF0, s4  }
0x270: {  	s5 =	simm.s32 @!p0 $0x6DB0;
	[tilespmem:s4+$0x7500] =	vst v1;
	s4 =	sadd.s32 @!p0 $0x12B0, s21  }
0x271: {  	[tilespmem:s5], [sflag:$0x8] =	stream.indirect.gather @!p0 [hbm4b:s3+s22], $0x1, s4, s22, $0xb8;
	[tilespmem:$0x7D10] =	vst v63  }
0x272: {  	s4 =	sadd.s32 @!p0 $0x1318, s21;
	s5 =	simm.s32 @!p0 $0x6E18  }
0x273: {  	[tilespmem:s5], [sflag:$0x8] =	stream.indirect.gather @!p0 [hbm4b:s3+s22], $0x1, s4, s22, $0xb8;
	[tilespmem:$0x7D10] =	vst v63  }
0x274: {  	_ =	swait.ge [sflag:s1], $0x68  }
0x275: {  	[sflag:s1] =	ssyncset.done $0x0  }
0x276: {  	[sflag:s1] =	ssyncadd.s32 $0xFFFFFF98  }
0x277: {  	s4 =	sor.u32 $0x8, s16;
	_ =	swait.ge [sflag:s1], $0x68  }
0x278: {  	s5 =	smul.u32 $0x340, s4;
	[sflag:s1] =	ssyncset.done $0x0  }
0x279: {  	[sflag:s1] =	ssyncadd.s32 $0xFFFFFF98  }
0x27a: {  	s5 =	sshra.s32 s5, $0x2;
	v1 =	vld [tilespmem:$0x6E80]  }
0x27b: {  	v2 =	vld [tilespmem:s5+$0x0]  }
0x27c: {  	v3 =	vld [tilespmem:$0x6E90]  }
0x27d: {  	v26 =	vld [tilespmem:$0x6EA0]  }
0x27e: {  	v34 =	vld [tilespmem:$0x6EC0]  }
0x27f: {  	v38 =	vld [tilespmem:$0x6ED0]  }
0x280: {  	v42 =	vld [tilespmem:$0x6EE0]  }
0x281: {  	v46 =	vld [tilespmem:$0x6EF0]  }
0x282: {  	v50 =	vld [tilespmem:$0x6F00]  }
0x283: {  	v54 =	vld [tilespmem:$0x6F10]  }
0x284: {  	v58 =	vld [tilespmem:$0x6F20]  }
0x285: {  	v62 =	vld [tilespmem:$0x6F30];
	v27 =	vunpack.i.u.bf16.f32 v1;
	v1 =	vunpack.i.l.bf16.f32 v1;
	vm2 =	vne.s32 v2, $0x0  }
0x286: {  	v25 =	vld [tilespmem:s5+$0x10];
	v30 =	vunpack.i.l.bf16.f32 v3;
	v3 =	vunpack.i.u.bf16.f32 v3;
	v35 =	vunpack.i.u.bf16.f32 v26  }
0x287: {  	v28 =	vld [tilespmem:s5+$0x20];
	v5 =	vunpack.i.l.bf16.f32 v26;
	v43 =	vunpack.i.u.bf16.f32 v34;
	v8 =	vunpack.i.l.bf16.f32 v34  }
0x288: {  	v31 =	vld [tilespmem:s5+$0x30];
	v47 =	vunpack.i.l.bf16.f32 v38;
	v9 =	vunpack.i.u.bf16.f32 v38;
	v51 =	vunpack.i.u.bf16.f32 v42  }
0x289: {  	v55 =	vunpack.i.l.bf16.f32 v46;
	v59 =	vunpack.i.u.bf16.f32 v50;
	v63 =	vunpack.i.l.bf16.f32 v54  }
0x28a: {  	v2 =	vld [tilespmem:$0x6EB0];
	v15 =	vunpack.i.u.bf16.f32 v58;
	v18 =	vunpack.i.l.bf16.f32 v62;
	v6 =	vadd.f32 $0.0e+00, v27  }
0x28b: {  	v36 =	vld [tilespmem:s5+$0x40];
	v1 =	vadd.f32 $0.0e+00, v1;
	v29 =	vsel vm2, $0x3F800000, v0;
	vm2 =	vne.s32 v25, $0x0  }
0x28c: {  	v32 =	vsel vm2, $0x3F800000, v0;
	vm2 =	vne.s32 v28, $0x0;
	v3 =	vadd.f32 v3, v6  }
0x28d: {  	v40 =	vld [tilespmem:s5+$0x50];
	v1 =	vadd.f32 v30, v1;
	v37 =	vsel vm2, $0x3F800000, v0;
	vm2 =	vne.s32 v31, $0x0  }
0x28e: {  	v14 =	vld [tilespmem:$0x6F40];
	v33 =	vadd.f32 v32, v29;
	v41 =	vsel vm2, $0x3F800000, v0;
	v3 =	vadd.f32 v35, v3  }
0x28f: {  	v44 =	vld [tilespmem:s5+$0x60];
	v1 =	vadd.f32 v5, v1;
	v39 =	vunpack.i.l.bf16.f32 v2;
	v2 =	vunpack.i.u.bf16.f32 v2  }
0x290: {  	vm2 =	vne.s32 v36, $0x0;
	v5 =	vadd.f32 v37, v33;
	v2 =	vadd.f32 v2, v3  }
0x291: {  	v48 =	vld [tilespmem:s5+$0x70];
	v19 =	vunpack.i.u.bf16.f32 v62;
	v45 =	vsel vm2, $0x3F800000, v0;
	v1 =	vadd.f32 v39, v1  }
0x292: {  	vm2 =	vne.s32 v40, $0x0;
	v3 =	vadd.f32 v41, v5;
	v2 =	vadd.f32 v43, v2  }
0x293: {  	v52 =	vld [tilespmem:s5+$0x80];
	v21 =	vunpack.i.u.bf16.f32 v14;
	v49 =	vsel vm2, $0x3F800000, v0;
	v1 =	vadd.f32 v8, v1  }
0x294: {  	vm2 =	vne.s32 v44, $0x0;
	v3 =	vadd.f32 v45, v3;
	v2 =	vadd.f32 v9, v2  }
0x295: {  	v56 =	vld [tilespmem:s5+$0x90];
	v5 =	vunpack.i.l.bf16.f32 v42;
	v53 =	vsel vm2, $0x3F800000, v0;
	v1 =	vadd.f32 v47, v1  }
0x296: {  	vm2 =	vne.s32 v48, $0x0;
	v3 =	vadd.f32 v49, v3;
	v2 =	vadd.f32 v51, v2  }
0x297: {  	v60 =	vld [tilespmem:s5+$0xA0];
	v57 =	vsel vm2, $0x3F800000, v0;
	v8 =	vunpack.i.u.bf16.f32 v46;
	v1 =	vadd.f32 v5, v1  }
0x298: {  	v12 =	vld [tilespmem:s5+$0xB0];
	vm2 =	vne.s32 v52, $0x0;
	v3 =	vadd.f32 v53, v3;
	v2 =	vadd.f32 v8, v2  }
0x299: {  	v6 =	vunpack.i.l.bf16.f32 v50;
	v61 =	vsel vm2, $0x3F800000, v0;
	v1 =	vadd.f32 v55, v1  }
0x29a: {  	vm2 =	vne.s32 v56, $0x0;
	v3 =	vadd.f32 v57, v3;
	v2 =	vadd.f32 v59, v2  }
0x29b: {  	v16 =	vld [tilespmem:s5+$0xC0];
	v13 =	vsel vm2, $0x3F800000, v0;
	v9 =	vunpack.i.u.bf16.f32 v54;
	v1 =	vadd.f32 v6, v1  }
0x29c: {  	vm2 =	vne.s32 v60, $0x0;
	v3 =	vadd.f32 v61, v3;
	v2 =	vadd.f32 v9, v2  }
0x29d: {  	v17 =	vsel vm2, $0x3F800000, v0;
	vm2 =	vne.s32 v12, $0x0;
	v1 =	vadd.f32 v63, v1  }
0x29e: {  	v5 =	vunpack.i.l.bf16.f32 v58;
	v3 =	vadd.f32 v13, v3;
	v2 =	vadd.f32 v15, v2  }
0x29f: {  	v22 =	vunpack.i.l.bf16.f32 v14;
	v20 =	vsel vm2, $0x3F800000, v0;
	v1 =	vadd.f32 v5, v1  }
0x2a0: {  	vm2 =	vne.s32 v16, $0x0;
	v3 =	vadd.f32 v17, v3;
	v2 =	vadd.f32 v19, v2  }
0x2a1: {  	v4 =	vnsel vm0, $0x0, v21;
	v23 =	vsel vm2, $0x3F800000, v0;
	v1 =	vadd.f32 v18, v1  }
0x2a2: {  	v5 =	vnsel vm0, $0x0, v22;
	v3 =	vadd.f32 v20, v3;
	v2 =	vadd.f32 v4, v2  }
0x2a3: {  	v1 =	vadd.f32 v5, v1;
	v4 =	vnsel vm0, $0x0, v23  }
0x2a4: {  	v3 =	vadd.f32 v4, v3;
	(xrf2) =	vadd.scan.msk.f32 $0xffff, v2  }
0x2a5: {  	(xrf2) =	vadd.scan.msk.f32 $0xffff, v1  }
0x2a6: {  	(xrf2) =	vadd.scan.msk.f32 $0xffff, v3;
	_ =	sdelay $0x7  }
0x2a7: {  	v1, _, _ =	vpop (xrf2)  }
0x2a8: {  	v2, _, _ =	vpop (xrf2)  }
0x2a9: {  	v3, _, _ =	vpop (xrf2)  }
0x2aa: {  	v3 =	vadd.f32 $9.999999930e-09, v3;
	_ =	sdelay $0x1  }
0x2ab: {  	v3 =	vbroadcast v3, $0xF;
	_ =	sdelay $0x1  }
0x2ac: {  	(erf) = vrcp.f32 v3;
	_ =	sdelay $0x4  }
0x2ad: {  	v2 =	vbroadcast v2, $0xF;
	_ =	sdelay $0x1  }
0x2ae: {  	v1 =	vbroadcast v1, $0xF;
	v3 =	vld [tilespmem:$0x7D00];
	_ =	sdelay $0x1  }
0x2af: {  	v1 =	vsel vm1, v1, v2;
	v2 =	vpop (erf)  }
0x2b0: {  	v1 =	vmul.f32 v2, v1;
	_ =	sdelay $0x1  }
0x2b1: {  	s4 =	sshll.u32 s4, $0x4;
	v1 =	vadd.f32 v1, v3  }
0x2b2: {  	s4 =	sand.u32 $0x3FFFFFF0, s4  }
0x2b3: {  	s5 =	simm.s32 @!p0 $0x6E80;
	[tilespmem:s4+$0x7500] =	vst v1;
	s4 =	sadd.s32 @!p0 $0x1380, s21  }
0x2b4: {  	[tilespmem:s5], [sflag:$0x9] =	stream.indirect.gather @!p0 [hbm4b:s3+s22], $0x1, s4, s22, $0xb8;
	[tilespmem:$0x7D10] =	vst v63  }
0x2b5: {  	s4 =	sadd.s32 @!p0 $0x13E8, s21;
	s5 =	simm.s32 @!p0 $0x6EE8  }
0x2b6: {  	[tilespmem:s5], [sflag:$0x9] =	stream.indirect.gather @!p0 [hbm4b:s3+s22], $0x1, s4, s22, $0xb8;
	[tilespmem:$0x7D10] =	vst v63  }
0x2b7: {  	_ =	swait.ge [sflag:s0], $0x68  }
0x2b8: {  	[sflag:s0] =	ssyncset.done $0x0  }
0x2b9: {  	[sflag:s0] =	ssyncadd.s32 $0xFFFFFF98  }
0x2ba: {  	s4 =	sor.u32 $0x9, s16;
	_ =	swait.ge [sflag:s0], $0x68  }
0x2bb: {  	s5 =	smul.u32 $0x340, s4;
	[sflag:s0] =	ssyncset.done $0x0  }
0x2bc: {  	[sflag:s0] =	ssyncadd.s32 $0xFFFFFF98  }
0x2bd: {  	s5 =	sshra.s32 s5, $0x2;
	v1 =	vld [tilespmem:$0x6F50]  }
0x2be: {  	v2 =	vld [tilespmem:s5+$0x0]  }
0x2bf: {  	v3 =	vld [tilespmem:$0x6F60]  }
0x2c0: {  	v25 =	vld [tilespmem:$0x6F70]  }
0x2c1: {  	v33 =	vld [tilespmem:$0x6F90]  }
0x2c2: {  	v37 =	vld [tilespmem:$0x6FA0]  }
0x2c3: {  	v41 =	vld [tilespmem:$0x6FB0]  }
0x2c4: {  	v45 =	vld [tilespmem:$0x6FC0]  }
0x2c5: {  	v49 =	vld [tilespmem:$0x6FD0]  }
0x2c6: {  	v53 =	vld [tilespmem:$0x6FE0]  }
0x2c7: {  	v57 =	vld [tilespmem:$0x6FF0]  }
0x2c8: {  	v61 =	vld [tilespmem:$0x7000];
	v26 =	vunpack.i.u.bf16.f32 v1;
	v1 =	vunpack.i.l.bf16.f32 v1;
	vm2 =	vne.s32 v2, $0x0  }
0x2c9: {  	v24 =	vld [tilespmem:s5+$0x10];
	v29 =	vunpack.i.l.bf16.f32 v3;
	v3 =	vunpack.i.u.bf16.f32 v3;
	v34 =	vunpack.i.u.bf16.f32 v25  }
0x2ca: {  	v27 =	vld [tilespmem:s5+$0x20];
	v5 =	vunpack.i.l.bf16.f32 v25;
	v42 =	vunpack.i.u.bf16.f32 v33;
	v8 =	vunpack.i.l.bf16.f32 v33  }
0x2cb: {  	v30 =	vld [tilespmem:s5+$0x30];
	v46 =	vunpack.i.l.bf16.f32 v37;
	v9 =	vunpack.i.u.bf16.f32 v37;
	v50 =	vunpack.i.u.bf16.f32 v41  }
0x2cc: {  	v54 =	vunpack.i.l.bf16.f32 v45;
	v58 =	vunpack.i.u.bf16.f32 v49;
	v62 =	vunpack.i.l.bf16.f32 v53  }
0x2cd: {  	v2 =	vld [tilespmem:$0x6F80];
	v13 =	vunpack.i.u.bf16.f32 v57;
	v16 =	vunpack.i.l.bf16.f32 v61;
	v6 =	vadd.f32 $0.0e+00, v26  }
0x2ce: {  	v35 =	vld [tilespmem:s5+$0x40];
	v1 =	vadd.f32 $0.0e+00, v1;
	v28 =	vsel vm2, $0x3F800000, v0;
	vm2 =	vne.s32 v24, $0x0  }
0x2cf: {  	v31 =	vsel vm2, $0x3F800000, v0;
	vm2 =	vne.s32 v27, $0x0;
	v3 =	vadd.f32 v3, v6  }
0x2d0: {  	v39 =	vld [tilespmem:s5+$0x50];
	v1 =	vadd.f32 v29, v1;
	v36 =	vsel vm2, $0x3F800000, v0;
	vm2 =	vne.s32 v30, $0x0  }
0x2d1: {  	v12 =	vld [tilespmem:$0x7010];
	v32 =	vadd.f32 v31, v28;
	v40 =	vsel vm2, $0x3F800000, v0;
	v3 =	vadd.f32 v34, v3  }
0x2d2: {  	v43 =	vld [tilespmem:s5+$0x60];
	v1 =	vadd.f32 v5, v1;
	v38 =	vunpack.i.l.bf16.f32 v2;
	v2 =	vunpack.i.u.bf16.f32 v2  }
0x2d3: {  	vm2 =	vne.s32 v35, $0x0;
	v5 =	vadd.f32 v36, v32;
	v2 =	vadd.f32 v2, v3  }
0x2d4: {  	v47 =	vld [tilespmem:s5+$0x70];
	v17 =	vunpack.i.u.bf16.f32 v61;
	v44 =	vsel vm2, $0x3F800000, v0;
	v1 =	vadd.f32 v38, v1  }
0x2d5: {  	vm2 =	vne.s32 v39, $0x0;
	v3 =	vadd.f32 v40, v5;
	v2 =	vadd.f32 v42, v2  }
0x2d6: {  	v51 =	vld [tilespmem:s5+$0x80];
	v19 =	vunpack.i.u.bf16.f32 v12;
	v48 =	vsel vm2, $0x3F800000, v0;
	v1 =	vadd.f32 v8, v1  }
0x2d7: {  	vm2 =	vne.s32 v43, $0x0;
	v3 =	vadd.f32 v44, v3;
	v2 =	vadd.f32 v9, v2  }
0x2d8: {  	v55 =	vld [tilespmem:s5+$0x90];
	v5 =	vunpack.i.l.bf16.f32 v41;
	v52 =	vsel vm2, $0x3F800000, v0;
	v1 =	vadd.f32 v46, v1  }
0x2d9: {  	vm2 =	vne.s32 v47, $0x0;
	v3 =	vadd.f32 v48, v3;
	v2 =	vadd.f32 v50, v2  }
0x2da: {  	v59 =	vld [tilespmem:s5+$0xA0];
	v56 =	vsel vm2, $0x3F800000, v0;
	v8 =	vunpack.i.u.bf16.f32 v45;
	v1 =	vadd.f32 v5, v1  }
0x2db: {  	v63 =	vld [tilespmem:s5+$0xB0];
	vm2 =	vne.s32 v51, $0x0;
	v3 =	vadd.f32 v52, v3;
	v2 =	vadd.f32 v8, v2  }
0x2dc: {  	v6 =	vunpack.i.l.bf16.f32 v49;
	v60 =	vsel vm2, $0x3F800000, v0;
	v1 =	vadd.f32 v54, v1  }
0x2dd: {  	vm2 =	vne.s32 v55, $0x0;
	v3 =	vadd.f32 v56, v3;
	v2 =	vadd.f32 v58, v2  }
0x2de: {  	v14 =	vld [tilespmem:s5+$0xC0];
	v11 =	vsel vm2, $0x3F800000, v0;
	v9 =	vunpack.i.u.bf16.f32 v53;
	v1 =	vadd.f32 v6, v1  }
0x2df: {  	vm2 =	vne.s32 v59, $0x0;
	v3 =	vadd.f32 v60, v3;
	v2 =	vadd.f32 v9, v2  }
0x2e0: {  	v15 =	vsel vm2, $0x3F800000, v0;
	vm2 =	vne.s32 v63, $0x0;
	v1 =	vadd.f32 v62, v1  }
0x2e1: {  	v5 =	vunpack.i.l.bf16.f32 v57;
	v3 =	vadd.f32 v11, v3;
	v2 =	vadd.f32 v13, v2  }
0x2e2: {  	v20 =	vunpack.i.l.bf16.f32 v12;
	v18 =	vsel vm2, $0x3F800000, v0;
	v1 =	vadd.f32 v5, v1  }
0x2e3: {  	vm2 =	vne.s32 v14, $0x0;
	v3 =	vadd.f32 v15, v3;
	v2 =	vadd.f32 v17, v2  }
0x2e4: {  	v4 =	vnsel vm0, $0x0, v19;
	v21 =	vsel vm2, $0x3F800000, v0;
	v1 =	vadd.f32 v16, v1  }
0x2e5: {  	v5 =	vnsel vm0, $0x0, v20;
	v3 =	vadd.f32 v18, v3;
	v2 =	vadd.f32 v4, v2  }
0x2e6: {  	v1 =	vadd.f32 v5, v1;
	v4 =	vnsel vm0, $0x0, v21  }
0x2e7: {  	v3 =	vadd.f32 v4, v3;
	(xrf2) =	vadd.scan.msk.f32 $0xffff, v2  }
0x2e8: {  	(xrf2) =	vadd.scan.msk.f32 $0xffff, v1  }
0x2e9: {  	(xrf2) =	vadd.scan.msk.f32 $0xffff, v3;
	_ =	sdelay $0x7  }
0x2ea: {  	v1, _, _ =	vpop (xrf2)  }
0x2eb: {  	v2, _, _ =	vpop (xrf2)  }
0x2ec: {  	v3, _, _ =	vpop (xrf2)  }
0x2ed: {  	v3 =	vadd.f32 $9.999999930e-09, v3;
	_ =	sdelay $0x1  }
0x2ee: {  	v3 =	vbroadcast v3, $0xF;
	_ =	sdelay $0x1  }
0x2ef: {  	(erf) = vrcp.f32 v3;
	_ =	sdelay $0x4  }
0x2f0: {  	v2 =	vbroadcast v2, $0xF;
	_ =	sdelay $0x1  }
0x2f1: {  	v1 =	vbroadcast v1, $0xF;
	v3 =	vld [tilespmem:$0x7D00];
	_ =	sdelay $0x1  }
0x2f2: {  	v1 =	vsel vm1, v1, v2;
	v2 =	vpop (erf)  }
0x2f3: {  	v1 =	vmul.f32 v2, v1;
	_ =	sdelay $0x1  }
0x2f4: {  	s4 =	sshll.u32 s4, $0x4;
	v1 =	vadd.f32 v1, v3  }
0x2f5: {  	s4 =	sand.u32 $0x3FFFFFF0, s4  }
0x2f6: {  	s5 =	simm.s32 @!p0 $0x6F50;
	[tilespmem:s4+$0x7500] =	vst v1;
	s4 =	sadd.s32 @!p0 $0x1450, s21  }
0x2f7: {  	[tilespmem:s5], [sflag:$0xA] =	stream.indirect.gather @!p0 [hbm4b:s3+s22], $0x1, s4, s22, $0xb8;
	[tilespmem:$0x7D10] =	vst v63  }
0x2f8: {  	s4 =	sadd.s32 @!p0 $0x14B8, s21;
	s5 =	simm.s32 @!p0 $0x6FB8  }
0x2f9: {  	[tilespmem:s5], [sflag:$0xA] =	stream.indirect.gather @!p0 [hbm4b:s3+s22], $0x1, s4, s22, $0xb8;
	[tilespmem:$0x7D10] =	vst v63  }
0x2fa: {  	_ =	swait.ge [sflag:s8], $0x68  }
0x2fb: {  	[sflag:s8] =	ssyncset.done $0x0  }
0x2fc: {  	[sflag:s8] =	ssyncadd.s32 $0xFFFFFF98  }
0x2fd: {  	s4 =	sor.u32 $0xA, s16;
	_ =	swait.ge [sflag:s8], $0x68  }
0x2fe: {  	s5 =	smul.u32 $0x340, s4;
	[sflag:s8] =	ssyncset.done $0x0  }
0x2ff: {  	[sflag:s8] =	ssyncadd.s32 $0xFFFFFF98  }
0x300: {  	s5 =	sshra.s32 s5, $0x2;
	v1 =	vld [tilespmem:$0x7020]  }
0x301: {  	v2 =	vld [tilespmem:s5+$0x0]  }
0x302: {  	v3 =	vld [tilespmem:$0x7030]  }
0x303: {  	v23 =	vld [tilespmem:$0x7040]  }
0x304: {  	v31 =	vld [tilespmem:$0x7060]  }
0x305: {  	v35 =	vld [tilespmem:$0x7070]  }
0x306: {  	v39 =	vld [tilespmem:$0x7080]  }
0x307: {  	v43 =	vld [tilespmem:$0x7090]  }
0x308: {  	v47 =	vld [tilespmem:$0x70A0]  }
0x309: {  	v51 =	vld [tilespmem:$0x70B0]  }
0x30a: {  	v55 =	vld [tilespmem:$0x70C0]  }
0x30b: {  	v59 =	vld [tilespmem:$0x70D0];
	v24 =	vunpack.i.u.bf16.f32 v1;
	v1 =	vunpack.i.l.bf16.f32 v1;
	vm2 =	vne.s32 v2, $0x0  }
0x30c: {  	v22 =	vld [tilespmem:s5+$0x10];
	v27 =	vunpack.i.l.bf16.f32 v3;
	v3 =	vunpack.i.u.bf16.f32 v3;
	v32 =	vunpack.i.u.bf16.f32 v23  }
0x30d: {  	v25 =	vld [tilespmem:s5+$0x20];
	v5 =	vunpack.i.l.bf16.f32 v23;
	v40 =	vunpack.i.u.bf16.f32 v31;
	v8 =	vunpack.i.l.bf16.f32 v31  }
0x30e: {  	v28 =	vld [tilespmem:s5+$0x30];
	v44 =	vunpack.i.l.bf16.f32 v35;
	v9 =	vunpack.i.u.bf16.f32 v35;
	v48 =	vunpack.i.u.bf16.f32 v39  }
0x30f: {  	v52 =	vunpack.i.l.bf16.f32 v43;
	v56 =	vunpack.i.u.bf16.f32 v47;
	v60 =	vunpack.i.l.bf16.f32 v51  }
0x310: {  	v2 =	vld [tilespmem:$0x7050];
	v12 =	vunpack.i.u.bf16.f32 v55;
	v15 =	vunpack.i.l.bf16.f32 v59;
	v6 =	vadd.f32 $0.0e+00, v24  }
0x311: {  	v33 =	vld [tilespmem:s5+$0x40];
	v1 =	vadd.f32 $0.0e+00, v1;
	v26 =	vsel vm2, $0x3F800000, v0;
	vm2 =	vne.s32 v22, $0x0  }
0x312: {  	v29 =	vsel vm2, $0x3F800000, v0;
	vm2 =	vne.s32 v25, $0x0;
	v3 =	vadd.f32 v3, v6  }
0x313: {  	v37 =	vld [tilespmem:s5+$0x50];
	v1 =	vadd.f32 v27, v1;
	v34 =	vsel vm2, $0x3F800000, v0;
	vm2 =	vne.s32 v28, $0x0  }
0x314: {  	v63 =	vld [tilespmem:$0x70E0];
	v30 =	vadd.f32 v29, v26;
	v38 =	vsel vm2, $0x3F800000, v0;
	v3 =	vadd.f32 v32, v3  }
0x315: {  	v41 =	vld [tilespmem:s5+$0x60];
	v1 =	vadd.f32 v5, v1;
	v36 =	vunpack.i.l.bf16.f32 v2;
	v2 =	vunpack.i.u.bf16.f32 v2  }
0x316: {  	vm2 =	vne.s32 v33, $0x0;
	v5 =	vadd.f32 v34, v30;
	v2 =	vadd.f32 v2, v3  }
0x317: {  	v45 =	vld [tilespmem:s5+$0x70];
	v16 =	vunpack.i.u.bf16.f32 v59;
	v42 =	vsel vm2, $0x3F800000, v0;
	v1 =	vadd.f32 v36, v1  }
0x318: {  	vm2 =	vne.s32 v37, $0x0;
	v3 =	vadd.f32 v38, v5;
	v2 =	vadd.f32 v40, v2  }
0x319: {  	v49 =	vld [tilespmem:s5+$0x80];
	v18 =	vunpack.i.u.bf16.f32 v63;
	v46 =	vsel vm2, $0x3F800000, v0;
	v1 =	vadd.f32 v8, v1  }
0x31a: {  	vm2 =	vne.s32 v41, $0x0;
	v3 =	vadd.f32 v42, v3;
	v2 =	vadd.f32 v9, v2  }
0x31b: {  	v53 =	vld [tilespmem:s5+$0x90];
	v5 =	vunpack.i.l.bf16.f32 v39;
	v50 =	vsel vm2, $0x3F800000, v0;
	v1 =	vadd.f32 v44, v1  }
0x31c: {  	vm2 =	vne.s32 v45, $0x0;
	v3 =	vadd.f32 v46, v3;
	v2 =	vadd.f32 v48, v2  }
0x31d: {  	v57 =	vld [tilespmem:s5+$0xA0];
	v54 =	vsel vm2, $0x3F800000, v0;
	v8 =	vunpack.i.u.bf16.f32 v43;
	v1 =	vadd.f32 v5, v1  }
0x31e: {  	v61 =	vld [tilespmem:s5+$0xB0];
	vm2 =	vne.s32 v49, $0x0;
	v3 =	vadd.f32 v50, v3;
	v2 =	vadd.f32 v8, v2  }
0x31f: {  	v6 =	vunpack.i.l.bf16.f32 v47;
	v58 =	vsel vm2, $0x3F800000, v0;
	v1 =	vadd.f32 v52, v1  }
0x320: {  	vm2 =	vne.s32 v53, $0x0;
	v3 =	vadd.f32 v54, v3;
	v2 =	vadd.f32 v56, v2  }
0x321: {  	v13 =	vld [tilespmem:s5+$0xC0];
	v62 =	vsel vm2, $0x3F800000, v0;
	v9 =	vunpack.i.u.bf16.f32 v51;
	v1 =	vadd.f32 v6, v1  }
0x322: {  	vm2 =	vne.s32 v57, $0x0;
	v3 =	vadd.f32 v58, v3;
	v2 =	vadd.f32 v9, v2  }
0x323: {  	v14 =	vsel vm2, $0x3F800000, v0;
	vm2 =	vne.s32 v61, $0x0;
	v1 =	vadd.f32 v60, v1  }
0x324: {  	v5 =	vunpack.i.l.bf16.f32 v55;
	v3 =	vadd.f32 v62, v3;
	v2 =	vadd.f32 v12, v2  }
0x325: {  	v19 =	vunpack.i.l.bf16.f32 v63;
	v17 =	vsel vm2, $0x3F800000, v0;
	v1 =	vadd.f32 v5, v1  }
0x326: {  	vm2 =	vne.s32 v13, $0x0;
	v3 =	vadd.f32 v14, v3;
	v2 =	vadd.f32 v16, v2  }
0x327: {  	v4 =	vnsel vm0, $0x0, v18;
	v20 =	vsel vm2, $0x3F800000, v0;
	v1 =	vadd.f32 v15, v1  }
0x328: {  	v5 =	vnsel vm0, $0x0, v19;
	v3 =	vadd.f32 v17, v3;
	v2 =	vadd.f32 v4, v2  }
0x329: {  	v1 =	vadd.f32 v5, v1;
	v4 =	vnsel vm0, $0x0, v20  }
0x32a: {  	v3 =	vadd.f32 v4, v3;
	(xrf2) =	vadd.scan.msk.f32 $0xffff, v2  }
0x32b: {  	(xrf2) =	vadd.scan.msk.f32 $0xffff, v1  }
0x32c: {  	(xrf2) =	vadd.scan.msk.f32 $0xffff, v3;
	_ =	sdelay $0x7  }
0x32d: {  	v1, _, _ =	vpop (xrf2)  }
0x32e: {  	v2, _, _ =	vpop (xrf2)  }
0x32f: {  	v3, _, _ =	vpop (xrf2)  }
0x330: {  	v3 =	vadd.f32 $9.999999930e-09, v3;
	_ =	sdelay $0x1  }
0x331: {  	v3 =	vbroadcast v3, $0xF;
	_ =	sdelay $0x1  }
0x332: {  	(erf) = vrcp.f32 v3;
	_ =	sdelay $0x4  }
0x333: {  	v2 =	vbroadcast v2, $0xF;
	_ =	sdelay $0x1  }
0x334: {  	v1 =	vbroadcast v1, $0xF;
	v3 =	vld [tilespmem:$0x7D00];
	_ =	sdelay $0x1  }
0x335: {  	v1 =	vsel vm1, v1, v2;
	v2 =	vpop (erf)  }
0x336: {  	v1 =	vmul.f32 v2, v1;
	_ =	sdelay $0x1  }
0x337: {  	s4 =	sshll.u32 s4, $0x4;
	v1 =	vadd.f32 v1, v3  }
0x338: {  	s4 =	sand.u32 $0x3FFFFFF0, s4  }
0x339: {  	s5 =	simm.s32 @!p0 $0x7020;
	[tilespmem:s4+$0x7500] =	vst v1;
	s4 =	sadd.s32 @!p0 $0x1520, s21  }
0x33a: {  	[tilespmem:s5], [sflag:$0xB] =	stream.indirect.gather @!p0 [hbm4b:s3+s22], $0x1, s4, s22, $0xb8;
	[tilespmem:$0x7D10] =	vst v63  }
0x33b: {  	s4 =	sadd.s32 @!p0 $0x1588, s21;
	s5 =	simm.s32 @!p0 $0x7088  }
0x33c: {  	[tilespmem:s5], [sflag:$0xB] =	stream.indirect.gather @!p0 [hbm4b:s3+s22], $0x1, s4, s22, $0xb8;
	[tilespmem:$0x7D10] =	vst v63  }
0x33d: {  	_ =	swait.ge [sflag:s11], $0x68  }
0x33e: {  	[sflag:s11] =	ssyncset.done $0x0  }
0x33f: {  	[sflag:s11] =	ssyncadd.s32 $0xFFFFFF98  }
0x340: {  	s4 =	sor.u32 $0xB, s16;
	_ =	swait.ge [sflag:s11], $0x68  }
0x341: {  	s5 =	smul.u32 $0x340, s4;
	[sflag:s11] =	ssyncset.done $0x0  }
0x342: {  	[sflag:s11] =	ssyncadd.s32 $0xFFFFFF98  }
0x343: {  	s5 =	sshra.s32 s5, $0x2;
	v1 =	vld [tilespmem:$0x70F0]  }
0x344: {  	v2 =	vld [tilespmem:s5+$0x0]  }
0x345: {  	v3 =	vld [tilespmem:$0x7100]  }
0x346: {  	v22 =	vld [tilespmem:$0x7110]  }
0x347: {  	v30 =	vld [tilespmem:$0x7130]  }
0x348: {  	v34 =	vld [tilespmem:$0x7140]  }
0x349: {  	v38 =	vld [tilespmem:$0x7150]  }
0x34a: {  	v42 =	vld [tilespmem:$0x7160]  }
0x34b: {  	v46 =	vld [tilespmem:$0x7170]  }
0x34c: {  	v50 =	vld [tilespmem:$0x7180]  }
0x34d: {  	v54 =	vld [tilespmem:$0x7190]  }
0x34e: {  	v58 =	vld [tilespmem:$0x71A0];
	v23 =	vunpack.i.u.bf16.f32 v1;
	v1 =	vunpack.i.l.bf16.f32 v1;
	vm2 =	vne.s32 v2, $0x0  }
0x34f: {  	v21 =	vld [tilespmem:s5+$0x10];
	v26 =	vunpack.i.l.bf16.f32 v3;
	v3 =	vunpack.i.u.bf16.f32 v3;
	v31 =	vunpack.i.u.bf16.f32 v22  }
0x350: {  	v24 =	vld [tilespmem:s5+$0x20];
	v5 =	vunpack.i.l.bf16.f32 v22;
	v39 =	vunpack.i.u.bf16.f32 v30;
	v8 =	vunpack.i.l.bf16.f32 v30  }
0x351: {  	v27 =	vld [tilespmem:s5+$0x30];
	v43 =	vunpack.i.l.bf16.f32 v34;
	v9 =	vunpack.i.u.bf16.f32 v34;
	v47 =	vunpack.i.u.bf16.f32 v38  }
0x352: {  	v51 =	vunpack.i.l.bf16.f32 v42;
	v55 =	vunpack.i.u.bf16.f32 v46;
	v59 =	vunpack.i.l.bf16.f32 v50  }
0x353: {  	v2 =	vld [tilespmem:$0x7120];
	v63 =	vunpack.i.u.bf16.f32 v54;
	v14 =	vunpack.i.l.bf16.f32 v58;
	v6 =	vadd.f32 $0.0e+00, v23  }
0x354: {  	v32 =	vld [tilespmem:s5+$0x40];
	v1 =	vadd.f32 $0.0e+00, v1;
	v25 =	vsel vm2, $0x3F800000, v0;
	vm2 =	vne.s32 v21, $0x0  }
0x355: {  	v28 =	vsel vm2, $0x3F800000, v0;
	vm2 =	vne.s32 v24, $0x0;
	v3 =	vadd.f32 v3, v6  }
0x356: {  	v36 =	vld [tilespmem:s5+$0x50];
	v1 =	vadd.f32 v26, v1;
	v33 =	vsel vm2, $0x3F800000, v0;
	vm2 =	vne.s32 v27, $0x0  }
0x357: {  	v62 =	vld [tilespmem:$0x71B0];
	v29 =	vadd.f32 v28, v25;
	v37 =	vsel vm2, $0x3F800000, v0;
	v3 =	vadd.f32 v31, v3  }
0x358: {  	v40 =	vld [tilespmem:s5+$0x60];
	v1 =	vadd.f32 v5, v1;
	v35 =	vunpack.i.l.bf16.f32 v2;
	v2 =	vunpack.i.u.bf16.f32 v2  }
0x359: {  	vm2 =	vne.s32 v32, $0x0;
	v5 =	vadd.f32 v33, v29;
	v2 =	vadd.f32 v2, v3  }
0x35a: {  	v44 =	vld [tilespmem:s5+$0x70];
	v15 =	vunpack.i.u.bf16.f32 v58;
	v41 =	vsel vm2, $0x3F800000, v0;
	v1 =	vadd.f32 v35, v1  }
0x35b: {  	vm2 =	vne.s32 v36, $0x0;
	v3 =	vadd.f32 v37, v5;
	v2 =	vadd.f32 v39, v2  }
0x35c: {  	v48 =	vld [tilespmem:s5+$0x80];
	v17 =	vunpack.i.u.bf16.f32 v62;
	v45 =	vsel vm2, $0x3F800000, v0;
	v1 =	vadd.f32 v8, v1  }
0x35d: {  	vm2 =	vne.s32 v40, $0x0;
	v3 =	vadd.f32 v41, v3;
	v2 =	vadd.f32 v9, v2  }
0x35e: {  	v52 =	vld [tilespmem:s5+$0x90];
	v5 =	vunpack.i.l.bf16.f32 v38;
	v49 =	vsel vm2, $0x3F800000, v0;
	v1 =	vadd.f32 v43, v1  }
0x35f: {  	vm2 =	vne.s32 v44, $0x0;
	v3 =	vadd.f32 v45, v3;
	v2 =	vadd.f32 v47, v2  }
0x360: {  	v56 =	vld [tilespmem:s5+$0xA0];
	v53 =	vsel vm2, $0x3F800000, v0;
	v8 =	vunpack.i.u.bf16.f32 v42;
	v1 =	vadd.f32 v5, v1  }
0x361: {  	v60 =	vld [tilespmem:s5+$0xB0];
	vm2 =	vne.s32 v48, $0x0;
	v3 =	vadd.f32 v49, v3;
	v2 =	vadd.f32 v8, v2  }
0x362: {  	v6 =	vunpack.i.l.bf16.f32 v46;
	v57 =	vsel vm2, $0x3F800000, v0;
	v1 =	vadd.f32 v51, v1  }
0x363: {  	vm2 =	vne.s32 v52, $0x0;
	v3 =	vadd.f32 v53, v3;
	v2 =	vadd.f32 v55, v2  }
0x364: {  	v12 =	vld [tilespmem:s5+$0xC0];
	v61 =	vsel vm2, $0x3F800000, v0;
	v9 =	vunpack.i.u.bf16.f32 v50;
	v1 =	vadd.f32 v6, v1  }
0x365: {  	vm2 =	vne.s32 v56, $0x0;
	v3 =	vadd.f32 v57, v3;
	v2 =	vadd.f32 v9, v2  }
0x366: {  	v13 =	vsel vm2, $0x3F800000, v0;
	vm2 =	vne.s32 v60, $0x0;
	v1 =	vadd.f32 v59, v1  }
0x367: {  	v5 =	vunpack.i.l.bf16.f32 v54;
	v3 =	vadd.f32 v61, v3;
	v2 =	vadd.f32 v63, v2  }
0x368: {  	v18 =	vunpack.i.l.bf16.f32 v62;
	v16 =	vsel vm2, $0x3F800000, v0;
	v1 =	vadd.f32 v5, v1  }
0x369: {  	vm2 =	vne.s32 v12, $0x0;
	v3 =	vadd.f32 v13, v3;
	v2 =	vadd.f32 v15, v2  }
0x36a: {  	v4 =	vnsel vm0, $0x0, v17;
	v19 =	vsel vm2, $0x3F800000, v0;
	v1 =	vadd.f32 v14, v1  }
0x36b: {  	v5 =	vnsel vm0, $0x0, v18;
	v3 =	vadd.f32 v16, v3;
	v2 =	vadd.f32 v4, v2  }
0x36c: {  	v1 =	vadd.f32 v5, v1;
	v4 =	vnsel vm0, $0x0, v19  }
0x36d: {  	v3 =	vadd.f32 v4, v3;
	(xrf2) =	vadd.scan.msk.f32 $0xffff, v2  }
0x36e: {  	(xrf2) =	vadd.scan.msk.f32 $0xffff, v1  }
0x36f: {  	(xrf2) =	vadd.scan.msk.f32 $0xffff, v3;
	_ =	sdelay $0x7  }
0x370: {  	v1, _, _ =	vpop (xrf2)  }
0x371: {  	v2, _, _ =	vpop (xrf2)  }
0x372: {  	v3, _, _ =	vpop (xrf2)  }
0x373: {  	v3 =	vadd.f32 $9.999999930e-09, v3;
	_ =	sdelay $0x1  }
0x374: {  	v3 =	vbroadcast v3, $0xF;
	_ =	sdelay $0x1  }
0x375: {  	(erf) = vrcp.f32 v3;
	_ =	sdelay $0x4  }
0x376: {  	v2 =	vbroadcast v2, $0xF;
	_ =	sdelay $0x1  }
0x377: {  	v1 =	vbroadcast v1, $0xF;
	v3 =	vld [tilespmem:$0x7D00];
	_ =	sdelay $0x1  }
0x378: {  	v1 =	vsel vm1, v1, v2;
	v2 =	vpop (erf)  }
0x379: {  	v1 =	vmul.f32 v2, v1;
	_ =	sdelay $0x1  }
0x37a: {  	s4 =	sshll.u32 s4, $0x4;
	v1 =	vadd.f32 v1, v3  }
0x37b: {  	s4 =	sand.u32 $0x3FFFFFF0, s4  }
0x37c: {  	s5 =	simm.s32 @!p0 $0x70F0;
	[tilespmem:s4+$0x7500] =	vst v1;
	s4 =	sadd.s32 @!p0 $0x15F0, s21  }
0x37d: {  	[tilespmem:s5], [sflag:$0xC] =	stream.indirect.gather @!p0 [hbm4b:s3+s22], $0x1, s4, s22, $0xb8;
	[tilespmem:$0x7D10] =	vst v63  }
0x37e: {  	s4 =	sadd.s32 @!p0 $0x1658, s21;
	s5 =	simm.s32 @!p0 $0x7158  }
0x37f: {  	[tilespmem:s5], [sflag:$0xC] =	stream.indirect.gather @!p0 [hbm4b:s3+s22], $0x1, s4, s22, $0xb8;
	[tilespmem:$0x7D10] =	vst v63  }
0x380: {  	_ =	swait.ge [sflag:s12], $0x68  }
0x381: {  	[sflag:s12] =	ssyncset.done $0x0  }
0x382: {  	[sflag:s12] =	ssyncadd.s32 $0xFFFFFF98  }
0x383: {  	s4 =	sor.u32 $0xC, s16;
	_ =	swait.ge [sflag:s12], $0x68  }
0x384: {  	s5 =	smul.u32 $0x340, s4;
	[sflag:s12] =	ssyncset.done $0x0  }
0x385: {  	[sflag:s12] =	ssyncadd.s32 $0xFFFFFF98  }
0x386: {  	s5 =	sshra.s32 s5, $0x2;
	v1 =	vld [tilespmem:$0x71C0]  }
0x387: {  	v2 =	vld [tilespmem:s5+$0x0]  }
0x388: {  	v3 =	vld [tilespmem:$0x71D0]  }
0x389: {  	v21 =	vld [tilespmem:$0x71E0]  }
0x38a: {  	v29 =	vld [tilespmem:$0x7200]  }
0x38b: {  	v33 =	vld [tilespmem:$0x7210]  }
0x38c: {  	v37 =	vld [tilespmem:$0x7220]  }
0x38d: {  	v41 =	vld [tilespmem:$0x7230]  }
0x38e: {  	v45 =	vld [tilespmem:$0x7240]  }
0x38f: {  	v49 =	vld [tilespmem:$0x7250]  }
0x390: {  	v53 =	vld [tilespmem:$0x7260]  }
0x391: {  	v57 =	vld [tilespmem:$0x7270];
	v22 =	vunpack.i.u.bf16.f32 v1;
	v1 =	vunpack.i.l.bf16.f32 v1;
	vm2 =	vne.s32 v2, $0x0  }
0x392: {  	v20 =	vld [tilespmem:s5+$0x10];
	v25 =	vunpack.i.l.bf16.f32 v3;
	v3 =	vunpack.i.u.bf16.f32 v3;
	v30 =	vunpack.i.u.bf16.f32 v21  }
0x393: {  	v23 =	vld [tilespmem:s5+$0x20];
	v5 =	vunpack.i.l.bf16.f32 v21;
	v38 =	vunpack.i.u.bf16.f32 v29;
	v8 =	vunpack.i.l.bf16.f32 v29  }
0x394: {  	v26 =	vld [tilespmem:s5+$0x30];
	v42 =	vunpack.i.l.bf16.f32 v33;
	v9 =	vunpack.i.u.bf16.f32 v33;
	v46 =	vunpack.i.u.bf16.f32 v37  }
0x395: {  	v50 =	vunpack.i.l.bf16.f32 v41;
	v54 =	vunpack.i.u.bf16.f32 v45;
	v58 =	vunpack.i.l.bf16.f32 v49  }
0x396: {  	v2 =	vld [tilespmem:$0x71F0];
	v62 =	vunpack.i.u.bf16.f32 v53;
	v11 =	vunpack.i.l.bf16.f32 v57;
	v6 =	vadd.f32 $0.0e+00, v22  }
0x397: {  	v31 =	vld [tilespmem:s5+$0x40];
	v1 =	vadd.f32 $0.0e+00, v1;
	v24 =	vsel vm2, $0x3F800000, v0;
	vm2 =	vne.s32 v20, $0x0  }
0x398: {  	v27 =	vsel vm2, $0x3F800000, v0;
	vm2 =	vne.s32 v23, $0x0;
	v3 =	vadd.f32 v3, v6  }
0x399: {  	v35 =	vld [tilespmem:s5+$0x50];
	v1 =	vadd.f32 v25, v1;
	v32 =	vsel vm2, $0x3F800000, v0;
	vm2 =	vne.s32 v26, $0x0  }
0x39a: {  	v61 =	vld [tilespmem:$0x7280];
	v28 =	vadd.f32 v27, v24;
	v36 =	vsel vm2, $0x3F800000, v0;
	v3 =	vadd.f32 v30, v3  }
0x39b: {  	v39 =	vld [tilespmem:s5+$0x60];
	v1 =	vadd.f32 v5, v1;
	v34 =	vunpack.i.l.bf16.f32 v2;
	v2 =	vunpack.i.u.bf16.f32 v2  }
0x39c: {  	vm2 =	vne.s32 v31, $0x0;
	v5 =	vadd.f32 v32, v28;
	v2 =	vadd.f32 v2, v3  }
0x39d: {  	v43 =	vld [tilespmem:s5+$0x70];
	v12 =	vunpack.i.u.bf16.f32 v57;
	v40 =	vsel vm2, $0x3F800000, v0;
	v1 =	vadd.f32 v34, v1  }
0x39e: {  	vm2 =	vne.s32 v35, $0x0;
	v3 =	vadd.f32 v36, v5;
	v2 =	vadd.f32 v38, v2  }
0x39f: {  	v47 =	vld [tilespmem:s5+$0x80];
	v14 =	vunpack.i.u.bf16.f32 v61;
	v44 =	vsel vm2, $0x3F800000, v0;
	v1 =	vadd.f32 v8, v1  }
0x3a0: {  	vm2 =	vne.s32 v39, $0x0;
	v3 =	vadd.f32 v40, v3;
	v2 =	vadd.f32 v9, v2  }
0x3a1: {  	v51 =	vld [tilespmem:s5+$0x90];
	v5 =	vunpack.i.l.bf16.f32 v37;
	v48 =	vsel vm2, $0x3F800000, v0;
	v1 =	vadd.f32 v42, v1  }
0x3a2: {  	vm2 =	vne.s32 v43, $0x0;
	v3 =	vadd.f32 v44, v3;
	v2 =	vadd.f32 v46, v2  }
0x3a3: {  	v55 =	vld [tilespmem:s5+$0xA0];
	v52 =	vsel vm2, $0x3F800000, v0;
	v8 =	vunpack.i.u.bf16.f32 v41;
	v1 =	vadd.f32 v5, v1  }
0x3a4: {  	v59 =	vld [tilespmem:s5+$0xB0];
	vm2 =	vne.s32 v47, $0x0;
	v3 =	vadd.f32 v48, v3;
	v2 =	vadd.f32 v8, v2  }
0x3a5: {  	v6 =	vunpack.i.l.bf16.f32 v45;
	v56 =	vsel vm2, $0x3F800000, v0;
	v1 =	vadd.f32 v50, v1  }
0x3a6: {  	vm2 =	vne.s32 v51, $0x0;
	v3 =	vadd.f32 v52, v3;
	v2 =	vadd.f32 v54, v2  }
0x3a7: {  	v63 =	vld [tilespmem:s5+$0xC0];
	v60 =	vsel vm2, $0x3F800000, v0;
	v9 =	vunpack.i.u.bf16.f32 v49;
	v1 =	vadd.f32 v6, v1  }
0x3a8: {  	vm2 =	vne.s32 v55, $0x0;
	v3 =	vadd.f32 v56, v3;
	v2 =	vadd.f32 v9, v2  }
0x3a9: {  	v10 =	vsel vm2, $0x3F800000, v0;
	vm2 =	vne.s32 v59, $0x0;
	v1 =	vadd.f32 v58, v1  }
0x3aa: {  	v5 =	vunpack.i.l.bf16.f32 v53;
	v3 =	vadd.f32 v60, v3;
	v2 =	vadd.f32 v62, v2  }
0x3ab: {  	v15 =	vunpack.i.l.bf16.f32 v61;
	v13 =	vsel vm2, $0x3F800000, v0;
	v1 =	vadd.f32 v5, v1  }
0x3ac: {  	vm2 =	vne.s32 v63, $0x0;
	v3 =	vadd.f32 v10, v3;
	v2 =	vadd.f32 v12, v2  }
0x3ad: {  	v4 =	vnsel vm0, $0x0, v14;
	v16 =	vsel vm2, $0x3F800000, v0;
	v1 =	vadd.f32 v11, v1  }
0x3ae: {  	v5 =	vnsel vm0, $0x0, v15;
	v3 =	vadd.f32 v13, v3;
	v2 =	vadd.f32 v4, v2  }
0x3af: {  	v1 =	vadd.f32 v5, v1;
	v4 =	vnsel vm0, $0x0, v16  }
0x3b0: {  	v3 =	vadd.f32 v4, v3;
	(xrf2) =	vadd.scan.msk.f32 $0xffff, v2  }
0x3b1: {  	(xrf2) =	vadd.scan.msk.f32 $0xffff, v1  }
0x3b2: {  	(xrf2) =	vadd.scan.msk.f32 $0xffff, v3;
	_ =	sdelay $0x7  }
0x3b3: {  	v1, _, _ =	vpop (xrf2)  }
0x3b4: {  	v2, _, _ =	vpop (xrf2)  }
0x3b5: {  	v3, _, _ =	vpop (xrf2)  }
0x3b6: {  	v3 =	vadd.f32 $9.999999930e-09, v3;
	_ =	sdelay $0x1  }
0x3b7: {  	v3 =	vbroadcast v3, $0xF;
	_ =	sdelay $0x1  }
0x3b8: {  	(erf) = vrcp.f32 v3;
	_ =	sdelay $0x4  }
0x3b9: {  	v2 =	vbroadcast v2, $0xF;
	_ =	sdelay $0x1  }
0x3ba: {  	v1 =	vbroadcast v1, $0xF;
	v3 =	vld [tilespmem:$0x7D00];
	_ =	sdelay $0x1  }
0x3bb: {  	v1 =	vsel vm1, v1, v2;
	v2 =	vpop (erf)  }
0x3bc: {  	v1 =	vmul.f32 v2, v1;
	_ =	sdelay $0x1  }
0x3bd: {  	s4 =	sshll.u32 s4, $0x4;
	v1 =	vadd.f32 v1, v3  }
0x3be: {  	s4 =	sand.u32 $0x3FFFFFF0, s4  }
0x3bf: {  	s5 =	simm.s32 @!p0 $0x71C0;
	[tilespmem:s4+$0x7500] =	vst v1;
	s4 =	sadd.s32 @!p0 $0x16C0, s21  }
0x3c0: {  	[tilespmem:s5], [sflag:$0xD] =	stream.indirect.gather @!p0 [hbm4b:s3+s22], $0x1, s4, s22, $0xb8;
	[tilespmem:$0x7D10] =	vst v63  }
0x3c1: {  	s4 =	sadd.s32 @!p0 $0x1728, s21;
	s5 =	simm.s32 @!p0 $0x7228  }
0x3c2: {  	[tilespmem:s5], [sflag:$0xD] =	stream.indirect.gather @!p0 [hbm4b:s3+s22], $0x1, s4, s22, $0xb8;
	[tilespmem:$0x7D10] =	vst v63  }
0x3c3: {  	_ =	swait.ge [sflag:s13], $0x68  }
0x3c4: {  	[sflag:s13] =	ssyncset.done $0x0  }
0x3c5: {  	[sflag:s13] =	ssyncadd.s32 $0xFFFFFF98  }
0x3c6: {  	s4 =	sor.u32 $0xD, s16;
	_ =	swait.ge [sflag:s13], $0x68  }
0x3c7: {  	s5 =	smul.u32 $0x340, s4;
	[sflag:s13] =	ssyncset.done $0x0  }
0x3c8: {  	[sflag:s13] =	ssyncadd.s32 $0xFFFFFF98  }
0x3c9: {  	s5 =	sshra.s32 s5, $0x2;
	v1 =	vld [tilespmem:$0x7290]  }
0x3ca: {  	v2 =	vld [tilespmem:s5+$0x0]  }
0x3cb: {  	v3 =	vld [tilespmem:$0x72A0]  }
0x3cc: {  	v18 =	vld [tilespmem:$0x72B0]  }
0x3cd: {  	v26 =	vld [tilespmem:$0x72D0]  }
0x3ce: {  	v30 =	vld [tilespmem:$0x72E0]  }
0x3cf: {  	v34 =	vld [tilespmem:$0x72F0]  }
0x3d0: {  	v38 =	vld [tilespmem:$0x7300]  }
0x3d1: {  	v42 =	vld [tilespmem:$0x7310]  }
0x3d2: {  	v46 =	vld [tilespmem:$0x7320]  }
0x3d3: {  	v50 =	vld [tilespmem:$0x7330]  }
0x3d4: {  	v54 =	vld [tilespmem:$0x7340];
	v19 =	vunpack.i.u.bf16.f32 v1;
	v1 =	vunpack.i.l.bf16.f32 v1;
	vm2 =	vne.s32 v2, $0x0  }
0x3d5: {  	v17 =	vld [tilespmem:s5+$0x10];
	v22 =	vunpack.i.l.bf16.f32 v3;
	v3 =	vunpack.i.u.bf16.f32 v3;
	v27 =	vunpack.i.u.bf16.f32 v18  }
0x3d6: {  	v20 =	vld [tilespmem:s5+$0x20];
	v5 =	vunpack.i.l.bf16.f32 v18;
	v35 =	vunpack.i.u.bf16.f32 v26;
	v8 =	vunpack.i.l.bf16.f32 v26  }
0x3d7: {  	v23 =	vld [tilespmem:s5+$0x30];
	v39 =	vunpack.i.l.bf16.f32 v30;
	v9 =	vunpack.i.u.bf16.f32 v30;
	v43 =	vunpack.i.u.bf16.f32 v34  }
0x3d8: {  	v47 =	vunpack.i.l.bf16.f32 v38;
	v51 =	vunpack.i.u.bf16.f32 v42;
	v55 =	vunpack.i.l.bf16.f32 v46  }
0x3d9: {  	v2 =	vld [tilespmem:$0x72C0];
	v59 =	vunpack.i.u.bf16.f32 v50;
	v62 =	vunpack.i.l.bf16.f32 v54;
	v6 =	vadd.f32 $0.0e+00, v19  }
0x3da: {  	v28 =	vld [tilespmem:s5+$0x40];
	v1 =	vadd.f32 $0.0e+00, v1;
	v21 =	vsel vm2, $0x3F800000, v0;
	vm2 =	vne.s32 v17, $0x0  }
0x3db: {  	v24 =	vsel vm2, $0x3F800000, v0;
	vm2 =	vne.s32 v20, $0x0;
	v3 =	vadd.f32 v3, v6  }
0x3dc: {  	v32 =	vld [tilespmem:s5+$0x50];
	v1 =	vadd.f32 v22, v1;
	v29 =	vsel vm2, $0x3F800000, v0;
	vm2 =	vne.s32 v23, $0x0  }
0x3dd: {  	v58 =	vld [tilespmem:$0x7350];
	v25 =	vadd.f32 v24, v21;
	v33 =	vsel vm2, $0x3F800000, v0;
	v3 =	vadd.f32 v27, v3  }
0x3de: {  	v36 =	vld [tilespmem:s5+$0x60];
	v1 =	vadd.f32 v5, v1;
	v31 =	vunpack.i.l.bf16.f32 v2;
	v2 =	vunpack.i.u.bf16.f32 v2  }
0x3df: {  	vm2 =	vne.s32 v28, $0x0;
	v5 =	vadd.f32 v29, v25;
	v2 =	vadd.f32 v2, v3  }
0x3e0: {  	v40 =	vld [tilespmem:s5+$0x70];
	v63 =	vunpack.i.u.bf16.f32 v54;
	v37 =	vsel vm2, $0x3F800000, v0;
	v1 =	vadd.f32 v31, v1  }
0x3e1: {  	vm2 =	vne.s32 v32, $0x0;
	v3 =	vadd.f32 v33, v5;
	v2 =	vadd.f32 v35, v2  }
0x3e2: {  	v44 =	vld [tilespmem:s5+$0x80];
	v10 =	vunpack.i.l.bf16.f32 v58;
	v41 =	vsel vm2, $0x3F800000, v0;
	v1 =	vadd.f32 v8, v1  }
0x3e3: {  	vm2 =	vne.s32 v36, $0x0;
	v3 =	vadd.f32 v37, v3;
	v2 =	vadd.f32 v9, v2  }
0x3e4: {  	v48 =	vld [tilespmem:s5+$0x90];
	v5 =	vunpack.i.l.bf16.f32 v34;
	v45 =	vsel vm2, $0x3F800000, v0;
	v1 =	vadd.f32 v39, v1  }
0x3e5: {  	vm2 =	vne.s32 v40, $0x0;
	v3 =	vadd.f32 v41, v3;
	v2 =	vadd.f32 v43, v2  }
0x3e6: {  	v52 =	vld [tilespmem:s5+$0xA0];
	v49 =	vsel vm2, $0x3F800000, v0;
	v8 =	vunpack.i.u.bf16.f32 v38;
	v1 =	vadd.f32 v5, v1  }
0x3e7: {  	v56 =	vld [tilespmem:s5+$0xB0];
	vm2 =	vne.s32 v44, $0x0;
	v3 =	vadd.f32 v45, v3;
	v2 =	vadd.f32 v8, v2  }
0x3e8: {  	v6 =	vunpack.i.l.bf16.f32 v42;
	v53 =	vsel vm2, $0x3F800000, v0;
	v1 =	vadd.f32 v47, v1  }
0x3e9: {  	v60 =	vld [tilespmem:s5+$0xC0];
	vm2 =	vne.s32 v48, $0x0;
	v3 =	vadd.f32 v49, v3;
	v2 =	vadd.f32 v51, v2  }
0x3ea: {  	v57 =	vsel vm2, $0x3F800000, v0;
	v9 =	vunpack.i.u.bf16.f32 v46;
	v1 =	vadd.f32 v6, v1  }
0x3eb: {  	vm2 =	vne.s32 v52, $0x0;
	v3 =	vadd.f32 v53, v3;
	v2 =	vadd.f32 v9, v2  }
0x3ec: {  	v61 =	vsel vm2, $0x3F800000, v0;
	vm2 =	vne.s32 v56, $0x0;
	v1 =	vadd.f32 v55, v1  }
0x3ed: {  	v5 =	vunpack.i.l.bf16.f32 v50;
	v3 =	vadd.f32 v57, v3;
	v2 =	vadd.f32 v59, v2  }
0x3ee: {  	v8 =	vsel vm2, $0x3F800000, v0;
	vm2 =	vne.s32 v60, $0x0;
	v1 =	vadd.f32 v5, v1  }
0x3ef: {  	v9 =	vunpack.i.u.bf16.f32 v58;
	v3 =	vadd.f32 v61, v3;
	v2 =	vadd.f32 v63, v2  }
0x3f0: {  	v11 =	vsel vm2, $0x3F800000, v0;
	v4 =	vnsel vm0, $0x0, v9;
	v1 =	vadd.f32 v62, v1  }
0x3f1: {  	v5 =	vnsel vm0, $0x0, v10;
	v3 =	vadd.f32 v8, v3;
	v2 =	vadd.f32 v4, v2  }
0x3f2: {  	v1 =	vadd.f32 v5, v1;
	v4 =	vnsel vm0, $0x0, v11  }
0x3f3: {  	v3 =	vadd.f32 v4, v3;
	(xrf2) =	vadd.scan.msk.f32 $0xffff, v2  }
0x3f4: {  	(xrf2) =	vadd.scan.msk.f32 $0xffff, v1  }
0x3f5: {  	(xrf2) =	vadd.scan.msk.f32 $0xffff, v3;
	_ =	sdelay $0x7  }
0x3f6: {  	v1, _, _ =	vpop (xrf2)  }
0x3f7: {  	v2, _, _ =	vpop (xrf2)  }
0x3f8: {  	v3, _, _ =	vpop (xrf2)  }
0x3f9: {  	v3 =	vadd.f32 $9.999999930e-09, v3;
	_ =	sdelay $0x1  }
0x3fa: {  	v3 =	vbroadcast v3, $0xF;
	_ =	sdelay $0x1  }
0x3fb: {  	(erf) = vrcp.f32 v3;
	_ =	sdelay $0x4  }
0x3fc: {  	v2 =	vbroadcast v2, $0xF;
	_ =	sdelay $0x1  }
0x3fd: {  	v1 =	vbroadcast v1, $0xF;
	v3 =	vld [tilespmem:$0x7D00];
	_ =	sdelay $0x1  }
0x3fe: {  	v1 =	vsel vm1, v1, v2;
	v2 =	vpop (erf)  }
0x3ff: {  	v1 =	vmul.f32 v2, v1;
	_ =	sdelay $0x1  }
0x400: {  	s4 =	sshll.u32 s4, $0x4;
	v1 =	vadd.f32 v1, v3  }
0x401: {  	s4 =	sand.u32 $0x3FFFFFF0, s4  }
0x402: {  	s5 =	simm.s32 @!p0 $0x7290;
	[tilespmem:s4+$0x7500] =	vst v1;
	s4 =	sadd.s32 @!p0 $0x1790, s21  }
0x403: {  	[tilespmem:s5], [sflag:$0xE] =	stream.indirect.gather @!p0 [hbm4b:s3+s22], $0x1, s4, s22, $0xb8;
	[tilespmem:$0x7D10] =	vst v63  }
0x404: {  	s4 =	sadd.s32 @!p0 $0x17F8, s21;
	s5 =	simm.s32 @!p0 $0x72F8  }
0x405: {  	[tilespmem:s5], [sflag:$0xE] =	stream.indirect.gather @!p0 [hbm4b:s3+s22], $0x1, s4, s22, $0xb8;
	[tilespmem:$0x7D10] =	vst v63  }
0x406: {  	_ =	swait.ge [sflag:s14], $0x68  }
0x407: {  	[sflag:s14] =	ssyncset.done $0x0  }
0x408: {  	[sflag:s14] =	ssyncadd.s32 $0xFFFFFF98  }
0x409: {  	s4 =	sor.u32 $0xE, s16;
	_ =	swait.ge [sflag:s14], $0x68  }
0x40a: {  	s16 =	smul.u32 $0x340, s4;
	[sflag:s14] =	ssyncset.done $0x0  }
0x40b: {  	[sflag:s14] =	ssyncadd.s32 $0xFFFFFF98  }
0x40c: {  	s5 =	sshra.s32 s16, $0x2;
	v1 =	vld [tilespmem:$0x7360]  }
0x40d: {  	v2 =	vld [tilespmem:s5+$0x0]  }
0x40e: {  	v3 =	vld [tilespmem:$0x7370]  }
0x40f: {  	v13 =	vld [tilespmem:$0x7380]  }
0x410: {  	v21 =	vld [tilespmem:$0x73A0]  }
0x411: {  	v25 =	vld [tilespmem:$0x73B0]  }
0x412: {  	v29 =	vld [tilespmem:$0x73C0]  }
0x413: {  	v33 =	vld [tilespmem:$0x73D0]  }
0x414: {  	v37 =	vld [tilespmem:$0x73E0]  }
0x415: {  	v41 =	vld [tilespmem:$0x73F0]  }
0x416: {  	v45 =	vld [tilespmem:$0x7400]  }
0x417: {  	v49 =	vld [tilespmem:$0x7410];
	v14 =	vunpack.i.u.bf16.f32 v1;
	v1 =	vunpack.i.l.bf16.f32 v1;
	vm2 =	vne.s32 v2, $0x0  }
0x418: {  	v12 =	vld [tilespmem:s5+$0x10];
	v17 =	vunpack.i.l.bf16.f32 v3;
	v3 =	vunpack.i.u.bf16.f32 v3;
	v22 =	vunpack.i.u.bf16.f32 v13  }
0x419: {  	v15 =	vld [tilespmem:s5+$0x20];
	v5 =	vunpack.i.l.bf16.f32 v13;
	v30 =	vunpack.i.u.bf16.f32 v21;
	v8 =	vunpack.i.l.bf16.f32 v21  }
0x41a: {  	v18 =	vld [tilespmem:s5+$0x30];
	v34 =	vunpack.i.l.bf16.f32 v25;
	v9 =	vunpack.i.u.bf16.f32 v25;
	v38 =	vunpack.i.u.bf16.f32 v29  }
0x41b: {  	v42 =	vunpack.i.l.bf16.f32 v33;
	v46 =	vunpack.i.u.bf16.f32 v37;
	v50 =	vunpack.i.l.bf16.f32 v41  }
0x41c: {  	v2 =	vld [tilespmem:$0x7390];
	v54 =	vunpack.i.u.bf16.f32 v45;
	v57 =	vunpack.i.l.bf16.f32 v49;
	v6 =	vadd.f32 $0.0e+00, v14  }
0x41d: {  	v23 =	vld [tilespmem:s5+$0x40];
	v1 =	vadd.f32 $0.0e+00, v1;
	v16 =	vsel vm2, $0x3F800000, v0;
	vm2 =	vne.s32 v12, $0x0  }
0x41e: {  	v19 =	vsel vm2, $0x3F800000, v0;
	vm2 =	vne.s32 v15, $0x0;
	v3 =	vadd.f32 v3, v6  }
0x41f: {  	v27 =	vld [tilespmem:s5+$0x50];
	v1 =	vadd.f32 v17, v1;
	v24 =	vsel vm2, $0x3F800000, v0;
	vm2 =	vne.s32 v18, $0x0  }
0x420: {  	v53 =	vld [tilespmem:$0x7420];
	v20 =	vadd.f32 v19, v16;
	v28 =	vsel vm2, $0x3F800000, v0;
	v3 =	vadd.f32 v22, v3  }
0x421: {  	v31 =	vld [tilespmem:s5+$0x60];
	v1 =	vadd.f32 v5, v1;
	v26 =	vunpack.i.l.bf16.f32 v2;
	v2 =	vunpack.i.u.bf16.f32 v2  }
0x422: {  	vm2 =	vne.s32 v23, $0x0;
	v5 =	vadd.f32 v24, v20;
	v2 =	vadd.f32 v2, v3  }
0x423: {  	v35 =	vld [tilespmem:s5+$0x70];
	v58 =	vunpack.i.u.bf16.f32 v49;
	v32 =	vsel vm2, $0x3F800000, v0;
	v1 =	vadd.f32 v26, v1  }
0x424: {  	vm2 =	vne.s32 v27, $0x0;
	v3 =	vadd.f32 v28, v5;
	v2 =	vadd.f32 v30, v2  }
0x425: {  	v39 =	vld [tilespmem:s5+$0x80];
	v60 =	vunpack.i.u.bf16.f32 v53;
	v36 =	vsel vm2, $0x3F800000, v0;
	v1 =	vadd.f32 v8, v1  }
0x426: {  	vm2 =	vne.s32 v31, $0x0;
	v3 =	vadd.f32 v32, v3;
	v2 =	vadd.f32 v9, v2  }
0x427: {  	v43 =	vld [tilespmem:s5+$0x90];
	v5 =	vunpack.i.l.bf16.f32 v29;
	v40 =	vsel vm2, $0x3F800000, v0;
	v1 =	vadd.f32 v34, v1  }
0x428: {  	vm2 =	vne.s32 v35, $0x0;
	v3 =	vadd.f32 v36, v3;
	v2 =	vadd.f32 v38, v2  }
0x429: {  	v47 =	vld [tilespmem:s5+$0xA0];
	v44 =	vsel vm2, $0x3F800000, v0;
	v8 =	vunpack.i.u.bf16.f32 v33;
	v1 =	vadd.f32 v5, v1  }
0x42a: {  	v51 =	vld [tilespmem:s5+$0xB0];
	vm2 =	vne.s32 v39, $0x0;
	v3 =	vadd.f32 v40, v3;
	v2 =	vadd.f32 v8, v2  }
0x42b: {  	v6 =	vunpack.i.l.bf16.f32 v37;
	v48 =	vsel vm2, $0x3F800000, v0;
	v1 =	vadd.f32 v42, v1  }
0x42c: {  	vm2 =	vne.s32 v43, $0x0;
	v3 =	vadd.f32 v44, v3;
	v2 =	vadd.f32 v46, v2  }
0x42d: {  	v55 =	vld [tilespmem:s5+$0xC0];
	v52 =	vsel vm2, $0x3F800000, v0;
	v9 =	vunpack.i.u.bf16.f32 v41;
	v1 =	vadd.f32 v6, v1  }
0x42e: {  	vm2 =	vne.s32 v47, $0x0;
	v3 =	vadd.f32 v48, v3;
	v2 =	vadd.f32 v9, v2  }
0x42f: {  	v56 =	vsel vm2, $0x3F800000, v0;
	vm2 =	vne.s32 v51, $0x0;
	v1 =	vadd.f32 v50, v1  }
0x430: {  	v5 =	vunpack.i.l.bf16.f32 v45;
	v3 =	vadd.f32 v52, v3;
	v2 =	vadd.f32 v54, v2  }
0x431: {  	v61 =	vunpack.i.l.bf16.f32 v53;
	v59 =	vsel vm2, $0x3F800000, v0;
	v1 =	vadd.f32 v5, v1  }
0x432: {  	vm2 =	vne.s32 v55, $0x0;
	v3 =	vadd.f32 v56, v3;
	v2 =	vadd.f32 v58, v2  }
0x433: {  	v4 =	vnsel vm0, $0x0, v60;
	v62 =	vsel vm2, $0x3F800000, v0;
	v1 =	vadd.f32 v57, v1  }
0x434: {  	v5 =	vnsel vm0, $0x0, v61;
	v3 =	vadd.f32 v59, v3;
	v2 =	vadd.f32 v4, v2  }
0x435: {  	v1 =	vadd.f32 v5, v1;
	v4 =	vnsel vm0, $0x0, v62  }
0x436: {  	v3 =	vadd.f32 v4, v3;
	(xrf2) =	vadd.scan.msk.f32 $0xffff, v2  }
0x437: {  	(xrf2) =	vadd.scan.msk.f32 $0xffff, v1  }
0x438: {  	(xrf2) =	vadd.scan.msk.f32 $0xffff, v3;
	_ =	sdelay $0x7  }
0x439: {  	v1, _, _ =	vpop (xrf2)  }
0x43a: {  	v2, _, _ =	vpop (xrf2)  }
0x43b: {  	v3, _, _ =	vpop (xrf2)  }
0x43c: {  	v3 =	vadd.f32 $9.999999930e-09, v3;
	_ =	sdelay $0x1  }
0x43d: {  	v3 =	vbroadcast v3, $0xF;
	_ =	sdelay $0x1  }
0x43e: {  	(erf) = vrcp.f32 v3;
	_ =	sdelay $0x4  }
0x43f: {  	v2 =	vbroadcast v2, $0xF;
	_ =	sdelay $0x1  }
0x440: {  	v1 =	vbroadcast v1, $0xF;
	v3 =	vld [tilespmem:$0x7D00];
	_ =	sdelay $0x1  }
0x441: {  	v1 =	vsel vm1, v1, v2;
	v2 =	vpop (erf)  }
0x442: {  	v1 =	vmul.f32 v2, v1;
	_ =	sdelay $0x1  }
0x443: {  	s4 =	sshll.u32 s4, $0x4;
	v1 =	vadd.f32 v1, v3  }
0x444: {  	s4 =	sand.u32 $0x3FFFFFF0, s4  }
0x445: {  	s5 =	simm.s32 @!p0 $0x7360;
	[tilespmem:s4+$0x7500] =	vst v1;
	s4 =	sadd.s32 @!p0 $0x1860, s21  }
0x446: {  	[tilespmem:s5], [sflag:$0xF] =	stream.indirect.gather @!p0 [hbm4b:s3+s22], $0x1, s4, s22, $0xb8;
	[tilespmem:$0x7D10] =	vst v63  }
0x447: {  	s4 =	sadd.s32 @!p0 $0x18C8, s21;
	s5 =	simm.s32 @!p0 $0x73C8  }
0x448: {  	[tilespmem:s5], [sflag:$0xF] =	stream.indirect.gather @!p0 [hbm4b:s3+s22], $0x1, s4, s22, $0xb8;
	[tilespmem:$0x7D10] =	vst v63  }
0x449: {  	_ =	swait.ge [sflag:s15], $0x68  }
0x44a: {  	[sflag:s15] =	ssyncset.done $0x0  }
0x44b: {  	[sflag:s15] =	ssyncadd.s32 $0xFFFFFF98  }
0x44c: {  	_ =	swait.ge [sflag:s15], $0x68  }
0x44d: {  	[sflag:s15] =	ssyncset.done $0x0  }
0x44e: {  	[sflag:s15] =	ssyncadd.s32 $0xFFFFFF98  }
0x44f: {  	v1 =	vld [tilespmem:$0x7430]  }
0x450: {  	v2 =	vld [tilespmem:s20+$0x0]  }
0x451: {  	v3 =	vld [tilespmem:$0x7440]  }
0x452: {  	v12 =	vld [tilespmem:$0x7450]  }
0x453: {  	v20 =	vld [tilespmem:$0x7470]  }
0x454: {  	v24 =	vld [tilespmem:$0x7480]  }
0x455: {  	v28 =	vld [tilespmem:$0x7490]  }
0x456: {  	v32 =	vld [tilespmem:$0x74A0]  }
0x457: {  	v36 =	vld [tilespmem:$0x74B0]  }
0x458: {  	v40 =	vld [tilespmem:$0x74C0]  }
0x459: {  	v44 =	vld [tilespmem:$0x74D0]  }
0x45a: {  	v48 =	vld [tilespmem:$0x74E0];
	v13 =	vunpack.i.u.bf16.f32 v1;
	v1 =	vunpack.i.l.bf16.f32 v1;
	vm2 =	vne.s32 v2, $0x0  }
0x45b: {  	v52 =	vld [tilespmem:$0x74F0];
	v16 =	vunpack.i.l.bf16.f32 v3;
	v3 =	vunpack.i.u.bf16.f32 v3;
	v21 =	vunpack.i.u.bf16.f32 v12  }
0x45c: {  	v63 =	vld [tilespmem:s20+$0x10];
	v5 =	vunpack.i.l.bf16.f32 v12;
	v29 =	vunpack.i.u.bf16.f32 v20;
	v8 =	vunpack.i.l.bf16.f32 v20  }
0x45d: {  	v14 =	vld [tilespmem:s20+$0x20];
	v33 =	vunpack.i.l.bf16.f32 v24;
	v9 =	vunpack.i.u.bf16.f32 v24;
	v37 =	vunpack.i.u.bf16.f32 v28  }
0x45e: {  	v41 =	vunpack.i.l.bf16.f32 v32;
	v45 =	vunpack.i.u.bf16.f32 v36;
	v49 =	vunpack.i.l.bf16.f32 v40  }
0x45f: {  	v2 =	vld [tilespmem:$0x7460];
	v54 =	vunpack.i.u.bf16.f32 v44;
	v56 =	vunpack.i.l.bf16.f32 v48;
	v6 =	vadd.f32 $0.0e+00, v13  }
0x460: {  	v17 =	vld [tilespmem:s20+$0x30];
	v57 =	vunpack.i.u.bf16.f32 v48;
	v59 =	vunpack.i.u.bf16.f32 v52;
	v1 =	vadd.f32 $0.0e+00, v1  }
0x461: {  	v15 =	vsel vm2, $0x3F800000, v0;
	vm2 =	vne.s32 v63, $0x0;
	v3 =	vadd.f32 v3, v6  }
0x462: {  	v22 =	vld [tilespmem:s20+$0x40];
	v18 =	vsel vm2, $0x3F800000, v0;
	vm2 =	vne.s32 v14, $0x0;
	v1 =	vadd.f32 v16, v1  }
0x463: {  	v19 =	vadd.f32 v18, v15;
	v23 =	vsel vm2, $0x3F800000, v0;
	v3 =	vadd.f32 v21, v3  }
0x464: {  	v26 =	vld [tilespmem:s20+$0x50];
	v1 =	vadd.f32 v5, v1;
	v25 =	vunpack.i.l.bf16.f32 v2;
	v2 =	vunpack.i.u.bf16.f32 v2  }
0x465: {  	v30 =	vld [tilespmem:s20+$0x60];
	vm2 =	vne.s32 v17, $0x0;
	v5 =	vadd.f32 v23, v19;
	v2 =	vadd.f32 v2, v3  }
0x466: {  	v60 =	vunpack.i.l.bf16.f32 v52;
	v27 =	vsel vm2, $0x3F800000, v0;
	v1 =	vadd.f32 v25, v1  }
0x467: {  	vm2 =	vne.s32 v22, $0x0;
	v3 =	vadd.f32 v27, v5;
	v2 =	vadd.f32 v29, v2  }
0x468: {  	v34 =	vld [tilespmem:s20+$0x70];
	v4 =	vnsel vm0, $0x0, v59;
	v31 =	vsel vm2, $0x3F800000, v0;
	v1 =	vadd.f32 v8, v1  }
0x469: {  	vm2 =	vne.s32 v26, $0x0;
	v3 =	vadd.f32 v31, v3;
	v2 =	vadd.f32 v9, v2  }
0x46a: {  	v38 =	vld [tilespmem:s20+$0x80];
	v35 =	vsel vm2, $0x3F800000, v0;
	vm2 =	vne.s32 v30, $0x0;
	v1 =	vadd.f32 v33, v1  }
0x46b: {  	v5 =	vunpack.i.l.bf16.f32 v28;
	v3 =	vadd.f32 v35, v3;
	v2 =	vadd.f32 v37, v2  }
0x46c: {  	v42 =	vld [tilespmem:s20+$0x90];
	v39 =	vsel vm2, $0x3F800000, v0;
	v8 =	vunpack.i.u.bf16.f32 v32;
	v1 =	vadd.f32 v5, v1  }
0x46d: {  	v46 =	vld [tilespmem:s20+$0xA0];
	vm2 =	vne.s32 v34, $0x0;
	v3 =	vadd.f32 v39, v3;
	v2 =	vadd.f32 v8, v2  }
0x46e: {  	v6 =	vunpack.i.l.bf16.f32 v36;
	v43 =	vsel vm2, $0x3F800000, v0;
	v1 =	vadd.f32 v41, v1  }
0x46f: {  	vm2 =	vne.s32 v38, $0x0;
	v3 =	vadd.f32 v43, v3;
	v2 =	vadd.f32 v45, v2  }
0x470: {  	v50 =	vld [tilespmem:s20+$0xB0];
	v47 =	vsel vm2, $0x3F800000, v0;
	v9 =	vunpack.i.u.bf16.f32 v40;
	v1 =	vadd.f32 v6, v1  }
0x471: {  	v53 =	vld [tilespmem:s20+$0xC0];
	vm2 =	vne.s32 v42, $0x0;
	v3 =	vadd.f32 v47, v3;
	v2 =	vadd.f32 v9, v2  }
0x472: {  	v51 =	vsel vm2, $0x3F800000, v0;
	vm2 =	vne.s32 v46, $0x0;
	v1 =	vadd.f32 v49, v1  }
0x473: {  	v5 =	vunpack.i.l.bf16.f32 v44;
	v3 =	vadd.f32 v51, v3;
	v2 =	vadd.f32 v54, v2  }
0x474: {  	v61 =	vnsel vm0, $0x0, v60;
	v55 =	vsel vm2, $0x3F800000, v0;
	v1 =	vadd.f32 v5, v1  }
0x475: {  	vm2 =	vne.s32 v50, $0x0;
	v3 =	vadd.f32 v55, v3;
	v2 =	vadd.f32 v57, v2  }
0x476: {  	v58 =	vsel vm2, $0x3F800000, v0;
	vm2 =	vne.s32 v53, $0x0;
	v1 =	vadd.f32 v56, v1  }
0x477: {  	v62 =	vsel vm2, $0x3F800000, v0;
	v3 =	vadd.f32 v58, v3;
	v2 =	vadd.f32 v4, v2  }
0x478: {  	v63 =	vnsel vm0, $0x0, v62;
	v1 =	vadd.f32 v61, v1  }
0x479: {  	v3 =	vadd.f32 v63, v3;
	(xrf2) =	vadd.scan.msk.f32 $0xffff, v2  }
0x47a: {  	(xrf2) =	vadd.scan.msk.f32 $0xffff, v1  }
0x47b: {  	(xrf2) =	vadd.scan.msk.f32 $0xffff, v3;
	_ =	sdelay $0x7  }
0x47c: {  	v1, _, _ =	vpop (xrf2)  }
0x47d: {  	v2, _, _ =	vpop (xrf2)  }
0x47e: {  	v3, _, _ =	vpop (xrf2)  }
0x47f: {  	v3 =	vadd.f32 $9.999999930e-09, v3;
	_ =	sdelay $0x1  }
0x480: {  	v3 =	vbroadcast v3, $0xF;
	_ =	sdelay $0x1  }
0x481: {  	(erf) = vrcp.f32 v3;
	_ =	sdelay $0x4  }
0x482: {  	v2 =	vbroadcast v2, $0xF;
	_ =	sdelay $0x1  }
0x483: {  	v1 =	vbroadcast v1, $0xF;
	v3 =	vld [tilespmem:$0x7D00]  }
0x484: {  	s18 =	sadd.s32 $0x1, s18  }
0x485: {  	p0 =	sne.s32 s18, $0x8;
	v1 =	vsel vm1, v1, v2;
	v2 =	vpop (erf)  }
.Ltmp0:
0x486: {  	v1 =	vmul.f32 v2, v1;
	(pc) =	sbr.rel @p0 .LBB2_2-.Ltmp0, $4  }
0x487: {  	_ = 	snop  }
0x488: {  	s22 =	sshll.u32 s19, $0x4;
	v1 =	vadd.f32 v1, v3  }
0x489: {  	s4 =	sand.u32 $0x3FFFFFF0, s22  }
0x48a: {  	[tilespmem:s4+$0x7500] =	vst v1  }
0x48b: {  	s17 =	sadd.s32 $0x1, s17  }
0x48c: {  	p0 =	sne.s32 s17, s7  }
.Ltmp1:
0x48d: {  	s4 =	simm.s32 $0x7500;
	(pc) =	sbr.rel @p0 .LBB2_1-.Ltmp1, $4  }
0x48e: {  	[hbm4b:s6+s2] =	stream.linear.scatter [tilespmem:s4], [sflag:$0x11], $0x800, $0x38;
	[tilespmem:$0x7D10] =	vst v63  }
0x48f: {  	_ =	swait.ge [sflag:s9], $0x800  }
0x490: {  	[sflag:s9] =	ssyncset.done $0x0  }
0x491: {  	[sflag:s9] =	ssyncadd.s32 $0xFFFFF800  }
0x492: {  	_ =	sfence.sel $0x180000  }
0x493: {  	[bflag:$0x0] =	sbarrier.arrive $0xFFFF  }
0x494: {  	_ =	strace $0x90000047  }
0x495: {  	s0 =	stileid.u32;
	[bflag:$0x2] =	sbarrier.arrive $0xFFFF  }
0x496: {  	p0 =	sne.s32 s0, $0x0;
	s0 =	rddreg [dreg:$0x1]  }
0x497: {  	s0 =	sadd.s32 @!p0 $0x100000, s0  }
0x498: {  	[sflag:s0] =	ssyncadd.tile.s32 @!p0 $0x1;
	_ =	shalt  }
.Lfunc_end2:
_tile_overlayer_lowered:
.L_overlay_start_2:
0x499: {  	(tag) =	ssettag $0x2  }
0x49a: {  	s0 =	rddreg [dreg:$0x0];
	s2 =	stileid.u32  }
0x49b: {  	s1 =	rddreg [dreg:$0x1];
	p0 =	sne.s32 s2, $0x0  }
0x49c: {  	s3 =	rddreg [dreg:$0x2];
	[bflag:$0x3] =	sbarrier.arrive $0xFFFF;
	s2 =	simm.s32 @!p0 $0x1C11  }
0x49d: {  	[timem:s3], [sflag:s2] =	dma.local @!p0 [hbm:s0], s1  }
0x49e: {  	s0 =	simm.s32 @!p0 $0x11  }
0x49f: {  	_ =	swait.ge @!p0 [sflag:s0], s1  }
0x4a0: {  	s1 =	ssub.s32 @!p0 $0x0, s1;
	[sflag:s0] =	ssyncset.done @!p0 $0x0  }
0x4a1: {  	[sflag:s0] =	ssyncadd.s32 @!p0 s1  }
0x4a2: {  	[bflag:$0x3] =	sbarrier.arrive $0xFFFF  }
0x4a3: {  	_ =	shalt  }

</sc_bundles>
